<compile_context>
chip_gen: v7x
topology: tpu7x:2x2x1
jax: 0.10.2.dev20260603
libtpu: 0.0.44.dev20260713+nightly
codegen_flags: <defaults>
</compile_context>

<pallas_src>
import functools

import jax
import jax.numpy as jnp
from jax import lax
from jax.experimental import pallas as pl
from jax.experimental.pallas import tpu as pltpu
from jax.experimental.pallas import tpu_sc as plsc

N = 10000
E = 320000
D_IN = 128
HID = 128
N_CLS = 64
F = 64

NPAD = 10240
NW = 32
NB = 80
B = 128
EPAD = NW * NB * B
RPT = NPAD // 16
SRT = N // 16
DUMMY = N + 16

MT = 1000



def _mm_body(x_ref, w_ref, o_ref):
    o_ref[...] = jnp.dot(x_ref[...], w_ref[...],
                         preferred_element_type=jnp.float32)


def _mm(x, w):
    m, k = x.shape
    n = w.shape[1]
    return pl.pallas_call(
        _mm_body,
        grid=(m // MT,),
        in_specs=[pl.BlockSpec((MT, k), lambda i: (i, 0)),
                  pl.BlockSpec((k, n), lambda i: (0, 0))],
        out_specs=pl.BlockSpec((MT, n), lambda i: (i, 0)),
        out_shape=jax.ShapeDtypeStruct((m, n), jnp.float32),
    )(x, w)


def _scale0_body(deg_ref, xw_ref, y_ref, dinv_ref):
    d = deg_ref[0, :, :1] + deg_ref[1, :, :1] + 1.0
    dinv = lax.rsqrt(d)
    dinv_ref[...] = dinv
    y_ref[...] = xw_ref[...] * dinv


def _scale0(deg, xw):
    return pl.pallas_call(
        _scale0_body,
        grid=(N // MT,),
        in_specs=[pl.BlockSpec((2, MT, HID), lambda i: (0, i, 0)),
                  pl.BlockSpec((MT, HID), lambda i: (i, 0))],
        out_specs=[pl.BlockSpec((MT, HID), lambda i: (i, 0)),
                   pl.BlockSpec((MT, 1), lambda i: (i, 0))],
        out_shape=[jax.ShapeDtypeStruct((N, HID), jnp.float32),
                   jax.ShapeDtypeStruct((N, 1), jnp.float32)],
    )(deg, xw)


def _mid_body(acc_ref, y0_ref, dinv_ref, b0_ref, w1_ref, y1_ref):
    dinv = dinv_ref[...]
    h = acc_ref[0] + acc_ref[1] + y0_ref[...]
    h = jnp.maximum(dinv * h + b0_ref[...], 0.0)
    y1 = jnp.dot(h, w1_ref[...],
                 preferred_element_type=jnp.float32) * dinv
    y1_ref[...] = jnp.concatenate(
        [y1, jnp.zeros((MT, HID - N_CLS), jnp.float32)], axis=1)


def _mid(acc, y0, dinv, b0, w1):
    return pl.pallas_call(
        _mid_body,
        grid=(N // MT,),
        in_specs=[pl.BlockSpec((2, MT, HID), lambda i: (0, i, 0)),
                  pl.BlockSpec((MT, HID), lambda i: (i, 0)),
                  pl.BlockSpec((MT, 1), lambda i: (i, 0)),
                  pl.BlockSpec((1, HID), lambda i: (0, 0)),
                  pl.BlockSpec((HID, N_CLS), lambda i: (0, 0))],
        out_specs=pl.BlockSpec((MT, HID), lambda i: (i, 0)),
        out_shape=jax.ShapeDtypeStruct((N, HID), jnp.float32),
    )(acc, y0, dinv, b0, w1)


def _fin_body(acc_ref, y1_ref, dinv_ref, b1_ref, o_ref):
    agg = acc_ref[0, :, :N_CLS] + acc_ref[1, :, :N_CLS]
    o_ref[...] = (dinv_ref[...] * (agg + y1_ref[:, :N_CLS]) + b1_ref[...])


def _fin(acc, y1, dinv, b1):
    return pl.pallas_call(
        _fin_body,
        grid=(N // MT,),
        in_specs=[pl.BlockSpec((2, MT, HID), lambda i: (0, i, 0)),
                  pl.BlockSpec((MT, HID), lambda i: (i, 0)),
                  pl.BlockSpec((MT, 1), lambda i: (i, 0)),
                  pl.BlockSpec((1, N_CLS), lambda i: (0, 0))],
        out_specs=pl.BlockSpec((MT, N_CLS), lambda i: (i, 0)),
        out_shape=jax.ShapeDtypeStruct((N, N_CLS), jnp.float32),
    )(acc, y1, dinv, b1)



_MESH = plsc.VectorSubcoreMesh(core_axis_name="c", subcore_axis_name="s")
_SC_PARAMS = pltpu.CompilerParams(use_tc_tiling_on_sc=False)


@functools.partial(
    pl.kernel, mesh=_MESH,
    compiler_params=_SC_PARAMS,
    out_type=jax.ShapeDtypeStruct((2, NPAD, HID), jnp.float32),
    scratch_types=[pltpu.VMEM((NB, B), jnp.int32),
                   pltpu.VMEM((B, 16), jnp.float32),
                   pltpu.VMEM_SHARED((NPAD, 16), jnp.float32)])
def _deg_kernel(dst_hbm, ones_hbm, zeros_hbm, out_hbm, dst_v, ones_v,
                acc_sp):
    c = lax.axis_index("c")
    s = lax.axis_index("s")
    w = c * 16 + s
    pltpu.sync_copy(zeros_hbm, acc_sp.at[pl.ds(s * RPT, RPT)])
    pltpu.sync_copy(dst_hbm.at[w], dst_v)
    pltpu.sync_copy(ones_hbm, ones_v)
    plsc.subcore_barrier()

    def body(j, carry):
        pltpu.sync_copy(ones_v, acc_sp.at[dst_v.at[j]], add=True)
        return carry

    lax.fori_loop(0, NB, body, 0)
    plsc.subcore_barrier()
    pltpu.sync_copy(acc_sp.at[pl.ds(s * RPT, RPT)],
                    out_hbm.at[c, pl.ds(s * RPT, RPT), pl.ds(0, 16)])


def _agg_pass(y_hbm, out_hbm, p, s, c, w, src_hbm, dst_hbm, src_v, dst_v,
              rows, gsem, ssem, y_sp, acc_sp, zeros_hbm):
    nbh = NB // 2
    pltpu.async_copy(y_hbm.at[pl.ds(s * SRT, SRT), pl.ds(F * p, F)],
                     y_sp.at[pl.ds(s * SRT, SRT)], gsem[0])
    pltpu.async_copy(zeros_hbm, acc_sp.at[pl.ds(s * RPT, RPT)], gsem[1])
    pltpu.async_copy(src_hbm.at[w, pl.ds(0, nbh)], src_v, gsem[2])
    pltpu.async_copy(dst_hbm.at[w, pl.ds(0, nbh)], dst_v, gsem[3])
    pltpu.make_async_copy(y_hbm.at[pl.ds(s * SRT, SRT), pl.ds(F * p, F)],
                          y_sp.at[pl.ds(s * SRT, SRT)], gsem[0]).wait()
    pltpu.make_async_copy(zeros_hbm, acc_sp.at[pl.ds(s * RPT, RPT)],
                          gsem[1]).wait()
    pltpu.make_async_copy(src_hbm.at[w, pl.ds(0, nbh)], src_v,
                          gsem[2]).wait()
    pltpu.make_async_copy(dst_hbm.at[w, pl.ds(0, nbh)], dst_v,
                          gsem[3]).wait()
    plsc.subcore_barrier()

    def g(jb, k):
        pltpu.async_copy(y_sp.at[src_v.at[jb]], rows[k], gsem[k])

    def gwait(k):
        pltpu.make_async_copy(y_sp.at[src_v.at[0]], rows[k], gsem[k]).wait()

    def sc(jb, k):
        pltpu.async_copy(rows[k], acc_sp.at[dst_v.at[jb]], ssem[k],
                         add=True)

    def scwait(k):
        pltpu.make_async_copy(rows[k], acc_sp.at[dst_v.at[0]],
                              ssem[k]).wait()

    for h in range(2):
        if h:
            pltpu.sync_copy(src_hbm.at[w, pl.ds(h * nbh, nbh)], src_v)
            pltpu.sync_copy(dst_hbm.at[w, pl.ds(h * nbh, nbh)], dst_v)
        g(0, 0)
        g(1, 1)
        gwait(0); sc(0, 0); g(2, 2)
        gwait(1); sc(1, 1); g(3, 3)
        gwait(2); sc(2, 2); scwait(0); g(4, 0)
        gwait(3); sc(3, 3); scwait(1); g(5, 1)

        def body(i, carry):
            j0 = 4 * i
            gwait(0); sc(j0, 0); scwait(2); g(jnp.minimum(j0 + 2, nbh - 1), 2)
            gwait(1); sc(j0 + 1, 1); scwait(3)
            g(jnp.minimum(j0 + 3, nbh - 1), 3)
            gwait(2); sc(j0 + 2, 2); scwait(0)
            g(jnp.minimum(j0 + 4, nbh - 1), 0)
            gwait(3); sc(j0 + 3, 3); scwait(1)
            g(jnp.minimum(j0 + 5, nbh - 1), 1)
            return carry

        lax.fori_loop(1, nbh // 4, body, 0)
        gwait(0)
        gwait(1)
        scwait(2)
        scwait(3)

    plsc.subcore_barrier()
    pltpu.sync_copy(acc_sp.at[pl.ds(s * RPT, RPT)],
                    out_hbm.at[c, pl.ds(s * RPT, RPT), pl.ds(F * p, F)])


def _make_agg(nparts):
    scratch = [pltpu.VMEM((NB // 2, B), jnp.int32),
               pltpu.VMEM((NB // 2, B), jnp.int32),
               pltpu.VMEM((B, F), jnp.float32),
               pltpu.VMEM((B, F), jnp.float32),
               pltpu.VMEM((B, F), jnp.float32),
               pltpu.VMEM((B, F), jnp.float32),
               pltpu.VMEM_SHARED((N, F), jnp.float32),
               pltpu.VMEM_SHARED((NPAD, F), jnp.float32),
               pltpu.SemaphoreType.DMA,
               pltpu.SemaphoreType.DMA,
               pltpu.SemaphoreType.DMA,
               pltpu.SemaphoreType.DMA,
               pltpu.SemaphoreType.DMA,
               pltpu.SemaphoreType.DMA,
               pltpu.SemaphoreType.DMA,
               pltpu.SemaphoreType.DMA]
    out_type = jax.ShapeDtypeStruct((2, NPAD, HID), jnp.float32)

    @functools.partial(pl.kernel, mesh=_MESH, compiler_params=_SC_PARAMS,
                       out_type=out_type, scratch_types=scratch)
    def agg(y_hbm, src_hbm, dst_hbm, zeros_hbm, out_hbm,
            src_v, dst_v, r0, r1, r2, r3, y_sp, acc_sp,
            g0, g1, g2, g3, s0, s1, s2, s3):
        c = lax.axis_index("c")
        s = lax.axis_index("s")
        w = c * 16 + s
        rows = [r0, r1, r2, r3]
        gsem = [g0, g1, g2, g3]
        ssem = [s0, s1, s2, s3]
        for p in range(nparts):
            _agg_pass(y_hbm, out_hbm, p, s, c, w, src_hbm, dst_hbm,
                      src_v, dst_v, rows, gsem, ssem, y_sp, acc_sp,
                      zeros_hbm)

    return agg


_agg2 = _make_agg(2)
_agg1 = _make_agg(1)



def kernel(x, edge_index, W0, b0, W1, b1):
    src = edge_index[0]
    dst = edge_index[1]
    pad = EPAD - E
    srcp = jnp.concatenate(
        [src, jnp.zeros((pad,), jnp.int32)]).reshape(NW, NB, B)
    dstp = jnp.concatenate(
        [dst, jnp.full((pad,), DUMMY, jnp.int32)]).reshape(NW, NB, B)

    z_deg = jnp.zeros((RPT, 16), jnp.float32)
    ones = jnp.ones((B, 16), jnp.float32)
    deg = _deg_kernel(dstp, ones, z_deg)
    xw0 = _mm(x, W0)
    y0, dinv = _scale0(deg, xw0)

    z_acc = jnp.zeros((RPT, F), jnp.float32)
    acc0 = _agg2(y0, srcp, dstp, z_acc)
    y1 = _mid(acc0, y0, dinv, b0.reshape(1, HID), W1)
    acc1 = _agg1(y1, srcp, dstp, z_acc)
    out = _fin(acc1, y1, dinv, b1.reshape(1, N_CLS))
    return out

# --- scband reference (transcript-rebuilt; emitter-appended) ---
"""Pipeline reference for scband-gcn-61048665145867 (READ-ONLY COPY).

The authoritative reference and input builder live on the scoring server;
editing this copy changes nothing except your own understanding.
"""

import jax, jax.numpy as jnp
import numpy as np

N = 10000
E = 320000
D_IN = 128
HID = 128
N_CLS = 64


def setup_inputs(seed: int = 0) -> dict:
    key = jax.random.key(seed)
    k1, k2, k3, k4 = jax.random.split(key, 4)
    x = jax.random.normal(k1, (N, D_IN), dtype=jnp.float32)
    edge_index = jax.random.randint(k2, (2, E), 0, N, dtype=jnp.int32)
    # GCNConv lin weights (glorot-ish) and biases
    W0 = jax.random.normal(k3, (D_IN, HID), dtype=jnp.float32) * (1.0 / np.sqrt(D_IN))
    b0 = jnp.zeros((HID,), dtype=jnp.float32)
    W1 = jax.random.normal(k4, (HID, N_CLS), dtype=jnp.float32) * (1.0 / np.sqrt(HID))
    b1 = jnp.zeros((N_CLS,), dtype=jnp.float32)
    return {"x": x, "edge_index": edge_index, "W0": W0, "b0": b0, "W1": W1, "b1": b1}


def _gcn_conv(x, edge_index, W, b):
    # PyG GCNConv: add self-loops, symmetric normalization D^-1/2 (A+I) D^-1/2, then X W + b
    n = x.shape[0]
    loop = jnp.arange(n, dtype=edge_index.dtype)
    src = jnp.concatenate([edge_index[0], loop])
    dst = jnp.concatenate([edge_index[1], loop])
    ones = jnp.ones(src.shape[0], dtype=x.dtype)
    deg = jnp.zeros((n,), dtype=x.dtype).at[dst].add(ones)
    dinv = jnp.where(deg > 0, jax.lax.rsqrt(jnp.maximum(deg, 1e-12)), 0.0)
    norm = dinv[src] * dinv[dst]
    xw = x @ W
    msg = jnp.take(xw, src, axis=0) * norm[:, None]
    out = jnp.zeros((n, xw.shape[1]), dtype=x.dtype).at[dst].add(msg)
    return out + b


def reference(x, edge_index, W0, b0, W1, b1):
    # GCN.forward with n_layers=2, proj=False:
    # x = relu(conv0(x, ei)); x = conv1(x, ei)
    h = jax.nn.relu(_gcn_conv(x, edge_index, W0, b0))
    out = _gcn_conv(h, edge_index, W1, b1)
    return out

if __name__ == "__main__":
    import jax
    _d = setup_inputs()
    print(jax.jit(kernel)(*tuple(_d.values())))

</pallas_src>

<mosaic_0001>
#map = affine_map<(d0, d1) -> (0, 0)>
#map1 = affine_map<(d0, d1) -> (0, 0, 0)>
module attributes {stable_mosaic.version = 14 : i64} {
  func.func @agg(%arg0: i32, %arg1: i32, %arg2: memref<10000x128xf32, #tpu.memory_space<hbm>>, %arg3: memref<32x80x128xi32, #tpu.memory_space<hbm>>, %arg4: memref<32x80x128xi32, #tpu.memory_space<hbm>>, %arg5: memref<640x64xf32, #tpu.memory_space<hbm>>, %arg6: memref<2x10240x128xf32, #tpu.memory_space<hbm>>, %arg7: memref<40x128xi32, #tpu.memory_space<vmem>>, %arg8: memref<40x128xi32, #tpu.memory_space<vmem>>, %arg9: memref<128x64xf32, #tpu.memory_space<vmem>>, %arg10: memref<128x64xf32, #tpu.memory_space<vmem>>, %arg11: memref<128x64xf32, #tpu.memory_space<vmem>>, %arg12: memref<128x64xf32, #tpu.memory_space<vmem>>, %arg13: memref<10000x64xf32, #tpu.memory_space<vmem_shared>>, %arg14: memref<10240x64xf32, #tpu.memory_space<vmem_shared>>, %arg15: memref<!tpu.dma_semaphore, #tpu.memory_space<semaphore_mem>>, %arg16: memref<!tpu.dma_semaphore, #tpu.memory_space<semaphore_mem>>, %arg17: memref<!tpu.dma_semaphore, #tpu.memory_space<semaphore_mem>>, %arg18: memref<!tpu.dma_semaphore, #tpu.memory_space<semaphore_mem>>, %arg19: memref<!tpu.dma_semaphore, #tpu.memory_space<semaphore_mem>>, %arg20: memref<!tpu.dma_semaphore, #tpu.memory_space<semaphore_mem>>, %arg21: memref<!tpu.dma_semaphore, #tpu.memory_space<semaphore_mem>>, %arg22: memref<!tpu.dma_semaphore, #tpu.memory_space<semaphore_mem>>) attributes {dimension_semantics = [#tpu.dimension_semantics<core_parallel>, #tpu.dimension_semantics<subcore_parallel>], iteration_bounds = array<i64: 2, 16>, scalar_prefetch = 0 : i64, scratch_operands = 16 : i64, tpu.core_type = #tpu.core_type<sc_vector_subcore>, window_params = [{transform_indices = #map}, {transform_indices = #map1}, {transform_indices = #map1}, {transform_indices = #map}, {transform_indices = #map1}]} {
    %mul3A = arith.constant 16 : i32
    %mul3A_0 = arith.muli %arg0, %mul3A : i32
    %add3A = arith.addi %mul3A_0, %arg1 : i32
    %mul3A_1 = arith.constant 625 : i32
    %mul3A_2 = arith.muli %arg1, %mul3A_1 : i32
    %mul3A_3 = arith.constant 625 : i32
    %mul3A_4 = arith.muli %arg1, %mul3A_3 : i32
    %dma_start3A = arith.constant 0 : i32
    %dma_start3A_5 = tpu.memref_slice %arg13[%mul3A_4, %dma_start3A] : memref<10000x64xf32, #tpu.memory_space<vmem_shared>> -> memref<625x64xf32, #tpu.memory_space<vmem_shared>>
    %dma_start3A_6 = arith.constant 0 : i32
    %dma_start3A_7 = tpu.memref_slice %arg2[%mul3A_2, %dma_start3A_6] : memref<10000x128xf32, #tpu.memory_space<hbm>> -> memref<625x64xf32, #tpu.memory_space<hbm>>
    tpu.enqueue_dma source(%dma_start3A_7 : memref<625x64xf32, #tpu.memory_space<hbm>>) target(%dma_start3A_5 : memref<625x64xf32, #tpu.memory_space<vmem_shared>>) target_semaphore(%arg15 : memref<!tpu.dma_semaphore, #tpu.memory_space<semaphore_mem>>)
    %mul3A_8 = arith.constant 640 : i32
    %mul3A_9 = arith.muli %arg1, %mul3A_8 : i32
    %dma_start3A_10 = arith.constant 0 : i32
    %dma_start3A_11 = tpu.memref_slice %arg14[%mul3A_9, %dma_start3A_10] : memref<10240x64xf32, #tpu.memory_space<vmem_shared>> -> memref<640x64xf32, #tpu.memory_space<vmem_shared>>
    tpu.enqueue_dma source(%arg5 : memref<640x64xf32, #tpu.memory_space<hbm>>) target(%dma_start3A_11 : memref<640x64xf32, #tpu.memory_space<vmem_shared>>) target_semaphore(%arg16 : memref<!tpu.dma_semaphore, #tpu.memory_space<semaphore_mem>>)
    %dma_start3A_12 = arith.constant 0 : i32
    %dma_start3A_13 = arith.constant 0 : i32
    %dma_start3A_14 = tpu.memref_slice %arg3[%add3A, %dma_start3A_12, %dma_start3A_13] : memref<32x80x128xi32, #tpu.memory_space<hbm>> -> memref<1x40x128xi32, #tpu.memory_space<hbm>>
    %dma_start3A_15 = tpu.memref_squeeze %dma_start3A_14 : memref<1x40x128xi32, #tpu.memory_space<hbm>> -> memref<40x128xi32, #tpu.memory_space<hbm>>
    %dma_start3A_16 = arith.constant 0 : i32
    %dma_start3A_17 = arith.constant 0 : i32
    %dma_start3A_18 = tpu.memref_slice %arg3[%add3A, %dma_start3A_16, %dma_start3A_17] : memref<32x80x128xi32, #tpu.memory_space<hbm>> -> memref<1x40x128xi32, #tpu.memory_space<hbm>>
    %dma_start3A_19 = tpu.memref_squeeze %dma_start3A_18 : memref<1x40x128xi32, #tpu.memory_space<hbm>> -> memref<40x128xi32, #tpu.memory_space<hbm>>
    tpu.enqueue_dma source(%dma_start3A_19 : memref<40x128xi32, #tpu.memory_space<hbm>>) target(%arg7 : memref<40x128xi32, #tpu.memory_space<vmem>>) target_semaphore(%arg17 : memref<!tpu.dma_semaphore, #tpu.memory_space<semaphore_mem>>)
    %dma_start3A_20 = arith.constant 0 : i32
    %dma_start3A_21 = arith.constant 0 : i32
    %dma_start3A_22 = tpu.memref_slice %arg4[%add3A, %dma_start3A_20, %dma_start3A_21] : memref<32x80x128xi32, #tpu.memory_space<hbm>> -> memref<1x40x128xi32, #tpu.memory_space<hbm>>
    %dma_start3A_23 = tpu.memref_squeeze %dma_start3A_22 : memref<1x40x128xi32, #tpu.memory_space<hbm>> -> memref<40x128xi32, #tpu.memory_space<hbm>>
    %dma_start3A_24 = arith.constant 0 : i32
    %dma_start3A_25 = arith.constant 0 : i32
    %dma_start3A_26 = tpu.memref_slice %arg4[%add3A, %dma_start3A_24, %dma_start3A_25] : memref<32x80x128xi32, #tpu.memory_space<hbm>> -> memref<1x40x128xi32, #tpu.memory_space<hbm>>
    %dma_start3A_27 = tpu.memref_squeeze %dma_start3A_26 : memref<1x40x128xi32, #tpu.memory_space<hbm>> -> memref<40x128xi32, #tpu.memory_space<hbm>>
    tpu.enqueue_dma source(%dma_start3A_27 : memref<40x128xi32, #tpu.memory_space<hbm>>) target(%arg8 : memref<40x128xi32, #tpu.memory_space<vmem>>) target_semaphore(%arg18 : memref<!tpu.dma_semaphore, #tpu.memory_space<semaphore_mem>>)
    %mul3A_28 = arith.constant 625 : i32
    %mul3A_29 = arith.muli %arg1, %mul3A_28 : i32
    %mul3A_30 = arith.constant 625 : i32
    %mul3A_31 = arith.muli %arg1, %mul3A_30 : i32
    %dma_wait3A = arith.constant 0 : i32
    %dma_wait3A_32 = tpu.memref_slice %arg13[%mul3A_31, %dma_wait3A] : memref<10000x64xf32, #tpu.memory_space<vmem_shared>> -> memref<625x64xf32, #tpu.memory_space<vmem_shared>>
    %dma_wait3A_33 = arith.constant 0 : i32
    %dma_wait3A_34 = tpu.memref_slice %arg2[%mul3A_29, %dma_wait3A_33] : memref<10000x128xf32, #tpu.memory_space<hbm>> -> memref<625x64xf32, #tpu.memory_space<hbm>>
    tpu.wait_dma2 semaphore(%arg15 : memref<!tpu.dma_semaphore, #tpu.memory_space<semaphore_mem>>) src(%dma_wait3A_34 : memref<625x64xf32, #tpu.memory_space<hbm>>) dst(%dma_wait3A_32 : memref<625x64xf32, #tpu.memory_space<vmem_shared>>)
    %mul3A_35 = arith.constant 640 : i32
    %mul3A_36 = arith.muli %arg1, %mul3A_35 : i32
    %dma_wait3A_37 = arith.constant 0 : i32
    %dma_wait3A_38 = tpu.memref_slice %arg14[%mul3A_36, %dma_wait3A_37] : memref<10240x64xf32, #tpu.memory_space<vmem_shared>> -> memref<640x64xf32, #tpu.memory_space<vmem_shared>>
    tpu.wait_dma2 semaphore(%arg16 : memref<!tpu.dma_semaphore, #tpu.memory_space<semaphore_mem>>) src(%arg5 : memref<640x64xf32, #tpu.memory_space<hbm>>) dst(%dma_wait3A_38 : memref<640x64xf32, #tpu.memory_space<vmem_shared>>)
    %dma_wait3A_39 = arith.constant 0 : i32
    %dma_wait3A_40 = arith.constant 0 : i32
    %dma_wait3A_41 = tpu.memref_slice %arg3[%add3A, %dma_wait3A_39, %dma_wait3A_40] : memref<32x80x128xi32, #tpu.memory_space<hbm>> -> memref<1x40x128xi32, #tpu.memory_space<hbm>>
    %dma_wait3A_42 = tpu.memref_squeeze %dma_wait3A_41 : memref<1x40x128xi32, #tpu.memory_space<hbm>> -> memref<40x128xi32, #tpu.memory_space<hbm>>
    %dma_wait3A_43 = arith.constant 0 : i32
    %dma_wait3A_44 = arith.constant 0 : i32
    %dma_wait3A_45 = tpu.memref_slice %arg3[%add3A, %dma_wait3A_43, %dma_wait3A_44] : memref<32x80x128xi32, #tpu.memory_space<hbm>> -> memref<1x40x128xi32, #tpu.memory_space<hbm>>
    %dma_wait3A_46 = tpu.memref_squeeze %dma_wait3A_45 : memref<1x40x128xi32, #tpu.memory_space<hbm>> -> memref<40x128xi32, #tpu.memory_space<hbm>>
    tpu.wait_dma2 semaphore(%arg17 : memref<!tpu.dma_semaphore, #tpu.memory_space<semaphore_mem>>) src(%dma_wait3A_46 : memref<40x128xi32, #tpu.memory_space<hbm>>) dst(%arg7 : memref<40x128xi32, #tpu.memory_space<vmem>>)
    %dma_wait3A_47 = arith.constant 0 : i32
    %dma_wait3A_48 = arith.constant 0 : i32
    %dma_wait3A_49 = tpu.memref_slice %arg4[%add3A, %dma_wait3A_47, %dma_wait3A_48] : memref<32x80x128xi32, #tpu.memory_space<hbm>> -> memref<1x40x128xi32, #tpu.memory_space<hbm>>
    %dma_wait3A_50 = tpu.memref_squeeze %dma_wait3A_49 : memref<1x40x128xi32, #tpu.memory_space<hbm>> -> memref<40x128xi32, #tpu.memory_space<hbm>>
    %dma_wait3A_51 = arith.constant 0 : i32
    %dma_wait3A_52 = arith.constant 0 : i32
    %dma_wait3A_53 = tpu.memref_slice %arg4[%add3A, %dma_wait3A_51, %dma_wait3A_52] : memref<32x80x128xi32, #tpu.memory_space<hbm>> -> memref<1x40x128xi32, #tpu.memory_space<hbm>>
    %dma_wait3A_54 = tpu.memref_squeeze %dma_wait3A_53 : memref<1x40x128xi32, #tpu.memory_space<hbm>> -> memref<40x128xi32, #tpu.memory_space<hbm>>
    tpu.wait_dma2 semaphore(%arg18 : memref<!tpu.dma_semaphore, #tpu.memory_space<semaphore_mem>>) src(%dma_wait3A_54 : memref<40x128xi32, #tpu.memory_space<hbm>>) dst(%arg8 : memref<40x128xi32, #tpu.memory_space<vmem>>)
    %barrier3A = arith.constant 0 : index
    tpu.barrier barrier_id(%barrier3A)
    %dma_start3A_55 = arith.constant 0 : i32
    %dma_start3A_56 = arith.constant 0 : i32
    %dma_start3A_57 = tpu.memref_slice %arg7[%dma_start3A_55, %dma_start3A_56] : memref<40x128xi32, #tpu.memory_space<vmem>> -> memref<1x128xi32, #tpu.memory_space<vmem>>
    %dma_start3A_58 = tpu.memref_squeeze %dma_start3A_57 : memref<1x128xi32, #tpu.memory_space<vmem>> -> memref<128xi32, #tpu.memory_space<vmem>>
    %dma_start3A_59 = arith.constant 0 : i32
    %dma_start3A_60 = arith.constant 0 : i32
    %dma_start3A_61 = tpu.memref_slice %arg13[%dma_start3A_59, %dma_start3A_60] : memref<10000x64xf32, #tpu.memory_space<vmem_shared>> -> memref<10000x64xf32, #tpu.memory_space<vmem_shared>>
    tpu.enqueue_indirect_dma source(%dma_start3A_61 : memref<10000x64xf32, #tpu.memory_space<vmem_shared>>) target(%arg9 : memref<128x64xf32, #tpu.memory_space<vmem>>) offsets(%dma_start3A_58 : memref<128xi32, #tpu.memory_space<vmem>>) semaphore(%arg15 : memref<!tpu.dma_semaphore, #tpu.memory_space<semaphore_mem>>)
    %dma_start3A_62 = arith.constant 1 : i32
    %dma_start3A_63 = arith.constant 0 : i32
    %dma_start3A_64 = tpu.memref_slice %arg7[%dma_start3A_62, %dma_start3A_63] : memref<40x128xi32, #tpu.memory_space<vmem>> -> memref<1x128xi32, #tpu.memory_space<vmem>>
    %dma_start3A_65 = tpu.memref_squeeze %dma_start3A_64 : memref<1x128xi32, #tpu.memory_space<vmem>> -> memref<128xi32, #tpu.memory_space<vmem>>
    %dma_start3A_66 = arith.constant 0 : i32
    %dma_start3A_67 = arith.constant 0 : i32
    %dma_start3A_68 = tpu.memref_slice %arg13[%dma_start3A_66, %dma_start3A_67] : memref<10000x64xf32, #tpu.memory_space<vmem_shared>> -> memref<10000x64xf32, #tpu.memory_space<vmem_shared>>
    tpu.enqueue_indirect_dma source(%dma_start3A_68 : memref<10000x64xf32, #tpu.memory_space<vmem_shared>>) target(%arg10 : memref<128x64xf32, #tpu.memory_space<vmem>>) offsets(%dma_start3A_65 : memref<128xi32, #tpu.memory_space<vmem>>) semaphore(%arg16 : memref<!tpu.dma_semaphore, #tpu.memory_space<semaphore_mem>>)
    %dma_wait3A_69 = arith.constant 0 : i32
    %dma_wait3A_70 = arith.constant 0 : i32
    %dma_wait3A_71 = tpu.memref_slice %arg7[%dma_wait3A_69, %dma_wait3A_70] : memref<40x128xi32, #tpu.memory_space<vmem>> -> memref<1x128xi32, #tpu.memory_space<vmem>>
    %dma_wait3A_72 = tpu.memref_squeeze %dma_wait3A_71 : memref<1x128xi32, #tpu.memory_space<vmem>> -> memref<128xi32, #tpu.memory_space<vmem>>
    %dma_wait3A_73 = arith.constant 0 : i32
    %dma_wait3A_74 = arith.constant 0 : i32
    %dma_wait3A_75 = tpu.memref_slice %arg13[%dma_wait3A_73, %dma_wait3A_74] : memref<10000x64xf32, #tpu.memory_space<vmem_shared>> -> memref<10000x64xf32, #tpu.memory_space<vmem_shared>>
    tpu.wait_indirect_dma semaphore(%arg15 : memref<!tpu.dma_semaphore, #tpu.memory_space<semaphore_mem>>) src(%dma_wait3A_75 : memref<10000x64xf32, #tpu.memory_space<vmem_shared>>) dst(%arg9 : memref<128x64xf32, #tpu.memory_space<vmem>>)
    %dma_start3A_76 = arith.constant 0 : i32
    %dma_start3A_77 = arith.constant 0 : i32
    %dma_start3A_78 = tpu.memref_slice %arg8[%dma_start3A_76, %dma_start3A_77] : memref<40x128xi32, #tpu.memory_space<vmem>> -> memref<1x128xi32, #tpu.memory_space<vmem>>
    %dma_start3A_79 = tpu.memref_squeeze %dma_start3A_78 : memref<1x128xi32, #tpu.memory_space<vmem>> -> memref<128xi32, #tpu.memory_space<vmem>>
    %dma_start3A_80 = arith.constant 0 : i32
    %dma_start3A_81 = arith.constant 0 : i32
    %dma_start3A_82 = tpu.memref_slice %arg14[%dma_start3A_80, %dma_start3A_81] : memref<10240x64xf32, #tpu.memory_space<vmem_shared>> -> memref<10240x64xf32, #tpu.memory_space<vmem_shared>>
    tpu.enqueue_indirect_dma source(%arg9 : memref<128x64xf32, #tpu.memory_space<vmem>>) target(%dma_start3A_82 : memref<10240x64xf32, #tpu.memory_space<vmem_shared>>) offsets(%dma_start3A_79 : memref<128xi32, #tpu.memory_space<vmem>>) semaphore(%arg19 : memref<!tpu.dma_semaphore, #tpu.memory_space<semaphore_mem>>) {add = true}
    %dma_start3A_83 = arith.constant 2 : i32
    %dma_start3A_84 = arith.constant 0 : i32
    %dma_start3A_85 = tpu.memref_slice %arg7[%dma_start3A_83, %dma_start3A_84] : memref<40x128xi32, #tpu.memory_space<vmem>> -> memref<1x128xi32, #tpu.memory_space<vmem>>
    %dma_start3A_86 = tpu.memref_squeeze %dma_start3A_85 : memref<1x128xi32, #tpu.memory_space<vmem>> -> memref<128xi32, #tpu.memory_space<vmem>>
    %dma_start3A_87 = arith.constant 0 : i32
    %dma_start3A_88 = arith.constant 0 : i32
    %dma_start3A_89 = tpu.memref_slice %arg13[%dma_start3A_87, %dma_start3A_88] : memref<10000x64xf32, #tpu.memory_space<vmem_shared>> -> memref<10000x64xf32, #tpu.memory_space<vmem_shared>>
    tpu.enqueue_indirect_dma source(%dma_start3A_89 : memref<10000x64xf32, #tpu.memory_space<vmem_shared>>) target(%arg11 : memref<128x64xf32, #tpu.memory_space<vmem>>) offsets(%dma_start3A_86 : memref<128xi32, #tpu.memory_space<vmem>>) semaphore(%arg17 : memref<!tpu.dma_semaphore, #tpu.memory_space<semaphore_mem>>)
    %dma_wait3A_90 = arith.constant 0 : i32
    %dma_wait3A_91 = arith.constant 0 : i32
    %dma_wait3A_92 = tpu.memref_slice %arg7[%dma_wait3A_90, %dma_wait3A_91] : memref<40x128xi32, #tpu.memory_space<vmem>> -> memref<1x128xi32, #tpu.memory_space<vmem>>
    %dma_wait3A_93 = tpu.memref_squeeze %dma_wait3A_92 : memref<1x128xi32, #tpu.memory_space<vmem>> -> memref<128xi32, #tpu.memory_space<vmem>>
    %dma_wait3A_94 = arith.constant 0 : i32
    %dma_wait3A_95 = arith.constant 0 : i32
    %dma_wait3A_96 = tpu.memref_slice %arg13[%dma_wait3A_94, %dma_wait3A_95] : memref<10000x64xf32, #tpu.memory_space<vmem_shared>> -> memref<10000x64xf32, #tpu.memory_space<vmem_shared>>
    tpu.wait_indirect_dma semaphore(%arg16 : memref<!tpu.dma_semaphore, #tpu.memory_space<semaphore_mem>>) src(%dma_wait3A_96 : memref<10000x64xf32, #tpu.memory_space<vmem_shared>>) dst(%arg10 : memref<128x64xf32, #tpu.memory_space<vmem>>)
    %dma_start3A_97 = arith.constant 1 : i32
    %dma_start3A_98 = arith.constant 0 : i32
    %dma_start3A_99 = tpu.memref_slice %arg8[%dma_start3A_97, %dma_start3A_98] : memref<40x128xi32, #tpu.memory_space<vmem>> -> memref<1x128xi32, #tpu.memory_space<vmem>>
    %dma_start3A_100 = tpu.memref_squeeze %dma_start3A_99 : memref<1x128xi32, #tpu.memory_space<vmem>> -> memref<128xi32, #tpu.memory_space<vmem>>
    %dma_start3A_101 = arith.constant 0 : i32
    %dma_start3A_102 = arith.constant 0 : i32
    %dma_start3A_103 = tpu.memref_slice %arg14[%dma_start3A_101, %dma_start3A_102] : memref<10240x64xf32, #tpu.memory_space<vmem_shared>> -> memref<10240x64xf32, #tpu.memory_space<vmem_shared>>
    tpu.enqueue_indirect_dma source(%arg10 : memref<128x64xf32, #tpu.memory_space<vmem>>) target(%dma_start3A_103 : memref<10240x64xf32, #tpu.memory_space<vmem_shared>>) offsets(%dma_start3A_100 : memref<128xi32, #tpu.memory_space<vmem>>) semaphore(%arg20 : memref<!tpu.dma_semaphore, #tpu.memory_space<semaphore_mem>>) {add = true}
    %dma_start3A_104 = arith.constant 3 : i32
    %dma_start3A_105 = arith.constant 0 : i32
    %dma_start3A_106 = tpu.memref_slice %arg7[%dma_start3A_104, %dma_start3A_105] : memref<40x128xi32, #tpu.memory_space<vmem>> -> memref<1x128xi32, #tpu.memory_space<vmem>>
    %dma_start3A_107 = tpu.memref_squeeze %dma_start3A_106 : memref<1x128xi32, #tpu.memory_space<vmem>> -> memref<128xi32, #tpu.memory_space<vmem>>
    %dma_start3A_108 = arith.constant 0 : i32
    %dma_start3A_109 = arith.constant 0 : i32
    %dma_start3A_110 = tpu.memref_slice %arg13[%dma_start3A_108, %dma_start3A_109] : memref<10000x64xf32, #tpu.memory_space<vmem_shared>> -> memref<10000x64xf32, #tpu.memory_space<vmem_shared>>
    tpu.enqueue_indirect_dma source(%dma_start3A_110 : memref<10000x64xf32, #tpu.memory_space<vmem_shared>>) target(%arg12 : memref<128x64xf32, #tpu.memory_space<vmem>>) offsets(%dma_start3A_107 : memref<128xi32, #tpu.memory_space<vmem>>) semaphore(%arg18 : memref<!tpu.dma_semaphore, #tpu.memory_space<semaphore_mem>>)
    %dma_wait3A_111 = arith.constant 0 : i32
    %dma_wait3A_112 = arith.constant 0 : i32
    %dma_wait3A_113 = tpu.memref_slice %arg7[%dma_wait3A_111, %dma_wait3A_112] : memref<40x128xi32, #tpu.memory_space<vmem>> -> memref<1x128xi32, #tpu.memory_space<vmem>>
    %dma_wait3A_114 = tpu.memref_squeeze %dma_wait3A_113 : memref<1x128xi32, #tpu.memory_space<vmem>> -> memref<128xi32, #tpu.memory_space<vmem>>
    %dma_wait3A_115 = arith.constant 0 : i32
    %dma_wait3A_116 = arith.constant 0 : i32
    %dma_wait3A_117 = tpu.memref_slice %arg13[%dma_wait3A_115, %dma_wait3A_116] : memref<10000x64xf32, #tpu.memory_space<vmem_shared>> -> memref<10000x64xf32, #tpu.memory_space<vmem_shared>>
    tpu.wait_indirect_dma semaphore(%arg17 : memref<!tpu.dma_semaphore, #tpu.memory_space<semaphore_mem>>) src(%dma_wait3A_117 : memref<10000x64xf32, #tpu.memory_space<vmem_shared>>) dst(%arg11 : memref<128x64xf32, #tpu.memory_space<vmem>>)
    %dma_start3A_118 = arith.constant 2 : i32
    %dma_start3A_119 = arith.constant 0 : i32
    %dma_start3A_120 = tpu.memref_slice %arg8[%dma_start3A_118, %dma_start3A_119] : memref<40x128xi32, #tpu.memory_space<vmem>> -> memref<1x128xi32, #tpu.memory_space<vmem>>
    %dma_start3A_121 = tpu.memref_squeeze %dma_start3A_120 : memref<1x128xi32, #tpu.memory_space<vmem>> -> memref<128xi32, #tpu.memory_space<vmem>>
    %dma_start3A_122 = arith.constant 0 : i32
    %dma_start3A_123 = arith.constant 0 : i32
    %dma_start3A_124 = tpu.memref_slice %arg14[%dma_start3A_122, %dma_start3A_123] : memref<10240x64xf32, #tpu.memory_space<vmem_shared>> -> memref<10240x64xf32, #tpu.memory_space<vmem_shared>>
    tpu.enqueue_indirect_dma source(%arg11 : memref<128x64xf32, #tpu.memory_space<vmem>>) target(%dma_start3A_124 : memref<10240x64xf32, #tpu.memory_space<vmem_shared>>) offsets(%dma_start3A_121 : memref<128xi32, #tpu.memory_space<vmem>>) semaphore(%arg21 : memref<!tpu.dma_semaphore, #tpu.memory_space<semaphore_mem>>) {add = true}
    %dma_wait3A_125 = arith.constant 0 : i32
    %dma_wait3A_126 = arith.constant 0 : i32
    %dma_wait3A_127 = tpu.memref_slice %arg8[%dma_wait3A_125, %dma_wait3A_126] : memref<40x128xi32, #tpu.memory_space<vmem>> -> memref<1x128xi32, #tpu.memory_space<vmem>>
    %dma_wait3A_128 = tpu.memref_squeeze %dma_wait3A_127 : memref<1x128xi32, #tpu.memory_space<vmem>> -> memref<128xi32, #tpu.memory_space<vmem>>
    %dma_wait3A_129 = arith.constant 0 : i32
    %dma_wait3A_130 = arith.constant 0 : i32
    %dma_wait3A_131 = tpu.memref_slice %arg14[%dma_wait3A_129, %dma_wait3A_130] : memref<10240x64xf32, #tpu.memory_space<vmem_shared>> -> memref<10240x64xf32, #tpu.memory_space<vmem_shared>>
    tpu.wait_indirect_dma semaphore(%arg19 : memref<!tpu.dma_semaphore, #tpu.memory_space<semaphore_mem>>) src(%arg9 : memref<128x64xf32, #tpu.memory_space<vmem>>) dst(%dma_wait3A_131 : memref<10240x64xf32, #tpu.memory_space<vmem_shared>>)
    %dma_start3A_132 = arith.constant 4 : i32
    %dma_start3A_133 = arith.constant 0 : i32
    %dma_start3A_134 = tpu.memref_slice %arg7[%dma_start3A_132, %dma_start3A_133] : memref<40x128xi32, #tpu.memory_space<vmem>> -> memref<1x128xi32, #tpu.memory_space<vmem>>
    %dma_start3A_135 = tpu.memref_squeeze %dma_start3A_134 : memref<1x128xi32, #tpu.memory_space<vmem>> -> memref<128xi32, #tpu.memory_space<vmem>>
    %dma_start3A_136 = arith.constant 0 : i32
    %dma_start3A_137 = arith.constant 0 : i32
    %dma_start3A_138 = tpu.memref_slice %arg13[%dma_start3A_136, %dma_start3A_137] : memref<10000x64xf32, #tpu.memory_space<vmem_shared>> -> memref<10000x64xf32, #tpu.memory_space<vmem_shared>>
    tpu.enqueue_indirect_dma source(%dma_start3A_138 : memref<10000x64xf32, #tpu.memory_space<vmem_shared>>) target(%arg9 : memref<128x64xf32, #tpu.memory_space<vmem>>) offsets(%dma_start3A_135 : memref<128xi32, #tpu.memory_space<vmem>>) semaphore(%arg15 : memref<!tpu.dma_semaphore, #tpu.memory_space<semaphore_mem>>)
    %dma_wait3A_139 = arith.constant 0 : i32
    %dma_wait3A_140 = arith.constant 0 : i32
    %dma_wait3A_141 = tpu.memref_slice %arg7[%dma_wait3A_139, %dma_wait3A_140] : memref<40x128xi32, #tpu.memory_space<vmem>> -> memref<1x128xi32, #tpu.memory_space<vmem>>
    %dma_wait3A_142 = tpu.memref_squeeze %dma_wait3A_141 : memref<1x128xi32, #tpu.memory_space<vmem>> -> memref<128xi32, #tpu.memory_space<vmem>>
    %dma_wait3A_143 = arith.constant 0 : i32
    %dma_wait3A_144 = arith.constant 0 : i32
    %dma_wait3A_145 = tpu.memref_slice %arg13[%dma_wait3A_143, %dma_wait3A_144] : memref<10000x64xf32, #tpu.memory_space<vmem_shared>> -> memref<10000x64xf32, #tpu.memory_space<vmem_shared>>
    tpu.wait_indirect_dma semaphore(%arg18 : memref<!tpu.dma_semaphore, #tpu.memory_space<semaphore_mem>>) src(%dma_wait3A_145 : memref<10000x64xf32, #tpu.memory_space<vmem_shared>>) dst(%arg12 : memref<128x64xf32, #tpu.memory_space<vmem>>)
    %dma_start3A_146 = arith.constant 3 : i32
    %dma_start3A_147 = arith.constant 0 : i32
    %dma_start3A_148 = tpu.memref_slice %arg8[%dma_start3A_146, %dma_start3A_147] : memref<40x128xi32, #tpu.memory_space<vmem>> -> memref<1x128xi32, #tpu.memory_space<vmem>>
    %dma_start3A_149 = tpu.memref_squeeze %dma_start3A_148 : memref<1x128xi32, #tpu.memory_space<vmem>> -> memref<128xi32, #tpu.memory_space<vmem>>
    %dma_start3A_150 = arith.constant 0 : i32
    %dma_start3A_151 = arith.constant 0 : i32
    %dma_start3A_152 = tpu.memref_slice %arg14[%dma_start3A_150, %dma_start3A_151] : memref<10240x64xf32, #tpu.memory_space<vmem_shared>> -> memref<10240x64xf32, #tpu.memory_space<vmem_shared>>
    tpu.enqueue_indirect_dma source(%arg12 : memref<128x64xf32, #tpu.memory_space<vmem>>) target(%dma_start3A_152 : memref<10240x64xf32, #tpu.memory_space<vmem_shared>>) offsets(%dma_start3A_149 : memref<128xi32, #tpu.memory_space<vmem>>) semaphore(%arg22 : memref<!tpu.dma_semaphore, #tpu.memory_space<semaphore_mem>>) {add = true}
    %dma_wait3A_153 = arith.constant 0 : i32
    %dma_wait3A_154 = arith.constant 0 : i32
    %dma_wait3A_155 = tpu.memref_slice %arg8[%dma_wait3A_153, %dma_wait3A_154] : memref<40x128xi32, #tpu.memory_space<vmem>> -> memref<1x128xi32, #tpu.memory_space<vmem>>
    %dma_wait3A_156 = tpu.memref_squeeze %dma_wait3A_155 : memref<1x128xi32, #tpu.memory_space<vmem>> -> memref<128xi32, #tpu.memory_space<vmem>>
    %dma_wait3A_157 = arith.constant 0 : i32
    %dma_wait3A_158 = arith.constant 0 : i32
    %dma_wait3A_159 = tpu.memref_slice %arg14[%dma_wait3A_157, %dma_wait3A_158] : memref<10240x64xf32, #tpu.memory_space<vmem_shared>> -> memref<10240x64xf32, #tpu.memory_space<vmem_shared>>
    tpu.wait_indirect_dma semaphore(%arg20 : memref<!tpu.dma_semaphore, #tpu.memory_space<semaphore_mem>>) src(%arg10 : memref<128x64xf32, #tpu.memory_space<vmem>>) dst(%dma_wait3A_159 : memref<10240x64xf32, #tpu.memory_space<vmem_shared>>)
    %dma_start3A_160 = arith.constant 5 : i32
    %dma_start3A_161 = arith.constant 0 : i32
    %dma_start3A_162 = tpu.memref_slice %arg7[%dma_start3A_160, %dma_start3A_161] : memref<40x128xi32, #tpu.memory_space<vmem>> -> memref<1x128xi32, #tpu.memory_space<vmem>>
    %dma_start3A_163 = tpu.memref_squeeze %dma_start3A_162 : memref<1x128xi32, #tpu.memory_space<vmem>> -> memref<128xi32, #tpu.memory_space<vmem>>
    %dma_start3A_164 = arith.constant 0 : i32
    %dma_start3A_165 = arith.constant 0 : i32
    %dma_start3A_166 = tpu.memref_slice %arg13[%dma_start3A_164, %dma_start3A_165] : memref<10000x64xf32, #tpu.memory_space<vmem_shared>> -> memref<10000x64xf32, #tpu.memory_space<vmem_shared>>
    tpu.enqueue_indirect_dma source(%dma_start3A_166 : memref<10000x64xf32, #tpu.memory_space<vmem_shared>>) target(%arg10 : memref<128x64xf32, #tpu.memory_space<vmem>>) offsets(%dma_start3A_163 : memref<128xi32, #tpu.memory_space<vmem>>) semaphore(%arg16 : memref<!tpu.dma_semaphore, #tpu.memory_space<semaphore_mem>>)
    %scan3A = arith.constant 0 : i32
    %scan3A_167 = arith.constant 1 : i32
    %scan3A_168 = arith.constant 9 : i32
    %scan3A_169 = arith.addi %scan3A_167, %scan3A_168 : i32
    %scan3A_170 = arith.constant 1 : i32
    scf.for %scan3A_705 = %scan3A_167 to %scan3A_169 step %scan3A_170  : i32 {
      %mul3A_706 = arith.constant 4 : i32
      %mul3A_707 = arith.muli %mul3A_706, %scan3A_705 : i32
      %dma_wait3A_708 = arith.constant 0 : i32
      %dma_wait3A_709 = arith.constant 0 : i32
      %dma_wait3A_710 = tpu.memref_slice %arg7[%dma_wait3A_708, %dma_wait3A_709] : memref<40x128xi32, #tpu.memory_space<vmem>> -> memref<1x128xi32, #tpu.memory_space<vmem>>
      %dma_wait3A_711 = tpu.memref_squeeze %dma_wait3A_710 : memref<1x128xi32, #tpu.memory_space<vmem>> -> memref<128xi32, #tpu.memory_space<vmem>>
      %dma_wait3A_712 = arith.constant 0 : i32
      %dma_wait3A_713 = arith.constant 0 : i32
      %dma_wait3A_714 = tpu.memref_slice %arg13[%dma_wait3A_712, %dma_wait3A_713] : memref<10000x64xf32, #tpu.memory_space<vmem_shared>> -> memref<10000x64xf32, #tpu.memory_space<vmem_shared>>
      tpu.wait_indirect_dma semaphore(%arg15 : memref<!tpu.dma_semaphore, #tpu.memory_space<semaphore_mem>>) src(%dma_wait3A_714 : memref<10000x64xf32, #tpu.memory_space<vmem_shared>>) dst(%arg9 : memref<128x64xf32, #tpu.memory_space<vmem>>)
      %dma_start3A_715 = arith.constant 0 : i32
      %dma_start3A_716 = tpu.memref_slice %arg8[%mul3A_707, %dma_start3A_715] : memref<40x128xi32, #tpu.memory_space<vmem>> -> memref<1x128xi32, #tpu.memory_space<vmem>>
      %dma_start3A_717 = tpu.memref_squeeze %dma_start3A_716 : memref<1x128xi32, #tpu.memory_space<vmem>> -> memref<128xi32, #tpu.memory_space<vmem>>
      %dma_start3A_718 = arith.constant 0 : i32
      %dma_start3A_719 = arith.constant 0 : i32
      %dma_start3A_720 = tpu.memref_slice %arg14[%dma_start3A_718, %dma_start3A_719] : memref<10240x64xf32, #tpu.memory_space<vmem_shared>> -> memref<10240x64xf32, #tpu.memory_space<vmem_shared>>
      tpu.enqueue_indirect_dma source(%arg9 : memref<128x64xf32, #tpu.memory_space<vmem>>) target(%dma_start3A_720 : memref<10240x64xf32, #tpu.memory_space<vmem_shared>>) offsets(%dma_start3A_717 : memref<128xi32, #tpu.memory_space<vmem>>) semaphore(%arg19 : memref<!tpu.dma_semaphore, #tpu.memory_space<semaphore_mem>>) {add = true}
      %dma_wait3A_721 = arith.constant 0 : i32
      %dma_wait3A_722 = arith.constant 0 : i32
      %dma_wait3A_723 = tpu.memref_slice %arg8[%dma_wait3A_721, %dma_wait3A_722] : memref<40x128xi32, #tpu.memory_space<vmem>> -> memref<1x128xi32, #tpu.memory_space<vmem>>
      %dma_wait3A_724 = tpu.memref_squeeze %dma_wait3A_723 : memref<1x128xi32, #tpu.memory_space<vmem>> -> memref<128xi32, #tpu.memory_space<vmem>>
      %dma_wait3A_725 = arith.constant 0 : i32
      %dma_wait3A_726 = arith.constant 0 : i32
      %dma_wait3A_727 = tpu.memref_slice %arg14[%dma_wait3A_725, %dma_wait3A_726] : memref<10240x64xf32, #tpu.memory_space<vmem_shared>> -> memref<10240x64xf32, #tpu.memory_space<vmem_shared>>
      tpu.wait_indirect_dma semaphore(%arg21 : memref<!tpu.dma_semaphore, #tpu.memory_space<semaphore_mem>>) src(%arg11 : memref<128x64xf32, #tpu.memory_space<vmem>>) dst(%dma_wait3A_727 : memref<10240x64xf32, #tpu.memory_space<vmem_shared>>)
      %add3A_728 = arith.constant 2 : i32
      %add3A_729 = arith.addi %mul3A_707, %add3A_728 : i32
      %min3A = arith.constant 39 : i32
      %min3A_730 = arith.minsi %add3A_729, %min3A : i32
      %dma_start3A_731 = arith.constant 0 : i32
      %dma_start3A_732 = tpu.memref_slice %arg7[%min3A_730, %dma_start3A_731] : memref<40x128xi32, #tpu.memory_space<vmem>> -> memref<1x128xi32, #tpu.memory_space<vmem>>
      %dma_start3A_733 = tpu.memref_squeeze %dma_start3A_732 : memref<1x128xi32, #tpu.memory_space<vmem>> -> memref<128xi32, #tpu.memory_space<vmem>>
      %dma_start3A_734 = arith.constant 0 : i32
      %dma_start3A_735 = arith.constant 0 : i32
      %dma_start3A_736 = tpu.memref_slice %arg13[%dma_start3A_734, %dma_start3A_735] : memref<10000x64xf32, #tpu.memory_space<vmem_shared>> -> memref<10000x64xf32, #tpu.memory_space<vmem_shared>>
      tpu.enqueue_indirect_dma source(%dma_start3A_736 : memref<10000x64xf32, #tpu.memory_space<vmem_shared>>) target(%arg11 : memref<128x64xf32, #tpu.memory_space<vmem>>) offsets(%dma_start3A_733 : memref<128xi32, #tpu.memory_space<vmem>>) semaphore(%arg17 : memref<!tpu.dma_semaphore, #tpu.memory_space<semaphore_mem>>)
      %dma_wait3A_737 = arith.constant 0 : i32
      %dma_wait3A_738 = arith.constant 0 : i32
      %dma_wait3A_739 = tpu.memref_slice %arg7[%dma_wait3A_737, %dma_wait3A_738] : memref<40x128xi32, #tpu.memory_space<vmem>> -> memref<1x128xi32, #tpu.memory_space<vmem>>
      %dma_wait3A_740 = tpu.memref_squeeze %dma_wait3A_739 : memref<1x128xi32, #tpu.memory_space<vmem>> -> memref<128xi32, #tpu.memory_space<vmem>>
      %dma_wait3A_741 = arith.constant 0 : i32
      %dma_wait3A_742 = arith.constant 0 : i32
      %dma_wait3A_743 = tpu.memref_slice %arg13[%dma_wait3A_741, %dma_wait3A_742] : memref<10000x64xf32, #tpu.memory_space<vmem_shared>> -> memref<10000x64xf32, #tpu.memory_space<vmem_shared>>
      tpu.wait_indirect_dma semaphore(%arg16 : memref<!tpu.dma_semaphore, #tpu.memory_space<semaphore_mem>>) src(%dma_wait3A_743 : memref<10000x64xf32, #tpu.memory_space<vmem_shared>>) dst(%arg10 : memref<128x64xf32, #tpu.memory_space<vmem>>)
      %add3A_744 = arith.constant 1 : i32
      %add3A_745 = arith.addi %mul3A_707, %add3A_744 : i32
      %dma_start3A_746 = arith.constant 0 : i32
      %dma_start3A_747 = tpu.memref_slice %arg8[%add3A_745, %dma_start3A_746] : memref<40x128xi32, #tpu.memory_space<vmem>> -> memref<1x128xi32, #tpu.memory_space<vmem>>
      %dma_start3A_748 = tpu.memref_squeeze %dma_start3A_747 : memref<1x128xi32, #tpu.memory_space<vmem>> -> memref<128xi32, #tpu.memory_space<vmem>>
      %dma_start3A_749 = arith.constant 0 : i32
      %dma_start3A_750 = arith.constant 0 : i32
      %dma_start3A_751 = tpu.memref_slice %arg14[%dma_start3A_749, %dma_start3A_750] : memref<10240x64xf32, #tpu.memory_space<vmem_shared>> -> memref<10240x64xf32, #tpu.memory_space<vmem_shared>>
      tpu.enqueue_indirect_dma source(%arg10 : memref<128x64xf32, #tpu.memory_space<vmem>>) target(%dma_start3A_751 : memref<10240x64xf32, #tpu.memory_space<vmem_shared>>) offsets(%dma_start3A_748 : memref<128xi32, #tpu.memory_space<vmem>>) semaphore(%arg20 : memref<!tpu.dma_semaphore, #tpu.memory_space<semaphore_mem>>) {add = true}
      %dma_wait3A_752 = arith.constant 0 : i32
      %dma_wait3A_753 = arith.constant 0 : i32
      %dma_wait3A_754 = tpu.memref_slice %arg8[%dma_wait3A_752, %dma_wait3A_753] : memref<40x128xi32, #tpu.memory_space<vmem>> -> memref<1x128xi32, #tpu.memory_space<vmem>>
      %dma_wait3A_755 = tpu.memref_squeeze %dma_wait3A_754 : memref<1x128xi32, #tpu.memory_space<vmem>> -> memref<128xi32, #tpu.memory_space<vmem>>
      %dma_wait3A_756 = arith.constant 0 : i32
      %dma_wait3A_757 = arith.constant 0 : i32
      %dma_wait3A_758 = tpu.memref_slice %arg14[%dma_wait3A_756, %dma_wait3A_757] : memref<10240x64xf32, #tpu.memory_space<vmem_shared>> -> memref<10240x64xf32, #tpu.memory_space<vmem_shared>>
      tpu.wait_indirect_dma semaphore(%arg22 : memref<!tpu.dma_semaphore, #tpu.memory_space<semaphore_mem>>) src(%arg12 : memref<128x64xf32, #tpu.memory_space<vmem>>) dst(%dma_wait3A_758 : memref<10240x64xf32, #tpu.memory_space<vmem_shared>>)
      %add3A_759 = arith.constant 3 : i32
      %add3A_760 = arith.addi %mul3A_707, %add3A_759 : i32
      %min3A_761 = arith.constant 39 : i32
      %min3A_762 = arith.minsi %add3A_760, %min3A_761 : i32
      %dma_start3A_763 = arith.constant 0 : i32
      %dma_start3A_764 = tpu.memref_slice %arg7[%min3A_762, %dma_start3A_763] : memref<40x128xi32, #tpu.memory_space<vmem>> -> memref<1x128xi32, #tpu.memory_space<vmem>>
      %dma_start3A_765 = tpu.memref_squeeze %dma_start3A_764 : memref<1x128xi32, #tpu.memory_space<vmem>> -> memref<128xi32, #tpu.memory_space<vmem>>
      %dma_start3A_766 = arith.constant 0 : i32
      %dma_start3A_767 = arith.constant 0 : i32
      %dma_start3A_768 = tpu.memref_slice %arg13[%dma_start3A_766, %dma_start3A_767] : memref<10000x64xf32, #tpu.memory_space<vmem_shared>> -> memref<10000x64xf32, #tpu.memory_space<vmem_shared>>
      tpu.enqueue_indirect_dma source(%dma_start3A_768 : memref<10000x64xf32, #tpu.memory_space<vmem_shared>>) target(%arg12 : memref<128x64xf32, #tpu.memory_space<vmem>>) offsets(%dma_start3A_765 : memref<128xi32, #tpu.memory_space<vmem>>) semaphore(%arg18 : memref<!tpu.dma_semaphore, #tpu.memory_space<semaphore_mem>>)
      %dma_wait3A_769 = arith.constant 0 : i32
      %dma_wait3A_770 = arith.constant 0 : i32
      %dma_wait3A_771 = tpu.memref_slice %arg7[%dma_wait3A_769, %dma_wait3A_770] : memref<40x128xi32, #tpu.memory_space<vmem>> -> memref<1x128xi32, #tpu.memory_space<vmem>>
      %dma_wait3A_772 = tpu.memref_squeeze %dma_wait3A_771 : memref<1x128xi32, #tpu.memory_space<vmem>> -> memref<128xi32, #tpu.memory_space<vmem>>
      %dma_wait3A_773 = arith.constant 0 : i32
      %dma_wait3A_774 = arith.constant 0 : i32
      %dma_wait3A_775 = tpu.memref_slice %arg13[%dma_wait3A_773, %dma_wait3A_774] : memref<10000x64xf32, #tpu.memory_space<vmem_shared>> -> memref<10000x64xf32, #tpu.memory_space<vmem_shared>>
      tpu.wait_indirect_dma semaphore(%arg17 : memref<!tpu.dma_semaphore, #tpu.memory_space<semaphore_mem>>) src(%dma_wait3A_775 : memref<10000x64xf32, #tpu.memory_space<vmem_shared>>) dst(%arg11 : memref<128x64xf32, #tpu.memory_space<vmem>>)
      %add3A_776 = arith.constant 2 : i32
      %add3A_777 = arith.addi %mul3A_707, %add3A_776 : i32
      %dma_start3A_778 = arith.constant 0 : i32
      %dma_start3A_779 = tpu.memref_slice %arg8[%add3A_777, %dma_start3A_778] : memref<40x128xi32, #tpu.memory_space<vmem>> -> memref<1x128xi32, #tpu.memory_space<vmem>>
      %dma_start3A_780 = tpu.memref_squeeze %dma_start3A_779 : memref<1x128xi32, #tpu.memory_space<vmem>> -> memref<128xi32, #tpu.memory_space<vmem>>
      %dma_start3A_781 = arith.constant 0 : i32
      %dma_start3A_782 = arith.constant 0 : i32
      %dma_start3A_783 = tpu.memref_slice %arg14[%dma_start3A_781, %dma_start3A_782] : memref<10240x64xf32, #tpu.memory_space<vmem_shared>> -> memref<10240x64xf32, #tpu.memory_space<vmem_shared>>
      tpu.enqueue_indirect_dma source(%arg11 : memref<128x64xf32, #tpu.memory_space<vmem>>) target(%dma_start3A_783 : memref<10240x64xf32, #tpu.memory_space<vmem_shared>>) offsets(%dma_start3A_780 : memref<128xi32, #tpu.memory_space<vmem>>) semaphore(%arg21 : memref<!tpu.dma_semaphore, #tpu.memory_space<semaphore_mem>>) {add = true}
      %dma_wait3A_784 = arith.constant 0 : i32
      %dma_wait3A_785 = arith.constant 0 : i32
      %dma_wait3A_786 = tpu.memref_slice %arg8[%dma_wait3A_784, %dma_wait3A_785] : memref<40x128xi32, #tpu.memory_space<vmem>> -> memref<1x128xi32, #tpu.memory_space<vmem>>
      %dma_wait3A_787 = tpu.memref_squeeze %dma_wait3A_786 : memref<1x128xi32, #tpu.memory_space<vmem>> -> memref<128xi32, #tpu.memory_space<vmem>>
      %dma_wait3A_788 = arith.constant 0 : i32
      %dma_wait3A_789 = arith.constant 0 : i32
      %dma_wait3A_790 = tpu.memref_slice %arg14[%dma_wait3A_788, %dma_wait3A_789] : memref<10240x64xf32, #tpu.memory_space<vmem_shared>> -> memref<10240x64xf32, #tpu.memory_space<vmem_shared>>
      tpu.wait_indirect_dma semaphore(%arg19 : memref<!tpu.dma_semaphore, #tpu.memory_space<semaphore_mem>>) src(%arg9 : memref<128x64xf32, #tpu.memory_space<vmem>>) dst(%dma_wait3A_790 : memref<10240x64xf32, #tpu.memory_space<vmem_shared>>)
      %add3A_791 = arith.constant 4 : i32
      %add3A_792 = arith.addi %mul3A_707, %add3A_791 : i32
      %min3A_793 = arith.constant 39 : i32
      %min3A_794 = arith.minsi %add3A_792, %min3A_793 : i32
      %dma_start3A_795 = arith.constant 0 : i32
      %dma_start3A_796 = tpu.memref_slice %arg7[%min3A_794, %dma_start3A_795] : memref<40x128xi32, #tpu.memory_space<vmem>> -> memref<1x128xi32, #tpu.memory_space<vmem>>
      %dma_start3A_797 = tpu.memref_squeeze %dma_start3A_796 : memref<1x128xi32, #tpu.memory_space<vmem>> -> memref<128xi32, #tpu.memory_space<vmem>>
      %dma_start3A_798 = arith.constant 0 : i32
      %dma_start3A_799 = arith.constant 0 : i32
      %dma_start3A_800 = tpu.memref_slice %arg13[%dma_start3A_798, %dma_start3A_799] : memref<10000x64xf32, #tpu.memory_space<vmem_shared>> -> memref<10000x64xf32, #tpu.memory_space<vmem_shared>>
      tpu.enqueue_indirect_dma source(%dma_start3A_800 : memref<10000x64xf32, #tpu.memory_space<vmem_shared>>) target(%arg9 : memref<128x64xf32, #tpu.memory_space<vmem>>) offsets(%dma_start3A_797 : memref<128xi32, #tpu.memory_space<vmem>>) semaphore(%arg15 : memref<!tpu.dma_semaphore, #tpu.memory_space<semaphore_mem>>)
      %dma_wait3A_801 = arith.constant 0 : i32
      %dma_wait3A_802 = arith.constant 0 : i32
      %dma_wait3A_803 = tpu.memref_slice %arg7[%dma_wait3A_801, %dma_wait3A_802] : memref<40x128xi32, #tpu.memory_space<vmem>> -> memref<1x128xi32, #tpu.memory_space<vmem>>
      %dma_wait3A_804 = tpu.memref_squeeze %dma_wait3A_803 : memref<1x128xi32, #tpu.memory_space<vmem>> -> memref<128xi32, #tpu.memory_space<vmem>>
      %dma_wait3A_805 = arith.constant 0 : i32
      %dma_wait3A_806 = arith.constant 0 : i32
      %dma_wait3A_807 = tpu.memref_slice %arg13[%dma_wait3A_805, %dma_wait3A_806] : memref<10000x64xf32, #tpu.memory_space<vmem_shared>> -> memref<10000x64xf32, #tpu.memory_space<vmem_shared>>
      tpu.wait_indirect_dma semaphore(%arg18 : memref<!tpu.dma_semaphore, #tpu.memory_space<semaphore_mem>>) src(%dma_wait3A_807 : memref<10000x64xf32, #tpu.memory_space<vmem_shared>>) dst(%arg12 : memref<128x64xf32, #tpu.memory_space<vmem>>)
      %add3A_808 = arith.constant 3 : i32
      %add3A_809 = arith.addi %mul3A_707, %add3A_808 : i32
      %dma_start3A_810 = arith.constant 0 : i32
      %dma_start3A_811 = tpu.memref_slice %arg8[%add3A_809, %dma_start3A_810] : memref<40x128xi32, #tpu.memory_space<vmem>> -> memref<1x128xi32, #tpu.memory_space<vmem>>
      %dma_start3A_812 = tpu.memref_squeeze %dma_start3A_811 : memref<1x128xi32, #tpu.memory_space<vmem>> -> memref<128xi32, #tpu.memory_space<vmem>>
      %dma_start3A_813 = arith.constant 0 : i32
      %dma_start3A_814 = arith.constant 0 : i32
      %dma_start3A_815 = tpu.memref_slice %arg14[%dma_start3A_813, %dma_start3A_814] : memref<10240x64xf32, #tpu.memory_space<vmem_shared>> -> memref<10240x64xf32, #tpu.memory_space<vmem_shared>>
      tpu.enqueue_indirect_dma source(%arg12 : memref<128x64xf32, #tpu.memory_space<vmem>>) target(%dma_start3A_815 : memref<10240x64xf32, #tpu.memory_space<vmem_shared>>) offsets(%dma_start3A_812 : memref<128xi32, #tpu.memory_space<vmem>>) semaphore(%arg22 : memref<!tpu.dma_semaphore, #tpu.memory_space<semaphore_mem>>) {add = true}
      %dma_wait3A_816 = arith.constant 0 : i32
      %dma_wait3A_817 = arith.constant 0 : i32
      %dma_wait3A_818 = tpu.memref_slice %arg8[%dma_wait3A_816, %dma_wait3A_817] : memref<40x128xi32, #tpu.memory_space<vmem>> -> memref<1x128xi32, #tpu.memory_space<vmem>>
      %dma_wait3A_819 = tpu.memref_squeeze %dma_wait3A_818 : memref<1x128xi32, #tpu.memory_space<vmem>> -> memref<128xi32, #tpu.memory_space<vmem>>
      %dma_wait3A_820 = arith.constant 0 : i32
      %dma_wait3A_821 = arith.constant 0 : i32
      %dma_wait3A_822 = tpu.memref_slice %arg14[%dma_wait3A_820, %dma_wait3A_821] : memref<10240x64xf32, #tpu.memory_space<vmem_shared>> -> memref<10240x64xf32, #tpu.memory_space<vmem_shared>>
      tpu.wait_indirect_dma semaphore(%arg20 : memref<!tpu.dma_semaphore, #tpu.memory_space<semaphore_mem>>) src(%arg10 : memref<128x64xf32, #tpu.memory_space<vmem>>) dst(%dma_wait3A_822 : memref<10240x64xf32, #tpu.memory_space<vmem_shared>>)
      %add3A_823 = arith.constant 5 : i32
      %add3A_824 = arith.addi %mul3A_707, %add3A_823 : i32
      %min3A_825 = arith.constant 39 : i32
      %min3A_826 = arith.minsi %add3A_824, %min3A_825 : i32
      %dma_start3A_827 = arith.constant 0 : i32
      %dma_start3A_828 = tpu.memref_slice %arg7[%min3A_826, %dma_start3A_827] : memref<40x128xi32, #tpu.memory_space<vmem>> -> memref<1x128xi32, #tpu.memory_space<vmem>>
      %dma_start3A_829 = tpu.memref_squeeze %dma_start3A_828 : memref<1x128xi32, #tpu.memory_space<vmem>> -> memref<128xi32, #tpu.memory_space<vmem>>
      %dma_start3A_830 = arith.constant 0 : i32
      %dma_start3A_831 = arith.constant 0 : i32
      %dma_start3A_832 = tpu.memref_slice %arg13[%dma_start3A_830, %dma_start3A_831] : memref<10000x64xf32, #tpu.memory_space<vmem_shared>> -> memref<10000x64xf32, #tpu.memory_space<vmem_shared>>
      tpu.enqueue_indirect_dma source(%dma_start3A_832 : memref<10000x64xf32, #tpu.memory_space<vmem_shared>>) target(%arg10 : memref<128x64xf32, #tpu.memory_space<vmem>>) offsets(%dma_start3A_829 : memref<128xi32, #tpu.memory_space<vmem>>) semaphore(%arg16 : memref<!tpu.dma_semaphore, #tpu.memory_space<semaphore_mem>>)
    }
    %scan3A_171 = arith.constant 9 : i32
    %dma_wait3A_172 = arith.constant 0 : i32
    %dma_wait3A_173 = arith.constant 0 : i32
    %dma_wait3A_174 = tpu.memref_slice %arg7[%dma_wait3A_172, %dma_wait3A_173] : memref<40x128xi32, #tpu.memory_space<vmem>> -> memref<1x128xi32, #tpu.memory_space<vmem>>
    %dma_wait3A_175 = tpu.memref_squeeze %dma_wait3A_174 : memref<1x128xi32, #tpu.memory_space<vmem>> -> memref<128xi32, #tpu.memory_space<vmem>>
    %dma_wait3A_176 = arith.constant 0 : i32
    %dma_wait3A_177 = arith.constant 0 : i32
    %dma_wait3A_178 = tpu.memref_slice %arg13[%dma_wait3A_176, %dma_wait3A_177] : memref<10000x64xf32, #tpu.memory_space<vmem_shared>> -> memref<10000x64xf32, #tpu.memory_space<vmem_shared>>
    tpu.wait_indirect_dma semaphore(%arg15 : memref<!tpu.dma_semaphore, #tpu.memory_space<semaphore_mem>>) src(%dma_wait3A_178 : memref<10000x64xf32, #tpu.memory_space<vmem_shared>>) dst(%arg9 : memref<128x64xf32, #tpu.memory_space<vmem>>)
    %dma_wait3A_179 = arith.constant 0 : i32
    %dma_wait3A_180 = arith.constant 0 : i32
    %dma_wait3A_181 = tpu.memref_slice %arg7[%dma_wait3A_179, %dma_wait3A_180] : memref<40x128xi32, #tpu.memory_space<vmem>> -> memref<1x128xi32, #tpu.memory_space<vmem>>
    %dma_wait3A_182 = tpu.memref_squeeze %dma_wait3A_181 : memref<1x128xi32, #tpu.memory_space<vmem>> -> memref<128xi32, #tpu.memory_space<vmem>>
    %dma_wait3A_183 = arith.constant 0 : i32
    %dma_wait3A_184 = arith.constant 0 : i32
    %dma_wait3A_185 = tpu.memref_slice %arg13[%dma_wait3A_183, %dma_wait3A_184] : memref<10000x64xf32, #tpu.memory_space<vmem_shared>> -> memref<10000x64xf32, #tpu.memory_space<vmem_shared>>
    tpu.wait_indirect_dma semaphore(%arg16 : memref<!tpu.dma_semaphore, #tpu.memory_space<semaphore_mem>>) src(%dma_wait3A_185 : memref<10000x64xf32, #tpu.memory_space<vmem_shared>>) dst(%arg10 : memref<128x64xf32, #tpu.memory_space<vmem>>)
    %dma_wait3A_186 = arith.constant 0 : i32
    %dma_wait3A_187 = arith.constant 0 : i32
    %dma_wait3A_188 = tpu.memref_slice %arg8[%dma_wait3A_186, %dma_wait3A_187] : memref<40x128xi32, #tpu.memory_space<vmem>> -> memref<1x128xi32, #tpu.memory_space<vmem>>
    %dma_wait3A_189 = tpu.memref_squeeze %dma_wait3A_188 : memref<1x128xi32, #tpu.memory_space<vmem>> -> memref<128xi32, #tpu.memory_space<vmem>>
    %dma_wait3A_190 = arith.constant 0 : i32
    %dma_wait3A_191 = arith.constant 0 : i32
    %dma_wait3A_192 = tpu.memref_slice %arg14[%dma_wait3A_190, %dma_wait3A_191] : memref<10240x64xf32, #tpu.memory_space<vmem_shared>> -> memref<10240x64xf32, #tpu.memory_space<vmem_shared>>
    tpu.wait_indirect_dma semaphore(%arg21 : memref<!tpu.dma_semaphore, #tpu.memory_space<semaphore_mem>>) src(%arg11 : memref<128x64xf32, #tpu.memory_space<vmem>>) dst(%dma_wait3A_192 : memref<10240x64xf32, #tpu.memory_space<vmem_shared>>)
    %dma_wait3A_193 = arith.constant 0 : i32
    %dma_wait3A_194 = arith.constant 0 : i32
    %dma_wait3A_195 = tpu.memref_slice %arg8[%dma_wait3A_193, %dma_wait3A_194] : memref<40x128xi32, #tpu.memory_space<vmem>> -> memref<1x128xi32, #tpu.memory_space<vmem>>
    %dma_wait3A_196 = tpu.memref_squeeze %dma_wait3A_195 : memref<1x128xi32, #tpu.memory_space<vmem>> -> memref<128xi32, #tpu.memory_space<vmem>>
    %dma_wait3A_197 = arith.constant 0 : i32
    %dma_wait3A_198 = arith.constant 0 : i32
    %dma_wait3A_199 = tpu.memref_slice %arg14[%dma_wait3A_197, %dma_wait3A_198] : memref<10240x64xf32, #tpu.memory_space<vmem_shared>> -> memref<10240x64xf32, #tpu.memory_space<vmem_shared>>
    tpu.wait_indirect_dma semaphore(%arg22 : memref<!tpu.dma_semaphore, #tpu.memory_space<semaphore_mem>>) src(%arg12 : memref<128x64xf32, #tpu.memory_space<vmem>>) dst(%dma_wait3A_199 : memref<10240x64xf32, #tpu.memory_space<vmem_shared>>)
    "tpu.region"() ({
      %run_scoped3A = tpu.sem_alloc : memref<!tpu.dma_semaphore, #tpu.memory_space<semaphore_mem>>
      %dma_start3A_705 = arith.constant 40 : i32
      %dma_start3A_706 = arith.constant 0 : i32
      %dma_start3A_707 = tpu.memref_slice %arg3[%add3A, %dma_start3A_705, %dma_start3A_706] : memref<32x80x128xi32, #tpu.memory_space<hbm>> -> memref<1x40x128xi32, #tpu.memory_space<hbm>>
      %dma_start3A_708 = tpu.memref_squeeze %dma_start3A_707 : memref<1x40x128xi32, #tpu.memory_space<hbm>> -> memref<40x128xi32, #tpu.memory_space<hbm>>
      %dma_start3A_709 = arith.constant 40 : i32
      %dma_start3A_710 = arith.constant 0 : i32
      %dma_start3A_711 = tpu.memref_slice %arg3[%add3A, %dma_start3A_709, %dma_start3A_710] : memref<32x80x128xi32, #tpu.memory_space<hbm>> -> memref<1x40x128xi32, #tpu.memory_space<hbm>>
      %dma_start3A_712 = tpu.memref_squeeze %dma_start3A_711 : memref<1x40x128xi32, #tpu.memory_space<hbm>> -> memref<40x128xi32, #tpu.memory_space<hbm>>
      tpu.enqueue_dma source(%dma_start3A_712 : memref<40x128xi32, #tpu.memory_space<hbm>>) target(%arg7 : memref<40x128xi32, #tpu.memory_space<vmem>>) target_semaphore(%run_scoped3A : memref<!tpu.dma_semaphore, #tpu.memory_space<semaphore_mem>>)
      %dma_wait3A_713 = arith.constant 40 : i32
      %dma_wait3A_714 = arith.constant 0 : i32
      %dma_wait3A_715 = tpu.memref_slice %arg3[%add3A, %dma_wait3A_713, %dma_wait3A_714] : memref<32x80x128xi32, #tpu.memory_space<hbm>> -> memref<1x40x128xi32, #tpu.memory_space<hbm>>
      %dma_wait3A_716 = tpu.memref_squeeze %dma_wait3A_715 : memref<1x40x128xi32, #tpu.memory_space<hbm>> -> memref<40x128xi32, #tpu.memory_space<hbm>>
      %dma_wait3A_717 = arith.constant 40 : i32
      %dma_wait3A_718 = arith.constant 0 : i32
      %dma_wait3A_719 = tpu.memref_slice %arg3[%add3A, %dma_wait3A_717, %dma_wait3A_718] : memref<32x80x128xi32, #tpu.memory_space<hbm>> -> memref<1x40x128xi32, #tpu.memory_space<hbm>>
      %dma_wait3A_720 = tpu.memref_squeeze %dma_wait3A_719 : memref<1x40x128xi32, #tpu.memory_space<hbm>> -> memref<40x128xi32, #tpu.memory_space<hbm>>
      tpu.wait_dma2 semaphore(%run_scoped3A : memref<!tpu.dma_semaphore, #tpu.memory_space<semaphore_mem>>) src(%dma_wait3A_720 : memref<40x128xi32, #tpu.memory_space<hbm>>) dst(%arg7 : memref<40x128xi32, #tpu.memory_space<vmem>>)
      tpu.yield
    }) : () -> ()
    "tpu.region"() ({
      %run_scoped3A = tpu.sem_alloc : memref<!tpu.dma_semaphore, #tpu.memory_space<semaphore_mem>>
      %dma_start3A_705 = arith.constant 40 : i32
      %dma_start3A_706 = arith.constant 0 : i32
      %dma_start3A_707 = tpu.memref_slice %arg4[%add3A, %dma_start3A_705, %dma_start3A_706] : memref<32x80x128xi32, #tpu.memory_space<hbm>> -> memref<1x40x128xi32, #tpu.memory_space<hbm>>
      %dma_start3A_708 = tpu.memref_squeeze %dma_start3A_707 : memref<1x40x128xi32, #tpu.memory_space<hbm>> -> memref<40x128xi32, #tpu.memory_space<hbm>>
      %dma_start3A_709 = arith.constant 40 : i32
      %dma_start3A_710 = arith.constant 0 : i32
      %dma_start3A_711 = tpu.memref_slice %arg4[%add3A, %dma_start3A_709, %dma_start3A_710] : memref<32x80x128xi32, #tpu.memory_space<hbm>> -> memref<1x40x128xi32, #tpu.memory_space<hbm>>
      %dma_start3A_712 = tpu.memref_squeeze %dma_start3A_711 : memref<1x40x128xi32, #tpu.memory_space<hbm>> -> memref<40x128xi32, #tpu.memory_space<hbm>>
      tpu.enqueue_dma source(%dma_start3A_712 : memref<40x128xi32, #tpu.memory_space<hbm>>) target(%arg8 : memref<40x128xi32, #tpu.memory_space<vmem>>) target_semaphore(%run_scoped3A : memref<!tpu.dma_semaphore, #tpu.memory_space<semaphore_mem>>)
      %dma_wait3A_713 = arith.constant 40 : i32
      %dma_wait3A_714 = arith.constant 0 : i32
      %dma_wait3A_715 = tpu.memref_slice %arg4[%add3A, %dma_wait3A_713, %dma_wait3A_714] : memref<32x80x128xi32, #tpu.memory_space<hbm>> -> memref<1x40x128xi32, #tpu.memory_space<hbm>>
      %dma_wait3A_716 = tpu.memref_squeeze %dma_wait3A_715 : memref<1x40x128xi32, #tpu.memory_space<hbm>> -> memref<40x128xi32, #tpu.memory_space<hbm>>
      %dma_wait3A_717 = arith.constant 40 : i32
      %dma_wait3A_718 = arith.constant 0 : i32
      %dma_wait3A_719 = tpu.memref_slice %arg4[%add3A, %dma_wait3A_717, %dma_wait3A_718] : memref<32x80x128xi32, #tpu.memory_space<hbm>> -> memref<1x40x128xi32, #tpu.memory_space<hbm>>
      %dma_wait3A_720 = tpu.memref_squeeze %dma_wait3A_719 : memref<1x40x128xi32, #tpu.memory_space<hbm>> -> memref<40x128xi32, #tpu.memory_space<hbm>>
      tpu.wait_dma2 semaphore(%run_scoped3A : memref<!tpu.dma_semaphore, #tpu.memory_space<semaphore_mem>>) src(%dma_wait3A_720 : memref<40x128xi32, #tpu.memory_space<hbm>>) dst(%arg8 : memref<40x128xi32, #tpu.memory_space<vmem>>)
      tpu.yield
    }) : () -> ()
    %dma_start3A_200 = arith.constant 0 : i32
    %dma_start3A_201 = arith.constant 0 : i32
    %dma_start3A_202 = tpu.memref_slice %arg7[%dma_start3A_200, %dma_start3A_201] : memref<40x128xi32, #tpu.memory_space<vmem>> -> memref<1x128xi32, #tpu.memory_space<vmem>>
    %dma_start3A_203 = tpu.memref_squeeze %dma_start3A_202 : memref<1x128xi32, #tpu.memory_space<vmem>> -> memref<128xi32, #tpu.memory_space<vmem>>
    %dma_start3A_204 = arith.constant 0 : i32
    %dma_start3A_205 = arith.constant 0 : i32
    %dma_start3A_206 = tpu.memref_slice %arg13[%dma_start3A_204, %dma_start3A_205] : memref<10000x64xf32, #tpu.memory_space<vmem_shared>> -> memref<10000x64xf32, #tpu.memory_space<vmem_shared>>
    tpu.enqueue_indirect_dma source(%dma_start3A_206 : memref<10000x64xf32, #tpu.memory_space<vmem_shared>>) target(%arg9 : memref<128x64xf32, #tpu.memory_space<vmem>>) offsets(%dma_start3A_203 : memref<128xi32, #tpu.memory_space<vmem>>) semaphore(%arg15 : memref<!tpu.dma_semaphore, #tpu.memory_space<semaphore_mem>>)
    %dma_start3A_207 = arith.constant 1 : i32
    %dma_start3A_208 = arith.constant 0 : i32
    %dma_start3A_209 = tpu.memref_slice %arg7[%dma_start3A_207, %dma_start3A_208] : memref<40x128xi32, #tpu.memory_space<vmem>> -> memref<1x128xi32, #tpu.memory_space<vmem>>
    %dma_start3A_210 = tpu.memref_squeeze %dma_start3A_209 : memref<1x128xi32, #tpu.memory_space<vmem>> -> memref<128xi32, #tpu.memory_space<vmem>>
    %dma_start3A_211 = arith.constant 0 : i32
    %dma_start3A_212 = arith.constant 0 : i32
    %dma_start3A_213 = tpu.memref_slice %arg13[%dma_start3A_211, %dma_start3A_212] : memref<10000x64xf32, #tpu.memory_space<vmem_shared>> -> memref<10000x64xf32, #tpu.memory_space<vmem_shared>>
    tpu.enqueue_indirect_dma source(%dma_start3A_213 : memref<10000x64xf32, #tpu.memory_space<vmem_shared>>) target(%arg10 : memref<128x64xf32, #tpu.memory_space<vmem>>) offsets(%dma_start3A_210 : memref<128xi32, #tpu.memory_space<vmem>>) semaphore(%arg16 : memref<!tpu.dma_semaphore, #tpu.memory_space<semaphore_mem>>)
    %dma_wait3A_214 = arith.constant 0 : i32
    %dma_wait3A_215 = arith.constant 0 : i32
    %dma_wait3A_216 = tpu.memref_slice %arg7[%dma_wait3A_214, %dma_wait3A_215] : memref<40x128xi32, #tpu.memory_space<vmem>> -> memref<1x128xi32, #tpu.memory_space<vmem>>
    %dma_wait3A_217 = tpu.memref_squeeze %dma_wait3A_216 : memref<1x128xi32, #tpu.memory_space<vmem>> -> memref<128xi32, #tpu.memory_space<vmem>>
    %dma_wait3A_218 = arith.constant 0 : i32
    %dma_wait3A_219 = arith.constant 0 : i32
    %dma_wait3A_220 = tpu.memref_slice %arg13[%dma_wait3A_218, %dma_wait3A_219] : memref<10000x64xf32, #tpu.memory_space<vmem_shared>> -> memref<10000x64xf32, #tpu.memory_space<vmem_shared>>
    tpu.wait_indirect_dma semaphore(%arg15 : memref<!tpu.dma_semaphore, #tpu.memory_space<semaphore_mem>>) src(%dma_wait3A_220 : memref<10000x64xf32, #tpu.memory_space<vmem_shared>>) dst(%arg9 : memref<128x64xf32, #tpu.memory_space<vmem>>)
    %dma_start3A_221 = arith.constant 0 : i32
    %dma_start3A_222 = arith.constant 0 : i32
    %dma_start3A_223 = tpu.memref_slice %arg8[%dma_start3A_221, %dma_start3A_222] : memref<40x128xi32, #tpu.memory_space<vmem>> -> memref<1x128xi32, #tpu.memory_space<vmem>>
    %dma_start3A_224 = tpu.memref_squeeze %dma_start3A_223 : memref<1x128xi32, #tpu.memory_space<vmem>> -> memref<128xi32, #tpu.memory_space<vmem>>
    %dma_start3A_225 = arith.constant 0 : i32
    %dma_start3A_226 = arith.constant 0 : i32
    %dma_start3A_227 = tpu.memref_slice %arg14[%dma_start3A_225, %dma_start3A_226] : memref<10240x64xf32, #tpu.memory_space<vmem_shared>> -> memref<10240x64xf32, #tpu.memory_space<vmem_shared>>
    tpu.enqueue_indirect_dma source(%arg9 : memref<128x64xf32, #tpu.memory_space<vmem>>) target(%dma_start3A_227 : memref<10240x64xf32, #tpu.memory_space<vmem_shared>>) offsets(%dma_start3A_224 : memref<128xi32, #tpu.memory_space<vmem>>) semaphore(%arg19 : memref<!tpu.dma_semaphore, #tpu.memory_space<semaphore_mem>>) {add = true}
    %dma_start3A_228 = arith.constant 2 : i32
    %dma_start3A_229 = arith.constant 0 : i32
    %dma_start3A_230 = tpu.memref_slice %arg7[%dma_start3A_228, %dma_start3A_229] : memref<40x128xi32, #tpu.memory_space<vmem>> -> memref<1x128xi32, #tpu.memory_space<vmem>>
    %dma_start3A_231 = tpu.memref_squeeze %dma_start3A_230 : memref<1x128xi32, #tpu.memory_space<vmem>> -> memref<128xi32, #tpu.memory_space<vmem>>
    %dma_start3A_232 = arith.constant 0 : i32
    %dma_start3A_233 = arith.constant 0 : i32
    %dma_start3A_234 = tpu.memref_slice %arg13[%dma_start3A_232, %dma_start3A_233] : memref<10000x64xf32, #tpu.memory_space<vmem_shared>> -> memref<10000x64xf32, #tpu.memory_space<vmem_shared>>
    tpu.enqueue_indirect_dma source(%dma_start3A_234 : memref<10000x64xf32, #tpu.memory_space<vmem_shared>>) target(%arg11 : memref<128x64xf32, #tpu.memory_space<vmem>>) offsets(%dma_start3A_231 : memref<128xi32, #tpu.memory_space<vmem>>) semaphore(%arg17 : memref<!tpu.dma_semaphore, #tpu.memory_space<semaphore_mem>>)
    %dma_wait3A_235 = arith.constant 0 : i32
    %dma_wait3A_236 = arith.constant 0 : i32
    %dma_wait3A_237 = tpu.memref_slice %arg7[%dma_wait3A_235, %dma_wait3A_236] : memref<40x128xi32, #tpu.memory_space<vmem>> -> memref<1x128xi32, #tpu.memory_space<vmem>>
    %dma_wait3A_238 = tpu.memref_squeeze %dma_wait3A_237 : memref<1x128xi32, #tpu.memory_space<vmem>> -> memref<128xi32, #tpu.memory_space<vmem>>
    %dma_wait3A_239 = arith.constant 0 : i32
    %dma_wait3A_240 = arith.constant 0 : i32
    %dma_wait3A_241 = tpu.memref_slice %arg13[%dma_wait3A_239, %dma_wait3A_240] : memref<10000x64xf32, #tpu.memory_space<vmem_shared>> -> memref<10000x64xf32, #tpu.memory_space<vmem_shared>>
    tpu.wait_indirect_dma semaphore(%arg16 : memref<!tpu.dma_semaphore, #tpu.memory_space<semaphore_mem>>) src(%dma_wait3A_241 : memref<10000x64xf32, #tpu.memory_space<vmem_shared>>) dst(%arg10 : memref<128x64xf32, #tpu.memory_space<vmem>>)
    %dma_start3A_242 = arith.constant 1 : i32
    %dma_start3A_243 = arith.constant 0 : i32
    %dma_start3A_244 = tpu.memref_slice %arg8[%dma_start3A_242, %dma_start3A_243] : memref<40x128xi32, #tpu.memory_space<vmem>> -> memref<1x128xi32, #tpu.memory_space<vmem>>
    %dma_start3A_245 = tpu.memref_squeeze %dma_start3A_244 : memref<1x128xi32, #tpu.memory_space<vmem>> -> memref<128xi32, #tpu.memory_space<vmem>>
    %dma_start3A_246 = arith.constant 0 : i32
    %dma_start3A_247 = arith.constant 0 : i32
    %dma_start3A_248 = tpu.memref_slice %arg14[%dma_start3A_246, %dma_start3A_247] : memref<10240x64xf32, #tpu.memory_space<vmem_shared>> -> memref<10240x64xf32, #tpu.memory_space<vmem_shared>>
    tpu.enqueue_indirect_dma source(%arg10 : memref<128x64xf32, #tpu.memory_space<vmem>>) target(%dma_start3A_248 : memref<10240x64xf32, #tpu.memory_space<vmem_shared>>) offsets(%dma_start3A_245 : memref<128xi32, #tpu.memory_space<vmem>>) semaphore(%arg20 : memref<!tpu.dma_semaphore, #tpu.memory_space<semaphore_mem>>) {add = true}
    %dma_start3A_249 = arith.constant 3 : i32
    %dma_start3A_250 = arith.constant 0 : i32
    %dma_start3A_251 = tpu.memref_slice %arg7[%dma_start3A_249, %dma_start3A_250] : memref<40x128xi32, #tpu.memory_space<vmem>> -> memref<1x128xi32, #tpu.memory_space<vmem>>
    %dma_start3A_252 = tpu.memref_squeeze %dma_start3A_251 : memref<1x128xi32, #tpu.memory_space<vmem>> -> memref<128xi32, #tpu.memory_space<vmem>>
    %dma_start3A_253 = arith.constant 0 : i32
    %dma_start3A_254 = arith.constant 0 : i32
    %dma_start3A_255 = tpu.memref_slice %arg13[%dma_start3A_253, %dma_start3A_254] : memref<10000x64xf32, #tpu.memory_space<vmem_shared>> -> memref<10000x64xf32, #tpu.memory_space<vmem_shared>>
    tpu.enqueue_indirect_dma source(%dma_start3A_255 : memref<10000x64xf32, #tpu.memory_space<vmem_shared>>) target(%arg12 : memref<128x64xf32, #tpu.memory_space<vmem>>) offsets(%dma_start3A_252 : memref<128xi32, #tpu.memory_space<vmem>>) semaphore(%arg18 : memref<!tpu.dma_semaphore, #tpu.memory_space<semaphore_mem>>)
    %dma_wait3A_256 = arith.constant 0 : i32
    %dma_wait3A_257 = arith.constant 0 : i32
    %dma_wait3A_258 = tpu.memref_slice %arg7[%dma_wait3A_256, %dma_wait3A_257] : memref<40x128xi32, #tpu.memory_space<vmem>> -> memref<1x128xi32, #tpu.memory_space<vmem>>
    %dma_wait3A_259 = tpu.memref_squeeze %dma_wait3A_258 : memref<1x128xi32, #tpu.memory_space<vmem>> -> memref<128xi32, #tpu.memory_space<vmem>>
    %dma_wait3A_260 = arith.constant 0 : i32
    %dma_wait3A_261 = arith.constant 0 : i32
    %dma_wait3A_262 = tpu.memref_slice %arg13[%dma_wait3A_260, %dma_wait3A_261] : memref<10000x64xf32, #tpu.memory_space<vmem_shared>> -> memref<10000x64xf32, #tpu.memory_space<vmem_shared>>
    tpu.wait_indirect_dma semaphore(%arg17 : memref<!tpu.dma_semaphore, #tpu.memory_space<semaphore_mem>>) src(%dma_wait3A_262 : memref<10000x64xf32, #tpu.memory_space<vmem_shared>>) dst(%arg11 : memref<128x64xf32, #tpu.memory_space<vmem>>)
    %dma_start3A_263 = arith.constant 2 : i32
    %dma_start3A_264 = arith.constant 0 : i32
    %dma_start3A_265 = tpu.memref_slice %arg8[%dma_start3A_263, %dma_start3A_264] : memref<40x128xi32, #tpu.memory_space<vmem>> -> memref<1x128xi32, #tpu.memory_space<vmem>>
    %dma_start3A_266 = tpu.memref_squeeze %dma_start3A_265 : memref<1x128xi32, #tpu.memory_space<vmem>> -> memref<128xi32, #tpu.memory_space<vmem>>
    %dma_start3A_267 = arith.constant 0 : i32
    %dma_start3A_268 = arith.constant 0 : i32
    %dma_start3A_269 = tpu.memref_slice %arg14[%dma_start3A_267, %dma_start3A_268] : memref<10240x64xf32, #tpu.memory_space<vmem_shared>> -> memref<10240x64xf32, #tpu.memory_space<vmem_shared>>
    tpu.enqueue_indirect_dma source(%arg11 : memref<128x64xf32, #tpu.memory_space<vmem>>) target(%dma_start3A_269 : memref<10240x64xf32, #tpu.memory_space<vmem_shared>>) offsets(%dma_start3A_266 : memref<128xi32, #tpu.memory_space<vmem>>) semaphore(%arg21 : memref<!tpu.dma_semaphore, #tpu.memory_space<semaphore_mem>>) {add = true}
    %dma_wait3A_270 = arith.constant 0 : i32
    %dma_wait3A_271 = arith.constant 0 : i32
    %dma_wait3A_272 = tpu.memref_slice %arg8[%dma_wait3A_270, %dma_wait3A_271] : memref<40x128xi32, #tpu.memory_space<vmem>> -> memref<1x128xi32, #tpu.memory_space<vmem>>
    %dma_wait3A_273 = tpu.memref_squeeze %dma_wait3A_272 : memref<1x128xi32, #tpu.memory_space<vmem>> -> memref<128xi32, #tpu.memory_space<vmem>>
    %dma_wait3A_274 = arith.constant 0 : i32
    %dma_wait3A_275 = arith.constant 0 : i32
    %dma_wait3A_276 = tpu.memref_slice %arg14[%dma_wait3A_274, %dma_wait3A_275] : memref<10240x64xf32, #tpu.memory_space<vmem_shared>> -> memref<10240x64xf32, #tpu.memory_space<vmem_shared>>
    tpu.wait_indirect_dma semaphore(%arg19 : memref<!tpu.dma_semaphore, #tpu.memory_space<semaphore_mem>>) src(%arg9 : memref<128x64xf32, #tpu.memory_space<vmem>>) dst(%dma_wait3A_276 : memref<10240x64xf32, #tpu.memory_space<vmem_shared>>)
    %dma_start3A_277 = arith.constant 4 : i32
    %dma_start3A_278 = arith.constant 0 : i32
    %dma_start3A_279 = tpu.memref_slice %arg7[%dma_start3A_277, %dma_start3A_278] : memref<40x128xi32, #tpu.memory_space<vmem>> -> memref<1x128xi32, #tpu.memory_space<vmem>>
    %dma_start3A_280 = tpu.memref_squeeze %dma_start3A_279 : memref<1x128xi32, #tpu.memory_space<vmem>> -> memref<128xi32, #tpu.memory_space<vmem>>
    %dma_start3A_281 = arith.constant 0 : i32
    %dma_start3A_282 = arith.constant 0 : i32
    %dma_start3A_283 = tpu.memref_slice %arg13[%dma_start3A_281, %dma_start3A_282] : memref<10000x64xf32, #tpu.memory_space<vmem_shared>> -> memref<10000x64xf32, #tpu.memory_space<vmem_shared>>
    tpu.enqueue_indirect_dma source(%dma_start3A_283 : memref<10000x64xf32, #tpu.memory_space<vmem_shared>>) target(%arg9 : memref<128x64xf32, #tpu.memory_space<vmem>>) offsets(%dma_start3A_280 : memref<128xi32, #tpu.memory_space<vmem>>) semaphore(%arg15 : memref<!tpu.dma_semaphore, #tpu.memory_space<semaphore_mem>>)
    %dma_wait3A_284 = arith.constant 0 : i32
    %dma_wait3A_285 = arith.constant 0 : i32
    %dma_wait3A_286 = tpu.memref_slice %arg7[%dma_wait3A_284, %dma_wait3A_285] : memref<40x128xi32, #tpu.memory_space<vmem>> -> memref<1x128xi32, #tpu.memory_space<vmem>>
    %dma_wait3A_287 = tpu.memref_squeeze %dma_wait3A_286 : memref<1x128xi32, #tpu.memory_space<vmem>> -> memref<128xi32, #tpu.memory_space<vmem>>
    %dma_wait3A_288 = arith.constant 0 : i32
    %dma_wait3A_289 = arith.constant 0 : i32
    %dma_wait3A_290 = tpu.memref_slice %arg13[%dma_wait3A_288, %dma_wait3A_289] : memref<10000x64xf32, #tpu.memory_space<vmem_shared>> -> memref<10000x64xf32, #tpu.memory_space<vmem_shared>>
    tpu.wait_indirect_dma semaphore(%arg18 : memref<!tpu.dma_semaphore, #tpu.memory_space<semaphore_mem>>) src(%dma_wait3A_290 : memref<10000x64xf32, #tpu.memory_space<vmem_shared>>) dst(%arg12 : memref<128x64xf32, #tpu.memory_space<vmem>>)
    %dma_start3A_291 = arith.constant 3 : i32
    %dma_start3A_292 = arith.constant 0 : i32
    %dma_start3A_293 = tpu.memref_slice %arg8[%dma_start3A_291, %dma_start3A_292] : memref<40x128xi32, #tpu.memory_space<vmem>> -> memref<1x128xi32, #tpu.memory_space<vmem>>
    %dma_start3A_294 = tpu.memref_squeeze %dma_start3A_293 : memref<1x128xi32, #tpu.memory_space<vmem>> -> memref<128xi32, #tpu.memory_space<vmem>>
    %dma_start3A_295 = arith.constant 0 : i32
    %dma_start3A_296 = arith.constant 0 : i32
    %dma_start3A_297 = tpu.memref_slice %arg14[%dma_start3A_295, %dma_start3A_296] : memref<10240x64xf32, #tpu.memory_space<vmem_shared>> -> memref<10240x64xf32, #tpu.memory_space<vmem_shared>>
    tpu.enqueue_indirect_dma source(%arg12 : memref<128x64xf32, #tpu.memory_space<vmem>>) target(%dma_start3A_297 : memref<10240x64xf32, #tpu.memory_space<vmem_shared>>) offsets(%dma_start3A_294 : memref<128xi32, #tpu.memory_space<vmem>>) semaphore(%arg22 : memref<!tpu.dma_semaphore, #tpu.memory_space<semaphore_mem>>) {add = true}
    %dma_wait3A_298 = arith.constant 0 : i32
    %dma_wait3A_299 = arith.constant 0 : i32
    %dma_wait3A_300 = tpu.memref_slice %arg8[%dma_wait3A_298, %dma_wait3A_299] : memref<40x128xi32, #tpu.memory_space<vmem>> -> memref<1x128xi32, #tpu.memory_space<vmem>>
    %dma_wait3A_301 = tpu.memref_squeeze %dma_wait3A_300 : memref<1x128xi32, #tpu.memory_space<vmem>> -> memref<128xi32, #tpu.memory_space<vmem>>
    %dma_wait3A_302 = arith.constant 0 : i32
    %dma_wait3A_303 = arith.constant 0 : i32
    %dma_wait3A_304 = tpu.memref_slice %arg14[%dma_wait3A_302, %dma_wait3A_303] : memref<10240x64xf32, #tpu.memory_space<vmem_shared>> -> memref<10240x64xf32, #tpu.memory_space<vmem_shared>>
    tpu.wait_indirect_dma semaphore(%arg20 : memref<!tpu.dma_semaphore, #tpu.memory_space<semaphore_mem>>) src(%arg10 : memref<128x64xf32, #tpu.memory_space<vmem>>) dst(%dma_wait3A_304 : memref<10240x64xf32, #tpu.memory_space<vmem_shared>>)
    %dma_start3A_305 = arith.constant 5 : i32
    %dma_start3A_306 = arith.constant 0 : i32
    %dma_start3A_307 = tpu.memref_slice %arg7[%dma_start3A_305, %dma_start3A_306] : memref<40x128xi32, #tpu.memory_space<vmem>> -> memref<1x128xi32, #tpu.memory_space<vmem>>
    %dma_start3A_308 = tpu.memref_squeeze %dma_start3A_307 : memref<1x128xi32, #tpu.memory_space<vmem>> -> memref<128xi32, #tpu.memory_space<vmem>>
    %dma_start3A_309 = arith.constant 0 : i32
    %dma_start3A_310 = arith.constant 0 : i32
    %dma_start3A_311 = tpu.memref_slice %arg13[%dma_start3A_309, %dma_start3A_310] : memref<10000x64xf32, #tpu.memory_space<vmem_shared>> -> memref<10000x64xf32, #tpu.memory_space<vmem_shared>>
    tpu.enqueue_indirect_dma source(%dma_start3A_311 : memref<10000x64xf32, #tpu.memory_space<vmem_shared>>) target(%arg10 : memref<128x64xf32, #tpu.memory_space<vmem>>) offsets(%dma_start3A_308 : memref<128xi32, #tpu.memory_space<vmem>>) semaphore(%arg16 : memref<!tpu.dma_semaphore, #tpu.memory_space<semaphore_mem>>)
    %scan3A_312 = arith.constant 0 : i32
    %scan3A_313 = arith.constant 1 : i32
    %scan3A_314 = arith.constant 9 : i32
    %scan3A_315 = arith.addi %scan3A_313, %scan3A_314 : i32
    %scan3A_316 = arith.constant 1 : i32
    scf.for %scan3A_705 = %scan3A_313 to %scan3A_315 step %scan3A_316  : i32 {
      %mul3A_706 = arith.constant 4 : i32
      %mul3A_707 = arith.muli %mul3A_706, %scan3A_705 : i32
      %dma_wait3A_708 = arith.constant 0 : i32
      %dma_wait3A_709 = arith.constant 0 : i32
      %dma_wait3A_710 = tpu.memref_slice %arg7[%dma_wait3A_708, %dma_wait3A_709] : memref<40x128xi32, #tpu.memory_space<vmem>> -> memref<1x128xi32, #tpu.memory_space<vmem>>
      %dma_wait3A_711 = tpu.memref_squeeze %dma_wait3A_710 : memref<1x128xi32, #tpu.memory_space<vmem>> -> memref<128xi32, #tpu.memory_space<vmem>>
      %dma_wait3A_712 = arith.constant 0 : i32
      %dma_wait3A_713 = arith.constant 0 : i32
      %dma_wait3A_714 = tpu.memref_slice %arg13[%dma_wait3A_712, %dma_wait3A_713] : memref<10000x64xf32, #tpu.memory_space<vmem_shared>> -> memref<10000x64xf32, #tpu.memory_space<vmem_shared>>
      tpu.wait_indirect_dma semaphore(%arg15 : memref<!tpu.dma_semaphore, #tpu.memory_space<semaphore_mem>>) src(%dma_wait3A_714 : memref<10000x64xf32, #tpu.memory_space<vmem_shared>>) dst(%arg9 : memref<128x64xf32, #tpu.memory_space<vmem>>)
      %dma_start3A_715 = arith.constant 0 : i32
      %dma_start3A_716 = tpu.memref_slice %arg8[%mul3A_707, %dma_start3A_715] : memref<40x128xi32, #tpu.memory_space<vmem>> -> memref<1x128xi32, #tpu.memory_space<vmem>>
      %dma_start3A_717 = tpu.memref_squeeze %dma_start3A_716 : memref<1x128xi32, #tpu.memory_space<vmem>> -> memref<128xi32, #tpu.memory_space<vmem>>
      %dma_start3A_718 = arith.constant 0 : i32
      %dma_start3A_719 = arith.constant 0 : i32
      %dma_start3A_720 = tpu.memref_slice %arg14[%dma_start3A_718, %dma_start3A_719] : memref<10240x64xf32, #tpu.memory_space<vmem_shared>> -> memref<10240x64xf32, #tpu.memory_space<vmem_shared>>
      tpu.enqueue_indirect_dma source(%arg9 : memref<128x64xf32, #tpu.memory_space<vmem>>) target(%dma_start3A_720 : memref<10240x64xf32, #tpu.memory_space<vmem_shared>>) offsets(%dma_start3A_717 : memref<128xi32, #tpu.memory_space<vmem>>) semaphore(%arg19 : memref<!tpu.dma_semaphore, #tpu.memory_space<semaphore_mem>>) {add = true}
      %dma_wait3A_721 = arith.constant 0 : i32
      %dma_wait3A_722 = arith.constant 0 : i32
      %dma_wait3A_723 = tpu.memref_slice %arg8[%dma_wait3A_721, %dma_wait3A_722] : memref<40x128xi32, #tpu.memory_space<vmem>> -> memref<1x128xi32, #tpu.memory_space<vmem>>
      %dma_wait3A_724 = tpu.memref_squeeze %dma_wait3A_723 : memref<1x128xi32, #tpu.memory_space<vmem>> -> memref<128xi32, #tpu.memory_space<vmem>>
      %dma_wait3A_725 = arith.constant 0 : i32
      %dma_wait3A_726 = arith.constant 0 : i32
      %dma_wait3A_727 = tpu.memref_slice %arg14[%dma_wait3A_725, %dma_wait3A_726] : memref<10240x64xf32, #tpu.memory_space<vmem_shared>> -> memref<10240x64xf32, #tpu.memory_space<vmem_shared>>
      tpu.wait_indirect_dma semaphore(%arg21 : memref<!tpu.dma_semaphore, #tpu.memory_space<semaphore_mem>>) src(%arg11 : memref<128x64xf32, #tpu.memory_space<vmem>>) dst(%dma_wait3A_727 : memref<10240x64xf32, #tpu.memory_space<vmem_shared>>)
      %add3A_728 = arith.constant 2 : i32
      %add3A_729 = arith.addi %mul3A_707, %add3A_728 : i32
      %min3A = arith.constant 39 : i32
      %min3A_730 = arith.minsi %add3A_729, %min3A : i32
      %dma_start3A_731 = arith.constant 0 : i32
      %dma_start3A_732 = tpu.memref_slice %arg7[%min3A_730, %dma_start3A_731] : memref<40x128xi32, #tpu.memory_space<vmem>> -> memref<1x128xi32, #tpu.memory_space<vmem>>
      %dma_start3A_733 = tpu.memref_squeeze %dma_start3A_732 : memref<1x128xi32, #tpu.memory_space<vmem>> -> memref<128xi32, #tpu.memory_space<vmem>>
      %dma_start3A_734 = arith.constant 0 : i32
      %dma_start3A_735 = arith.constant 0 : i32
      %dma_start3A_736 = tpu.memref_slice %arg13[%dma_start3A_734, %dma_start3A_735] : memref<10000x64xf32, #tpu.memory_space<vmem_shared>> -> memref<10000x64xf32, #tpu.memory_space<vmem_shared>>
      tpu.enqueue_indirect_dma source(%dma_start3A_736 : memref<10000x64xf32, #tpu.memory_space<vmem_shared>>) target(%arg11 : memref<128x64xf32, #tpu.memory_space<vmem>>) offsets(%dma_start3A_733 : memref<128xi32, #tpu.memory_space<vmem>>) semaphore(%arg17 : memref<!tpu.dma_semaphore, #tpu.memory_space<semaphore_mem>>)
      %dma_wait3A_737 = arith.constant 0 : i32
      %dma_wait3A_738 = arith.constant 0 : i32
      %dma_wait3A_739 = tpu.memref_slice %arg7[%dma_wait3A_737, %dma_wait3A_738] : memref<40x128xi32, #tpu.memory_space<vmem>> -> memref<1x128xi32, #tpu.memory_space<vmem>>
      %dma_wait3A_740 = tpu.memref_squeeze %dma_wait3A_739 : memref<1x128xi32, #tpu.memory_space<vmem>> -> memref<128xi32, #tpu.memory_space<vmem>>
      %dma_wait3A_741 = arith.constant 0 : i32
      %dma_wait3A_742 = arith.constant 0 : i32
      %dma_wait3A_743 = tpu.memref_slice %arg13[%dma_wait3A_741, %dma_wait3A_742] : memref<10000x64xf32, #tpu.memory_space<vmem_shared>> -> memref<10000x64xf32, #tpu.memory_space<vmem_shared>>
      tpu.wait_indirect_dma semaphore(%arg16 : memref<!tpu.dma_semaphore, #tpu.memory_space<semaphore_mem>>) src(%dma_wait3A_743 : memref<10000x64xf32, #tpu.memory_space<vmem_shared>>) dst(%arg10 : memref<128x64xf32, #tpu.memory_space<vmem>>)
      %add3A_744 = arith.constant 1 : i32
      %add3A_745 = arith.addi %mul3A_707, %add3A_744 : i32
      %dma_start3A_746 = arith.constant 0 : i32
      %dma_start3A_747 = tpu.memref_slice %arg8[%add3A_745, %dma_start3A_746] : memref<40x128xi32, #tpu.memory_space<vmem>> -> memref<1x128xi32, #tpu.memory_space<vmem>>
      %dma_start3A_748 = tpu.memref_squeeze %dma_start3A_747 : memref<1x128xi32, #tpu.memory_space<vmem>> -> memref<128xi32, #tpu.memory_space<vmem>>
      %dma_start3A_749 = arith.constant 0 : i32
      %dma_start3A_750 = arith.constant 0 : i32
      %dma_start3A_751 = tpu.memref_slice %arg14[%dma_start3A_749, %dma_start3A_750] : memref<10240x64xf32, #tpu.memory_space<vmem_shared>> -> memref<10240x64xf32, #tpu.memory_space<vmem_shared>>
      tpu.enqueue_indirect_dma source(%arg10 : memref<128x64xf32, #tpu.memory_space<vmem>>) target(%dma_start3A_751 : memref<10240x64xf32, #tpu.memory_space<vmem_shared>>) offsets(%dma_start3A_748 : memref<128xi32, #tpu.memory_space<vmem>>) semaphore(%arg20 : memref<!tpu.dma_semaphore, #tpu.memory_space<semaphore_mem>>) {add = true}
      %dma_wait3A_752 = arith.constant 0 : i32
      %dma_wait3A_753 = arith.constant 0 : i32
      %dma_wait3A_754 = tpu.memref_slice %arg8[%dma_wait3A_752, %dma_wait3A_753] : memref<40x128xi32, #tpu.memory_space<vmem>> -> memref<1x128xi32, #tpu.memory_space<vmem>>
      %dma_wait3A_755 = tpu.memref_squeeze %dma_wait3A_754 : memref<1x128xi32, #tpu.memory_space<vmem>> -> memref<128xi32, #tpu.memory_space<vmem>>
      %dma_wait3A_756 = arith.constant 0 : i32
      %dma_wait3A_757 = arith.constant 0 : i32
      %dma_wait3A_758 = tpu.memref_slice %arg14[%dma_wait3A_756, %dma_wait3A_757] : memref<10240x64xf32, #tpu.memory_space<vmem_shared>> -> memref<10240x64xf32, #tpu.memory_space<vmem_shared>>
      tpu.wait_indirect_dma semaphore(%arg22 : memref<!tpu.dma_semaphore, #tpu.memory_space<semaphore_mem>>) src(%arg12 : memref<128x64xf32, #tpu.memory_space<vmem>>) dst(%dma_wait3A_758 : memref<10240x64xf32, #tpu.memory_space<vmem_shared>>)
      %add3A_759 = arith.constant 3 : i32
      %add3A_760 = arith.addi %mul3A_707, %add3A_759 : i32
      %min3A_761 = arith.constant 39 : i32
      %min3A_762 = arith.minsi %add3A_760, %min3A_761 : i32
      %dma_start3A_763 = arith.constant 0 : i32
      %dma_start3A_764 = tpu.memref_slice %arg7[%min3A_762, %dma_start3A_763] : memref<40x128xi32, #tpu.memory_space<vmem>> -> memref<1x128xi32, #tpu.memory_space<vmem>>
      %dma_start3A_765 = tpu.memref_squeeze %dma_start3A_764 : memref<1x128xi32, #tpu.memory_space<vmem>> -> memref<128xi32, #tpu.memory_space<vmem>>
      %dma_start3A_766 = arith.constant 0 : i32
      %dma_start3A_767 = arith.constant 0 : i32
      %dma_start3A_768 = tpu.memref_slice %arg13[%dma_start3A_766, %dma_start3A_767] : memref<10000x64xf32, #tpu.memory_space<vmem_shared>> -> memref<10000x64xf32, #tpu.memory_space<vmem_shared>>
      tpu.enqueue_indirect_dma source(%dma_start3A_768 : memref<10000x64xf32, #tpu.memory_space<vmem_shared>>) target(%arg12 : memref<128x64xf32, #tpu.memory_space<vmem>>) offsets(%dma_start3A_765 : memref<128xi32, #tpu.memory_space<vmem>>) semaphore(%arg18 : memref<!tpu.dma_semaphore, #tpu.memory_space<semaphore_mem>>)
      %dma_wait3A_769 = arith.constant 0 : i32
      %dma_wait3A_770 = arith.constant 0 : i32
      %dma_wait3A_771 = tpu.memref_slice %arg7[%dma_wait3A_769, %dma_wait3A_770] : memref<40x128xi32, #tpu.memory_space<vmem>> -> memref<1x128xi32, #tpu.memory_space<vmem>>
      %dma_wait3A_772 = tpu.memref_squeeze %dma_wait3A_771 : memref<1x128xi32, #tpu.memory_space<vmem>> -> memref<128xi32, #tpu.memory_space<vmem>>
      %dma_wait3A_773 = arith.constant 0 : i32
      %dma_wait3A_774 = arith.constant 0 : i32
      %dma_wait3A_775 = tpu.memref_slice %arg13[%dma_wait3A_773, %dma_wait3A_774] : memref<10000x64xf32, #tpu.memory_space<vmem_shared>> -> memref<10000x64xf32, #tpu.memory_space<vmem_shared>>
      tpu.wait_indirect_dma semaphore(%arg17 : memref<!tpu.dma_semaphore, #tpu.memory_space<semaphore_mem>>) src(%dma_wait3A_775 : memref<10000x64xf32, #tpu.memory_space<vmem_shared>>) dst(%arg11 : memref<128x64xf32, #tpu.memory_space<vmem>>)
      %add3A_776 = arith.constant 2 : i32
      %add3A_777 = arith.addi %mul3A_707, %add3A_776 : i32
      %dma_start3A_778 = arith.constant 0 : i32
      %dma_start3A_779 = tpu.memref_slice %arg8[%add3A_777, %dma_start3A_778] : memref<40x128xi32, #tpu.memory_space<vmem>> -> memref<1x128xi32, #tpu.memory_space<vmem>>
      %dma_start3A_780 = tpu.memref_squeeze %dma_start3A_779 : memref<1x128xi32, #tpu.memory_space<vmem>> -> memref<128xi32, #tpu.memory_space<vmem>>
      %dma_start3A_781 = arith.constant 0 : i32
      %dma_start3A_782 = arith.constant 0 : i32
      %dma_start3A_783 = tpu.memref_slice %arg14[%dma_start3A_781, %dma_start3A_782] : memref<10240x64xf32, #tpu.memory_space<vmem_shared>> -> memref<10240x64xf32, #tpu.memory_space<vmem_shared>>
      tpu.enqueue_indirect_dma source(%arg11 : memref<128x64xf32, #tpu.memory_space<vmem>>) target(%dma_start3A_783 : memref<10240x64xf32, #tpu.memory_space<vmem_shared>>) offsets(%dma_start3A_780 : memref<128xi32, #tpu.memory_space<vmem>>) semaphore(%arg21 : memref<!tpu.dma_semaphore, #tpu.memory_space<semaphore_mem>>) {add = true}
      %dma_wait3A_784 = arith.constant 0 : i32
      %dma_wait3A_785 = arith.constant 0 : i32
      %dma_wait3A_786 = tpu.memref_slice %arg8[%dma_wait3A_784, %dma_wait3A_785] : memref<40x128xi32, #tpu.memory_space<vmem>> -> memref<1x128xi32, #tpu.memory_space<vmem>>
      %dma_wait3A_787 = tpu.memref_squeeze %dma_wait3A_786 : memref<1x128xi32, #tpu.memory_space<vmem>> -> memref<128xi32, #tpu.memory_space<vmem>>
      %dma_wait3A_788 = arith.constant 0 : i32
      %dma_wait3A_789 = arith.constant 0 : i32
      %dma_wait3A_790 = tpu.memref_slice %arg14[%dma_wait3A_788, %dma_wait3A_789] : memref<10240x64xf32, #tpu.memory_space<vmem_shared>> -> memref<10240x64xf32, #tpu.memory_space<vmem_shared>>
      tpu.wait_indirect_dma semaphore(%arg19 : memref<!tpu.dma_semaphore, #tpu.memory_space<semaphore_mem>>) src(%arg9 : memref<128x64xf32, #tpu.memory_space<vmem>>) dst(%dma_wait3A_790 : memref<10240x64xf32, #tpu.memory_space<vmem_shared>>)
      %add3A_791 = arith.constant 4 : i32
      %add3A_792 = arith.addi %mul3A_707, %add3A_791 : i32
      %min3A_793 = arith.constant 39 : i32
      %min3A_794 = arith.minsi %add3A_792, %min3A_793 : i32
      %dma_start3A_795 = arith.constant 0 : i32
      %dma_start3A_796 = tpu.memref_slice %arg7[%min3A_794, %dma_start3A_795] : memref<40x128xi32, #tpu.memory_space<vmem>> -> memref<1x128xi32, #tpu.memory_space<vmem>>
      %dma_start3A_797 = tpu.memref_squeeze %dma_start3A_796 : memref<1x128xi32, #tpu.memory_space<vmem>> -> memref<128xi32, #tpu.memory_space<vmem>>
      %dma_start3A_798 = arith.constant 0 : i32
      %dma_start3A_799 = arith.constant 0 : i32
      %dma_start3A_800 = tpu.memref_slice %arg13[%dma_start3A_798, %dma_start3A_799] : memref<10000x64xf32, #tpu.memory_space<vmem_shared>> -> memref<10000x64xf32, #tpu.memory_space<vmem_shared>>
      tpu.enqueue_indirect_dma source(%dma_start3A_800 : memref<10000x64xf32, #tpu.memory_space<vmem_shared>>) target(%arg9 : memref<128x64xf32, #tpu.memory_space<vmem>>) offsets(%dma_start3A_797 : memref<128xi32, #tpu.memory_space<vmem>>) semaphore(%arg15 : memref<!tpu.dma_semaphore, #tpu.memory_space<semaphore_mem>>)
      %dma_wait3A_801 = arith.constant 0 : i32
      %dma_wait3A_802 = arith.constant 0 : i32
      %dma_wait3A_803 = tpu.memref_slice %arg7[%dma_wait3A_801, %dma_wait3A_802] : memref<40x128xi32, #tpu.memory_space<vmem>> -> memref<1x128xi32, #tpu.memory_space<vmem>>
      %dma_wait3A_804 = tpu.memref_squeeze %dma_wait3A_803 : memref<1x128xi32, #tpu.memory_space<vmem>> -> memref<128xi32, #tpu.memory_space<vmem>>
      %dma_wait3A_805 = arith.constant 0 : i32
      %dma_wait3A_806 = arith.constant 0 : i32
      %dma_wait3A_807 = tpu.memref_slice %arg13[%dma_wait3A_805, %dma_wait3A_806] : memref<10000x64xf32, #tpu.memory_space<vmem_shared>> -> memref<10000x64xf32, #tpu.memory_space<vmem_shared>>
      tpu.wait_indirect_dma semaphore(%arg18 : memref<!tpu.dma_semaphore, #tpu.memory_space<semaphore_mem>>) src(%dma_wait3A_807 : memref<10000x64xf32, #tpu.memory_space<vmem_shared>>) dst(%arg12 : memref<128x64xf32, #tpu.memory_space<vmem>>)
      %add3A_808 = arith.constant 3 : i32
      %add3A_809 = arith.addi %mul3A_707, %add3A_808 : i32
      %dma_start3A_810 = arith.constant 0 : i32
      %dma_start3A_811 = tpu.memref_slice %arg8[%add3A_809, %dma_start3A_810] : memref<40x128xi32, #tpu.memory_space<vmem>> -> memref<1x128xi32, #tpu.memory_space<vmem>>
      %dma_start3A_812 = tpu.memref_squeeze %dma_start3A_811 : memref<1x128xi32, #tpu.memory_space<vmem>> -> memref<128xi32, #tpu.memory_space<vmem>>
      %dma_start3A_813 = arith.constant 0 : i32
      %dma_start3A_814 = arith.constant 0 : i32
      %dma_start3A_815 = tpu.memref_slice %arg14[%dma_start3A_813, %dma_start3A_814] : memref<10240x64xf32, #tpu.memory_space<vmem_shared>> -> memref<10240x64xf32, #tpu.memory_space<vmem_shared>>
      tpu.enqueue_indirect_dma source(%arg12 : memref<128x64xf32, #tpu.memory_space<vmem>>) target(%dma_start3A_815 : memref<10240x64xf32, #tpu.memory_space<vmem_shared>>) offsets(%dma_start3A_812 : memref<128xi32, #tpu.memory_space<vmem>>) semaphore(%arg22 : memref<!tpu.dma_semaphore, #tpu.memory_space<semaphore_mem>>) {add = true}
      %dma_wait3A_816 = arith.constant 0 : i32
      %dma_wait3A_817 = arith.constant 0 : i32
      %dma_wait3A_818 = tpu.memref_slice %arg8[%dma_wait3A_816, %dma_wait3A_817] : memref<40x128xi32, #tpu.memory_space<vmem>> -> memref<1x128xi32, #tpu.memory_space<vmem>>
      %dma_wait3A_819 = tpu.memref_squeeze %dma_wait3A_818 : memref<1x128xi32, #tpu.memory_space<vmem>> -> memref<128xi32, #tpu.memory_space<vmem>>
      %dma_wait3A_820 = arith.constant 0 : i32
      %dma_wait3A_821 = arith.constant 0 : i32
      %dma_wait3A_822 = tpu.memref_slice %arg14[%dma_wait3A_820, %dma_wait3A_821] : memref<10240x64xf32, #tpu.memory_space<vmem_shared>> -> memref<10240x64xf32, #tpu.memory_space<vmem_shared>>
      tpu.wait_indirect_dma semaphore(%arg20 : memref<!tpu.dma_semaphore, #tpu.memory_space<semaphore_mem>>) src(%arg10 : memref<128x64xf32, #tpu.memory_space<vmem>>) dst(%dma_wait3A_822 : memref<10240x64xf32, #tpu.memory_space<vmem_shared>>)
      %add3A_823 = arith.constant 5 : i32
      %add3A_824 = arith.addi %mul3A_707, %add3A_823 : i32
      %min3A_825 = arith.constant 39 : i32
      %min3A_826 = arith.minsi %add3A_824, %min3A_825 : i32
      %dma_start3A_827 = arith.constant 0 : i32
      %dma_start3A_828 = tpu.memref_slice %arg7[%min3A_826, %dma_start3A_827] : memref<40x128xi32, #tpu.memory_space<vmem>> -> memref<1x128xi32, #tpu.memory_space<vmem>>
      %dma_start3A_829 = tpu.memref_squeeze %dma_start3A_828 : memref<1x128xi32, #tpu.memory_space<vmem>> -> memref<128xi32, #tpu.memory_space<vmem>>
      %dma_start3A_830 = arith.constant 0 : i32
      %dma_start3A_831 = arith.constant 0 : i32
      %dma_start3A_832 = tpu.memref_slice %arg13[%dma_start3A_830, %dma_start3A_831] : memref<10000x64xf32, #tpu.memory_space<vmem_shared>> -> memref<10000x64xf32, #tpu.memory_space<vmem_shared>>
      tpu.enqueue_indirect_dma source(%dma_start3A_832 : memref<10000x64xf32, #tpu.memory_space<vmem_shared>>) target(%arg10 : memref<128x64xf32, #tpu.memory_space<vmem>>) offsets(%dma_start3A_829 : memref<128xi32, #tpu.memory_space<vmem>>) semaphore(%arg16 : memref<!tpu.dma_semaphore, #tpu.memory_space<semaphore_mem>>)
    }
    %scan3A_317 = arith.constant 9 : i32
    %dma_wait3A_318 = arith.constant 0 : i32
    %dma_wait3A_319 = arith.constant 0 : i32
    %dma_wait3A_320 = tpu.memref_slice %arg7[%dma_wait3A_318, %dma_wait3A_319] : memref<40x128xi32, #tpu.memory_space<vmem>> -> memref<1x128xi32, #tpu.memory_space<vmem>>
    %dma_wait3A_321 = tpu.memref_squeeze %dma_wait3A_320 : memref<1x128xi32, #tpu.memory_space<vmem>> -> memref<128xi32, #tpu.memory_space<vmem>>
    %dma_wait3A_322 = arith.constant 0 : i32
    %dma_wait3A_323 = arith.constant 0 : i32
    %dma_wait3A_324 = tpu.memref_slice %arg13[%dma_wait3A_322, %dma_wait3A_323] : memref<10000x64xf32, #tpu.memory_space<vmem_shared>> -> memref<10000x64xf32, #tpu.memory_space<vmem_shared>>
    tpu.wait_indirect_dma semaphore(%arg15 : memref<!tpu.dma_semaphore, #tpu.memory_space<semaphore_mem>>) src(%dma_wait3A_324 : memref<10000x64xf32, #tpu.memory_space<vmem_shared>>) dst(%arg9 : memref<128x64xf32, #tpu.memory_space<vmem>>)
    %dma_wait3A_325 = arith.constant 0 : i32
    %dma_wait3A_326 = arith.constant 0 : i32
    %dma_wait3A_327 = tpu.memref_slice %arg7[%dma_wait3A_325, %dma_wait3A_326] : memref<40x128xi32, #tpu.memory_space<vmem>> -> memref<1x128xi32, #tpu.memory_space<vmem>>
    %dma_wait3A_328 = tpu.memref_squeeze %dma_wait3A_327 : memref<1x128xi32, #tpu.memory_space<vmem>> -> memref<128xi32, #tpu.memory_space<vmem>>
    %dma_wait3A_329 = arith.constant 0 : i32
    %dma_wait3A_330 = arith.constant 0 : i32
    %dma_wait3A_331 = tpu.memref_slice %arg13[%dma_wait3A_329, %dma_wait3A_330] : memref<10000x64xf32, #tpu.memory_space<vmem_shared>> -> memref<10000x64xf32, #tpu.memory_space<vmem_shared>>
    tpu.wait_indirect_dma semaphore(%arg16 : memref<!tpu.dma_semaphore, #tpu.memory_space<semaphore_mem>>) src(%dma_wait3A_331 : memref<10000x64xf32, #tpu.memory_space<vmem_shared>>) dst(%arg10 : memref<128x64xf32, #tpu.memory_space<vmem>>)
    %dma_wait3A_332 = arith.constant 0 : i32
    %dma_wait3A_333 = arith.constant 0 : i32
    %dma_wait3A_334 = tpu.memref_slice %arg8[%dma_wait3A_332, %dma_wait3A_333] : memref<40x128xi32, #tpu.memory_space<vmem>> -> memref<1x128xi32, #tpu.memory_space<vmem>>
    %dma_wait3A_335 = tpu.memref_squeeze %dma_wait3A_334 : memref<1x128xi32, #tpu.memory_space<vmem>> -> memref<128xi32, #tpu.memory_space<vmem>>
    %dma_wait3A_336 = arith.constant 0 : i32
    %dma_wait3A_337 = arith.constant 0 : i32
    %dma_wait3A_338 = tpu.memref_slice %arg14[%dma_wait3A_336, %dma_wait3A_337] : memref<10240x64xf32, #tpu.memory_space<vmem_shared>> -> memref<10240x64xf32, #tpu.memory_space<vmem_shared>>
    tpu.wait_indirect_dma semaphore(%arg21 : memref<!tpu.dma_semaphore, #tpu.memory_space<semaphore_mem>>) src(%arg11 : memref<128x64xf32, #tpu.memory_space<vmem>>) dst(%dma_wait3A_338 : memref<10240x64xf32, #tpu.memory_space<vmem_shared>>)
    %dma_wait3A_339 = arith.constant 0 : i32
    %dma_wait3A_340 = arith.constant 0 : i32
    %dma_wait3A_341 = tpu.memref_slice %arg8[%dma_wait3A_339, %dma_wait3A_340] : memref<40x128xi32, #tpu.memory_space<vmem>> -> memref<1x128xi32, #tpu.memory_space<vmem>>
    %dma_wait3A_342 = tpu.memref_squeeze %dma_wait3A_341 : memref<1x128xi32, #tpu.memory_space<vmem>> -> memref<128xi32, #tpu.memory_space<vmem>>
    %dma_wait3A_343 = arith.constant 0 : i32
    %dma_wait3A_344 = arith.constant 0 : i32
    %dma_wait3A_345 = tpu.memref_slice %arg14[%dma_wait3A_343, %dma_wait3A_344] : memref<10240x64xf32, #tpu.memory_space<vmem_shared>> -> memref<10240x64xf32, #tpu.memory_space<vmem_shared>>
    tpu.wait_indirect_dma semaphore(%arg22 : memref<!tpu.dma_semaphore, #tpu.memory_space<semaphore_mem>>) src(%arg12 : memref<128x64xf32, #tpu.memory_space<vmem>>) dst(%dma_wait3A_345 : memref<10240x64xf32, #tpu.memory_space<vmem_shared>>)
    %barrier3A_346 = arith.constant 0 : index
    tpu.barrier barrier_id(%barrier3A_346)
    %mul3A_347 = arith.constant 640 : i32
    %mul3A_348 = arith.muli %arg1, %mul3A_347 : i32
    %mul3A_349 = arith.constant 640 : i32
    %mul3A_350 = arith.muli %arg1, %mul3A_349 : i32
    "tpu.region"() ({
      %run_scoped3A = tpu.sem_alloc : memref<!tpu.dma_semaphore, #tpu.memory_space<semaphore_mem>>
      %dma_start3A_705 = arith.constant 0 : i32
      %dma_start3A_706 = tpu.memref_slice %arg6[%arg0, %mul3A_350, %dma_start3A_705] : memref<2x10240x128xf32, #tpu.memory_space<hbm>> -> memref<1x640x64xf32, #tpu.memory_space<hbm>>
      %dma_start3A_707 = tpu.memref_squeeze %dma_start3A_706 : memref<1x640x64xf32, #tpu.memory_space<hbm>> -> memref<640x64xf32, #tpu.memory_space<hbm>>
      %dma_start3A_708 = arith.constant 0 : i32
      %dma_start3A_709 = tpu.memref_slice %arg14[%mul3A_348, %dma_start3A_708] : memref<10240x64xf32, #tpu.memory_space<vmem_shared>> -> memref<640x64xf32, #tpu.memory_space<vmem_shared>>
      tpu.enqueue_dma source(%dma_start3A_709 : memref<640x64xf32, #tpu.memory_space<vmem_shared>>) target(%dma_start3A_707 : memref<640x64xf32, #tpu.memory_space<hbm>>) target_semaphore(%run_scoped3A : memref<!tpu.dma_semaphore, #tpu.memory_space<semaphore_mem>>)
      %dma_wait3A_710 = arith.constant 0 : i32
      %dma_wait3A_711 = tpu.memref_slice %arg6[%arg0, %mul3A_350, %dma_wait3A_710] : memref<2x10240x128xf32, #tpu.memory_space<hbm>> -> memref<1x640x64xf32, #tpu.memory_space<hbm>>
      %dma_wait3A_712 = tpu.memref_squeeze %dma_wait3A_711 : memref<1x640x64xf32, #tpu.memory_space<hbm>> -> memref<640x64xf32, #tpu.memory_space<hbm>>
      %dma_wait3A_713 = arith.constant 0 : i32
      %dma_wait3A_714 = tpu.memref_slice %arg14[%mul3A_348, %dma_wait3A_713] : memref<10240x64xf32, #tpu.memory_space<vmem_shared>> -> memref<640x64xf32, #tpu.memory_space<vmem_shared>>
      tpu.wait_dma2 semaphore(%run_scoped3A : memref<!tpu.dma_semaphore, #tpu.memory_space<semaphore_mem>>) src(%dma_wait3A_714 : memref<640x64xf32, #tpu.memory_space<vmem_shared>>) dst(%dma_wait3A_712 : memref<640x64xf32, #tpu.memory_space<hbm>>)
      tpu.yield
    }) : () -> ()
    %mul3A_351 = arith.constant 625 : i32
    %mul3A_352 = arith.muli %arg1, %mul3A_351 : i32
    %mul3A_353 = arith.constant 625 : i32
    %mul3A_354 = arith.muli %arg1, %mul3A_353 : i32
    %dma_start3A_355 = arith.constant 0 : i32
    %dma_start3A_356 = tpu.memref_slice %arg13[%mul3A_354, %dma_start3A_355] : memref<10000x64xf32, #tpu.memory_space<vmem_shared>> -> memref<625x64xf32, #tpu.memory_space<vmem_shared>>
    %dma_start3A_357 = arith.constant 64 : i32
    %dma_start3A_358 = tpu.memref_slice %arg2[%mul3A_352, %dma_start3A_357] : memref<10000x128xf32, #tpu.memory_space<hbm>> -> memref<625x64xf32, #tpu.memory_space<hbm>>
    tpu.enqueue_dma source(%dma_start3A_358 : memref<625x64xf32, #tpu.memory_space<hbm>>) target(%dma_start3A_356 : memref<625x64xf32, #tpu.memory_space<vmem_shared>>) target_semaphore(%arg15 : memref<!tpu.dma_semaphore, #tpu.memory_space<semaphore_mem>>)
    %mul3A_359 = arith.constant 640 : i32
    %mul3A_360 = arith.muli %arg1, %mul3A_359 : i32
    %dma_start3A_361 = arith.constant 0 : i32
    %dma_start3A_362 = tpu.memref_slice %arg14[%mul3A_360, %dma_start3A_361] : memref<10240x64xf32, #tpu.memory_space<vmem_shared>> -> memref<640x64xf32, #tpu.memory_space<vmem_shared>>
    tpu.enqueue_dma source(%arg5 : memref<640x64xf32, #tpu.memory_space<hbm>>) target(%dma_start3A_362 : memref<640x64xf32, #tpu.memory_space<vmem_shared>>) target_semaphore(%arg16 : memref<!tpu.dma_semaphore, #tpu.memory_space<semaphore_mem>>)
    %dma_start3A_363 = arith.constant 0 : i32
    %dma_start3A_364 = arith.constant 0 : i32
    %dma_start3A_365 = tpu.memref_slice %arg3[%add3A, %dma_start3A_363, %dma_start3A_364] : memref<32x80x128xi32, #tpu.memory_space<hbm>> -> memref<1x40x128xi32, #tpu.memory_space<hbm>>
    %dma_start3A_366 = tpu.memref_squeeze %dma_start3A_365 : memref<1x40x128xi32, #tpu.memory_space<hbm>> -> memref<40x128xi32, #tpu.memory_space<hbm>>
    %dma_start3A_367 = arith.constant 0 : i32
    %dma_start3A_368 = arith.constant 0 : i32
    %dma_start3A_369 = tpu.memref_slice %arg3[%add3A, %dma_start3A_367, %dma_start3A_368] : memref<32x80x128xi32, #tpu.memory_space<hbm>> -> memref<1x40x128xi32, #tpu.memory_space<hbm>>
    %dma_start3A_370 = tpu.memref_squeeze %dma_start3A_369 : memref<1x40x128xi32, #tpu.memory_space<hbm>> -> memref<40x128xi32, #tpu.memory_space<hbm>>
    tpu.enqueue_dma source(%dma_start3A_370 : memref<40x128xi32, #tpu.memory_space<hbm>>) target(%arg7 : memref<40x128xi32, #tpu.memory_space<vmem>>) target_semaphore(%arg17 : memref<!tpu.dma_semaphore, #tpu.memory_space<semaphore_mem>>)
    %dma_start3A_371 = arith.constant 0 : i32
    %dma_start3A_372 = arith.constant 0 : i32
    %dma_start3A_373 = tpu.memref_slice %arg4[%add3A, %dma_start3A_371, %dma_start3A_372] : memref<32x80x128xi32, #tpu.memory_space<hbm>> -> memref<1x40x128xi32, #tpu.memory_space<hbm>>
    %dma_start3A_374 = tpu.memref_squeeze %dma_start3A_373 : memref<1x40x128xi32, #tpu.memory_space<hbm>> -> memref<40x128xi32, #tpu.memory_space<hbm>>
    %dma_start3A_375 = arith.constant 0 : i32
    %dma_start3A_376 = arith.constant 0 : i32
    %dma_start3A_377 = tpu.memref_slice %arg4[%add3A, %dma_start3A_375, %dma_start3A_376] : memref<32x80x128xi32, #tpu.memory_space<hbm>> -> memref<1x40x128xi32, #tpu.memory_space<hbm>>
    %dma_start3A_378 = tpu.memref_squeeze %dma_start3A_377 : memref<1x40x128xi32, #tpu.memory_space<hbm>> -> memref<40x128xi32, #tpu.memory_space<hbm>>
    tpu.enqueue_dma source(%dma_start3A_378 : memref<40x128xi32, #tpu.memory_space<hbm>>) target(%arg8 : memref<40x128xi32, #tpu.memory_space<vmem>>) target_semaphore(%arg18 : memref<!tpu.dma_semaphore, #tpu.memory_space<semaphore_mem>>)
    %mul3A_379 = arith.constant 625 : i32
    %mul3A_380 = arith.muli %arg1, %mul3A_379 : i32
    %mul3A_381 = arith.constant 625 : i32
    %mul3A_382 = arith.muli %arg1, %mul3A_381 : i32
    %dma_wait3A_383 = arith.constant 0 : i32
    %dma_wait3A_384 = tpu.memref_slice %arg13[%mul3A_382, %dma_wait3A_383] : memref<10000x64xf32, #tpu.memory_space<vmem_shared>> -> memref<625x64xf32, #tpu.memory_space<vmem_shared>>
    %dma_wait3A_385 = arith.constant 64 : i32
    %dma_wait3A_386 = tpu.memref_slice %arg2[%mul3A_380, %dma_wait3A_385] : memref<10000x128xf32, #tpu.memory_space<hbm>> -> memref<625x64xf32, #tpu.memory_space<hbm>>
    tpu.wait_dma2 semaphore(%arg15 : memref<!tpu.dma_semaphore, #tpu.memory_space<semaphore_mem>>) src(%dma_wait3A_386 : memref<625x64xf32, #tpu.memory_space<hbm>>) dst(%dma_wait3A_384 : memref<625x64xf32, #tpu.memory_space<vmem_shared>>)
    %mul3A_387 = arith.constant 640 : i32
    %mul3A_388 = arith.muli %arg1, %mul3A_387 : i32
    %dma_wait3A_389 = arith.constant 0 : i32
    %dma_wait3A_390 = tpu.memref_slice %arg14[%mul3A_388, %dma_wait3A_389] : memref<10240x64xf32, #tpu.memory_space<vmem_shared>> -> memref<640x64xf32, #tpu.memory_space<vmem_shared>>
    tpu.wait_dma2 semaphore(%arg16 : memref<!tpu.dma_semaphore, #tpu.memory_space<semaphore_mem>>) src(%arg5 : memref<640x64xf32, #tpu.memory_space<hbm>>) dst(%dma_wait3A_390 : memref<640x64xf32, #tpu.memory_space<vmem_shared>>)
    %dma_wait3A_391 = arith.constant 0 : i32
    %dma_wait3A_392 = arith.constant 0 : i32
    %dma_wait3A_393 = tpu.memref_slice %arg3[%add3A, %dma_wait3A_391, %dma_wait3A_392] : memref<32x80x128xi32, #tpu.memory_space<hbm>> -> memref<1x40x128xi32, #tpu.memory_space<hbm>>
    %dma_wait3A_394 = tpu.memref_squeeze %dma_wait3A_393 : memref<1x40x128xi32, #tpu.memory_space<hbm>> -> memref<40x128xi32, #tpu.memory_space<hbm>>
    %dma_wait3A_395 = arith.constant 0 : i32
    %dma_wait3A_396 = arith.constant 0 : i32
    %dma_wait3A_397 = tpu.memref_slice %arg3[%add3A, %dma_wait3A_395, %dma_wait3A_396] : memref<32x80x128xi32, #tpu.memory_space<hbm>> -> memref<1x40x128xi32, #tpu.memory_space<hbm>>
    %dma_wait3A_398 = tpu.memref_squeeze %dma_wait3A_397 : memref<1x40x128xi32, #tpu.memory_space<hbm>> -> memref<40x128xi32, #tpu.memory_space<hbm>>
    tpu.wait_dma2 semaphore(%arg17 : memref<!tpu.dma_semaphore, #tpu.memory_space<semaphore_mem>>) src(%dma_wait3A_398 : memref<40x128xi32, #tpu.memory_space<hbm>>) dst(%arg7 : memref<40x128xi32, #tpu.memory_space<vmem>>)
    %dma_wait3A_399 = arith.constant 0 : i32
    %dma_wait3A_400 = arith.constant 0 : i32
    %dma_wait3A_401 = tpu.memref_slice %arg4[%add3A, %dma_wait3A_399, %dma_wait3A_400] : memref<32x80x128xi32, #tpu.memory_space<hbm>> -> memref<1x40x128xi32, #tpu.memory_space<hbm>>
    %dma_wait3A_402 = tpu.memref_squeeze %dma_wait3A_401 : memref<1x40x128xi32, #tpu.memory_space<hbm>> -> memref<40x128xi32, #tpu.memory_space<hbm>>
    %dma_wait3A_403 = arith.constant 0 : i32
    %dma_wait3A_404 = arith.constant 0 : i32
    %dma_wait3A_405 = tpu.memref_slice %arg4[%add3A, %dma_wait3A_403, %dma_wait3A_404] : memref<32x80x128xi32, #tpu.memory_space<hbm>> -> memref<1x40x128xi32, #tpu.memory_space<hbm>>
    %dma_wait3A_406 = tpu.memref_squeeze %dma_wait3A_405 : memref<1x40x128xi32, #tpu.memory_space<hbm>> -> memref<40x128xi32, #tpu.memory_space<hbm>>
    tpu.wait_dma2 semaphore(%arg18 : memref<!tpu.dma_semaphore, #tpu.memory_space<semaphore_mem>>) src(%dma_wait3A_406 : memref<40x128xi32, #tpu.memory_space<hbm>>) dst(%arg8 : memref<40x128xi32, #tpu.memory_space<vmem>>)
    %barrier3A_407 = arith.constant 0 : index
    tpu.barrier barrier_id(%barrier3A_407)
    %dma_start3A_408 = arith.constant 0 : i32
    %dma_start3A_409 = arith.constant 0 : i32
    %dma_start3A_410 = tpu.memref_slice %arg7[%dma_start3A_408, %dma_start3A_409] : memref<40x128xi32, #tpu.memory_space<vmem>> -> memref<1x128xi32, #tpu.memory_space<vmem>>
    %dma_start3A_411 = tpu.memref_squeeze %dma_start3A_410 : memref<1x128xi32, #tpu.memory_space<vmem>> -> memref<128xi32, #tpu.memory_space<vmem>>
    %dma_start3A_412 = arith.constant 0 : i32
    %dma_start3A_413 = arith.constant 0 : i32
    %dma_start3A_414 = tpu.memref_slice %arg13[%dma_start3A_412, %dma_start3A_413] : memref<10000x64xf32, #tpu.memory_space<vmem_shared>> -> memref<10000x64xf32, #tpu.memory_space<vmem_shared>>
    tpu.enqueue_indirect_dma source(%dma_start3A_414 : memref<10000x64xf32, #tpu.memory_space<vmem_shared>>) target(%arg9 : memref<128x64xf32, #tpu.memory_space<vmem>>) offsets(%dma_start3A_411 : memref<128xi32, #tpu.memory_space<vmem>>) semaphore(%arg15 : memref<!tpu.dma_semaphore, #tpu.memory_space<semaphore_mem>>)
    %dma_start3A_415 = arith.constant 1 : i32
    %dma_start3A_416 = arith.constant 0 : i32
    %dma_start3A_417 = tpu.memref_slice %arg7[%dma_start3A_415, %dma_start3A_416] : memref<40x128xi32, #tpu.memory_space<vmem>> -> memref<1x128xi32, #tpu.memory_space<vmem>>
    %dma_start3A_418 = tpu.memref_squeeze %dma_start3A_417 : memref<1x128xi32, #tpu.memory_space<vmem>> -> memref<128xi32, #tpu.memory_space<vmem>>
    %dma_start3A_419 = arith.constant 0 : i32
    %dma_start3A_420 = arith.constant 0 : i32
    %dma_start3A_421 = tpu.memref_slice %arg13[%dma_start3A_419, %dma_start3A_420] : memref<10000x64xf32, #tpu.memory_space<vmem_shared>> -> memref<10000x64xf32, #tpu.memory_space<vmem_shared>>
    tpu.enqueue_indirect_dma source(%dma_start3A_421 : memref<10000x64xf32, #tpu.memory_space<vmem_shared>>) target(%arg10 : memref<128x64xf32, #tpu.memory_space<vmem>>) offsets(%dma_start3A_418 : memref<128xi32, #tpu.memory_space<vmem>>) semaphore(%arg16 : memref<!tpu.dma_semaphore, #tpu.memory_space<semaphore_mem>>)
    %dma_wait3A_422 = arith.constant 0 : i32
    %dma_wait3A_423 = arith.constant 0 : i32
    %dma_wait3A_424 = tpu.memref_slice %arg7[%dma_wait3A_422, %dma_wait3A_423] : memref<40x128xi32, #tpu.memory_space<vmem>> -> memref<1x128xi32, #tpu.memory_space<vmem>>
    %dma_wait3A_425 = tpu.memref_squeeze %dma_wait3A_424 : memref<1x128xi32, #tpu.memory_space<vmem>> -> memref<128xi32, #tpu.memory_space<vmem>>
    %dma_wait3A_426 = arith.constant 0 : i32
    %dma_wait3A_427 = arith.constant 0 : i32
    %dma_wait3A_428 = tpu.memref_slice %arg13[%dma_wait3A_426, %dma_wait3A_427] : memref<10000x64xf32, #tpu.memory_space<vmem_shared>> -> memref<10000x64xf32, #tpu.memory_space<vmem_shared>>
    tpu.wait_indirect_dma semaphore(%arg15 : memref<!tpu.dma_semaphore, #tpu.memory_space<semaphore_mem>>) src(%dma_wait3A_428 : memref<10000x64xf32, #tpu.memory_space<vmem_shared>>) dst(%arg9 : memref<128x64xf32, #tpu.memory_space<vmem>>)
    %dma_start3A_429 = arith.constant 0 : i32
    %dma_start3A_430 = arith.constant 0 : i32
    %dma_start3A_431 = tpu.memref_slice %arg8[%dma_start3A_429, %dma_start3A_430] : memref<40x128xi32, #tpu.memory_space<vmem>> -> memref<1x128xi32, #tpu.memory_space<vmem>>
    %dma_start3A_432 = tpu.memref_squeeze %dma_start3A_431 : memref<1x128xi32, #tpu.memory_space<vmem>> -> memref<128xi32, #tpu.memory_space<vmem>>
    %dma_start3A_433 = arith.constant 0 : i32
    %dma_start3A_434 = arith.constant 0 : i32
    %dma_start3A_435 = tpu.memref_slice %arg14[%dma_start3A_433, %dma_start3A_434] : memref<10240x64xf32, #tpu.memory_space<vmem_shared>> -> memref<10240x64xf32, #tpu.memory_space<vmem_shared>>
    tpu.enqueue_indirect_dma source(%arg9 : memref<128x64xf32, #tpu.memory_space<vmem>>) target(%dma_start3A_435 : memref<10240x64xf32, #tpu.memory_space<vmem_shared>>) offsets(%dma_start3A_432 : memref<128xi32, #tpu.memory_space<vmem>>) semaphore(%arg19 : memref<!tpu.dma_semaphore, #tpu.memory_space<semaphore_mem>>) {add = true}
    %dma_start3A_436 = arith.constant 2 : i32
    %dma_start3A_437 = arith.constant 0 : i32
    %dma_start3A_438 = tpu.memref_slice %arg7[%dma_start3A_436, %dma_start3A_437] : memref<40x128xi32, #tpu.memory_space<vmem>> -> memref<1x128xi32, #tpu.memory_space<vmem>>
    %dma_start3A_439 = tpu.memref_squeeze %dma_start3A_438 : memref<1x128xi32, #tpu.memory_space<vmem>> -> memref<128xi32, #tpu.memory_space<vmem>>
    %dma_start3A_440 = arith.constant 0 : i32
    %dma_start3A_441 = arith.constant 0 : i32
    %dma_start3A_442 = tpu.memref_slice %arg13[%dma_start3A_440, %dma_start3A_441] : memref<10000x64xf32, #tpu.memory_space<vmem_shared>> -> memref<10000x64xf32, #tpu.memory_space<vmem_shared>>
    tpu.enqueue_indirect_dma source(%dma_start3A_442 : memref<10000x64xf32, #tpu.memory_space<vmem_shared>>) target(%arg11 : memref<128x64xf32, #tpu.memory_space<vmem>>) offsets(%dma_start3A_439 : memref<128xi32, #tpu.memory_space<vmem>>) semaphore(%arg17 : memref<!tpu.dma_semaphore, #tpu.memory_space<semaphore_mem>>)
    %dma_wait3A_443 = arith.constant 0 : i32
    %dma_wait3A_444 = arith.constant 0 : i32
    %dma_wait3A_445 = tpu.memref_slice %arg7[%dma_wait3A_443, %dma_wait3A_444] : memref<40x128xi32, #tpu.memory_space<vmem>> -> memref<1x128xi32, #tpu.memory_space<vmem>>
    %dma_wait3A_446 = tpu.memref_squeeze %dma_wait3A_445 : memref<1x128xi32, #tpu.memory_space<vmem>> -> memref<128xi32, #tpu.memory_space<vmem>>
    %dma_wait3A_447 = arith.constant 0 : i32
    %dma_wait3A_448 = arith.constant 0 : i32
    %dma_wait3A_449 = tpu.memref_slice %arg13[%dma_wait3A_447, %dma_wait3A_448] : memref<10000x64xf32, #tpu.memory_space<vmem_shared>> -> memref<10000x64xf32, #tpu.memory_space<vmem_shared>>
    tpu.wait_indirect_dma semaphore(%arg16 : memref<!tpu.dma_semaphore, #tpu.memory_space<semaphore_mem>>) src(%dma_wait3A_449 : memref<10000x64xf32, #tpu.memory_space<vmem_shared>>) dst(%arg10 : memref<128x64xf32, #tpu.memory_space<vmem>>)
    %dma_start3A_450 = arith.constant 1 : i32
    %dma_start3A_451 = arith.constant 0 : i32
    %dma_start3A_452 = tpu.memref_slice %arg8[%dma_start3A_450, %dma_start3A_451] : memref<40x128xi32, #tpu.memory_space<vmem>> -> memref<1x128xi32, #tpu.memory_space<vmem>>
    %dma_start3A_453 = tpu.memref_squeeze %dma_start3A_452 : memref<1x128xi32, #tpu.memory_space<vmem>> -> memref<128xi32, #tpu.memory_space<vmem>>
    %dma_start3A_454 = arith.constant 0 : i32
    %dma_start3A_455 = arith.constant 0 : i32
    %dma_start3A_456 = tpu.memref_slice %arg14[%dma_start3A_454, %dma_start3A_455] : memref<10240x64xf32, #tpu.memory_space<vmem_shared>> -> memref<10240x64xf32, #tpu.memory_space<vmem_shared>>
    tpu.enqueue_indirect_dma source(%arg10 : memref<128x64xf32, #tpu.memory_space<vmem>>) target(%dma_start3A_456 : memref<10240x64xf32, #tpu.memory_space<vmem_shared>>) offsets(%dma_start3A_453 : memref<128xi32, #tpu.memory_space<vmem>>) semaphore(%arg20 : memref<!tpu.dma_semaphore, #tpu.memory_space<semaphore_mem>>) {add = true}
    %dma_start3A_457 = arith.constant 3 : i32
    %dma_start3A_458 = arith.constant 0 : i32
    %dma_start3A_459 = tpu.memref_slice %arg7[%dma_start3A_457, %dma_start3A_458] : memref<40x128xi32, #tpu.memory_space<vmem>> -> memref<1x128xi32, #tpu.memory_space<vmem>>
    %dma_start3A_460 = tpu.memref_squeeze %dma_start3A_459 : memref<1x128xi32, #tpu.memory_space<vmem>> -> memref<128xi32, #tpu.memory_space<vmem>>
    %dma_start3A_461 = arith.constant 0 : i32
    %dma_start3A_462 = arith.constant 0 : i32
    %dma_start3A_463 = tpu.memref_slice %arg13[%dma_start3A_461, %dma_start3A_462] : memref<10000x64xf32, #tpu.memory_space<vmem_shared>> -> memref<10000x64xf32, #tpu.memory_space<vmem_shared>>
    tpu.enqueue_indirect_dma source(%dma_start3A_463 : memref<10000x64xf32, #tpu.memory_space<vmem_shared>>) target(%arg12 : memref<128x64xf32, #tpu.memory_space<vmem>>) offsets(%dma_start3A_460 : memref<128xi32, #tpu.memory_space<vmem>>) semaphore(%arg18 : memref<!tpu.dma_semaphore, #tpu.memory_space<semaphore_mem>>)
    %dma_wait3A_464 = arith.constant 0 : i32
    %dma_wait3A_465 = arith.constant 0 : i32
    %dma_wait3A_466 = tpu.memref_slice %arg7[%dma_wait3A_464, %dma_wait3A_465] : memref<40x128xi32, #tpu.memory_space<vmem>> -> memref<1x128xi32, #tpu.memory_space<vmem>>
    %dma_wait3A_467 = tpu.memref_squeeze %dma_wait3A_466 : memref<1x128xi32, #tpu.memory_space<vmem>> -> memref<128xi32, #tpu.memory_space<vmem>>
    %dma_wait3A_468 = arith.constant 0 : i32
    %dma_wait3A_469 = arith.constant 0 : i32
    %dma_wait3A_470 = tpu.memref_slice %arg13[%dma_wait3A_468, %dma_wait3A_469] : memref<10000x64xf32, #tpu.memory_space<vmem_shared>> -> memref<10000x64xf32, #tpu.memory_space<vmem_shared>>
    tpu.wait_indirect_dma semaphore(%arg17 : memref<!tpu.dma_semaphore, #tpu.memory_space<semaphore_mem>>) src(%dma_wait3A_470 : memref<10000x64xf32, #tpu.memory_space<vmem_shared>>) dst(%arg11 : memref<128x64xf32, #tpu.memory_space<vmem>>)
    %dma_start3A_471 = arith.constant 2 : i32
    %dma_start3A_472 = arith.constant 0 : i32
    %dma_start3A_473 = tpu.memref_slice %arg8[%dma_start3A_471, %dma_start3A_472] : memref<40x128xi32, #tpu.memory_space<vmem>> -> memref<1x128xi32, #tpu.memory_space<vmem>>
    %dma_start3A_474 = tpu.memref_squeeze %dma_start3A_473 : memref<1x128xi32, #tpu.memory_space<vmem>> -> memref<128xi32, #tpu.memory_space<vmem>>
    %dma_start3A_475 = arith.constant 0 : i32
    %dma_start3A_476 = arith.constant 0 : i32
    %dma_start3A_477 = tpu.memref_slice %arg14[%dma_start3A_475, %dma_start3A_476] : memref<10240x64xf32, #tpu.memory_space<vmem_shared>> -> memref<10240x64xf32, #tpu.memory_space<vmem_shared>>
    tpu.enqueue_indirect_dma source(%arg11 : memref<128x64xf32, #tpu.memory_space<vmem>>) target(%dma_start3A_477 : memref<10240x64xf32, #tpu.memory_space<vmem_shared>>) offsets(%dma_start3A_474 : memref<128xi32, #tpu.memory_space<vmem>>) semaphore(%arg21 : memref<!tpu.dma_semaphore, #tpu.memory_space<semaphore_mem>>) {add = true}
    %dma_wait3A_478 = arith.constant 0 : i32
    %dma_wait3A_479 = arith.constant 0 : i32
    %dma_wait3A_480 = tpu.memref_slice %arg8[%dma_wait3A_478, %dma_wait3A_479] : memref<40x128xi32, #tpu.memory_space<vmem>> -> memref<1x128xi32, #tpu.memory_space<vmem>>
    %dma_wait3A_481 = tpu.memref_squeeze %dma_wait3A_480 : memref<1x128xi32, #tpu.memory_space<vmem>> -> memref<128xi32, #tpu.memory_space<vmem>>
    %dma_wait3A_482 = arith.constant 0 : i32
    %dma_wait3A_483 = arith.constant 0 : i32
    %dma_wait3A_484 = tpu.memref_slice %arg14[%dma_wait3A_482, %dma_wait3A_483] : memref<10240x64xf32, #tpu.memory_space<vmem_shared>> -> memref<10240x64xf32, #tpu.memory_space<vmem_shared>>
    tpu.wait_indirect_dma semaphore(%arg19 : memref<!tpu.dma_semaphore, #tpu.memory_space<semaphore_mem>>) src(%arg9 : memref<128x64xf32, #tpu.memory_space<vmem>>) dst(%dma_wait3A_484 : memref<10240x64xf32, #tpu.memory_space<vmem_shared>>)
    %dma_start3A_485 = arith.constant 4 : i32
    %dma_start3A_486 = arith.constant 0 : i32
    %dma_start3A_487 = tpu.memref_slice %arg7[%dma_start3A_485, %dma_start3A_486] : memref<40x128xi32, #tpu.memory_space<vmem>> -> memref<1x128xi32, #tpu.memory_space<vmem>>
    %dma_start3A_488 = tpu.memref_squeeze %dma_start3A_487 : memref<1x128xi32, #tpu.memory_space<vmem>> -> memref<128xi32, #tpu.memory_space<vmem>>
    %dma_start3A_489 = arith.constant 0 : i32
    %dma_start3A_490 = arith.constant 0 : i32
    %dma_start3A_491 = tpu.memref_slice %arg13[%dma_start3A_489, %dma_start3A_490] : memref<10000x64xf32, #tpu.memory_space<vmem_shared>> -> memref<10000x64xf32, #tpu.memory_space<vmem_shared>>
    tpu.enqueue_indirect_dma source(%dma_start3A_491 : memref<10000x64xf32, #tpu.memory_space<vmem_shared>>) target(%arg9 : memref<128x64xf32, #tpu.memory_space<vmem>>) offsets(%dma_start3A_488 : memref<128xi32, #tpu.memory_space<vmem>>) semaphore(%arg15 : memref<!tpu.dma_semaphore, #tpu.memory_space<semaphore_mem>>)
    %dma_wait3A_492 = arith.constant 0 : i32
    %dma_wait3A_493 = arith.constant 0 : i32
    %dma_wait3A_494 = tpu.memref_slice %arg7[%dma_wait3A_492, %dma_wait3A_493] : memref<40x128xi32, #tpu.memory_space<vmem>> -> memref<1x128xi32, #tpu.memory_space<vmem>>
    %dma_wait3A_495 = tpu.memref_squeeze %dma_wait3A_494 : memref<1x128xi32, #tpu.memory_space<vmem>> -> memref<128xi32, #tpu.memory_space<vmem>>
    %dma_wait3A_496 = arith.constant 0 : i32
    %dma_wait3A_497 = arith.constant 0 : i32
    %dma_wait3A_498 = tpu.memref_slice %arg13[%dma_wait3A_496, %dma_wait3A_497] : memref<10000x64xf32, #tpu.memory_space<vmem_shared>> -> memref<10000x64xf32, #tpu.memory_space<vmem_shared>>
    tpu.wait_indirect_dma semaphore(%arg18 : memref<!tpu.dma_semaphore, #tpu.memory_space<semaphore_mem>>) src(%dma_wait3A_498 : memref<10000x64xf32, #tpu.memory_space<vmem_shared>>) dst(%arg12 : memref<128x64xf32, #tpu.memory_space<vmem>>)
    %dma_start3A_499 = arith.constant 3 : i32
    %dma_start3A_500 = arith.constant 0 : i32
    %dma_start3A_501 = tpu.memref_slice %arg8[%dma_start3A_499, %dma_start3A_500] : memref<40x128xi32, #tpu.memory_space<vmem>> -> memref<1x128xi32, #tpu.memory_space<vmem>>
    %dma_start3A_502 = tpu.memref_squeeze %dma_start3A_501 : memref<1x128xi32, #tpu.memory_space<vmem>> -> memref<128xi32, #tpu.memory_space<vmem>>
    %dma_start3A_503 = arith.constant 0 : i32
    %dma_start3A_504 = arith.constant 0 : i32
    %dma_start3A_505 = tpu.memref_slice %arg14[%dma_start3A_503, %dma_start3A_504] : memref<10240x64xf32, #tpu.memory_space<vmem_shared>> -> memref<10240x64xf32, #tpu.memory_space<vmem_shared>>
    tpu.enqueue_indirect_dma source(%arg12 : memref<128x64xf32, #tpu.memory_space<vmem>>) target(%dma_start3A_505 : memref<10240x64xf32, #tpu.memory_space<vmem_shared>>) offsets(%dma_start3A_502 : memref<128xi32, #tpu.memory_space<vmem>>) semaphore(%arg22 : memref<!tpu.dma_semaphore, #tpu.memory_space<semaphore_mem>>) {add = true}
    %dma_wait3A_506 = arith.constant 0 : i32
    %dma_wait3A_507 = arith.constant 0 : i32
    %dma_wait3A_508 = tpu.memref_slice %arg8[%dma_wait3A_506, %dma_wait3A_507] : memref<40x128xi32, #tpu.memory_space<vmem>> -> memref<1x128xi32, #tpu.memory_space<vmem>>
    %dma_wait3A_509 = tpu.memref_squeeze %dma_wait3A_508 : memref<1x128xi32, #tpu.memory_space<vmem>> -> memref<128xi32, #tpu.memory_space<vmem>>
    %dma_wait3A_510 = arith.constant 0 : i32
    %dma_wait3A_511 = arith.constant 0 : i32
    %dma_wait3A_512 = tpu.memref_slice %arg14[%dma_wait3A_510, %dma_wait3A_511] : memref<10240x64xf32, #tpu.memory_space<vmem_shared>> -> memref<10240x64xf32, #tpu.memory_space<vmem_shared>>
    tpu.wait_indirect_dma semaphore(%arg20 : memref<!tpu.dma_semaphore, #tpu.memory_space<semaphore_mem>>) src(%arg10 : memref<128x64xf32, #tpu.memory_space<vmem>>) dst(%dma_wait3A_512 : memref<10240x64xf32, #tpu.memory_space<vmem_shared>>)
    %dma_start3A_513 = arith.constant 5 : i32
    %dma_start3A_514 = arith.constant 0 : i32
    %dma_start3A_515 = tpu.memref_slice %arg7[%dma_start3A_513, %dma_start3A_514] : memref<40x128xi32, #tpu.memory_space<vmem>> -> memref<1x128xi32, #tpu.memory_space<vmem>>
    %dma_start3A_516 = tpu.memref_squeeze %dma_start3A_515 : memref<1x128xi32, #tpu.memory_space<vmem>> -> memref<128xi32, #tpu.memory_space<vmem>>
    %dma_start3A_517 = arith.constant 0 : i32
    %dma_start3A_518 = arith.constant 0 : i32
    %dma_start3A_519 = tpu.memref_slice %arg13[%dma_start3A_517, %dma_start3A_518] : memref<10000x64xf32, #tpu.memory_space<vmem_shared>> -> memref<10000x64xf32, #tpu.memory_space<vmem_shared>>
    tpu.enqueue_indirect_dma source(%dma_start3A_519 : memref<10000x64xf32, #tpu.memory_space<vmem_shared>>) target(%arg10 : memref<128x64xf32, #tpu.memory_space<vmem>>) offsets(%dma_start3A_516 : memref<128xi32, #tpu.memory_space<vmem>>) semaphore(%arg16 : memref<!tpu.dma_semaphore, #tpu.memory_space<semaphore_mem>>)
    %scan3A_520 = arith.constant 0 : i32
    %scan3A_521 = arith.constant 1 : i32
    %scan3A_522 = arith.constant 9 : i32
    %scan3A_523 = arith.addi %scan3A_521, %scan3A_522 : i32
    %scan3A_524 = arith.constant 1 : i32
    scf.for %scan3A_705 = %scan3A_521 to %scan3A_523 step %scan3A_524  : i32 {
      %mul3A_706 = arith.constant 4 : i32
      %mul3A_707 = arith.muli %mul3A_706, %scan3A_705 : i32
      %dma_wait3A_708 = arith.constant 0 : i32
      %dma_wait3A_709 = arith.constant 0 : i32
      %dma_wait3A_710 = tpu.memref_slice %arg7[%dma_wait3A_708, %dma_wait3A_709] : memref<40x128xi32, #tpu.memory_space<vmem>> -> memref<1x128xi32, #tpu.memory_space<vmem>>
      %dma_wait3A_711 = tpu.memref_squeeze %dma_wait3A_710 : memref<1x128xi32, #tpu.memory_space<vmem>> -> memref<128xi32, #tpu.memory_space<vmem>>
      %dma_wait3A_712 = arith.constant 0 : i32
      %dma_wait3A_713 = arith.constant 0 : i32
      %dma_wait3A_714 = tpu.memref_slice %arg13[%dma_wait3A_712, %dma_wait3A_713] : memref<10000x64xf32, #tpu.memory_space<vmem_shared>> -> memref<10000x64xf32, #tpu.memory_space<vmem_shared>>
      tpu.wait_indirect_dma semaphore(%arg15 : memref<!tpu.dma_semaphore, #tpu.memory_space<semaphore_mem>>) src(%dma_wait3A_714 : memref<10000x64xf32, #tpu.memory_space<vmem_shared>>) dst(%arg9 : memref<128x64xf32, #tpu.memory_space<vmem>>)
      %dma_start3A_715 = arith.constant 0 : i32
      %dma_start3A_716 = tpu.memref_slice %arg8[%mul3A_707, %dma_start3A_715] : memref<40x128xi32, #tpu.memory_space<vmem>> -> memref<1x128xi32, #tpu.memory_space<vmem>>
      %dma_start3A_717 = tpu.memref_squeeze %dma_start3A_716 : memref<1x128xi32, #tpu.memory_space<vmem>> -> memref<128xi32, #tpu.memory_space<vmem>>
      %dma_start3A_718 = arith.constant 0 : i32
      %dma_start3A_719 = arith.constant 0 : i32
      %dma_start3A_720 = tpu.memref_slice %arg14[%dma_start3A_718, %dma_start3A_719] : memref<10240x64xf32, #tpu.memory_space<vmem_shared>> -> memref<10240x64xf32, #tpu.memory_space<vmem_shared>>
      tpu.enqueue_indirect_dma source(%arg9 : memref<128x64xf32, #tpu.memory_space<vmem>>) target(%dma_start3A_720 : memref<10240x64xf32, #tpu.memory_space<vmem_shared>>) offsets(%dma_start3A_717 : memref<128xi32, #tpu.memory_space<vmem>>) semaphore(%arg19 : memref<!tpu.dma_semaphore, #tpu.memory_space<semaphore_mem>>) {add = true}
      %dma_wait3A_721 = arith.constant 0 : i32
      %dma_wait3A_722 = arith.constant 0 : i32
      %dma_wait3A_723 = tpu.memref_slice %arg8[%dma_wait3A_721, %dma_wait3A_722] : memref<40x128xi32, #tpu.memory_space<vmem>> -> memref<1x128xi32, #tpu.memory_space<vmem>>
      %dma_wait3A_724 = tpu.memref_squeeze %dma_wait3A_723 : memref<1x128xi32, #tpu.memory_space<vmem>> -> memref<128xi32, #tpu.memory_space<vmem>>
      %dma_wait3A_725 = arith.constant 0 : i32
      %dma_wait3A_726 = arith.constant 0 : i32
      %dma_wait3A_727 = tpu.memref_slice %arg14[%dma_wait3A_725, %dma_wait3A_726] : memref<10240x64xf32, #tpu.memory_space<vmem_shared>> -> memref<10240x64xf32, #tpu.memory_space<vmem_shared>>
      tpu.wait_indirect_dma semaphore(%arg21 : memref<!tpu.dma_semaphore, #tpu.memory_space<semaphore_mem>>) src(%arg11 : memref<128x64xf32, #tpu.memory_space<vmem>>) dst(%dma_wait3A_727 : memref<10240x64xf32, #tpu.memory_space<vmem_shared>>)
      %add3A_728 = arith.constant 2 : i32
      %add3A_729 = arith.addi %mul3A_707, %add3A_728 : i32
      %min3A = arith.constant 39 : i32
      %min3A_730 = arith.minsi %add3A_729, %min3A : i32
      %dma_start3A_731 = arith.constant 0 : i32
      %dma_start3A_732 = tpu.memref_slice %arg7[%min3A_730, %dma_start3A_731] : memref<40x128xi32, #tpu.memory_space<vmem>> -> memref<1x128xi32, #tpu.memory_space<vmem>>
      %dma_start3A_733 = tpu.memref_squeeze %dma_start3A_732 : memref<1x128xi32, #tpu.memory_space<vmem>> -> memref<128xi32, #tpu.memory_space<vmem>>
      %dma_start3A_734 = arith.constant 0 : i32
      %dma_start3A_735 = arith.constant 0 : i32
      %dma_start3A_736 = tpu.memref_slice %arg13[%dma_start3A_734, %dma_start3A_735] : memref<10000x64xf32, #tpu.memory_space<vmem_shared>> -> memref<10000x64xf32, #tpu.memory_space<vmem_shared>>
      tpu.enqueue_indirect_dma source(%dma_start3A_736 : memref<10000x64xf32, #tpu.memory_space<vmem_shared>>) target(%arg11 : memref<128x64xf32, #tpu.memory_space<vmem>>) offsets(%dma_start3A_733 : memref<128xi32, #tpu.memory_space<vmem>>) semaphore(%arg17 : memref<!tpu.dma_semaphore, #tpu.memory_space<semaphore_mem>>)
      %dma_wait3A_737 = arith.constant 0 : i32
      %dma_wait3A_738 = arith.constant 0 : i32
      %dma_wait3A_739 = tpu.memref_slice %arg7[%dma_wait3A_737, %dma_wait3A_738] : memref<40x128xi32, #tpu.memory_space<vmem>> -> memref<1x128xi32, #tpu.memory_space<vmem>>
      %dma_wait3A_740 = tpu.memref_squeeze %dma_wait3A_739 : memref<1x128xi32, #tpu.memory_space<vmem>> -> memref<128xi32, #tpu.memory_space<vmem>>
      %dma_wait3A_741 = arith.constant 0 : i32
      %dma_wait3A_742 = arith.constant 0 : i32
      %dma_wait3A_743 = tpu.memref_slice %arg13[%dma_wait3A_741, %dma_wait3A_742] : memref<10000x64xf32, #tpu.memory_space<vmem_shared>> -> memref<10000x64xf32, #tpu.memory_space<vmem_shared>>
      tpu.wait_indirect_dma semaphore(%arg16 : memref<!tpu.dma_semaphore, #tpu.memory_space<semaphore_mem>>) src(%dma_wait3A_743 : memref<10000x64xf32, #tpu.memory_space<vmem_shared>>) dst(%arg10 : memref<128x64xf32, #tpu.memory_space<vmem>>)
      %add3A_744 = arith.constant 1 : i32
      %add3A_745 = arith.addi %mul3A_707, %add3A_744 : i32
      %dma_start3A_746 = arith.constant 0 : i32
      %dma_start3A_747 = tpu.memref_slice %arg8[%add3A_745, %dma_start3A_746] : memref<40x128xi32, #tpu.memory_space<vmem>> -> memref<1x128xi32, #tpu.memory_space<vmem>>
      %dma_start3A_748 = tpu.memref_squeeze %dma_start3A_747 : memref<1x128xi32, #tpu.memory_space<vmem>> -> memref<128xi32, #tpu.memory_space<vmem>>
      %dma_start3A_749 = arith.constant 0 : i32
      %dma_start3A_750 = arith.constant 0 : i32
      %dma_start3A_751 = tpu.memref_slice %arg14[%dma_start3A_749, %dma_start3A_750] : memref<10240x64xf32, #tpu.memory_space<vmem_shared>> -> memref<10240x64xf32, #tpu.memory_space<vmem_shared>>
      tpu.enqueue_indirect_dma source(%arg10 : memref<128x64xf32, #tpu.memory_space<vmem>>) target(%dma_start3A_751 : memref<10240x64xf32, #tpu.memory_space<vmem_shared>>) offsets(%dma_start3A_748 : memref<128xi32, #tpu.memory_space<vmem>>) semaphore(%arg20 : memref<!tpu.dma_semaphore, #tpu.memory_space<semaphore_mem>>) {add = true}
      %dma_wait3A_752 = arith.constant 0 : i32
      %dma_wait3A_753 = arith.constant 0 : i32
      %dma_wait3A_754 = tpu.memref_slice %arg8[%dma_wait3A_752, %dma_wait3A_753] : memref<40x128xi32, #tpu.memory_space<vmem>> -> memref<1x128xi32, #tpu.memory_space<vmem>>
      %dma_wait3A_755 = tpu.memref_squeeze %dma_wait3A_754 : memref<1x128xi32, #tpu.memory_space<vmem>> -> memref<128xi32, #tpu.memory_space<vmem>>
      %dma_wait3A_756 = arith.constant 0 : i32
      %dma_wait3A_757 = arith.constant 0 : i32
      %dma_wait3A_758 = tpu.memref_slice %arg14[%dma_wait3A_756, %dma_wait3A_757] : memref<10240x64xf32, #tpu.memory_space<vmem_shared>> -> memref<10240x64xf32, #tpu.memory_space<vmem_shared>>
      tpu.wait_indirect_dma semaphore(%arg22 : memref<!tpu.dma_semaphore, #tpu.memory_space<semaphore_mem>>) src(%arg12 : memref<128x64xf32, #tpu.memory_space<vmem>>) dst(%dma_wait3A_758 : memref<10240x64xf32, #tpu.memory_space<vmem_shared>>)
      %add3A_759 = arith.constant 3 : i32
      %add3A_760 = arith.addi %mul3A_707, %add3A_759 : i32
      %min3A_761 = arith.constant 39 : i32
      %min3A_762 = arith.minsi %add3A_760, %min3A_761 : i32
      %dma_start3A_763 = arith.constant 0 : i32
      %dma_start3A_764 = tpu.memref_slice %arg7[%min3A_762, %dma_start3A_763] : memref<40x128xi32, #tpu.memory_space<vmem>> -> memref<1x128xi32, #tpu.memory_space<vmem>>
      %dma_start3A_765 = tpu.memref_squeeze %dma_start3A_764 : memref<1x128xi32, #tpu.memory_space<vmem>> -> memref<128xi32, #tpu.memory_space<vmem>>
      %dma_start3A_766 = arith.constant 0 : i32
      %dma_start3A_767 = arith.constant 0 : i32
      %dma_start3A_768 = tpu.memref_slice %arg13[%dma_start3A_766, %dma_start3A_767] : memref<10000x64xf32, #tpu.memory_space<vmem_shared>> -> memref<10000x64xf32, #tpu.memory_space<vmem_shared>>
      tpu.enqueue_indirect_dma source(%dma_start3A_768 : memref<10000x64xf32, #tpu.memory_space<vmem_shared>>) target(%arg12 : memref<128x64xf32, #tpu.memory_space<vmem>>) offsets(%dma_start3A_765 : memref<128xi32, #tpu.memory_space<vmem>>) semaphore(%arg18 : memref<!tpu.dma_semaphore, #tpu.memory_space<semaphore_mem>>)
      %dma_wait3A_769 = arith.constant 0 : i32
      %dma_wait3A_770 = arith.constant 0 : i32
      %dma_wait3A_771 = tpu.memref_slice %arg7[%dma_wait3A_769, %dma_wait3A_770] : memref<40x128xi32, #tpu.memory_space<vmem>> -> memref<1x128xi32, #tpu.memory_space<vmem>>
      %dma_wait3A_772 = tpu.memref_squeeze %dma_wait3A_771 : memref<1x128xi32, #tpu.memory_space<vmem>> -> memref<128xi32, #tpu.memory_space<vmem>>
      %dma_wait3A_773 = arith.constant 0 : i32
      %dma_wait3A_774 = arith.constant 0 : i32
      %dma_wait3A_775 = tpu.memref_slice %arg13[%dma_wait3A_773, %dma_wait3A_774] : memref<10000x64xf32, #tpu.memory_space<vmem_shared>> -> memref<10000x64xf32, #tpu.memory_space<vmem_shared>>
      tpu.wait_indirect_dma semaphore(%arg17 : memref<!tpu.dma_semaphore, #tpu.memory_space<semaphore_mem>>) src(%dma_wait3A_775 : memref<10000x64xf32, #tpu.memory_space<vmem_shared>>) dst(%arg11 : memref<128x64xf32, #tpu.memory_space<vmem>>)
      %add3A_776 = arith.constant 2 : i32
      %add3A_777 = arith.addi %mul3A_707, %add3A_776 : i32
      %dma_start3A_778 = arith.constant 0 : i32
      %dma_start3A_779 = tpu.memref_slice %arg8[%add3A_777, %dma_start3A_778] : memref<40x128xi32, #tpu.memory_space<vmem>> -> memref<1x128xi32, #tpu.memory_space<vmem>>
      %dma_start3A_780 = tpu.memref_squeeze %dma_start3A_779 : memref<1x128xi32, #tpu.memory_space<vmem>> -> memref<128xi32, #tpu.memory_space<vmem>>
      %dma_start3A_781 = arith.constant 0 : i32
      %dma_start3A_782 = arith.constant 0 : i32
      %dma_start3A_783 = tpu.memref_slice %arg14[%dma_start3A_781, %dma_start3A_782] : memref<10240x64xf32, #tpu.memory_space<vmem_shared>> -> memref<10240x64xf32, #tpu.memory_space<vmem_shared>>
      tpu.enqueue_indirect_dma source(%arg11 : memref<128x64xf32, #tpu.memory_space<vmem>>) target(%dma_start3A_783 : memref<10240x64xf32, #tpu.memory_space<vmem_shared>>) offsets(%dma_start3A_780 : memref<128xi32, #tpu.memory_space<vmem>>) semaphore(%arg21 : memref<!tpu.dma_semaphore, #tpu.memory_space<semaphore_mem>>) {add = true}
      %dma_wait3A_784 = arith.constant 0 : i32
      %dma_wait3A_785 = arith.constant 0 : i32
      %dma_wait3A_786 = tpu.memref_slice %arg8[%dma_wait3A_784, %dma_wait3A_785] : memref<40x128xi32, #tpu.memory_space<vmem>> -> memref<1x128xi32, #tpu.memory_space<vmem>>
      %dma_wait3A_787 = tpu.memref_squeeze %dma_wait3A_786 : memref<1x128xi32, #tpu.memory_space<vmem>> -> memref<128xi32, #tpu.memory_space<vmem>>
      %dma_wait3A_788 = arith.constant 0 : i32
      %dma_wait3A_789 = arith.constant 0 : i32
      %dma_wait3A_790 = tpu.memref_slice %arg14[%dma_wait3A_788, %dma_wait3A_789] : memref<10240x64xf32, #tpu.memory_space<vmem_shared>> -> memref<10240x64xf32, #tpu.memory_space<vmem_shared>>
      tpu.wait_indirect_dma semaphore(%arg19 : memref<!tpu.dma_semaphore, #tpu.memory_space<semaphore_mem>>) src(%arg9 : memref<128x64xf32, #tpu.memory_space<vmem>>) dst(%dma_wait3A_790 : memref<10240x64xf32, #tpu.memory_space<vmem_shared>>)
      %add3A_791 = arith.constant 4 : i32
      %add3A_792 = arith.addi %mul3A_707, %add3A_791 : i32
      %min3A_793 = arith.constant 39 : i32
      %min3A_794 = arith.minsi %add3A_792, %min3A_793 : i32
      %dma_start3A_795 = arith.constant 0 : i32
      %dma_start3A_796 = tpu.memref_slice %arg7[%min3A_794, %dma_start3A_795] : memref<40x128xi32, #tpu.memory_space<vmem>> -> memref<1x128xi32, #tpu.memory_space<vmem>>
      %dma_start3A_797 = tpu.memref_squeeze %dma_start3A_796 : memref<1x128xi32, #tpu.memory_space<vmem>> -> memref<128xi32, #tpu.memory_space<vmem>>
      %dma_start3A_798 = arith.constant 0 : i32
      %dma_start3A_799 = arith.constant 0 : i32
      %dma_start3A_800 = tpu.memref_slice %arg13[%dma_start3A_798, %dma_start3A_799] : memref<10000x64xf32, #tpu.memory_space<vmem_shared>> -> memref<10000x64xf32, #tpu.memory_space<vmem_shared>>
      tpu.enqueue_indirect_dma source(%dma_start3A_800 : memref<10000x64xf32, #tpu.memory_space<vmem_shared>>) target(%arg9 : memref<128x64xf32, #tpu.memory_space<vmem>>) offsets(%dma_start3A_797 : memref<128xi32, #tpu.memory_space<vmem>>) semaphore(%arg15 : memref<!tpu.dma_semaphore, #tpu.memory_space<semaphore_mem>>)
      %dma_wait3A_801 = arith.constant 0 : i32
      %dma_wait3A_802 = arith.constant 0 : i32
      %dma_wait3A_803 = tpu.memref_slice %arg7[%dma_wait3A_801, %dma_wait3A_802] : memref<40x128xi32, #tpu.memory_space<vmem>> -> memref<1x128xi32, #tpu.memory_space<vmem>>
      %dma_wait3A_804 = tpu.memref_squeeze %dma_wait3A_803 : memref<1x128xi32, #tpu.memory_space<vmem>> -> memref<128xi32, #tpu.memory_space<vmem>>
      %dma_wait3A_805 = arith.constant 0 : i32
      %dma_wait3A_806 = arith.constant 0 : i32
      %dma_wait3A_807 = tpu.memref_slice %arg13[%dma_wait3A_805, %dma_wait3A_806] : memref<10000x64xf32, #tpu.memory_space<vmem_shared>> -> memref<10000x64xf32, #tpu.memory_space<vmem_shared>>
      tpu.wait_indirect_dma semaphore(%arg18 : memref<!tpu.dma_semaphore, #tpu.memory_space<semaphore_mem>>) src(%dma_wait3A_807 : memref<10000x64xf32, #tpu.memory_space<vmem_shared>>) dst(%arg12 : memref<128x64xf32, #tpu.memory_space<vmem>>)
      %add3A_808 = arith.constant 3 : i32
      %add3A_809 = arith.addi %mul3A_707, %add3A_808 : i32
      %dma_start3A_810 = arith.constant 0 : i32
      %dma_start3A_811 = tpu.memref_slice %arg8[%add3A_809, %dma_start3A_810] : memref<40x128xi32, #tpu.memory_space<vmem>> -> memref<1x128xi32, #tpu.memory_space<vmem>>
      %dma_start3A_812 = tpu.memref_squeeze %dma_start3A_811 : memref<1x128xi32, #tpu.memory_space<vmem>> -> memref<128xi32, #tpu.memory_space<vmem>>
      %dma_start3A_813 = arith.constant 0 : i32
      %dma_start3A_814 = arith.constant 0 : i32
      %dma_start3A_815 = tpu.memref_slice %arg14[%dma_start3A_813, %dma_start3A_814] : memref<10240x64xf32, #tpu.memory_space<vmem_shared>> -> memref<10240x64xf32, #tpu.memory_space<vmem_shared>>
      tpu.enqueue_indirect_dma source(%arg12 : memref<128x64xf32, #tpu.memory_space<vmem>>) target(%dma_start3A_815 : memref<10240x64xf32, #tpu.memory_space<vmem_shared>>) offsets(%dma_start3A_812 : memref<128xi32, #tpu.memory_space<vmem>>) semaphore(%arg22 : memref<!tpu.dma_semaphore, #tpu.memory_space<semaphore_mem>>) {add = true}
      %dma_wait3A_816 = arith.constant 0 : i32
      %dma_wait3A_817 = arith.constant 0 : i32
      %dma_wait3A_818 = tpu.memref_slice %arg8[%dma_wait3A_816, %dma_wait3A_817] : memref<40x128xi32, #tpu.memory_space<vmem>> -> memref<1x128xi32, #tpu.memory_space<vmem>>
      %dma_wait3A_819 = tpu.memref_squeeze %dma_wait3A_818 : memref<1x128xi32, #tpu.memory_space<vmem>> -> memref<128xi32, #tpu.memory_space<vmem>>
      %dma_wait3A_820 = arith.constant 0 : i32
      %dma_wait3A_821 = arith.constant 0 : i32
      %dma_wait3A_822 = tpu.memref_slice %arg14[%dma_wait3A_820, %dma_wait3A_821] : memref<10240x64xf32, #tpu.memory_space<vmem_shared>> -> memref<10240x64xf32, #tpu.memory_space<vmem_shared>>
      tpu.wait_indirect_dma semaphore(%arg20 : memref<!tpu.dma_semaphore, #tpu.memory_space<semaphore_mem>>) src(%arg10 : memref<128x64xf32, #tpu.memory_space<vmem>>) dst(%dma_wait3A_822 : memref<10240x64xf32, #tpu.memory_space<vmem_shared>>)
      %add3A_823 = arith.constant 5 : i32
      %add3A_824 = arith.addi %mul3A_707, %add3A_823 : i32
      %min3A_825 = arith.constant 39 : i32
      %min3A_826 = arith.minsi %add3A_824, %min3A_825 : i32
      %dma_start3A_827 = arith.constant 0 : i32
      %dma_start3A_828 = tpu.memref_slice %arg7[%min3A_826, %dma_start3A_827] : memref<40x128xi32, #tpu.memory_space<vmem>> -> memref<1x128xi32, #tpu.memory_space<vmem>>
      %dma_start3A_829 = tpu.memref_squeeze %dma_start3A_828 : memref<1x128xi32, #tpu.memory_space<vmem>> -> memref<128xi32, #tpu.memory_space<vmem>>
      %dma_start3A_830 = arith.constant 0 : i32
      %dma_start3A_831 = arith.constant 0 : i32
      %dma_start3A_832 = tpu.memref_slice %arg13[%dma_start3A_830, %dma_start3A_831] : memref<10000x64xf32, #tpu.memory_space<vmem_shared>> -> memref<10000x64xf32, #tpu.memory_space<vmem_shared>>
      tpu.enqueue_indirect_dma source(%dma_start3A_832 : memref<10000x64xf32, #tpu.memory_space<vmem_shared>>) target(%arg10 : memref<128x64xf32, #tpu.memory_space<vmem>>) offsets(%dma_start3A_829 : memref<128xi32, #tpu.memory_space<vmem>>) semaphore(%arg16 : memref<!tpu.dma_semaphore, #tpu.memory_space<semaphore_mem>>)
    }
    %scan3A_525 = arith.constant 9 : i32
    %dma_wait3A_526 = arith.constant 0 : i32
    %dma_wait3A_527 = arith.constant 0 : i32
    %dma_wait3A_528 = tpu.memref_slice %arg7[%dma_wait3A_526, %dma_wait3A_527] : memref<40x128xi32, #tpu.memory_space<vmem>> -> memref<1x128xi32, #tpu.memory_space<vmem>>
    %dma_wait3A_529 = tpu.memref_squeeze %dma_wait3A_528 : memref<1x128xi32, #tpu.memory_space<vmem>> -> memref<128xi32, #tpu.memory_space<vmem>>
    %dma_wait3A_530 = arith.constant 0 : i32
    %dma_wait3A_531 = arith.constant 0 : i32
    %dma_wait3A_532 = tpu.memref_slice %arg13[%dma_wait3A_530, %dma_wait3A_531] : memref<10000x64xf32, #tpu.memory_space<vmem_shared>> -> memref<10000x64xf32, #tpu.memory_space<vmem_shared>>
    tpu.wait_indirect_dma semaphore(%arg15 : memref<!tpu.dma_semaphore, #tpu.memory_space<semaphore_mem>>) src(%dma_wait3A_532 : memref<10000x64xf32, #tpu.memory_space<vmem_shared>>) dst(%arg9 : memref<128x64xf32, #tpu.memory_space<vmem>>)
    %dma_wait3A_533 = arith.constant 0 : i32
    %dma_wait3A_534 = arith.constant 0 : i32
    %dma_wait3A_535 = tpu.memref_slice %arg7[%dma_wait3A_533, %dma_wait3A_534] : memref<40x128xi32, #tpu.memory_space<vmem>> -> memref<1x128xi32, #tpu.memory_space<vmem>>
    %dma_wait3A_536 = tpu.memref_squeeze %dma_wait3A_535 : memref<1x128xi32, #tpu.memory_space<vmem>> -> memref<128xi32, #tpu.memory_space<vmem>>
    %dma_wait3A_537 = arith.constant 0 : i32
    %dma_wait3A_538 = arith.constant 0 : i32
    %dma_wait3A_539 = tpu.memref_slice %arg13[%dma_wait3A_537, %dma_wait3A_538] : memref<10000x64xf32, #tpu.memory_space<vmem_shared>> -> memref<10000x64xf32, #tpu.memory_space<vmem_shared>>
    tpu.wait_indirect_dma semaphore(%arg16 : memref<!tpu.dma_semaphore, #tpu.memory_space<semaphore_mem>>) src(%dma_wait3A_539 : memref<10000x64xf32, #tpu.memory_space<vmem_shared>>) dst(%arg10 : memref<128x64xf32, #tpu.memory_space<vmem>>)
    %dma_wait3A_540 = arith.constant 0 : i32
    %dma_wait3A_541 = arith.constant 0 : i32
    %dma_wait3A_542 = tpu.memref_slice %arg8[%dma_wait3A_540, %dma_wait3A_541] : memref<40x128xi32, #tpu.memory_space<vmem>> -> memref<1x128xi32, #tpu.memory_space<vmem>>
    %dma_wait3A_543 = tpu.memref_squeeze %dma_wait3A_542 : memref<1x128xi32, #tpu.memory_space<vmem>> -> memref<128xi32, #tpu.memory_space<vmem>>
    %dma_wait3A_544 = arith.constant 0 : i32
    %dma_wait3A_545 = arith.constant 0 : i32
    %dma_wait3A_546 = tpu.memref_slice %arg14[%dma_wait3A_544, %dma_wait3A_545] : memref<10240x64xf32, #tpu.memory_space<vmem_shared>> -> memref<10240x64xf32, #tpu.memory_space<vmem_shared>>
    tpu.wait_indirect_dma semaphore(%arg21 : memref<!tpu.dma_semaphore, #tpu.memory_space<semaphore_mem>>) src(%arg11 : memref<128x64xf32, #tpu.memory_space<vmem>>) dst(%dma_wait3A_546 : memref<10240x64xf32, #tpu.memory_space<vmem_shared>>)
    %dma_wait3A_547 = arith.constant 0 : i32
    %dma_wait3A_548 = arith.constant 0 : i32
    %dma_wait3A_549 = tpu.memref_slice %arg8[%dma_wait3A_547, %dma_wait3A_548] : memref<40x128xi32, #tpu.memory_space<vmem>> -> memref<1x128xi32, #tpu.memory_space<vmem>>
    %dma_wait3A_550 = tpu.memref_squeeze %dma_wait3A_549 : memref<1x128xi32, #tpu.memory_space<vmem>> -> memref<128xi32, #tpu.memory_space<vmem>>
    %dma_wait3A_551 = arith.constant 0 : i32
    %dma_wait3A_552 = arith.constant 0 : i32
    %dma_wait3A_553 = tpu.memref_slice %arg14[%dma_wait3A_551, %dma_wait3A_552] : memref<10240x64xf32, #tpu.memory_space<vmem_shared>> -> memref<10240x64xf32, #tpu.memory_space<vmem_shared>>
    tpu.wait_indirect_dma semaphore(%arg22 : memref<!tpu.dma_semaphore, #tpu.memory_space<semaphore_mem>>) src(%arg12 : memref<128x64xf32, #tpu.memory_space<vmem>>) dst(%dma_wait3A_553 : memref<10240x64xf32, #tpu.memory_space<vmem_shared>>)
    "tpu.region"() ({
      %run_scoped3A = tpu.sem_alloc : memref<!tpu.dma_semaphore, #tpu.memory_space<semaphore_mem>>
      %dma_start3A_705 = arith.constant 40 : i32
      %dma_start3A_706 = arith.constant 0 : i32
      %dma_start3A_707 = tpu.memref_slice %arg3[%add3A, %dma_start3A_705, %dma_start3A_706] : memref<32x80x128xi32, #tpu.memory_space<hbm>> -> memref<1x40x128xi32, #tpu.memory_space<hbm>>
      %dma_start3A_708 = tpu.memref_squeeze %dma_start3A_707 : memref<1x40x128xi32, #tpu.memory_space<hbm>> -> memref<40x128xi32, #tpu.memory_space<hbm>>
      %dma_start3A_709 = arith.constant 40 : i32
      %dma_start3A_710 = arith.constant 0 : i32
      %dma_start3A_711 = tpu.memref_slice %arg3[%add3A, %dma_start3A_709, %dma_start3A_710] : memref<32x80x128xi32, #tpu.memory_space<hbm>> -> memref<1x40x128xi32, #tpu.memory_space<hbm>>
      %dma_start3A_712 = tpu.memref_squeeze %dma_start3A_711 : memref<1x40x128xi32, #tpu.memory_space<hbm>> -> memref<40x128xi32, #tpu.memory_space<hbm>>
      tpu.enqueue_dma source(%dma_start3A_712 : memref<40x128xi32, #tpu.memory_space<hbm>>) target(%arg7 : memref<40x128xi32, #tpu.memory_space<vmem>>) target_semaphore(%run_scoped3A : memref<!tpu.dma_semaphore, #tpu.memory_space<semaphore_mem>>)
      %dma_wait3A_713 = arith.constant 40 : i32
      %dma_wait3A_714 = arith.constant 0 : i32
      %dma_wait3A_715 = tpu.memref_slice %arg3[%add3A, %dma_wait3A_713, %dma_wait3A_714] : memref<32x80x128xi32, #tpu.memory_space<hbm>> -> memref<1x40x128xi32, #tpu.memory_space<hbm>>
      %dma_wait3A_716 = tpu.memref_squeeze %dma_wait3A_715 : memref<1x40x128xi32, #tpu.memory_space<hbm>> -> memref<40x128xi32, #tpu.memory_space<hbm>>
      %dma_wait3A_717 = arith.constant 40 : i32
      %dma_wait3A_718 = arith.constant 0 : i32
      %dma_wait3A_719 = tpu.memref_slice %arg3[%add3A, %dma_wait3A_717, %dma_wait3A_718] : memref<32x80x128xi32, #tpu.memory_space<hbm>> -> memref<1x40x128xi32, #tpu.memory_space<hbm>>
      %dma_wait3A_720 = tpu.memref_squeeze %dma_wait3A_719 : memref<1x40x128xi32, #tpu.memory_space<hbm>> -> memref<40x128xi32, #tpu.memory_space<hbm>>
      tpu.wait_dma2 semaphore(%run_scoped3A : memref<!tpu.dma_semaphore, #tpu.memory_space<semaphore_mem>>) src(%dma_wait3A_720 : memref<40x128xi32, #tpu.memory_space<hbm>>) dst(%arg7 : memref<40x128xi32, #tpu.memory_space<vmem>>)
      tpu.yield
    }) : () -> ()
    "tpu.region"() ({
      %run_scoped3A = tpu.sem_alloc : memref<!tpu.dma_semaphore, #tpu.memory_space<semaphore_mem>>
      %dma_start3A_705 = arith.constant 40 : i32
      %dma_start3A_706 = arith.constant 0 : i32
      %dma_start3A_707 = tpu.memref_slice %arg4[%add3A, %dma_start3A_705, %dma_start3A_706] : memref<32x80x128xi32, #tpu.memory_space<hbm>> -> memref<1x40x128xi32, #tpu.memory_space<hbm>>
      %dma_start3A_708 = tpu.memref_squeeze %dma_start3A_707 : memref<1x40x128xi32, #tpu.memory_space<hbm>> -> memref<40x128xi32, #tpu.memory_space<hbm>>
      %dma_start3A_709 = arith.constant 40 : i32
      %dma_start3A_710 = arith.constant 0 : i32
      %dma_start3A_711 = tpu.memref_slice %arg4[%add3A, %dma_start3A_709, %dma_start3A_710] : memref<32x80x128xi32, #tpu.memory_space<hbm>> -> memref<1x40x128xi32, #tpu.memory_space<hbm>>
      %dma_start3A_712 = tpu.memref_squeeze %dma_start3A_711 : memref<1x40x128xi32, #tpu.memory_space<hbm>> -> memref<40x128xi32, #tpu.memory_space<hbm>>
      tpu.enqueue_dma source(%dma_start3A_712 : memref<40x128xi32, #tpu.memory_space<hbm>>) target(%arg8 : memref<40x128xi32, #tpu.memory_space<vmem>>) target_semaphore(%run_scoped3A : memref<!tpu.dma_semaphore, #tpu.memory_space<semaphore_mem>>)
      %dma_wait3A_713 = arith.constant 40 : i32
      %dma_wait3A_714 = arith.constant 0 : i32
      %dma_wait3A_715 = tpu.memref_slice %arg4[%add3A, %dma_wait3A_713, %dma_wait3A_714] : memref<32x80x128xi32, #tpu.memory_space<hbm>> -> memref<1x40x128xi32, #tpu.memory_space<hbm>>
      %dma_wait3A_716 = tpu.memref_squeeze %dma_wait3A_715 : memref<1x40x128xi32, #tpu.memory_space<hbm>> -> memref<40x128xi32, #tpu.memory_space<hbm>>
      %dma_wait3A_717 = arith.constant 40 : i32
      %dma_wait3A_718 = arith.constant 0 : i32
      %dma_wait3A_719 = tpu.memref_slice %arg4[%add3A, %dma_wait3A_717, %dma_wait3A_718] : memref<32x80x128xi32, #tpu.memory_space<hbm>> -> memref<1x40x128xi32, #tpu.memory_space<hbm>>
      %dma_wait3A_720 = tpu.memref_squeeze %dma_wait3A_719 : memref<1x40x128xi32, #tpu.memory_space<hbm>> -> memref<40x128xi32, #tpu.memory_space<hbm>>
      tpu.wait_dma2 semaphore(%run_scoped3A : memref<!tpu.dma_semaphore, #tpu.memory_space<semaphore_mem>>) src(%dma_wait3A_720 : memref<40x128xi32, #tpu.memory_space<hbm>>) dst(%arg8 : memref<40x128xi32, #tpu.memory_space<vmem>>)
      tpu.yield
    }) : () -> ()
    %dma_start3A_554 = arith.constant 0 : i32
    %dma_start3A_555 = arith.constant 0 : i32
    %dma_start3A_556 = tpu.memref_slice %arg7[%dma_start3A_554, %dma_start3A_555] : memref<40x128xi32, #tpu.memory_space<vmem>> -> memref<1x128xi32, #tpu.memory_space<vmem>>
    %dma_start3A_557 = tpu.memref_squeeze %dma_start3A_556 : memref<1x128xi32, #tpu.memory_space<vmem>> -> memref<128xi32, #tpu.memory_space<vmem>>
    %dma_start3A_558 = arith.constant 0 : i32
    %dma_start3A_559 = arith.constant 0 : i32
    %dma_start3A_560 = tpu.memref_slice %arg13[%dma_start3A_558, %dma_start3A_559] : memref<10000x64xf32, #tpu.memory_space<vmem_shared>> -> memref<10000x64xf32, #tpu.memory_space<vmem_shared>>
    tpu.enqueue_indirect_dma source(%dma_start3A_560 : memref<10000x64xf32, #tpu.memory_space<vmem_shared>>) target(%arg9 : memref<128x64xf32, #tpu.memory_space<vmem>>) offsets(%dma_start3A_557 : memref<128xi32, #tpu.memory_space<vmem>>) semaphore(%arg15 : memref<!tpu.dma_semaphore, #tpu.memory_space<semaphore_mem>>)
    %dma_start3A_561 = arith.constant 1 : i32
    %dma_start3A_562 = arith.constant 0 : i32
    %dma_start3A_563 = tpu.memref_slice %arg7[%dma_start3A_561, %dma_start3A_562] : memref<40x128xi32, #tpu.memory_space<vmem>> -> memref<1x128xi32, #tpu.memory_space<vmem>>
    %dma_start3A_564 = tpu.memref_squeeze %dma_start3A_563 : memref<1x128xi32, #tpu.memory_space<vmem>> -> memref<128xi32, #tpu.memory_space<vmem>>
    %dma_start3A_565 = arith.constant 0 : i32
    %dma_start3A_566 = arith.constant 0 : i32
    %dma_start3A_567 = tpu.memref_slice %arg13[%dma_start3A_565, %dma_start3A_566] : memref<10000x64xf32, #tpu.memory_space<vmem_shared>> -> memref<10000x64xf32, #tpu.memory_space<vmem_shared>>
    tpu.enqueue_indirect_dma source(%dma_start3A_567 : memref<10000x64xf32, #tpu.memory_space<vmem_shared>>) target(%arg10 : memref<128x64xf32, #tpu.memory_space<vmem>>) offsets(%dma_start3A_564 : memref<128xi32, #tpu.memory_space<vmem>>) semaphore(%arg16 : memref<!tpu.dma_semaphore, #tpu.memory_space<semaphore_mem>>)
    %dma_wait3A_568 = arith.constant 0 : i32
    %dma_wait3A_569 = arith.constant 0 : i32
    %dma_wait3A_570 = tpu.memref_slice %arg7[%dma_wait3A_568, %dma_wait3A_569] : memref<40x128xi32, #tpu.memory_space<vmem>> -> memref<1x128xi32, #tpu.memory_space<vmem>>
    %dma_wait3A_571 = tpu.memref_squeeze %dma_wait3A_570 : memref<1x128xi32, #tpu.memory_space<vmem>> -> memref<128xi32, #tpu.memory_space<vmem>>
    %dma_wait3A_572 = arith.constant 0 : i32
    %dma_wait3A_573 = arith.constant 0 : i32
    %dma_wait3A_574 = tpu.memref_slice %arg13[%dma_wait3A_572, %dma_wait3A_573] : memref<10000x64xf32, #tpu.memory_space<vmem_shared>> -> memref<10000x64xf32, #tpu.memory_space<vmem_shared>>
    tpu.wait_indirect_dma semaphore(%arg15 : memref<!tpu.dma_semaphore, #tpu.memory_space<semaphore_mem>>) src(%dma_wait3A_574 : memref<10000x64xf32, #tpu.memory_space<vmem_shared>>) dst(%arg9 : memref<128x64xf32, #tpu.memory_space<vmem>>)
    %dma_start3A_575 = arith.constant 0 : i32
    %dma_start3A_576 = arith.constant 0 : i32
    %dma_start3A_577 = tpu.memref_slice %arg8[%dma_start3A_575, %dma_start3A_576] : memref<40x128xi32, #tpu.memory_space<vmem>> -> memref<1x128xi32, #tpu.memory_space<vmem>>
    %dma_start3A_578 = tpu.memref_squeeze %dma_start3A_577 : memref<1x128xi32, #tpu.memory_space<vmem>> -> memref<128xi32, #tpu.memory_space<vmem>>
    %dma_start3A_579 = arith.constant 0 : i32
    %dma_start3A_580 = arith.constant 0 : i32
    %dma_start3A_581 = tpu.memref_slice %arg14[%dma_start3A_579, %dma_start3A_580] : memref<10240x64xf32, #tpu.memory_space<vmem_shared>> -> memref<10240x64xf32, #tpu.memory_space<vmem_shared>>
    tpu.enqueue_indirect_dma source(%arg9 : memref<128x64xf32, #tpu.memory_space<vmem>>) target(%dma_start3A_581 : memref<10240x64xf32, #tpu.memory_space<vmem_shared>>) offsets(%dma_start3A_578 : memref<128xi32, #tpu.memory_space<vmem>>) semaphore(%arg19 : memref<!tpu.dma_semaphore, #tpu.memory_space<semaphore_mem>>) {add = true}
    %dma_start3A_582 = arith.constant 2 : i32
    %dma_start3A_583 = arith.constant 0 : i32
    %dma_start3A_584 = tpu.memref_slice %arg7[%dma_start3A_582, %dma_start3A_583] : memref<40x128xi32, #tpu.memory_space<vmem>> -> memref<1x128xi32, #tpu.memory_space<vmem>>
    %dma_start3A_585 = tpu.memref_squeeze %dma_start3A_584 : memref<1x128xi32, #tpu.memory_space<vmem>> -> memref<128xi32, #tpu.memory_space<vmem>>
    %dma_start3A_586 = arith.constant 0 : i32
    %dma_start3A_587 = arith.constant 0 : i32
    %dma_start3A_588 = tpu.memref_slice %arg13[%dma_start3A_586, %dma_start3A_587] : memref<10000x64xf32, #tpu.memory_space<vmem_shared>> -> memref<10000x64xf32, #tpu.memory_space<vmem_shared>>
    tpu.enqueue_indirect_dma source(%dma_start3A_588 : memref<10000x64xf32, #tpu.memory_space<vmem_shared>>) target(%arg11 : memref<128x64xf32, #tpu.memory_space<vmem>>) offsets(%dma_start3A_585 : memref<128xi32, #tpu.memory_space<vmem>>) semaphore(%arg17 : memref<!tpu.dma_semaphore, #tpu.memory_space<semaphore_mem>>)
    %dma_wait3A_589 = arith.constant 0 : i32
    %dma_wait3A_590 = arith.constant 0 : i32
    %dma_wait3A_591 = tpu.memref_slice %arg7[%dma_wait3A_589, %dma_wait3A_590] : memref<40x128xi32, #tpu.memory_space<vmem>> -> memref<1x128xi32, #tpu.memory_space<vmem>>
    %dma_wait3A_592 = tpu.memref_squeeze %dma_wait3A_591 : memref<1x128xi32, #tpu.memory_space<vmem>> -> memref<128xi32, #tpu.memory_space<vmem>>
    %dma_wait3A_593 = arith.constant 0 : i32
    %dma_wait3A_594 = arith.constant 0 : i32
    %dma_wait3A_595 = tpu.memref_slice %arg13[%dma_wait3A_593, %dma_wait3A_594] : memref<10000x64xf32, #tpu.memory_space<vmem_shared>> -> memref<10000x64xf32, #tpu.memory_space<vmem_shared>>
    tpu.wait_indirect_dma semaphore(%arg16 : memref<!tpu.dma_semaphore, #tpu.memory_space<semaphore_mem>>) src(%dma_wait3A_595 : memref<10000x64xf32, #tpu.memory_space<vmem_shared>>) dst(%arg10 : memref<128x64xf32, #tpu.memory_space<vmem>>)
    %dma_start3A_596 = arith.constant 1 : i32
    %dma_start3A_597 = arith.constant 0 : i32
    %dma_start3A_598 = tpu.memref_slice %arg8[%dma_start3A_596, %dma_start3A_597] : memref<40x128xi32, #tpu.memory_space<vmem>> -> memref<1x128xi32, #tpu.memory_space<vmem>>
    %dma_start3A_599 = tpu.memref_squeeze %dma_start3A_598 : memref<1x128xi32, #tpu.memory_space<vmem>> -> memref<128xi32, #tpu.memory_space<vmem>>
    %dma_start3A_600 = arith.constant 0 : i32
    %dma_start3A_601 = arith.constant 0 : i32
    %dma_start3A_602 = tpu.memref_slice %arg14[%dma_start3A_600, %dma_start3A_601] : memref<10240x64xf32, #tpu.memory_space<vmem_shared>> -> memref<10240x64xf32, #tpu.memory_space<vmem_shared>>
    tpu.enqueue_indirect_dma source(%arg10 : memref<128x64xf32, #tpu.memory_space<vmem>>) target(%dma_start3A_602 : memref<10240x64xf32, #tpu.memory_space<vmem_shared>>) offsets(%dma_start3A_599 : memref<128xi32, #tpu.memory_space<vmem>>) semaphore(%arg20 : memref<!tpu.dma_semaphore, #tpu.memory_space<semaphore_mem>>) {add = true}
    %dma_start3A_603 = arith.constant 3 : i32
    %dma_start3A_604 = arith.constant 0 : i32
    %dma_start3A_605 = tpu.memref_slice %arg7[%dma_start3A_603, %dma_start3A_604] : memref<40x128xi32, #tpu.memory_space<vmem>> -> memref<1x128xi32, #tpu.memory_space<vmem>>
    %dma_start3A_606 = tpu.memref_squeeze %dma_start3A_605 : memref<1x128xi32, #tpu.memory_space<vmem>> -> memref<128xi32, #tpu.memory_space<vmem>>
    %dma_start3A_607 = arith.constant 0 : i32
    %dma_start3A_608 = arith.constant 0 : i32
    %dma_start3A_609 = tpu.memref_slice %arg13[%dma_start3A_607, %dma_start3A_608] : memref<10000x64xf32, #tpu.memory_space<vmem_shared>> -> memref<10000x64xf32, #tpu.memory_space<vmem_shared>>
    tpu.enqueue_indirect_dma source(%dma_start3A_609 : memref<10000x64xf32, #tpu.memory_space<vmem_shared>>) target(%arg12 : memref<128x64xf32, #tpu.memory_space<vmem>>) offsets(%dma_start3A_606 : memref<128xi32, #tpu.memory_space<vmem>>) semaphore(%arg18 : memref<!tpu.dma_semaphore, #tpu.memory_space<semaphore_mem>>)
    %dma_wait3A_610 = arith.constant 0 : i32
    %dma_wait3A_611 = arith.constant 0 : i32
    %dma_wait3A_612 = tpu.memref_slice %arg7[%dma_wait3A_610, %dma_wait3A_611] : memref<40x128xi32, #tpu.memory_space<vmem>> -> memref<1x128xi32, #tpu.memory_space<vmem>>
    %dma_wait3A_613 = tpu.memref_squeeze %dma_wait3A_612 : memref<1x128xi32, #tpu.memory_space<vmem>> -> memref<128xi32, #tpu.memory_space<vmem>>
    %dma_wait3A_614 = arith.constant 0 : i32
    %dma_wait3A_615 = arith.constant 0 : i32
    %dma_wait3A_616 = tpu.memref_slice %arg13[%dma_wait3A_614, %dma_wait3A_615] : memref<10000x64xf32, #tpu.memory_space<vmem_shared>> -> memref<10000x64xf32, #tpu.memory_space<vmem_shared>>
    tpu.wait_indirect_dma semaphore(%arg17 : memref<!tpu.dma_semaphore, #tpu.memory_space<semaphore_mem>>) src(%dma_wait3A_616 : memref<10000x64xf32, #tpu.memory_space<vmem_shared>>) dst(%arg11 : memref<128x64xf32, #tpu.memory_space<vmem>>)
    %dma_start3A_617 = arith.constant 2 : i32
    %dma_start3A_618 = arith.constant 0 : i32
    %dma_start3A_619 = tpu.memref_slice %arg8[%dma_start3A_617, %dma_start3A_618] : memref<40x128xi32, #tpu.memory_space<vmem>> -> memref<1x128xi32, #tpu.memory_space<vmem>>
    %dma_start3A_620 = tpu.memref_squeeze %dma_start3A_619 : memref<1x128xi32, #tpu.memory_space<vmem>> -> memref<128xi32, #tpu.memory_space<vmem>>
    %dma_start3A_621 = arith.constant 0 : i32
    %dma_start3A_622 = arith.constant 0 : i32
    %dma_start3A_623 = tpu.memref_slice %arg14[%dma_start3A_621, %dma_start3A_622] : memref<10240x64xf32, #tpu.memory_space<vmem_shared>> -> memref<10240x64xf32, #tpu.memory_space<vmem_shared>>
    tpu.enqueue_indirect_dma source(%arg11 : memref<128x64xf32, #tpu.memory_space<vmem>>) target(%dma_start3A_623 : memref<10240x64xf32, #tpu.memory_space<vmem_shared>>) offsets(%dma_start3A_620 : memref<128xi32, #tpu.memory_space<vmem>>) semaphore(%arg21 : memref<!tpu.dma_semaphore, #tpu.memory_space<semaphore_mem>>) {add = true}
    %dma_wait3A_624 = arith.constant 0 : i32
    %dma_wait3A_625 = arith.constant 0 : i32
    %dma_wait3A_626 = tpu.memref_slice %arg8[%dma_wait3A_624, %dma_wait3A_625] : memref<40x128xi32, #tpu.memory_space<vmem>> -> memref<1x128xi32, #tpu.memory_space<vmem>>
    %dma_wait3A_627 = tpu.memref_squeeze %dma_wait3A_626 : memref<1x128xi32, #tpu.memory_space<vmem>> -> memref<128xi32, #tpu.memory_space<vmem>>
    %dma_wait3A_628 = arith.constant 0 : i32
    %dma_wait3A_629 = arith.constant 0 : i32
    %dma_wait3A_630 = tpu.memref_slice %arg14[%dma_wait3A_628, %dma_wait3A_629] : memref<10240x64xf32, #tpu.memory_space<vmem_shared>> -> memref<10240x64xf32, #tpu.memory_space<vmem_shared>>
    tpu.wait_indirect_dma semaphore(%arg19 : memref<!tpu.dma_semaphore, #tpu.memory_space<semaphore_mem>>) src(%arg9 : memref<128x64xf32, #tpu.memory_space<vmem>>) dst(%dma_wait3A_630 : memref<10240x64xf32, #tpu.memory_space<vmem_shared>>)
    %dma_start3A_631 = arith.constant 4 : i32
    %dma_start3A_632 = arith.constant 0 : i32
    %dma_start3A_633 = tpu.memref_slice %arg7[%dma_start3A_631, %dma_start3A_632] : memref<40x128xi32, #tpu.memory_space<vmem>> -> memref<1x128xi32, #tpu.memory_space<vmem>>
    %dma_start3A_634 = tpu.memref_squeeze %dma_start3A_633 : memref<1x128xi32, #tpu.memory_space<vmem>> -> memref<128xi32, #tpu.memory_space<vmem>>
    %dma_start3A_635 = arith.constant 0 : i32
    %dma_start3A_636 = arith.constant 0 : i32
    %dma_start3A_637 = tpu.memref_slice %arg13[%dma_start3A_635, %dma_start3A_636] : memref<10000x64xf32, #tpu.memory_space<vmem_shared>> -> memref<10000x64xf32, #tpu.memory_space<vmem_shared>>
    tpu.enqueue_indirect_dma source(%dma_start3A_637 : memref<10000x64xf32, #tpu.memory_space<vmem_shared>>) target(%arg9 : memref<128x64xf32, #tpu.memory_space<vmem>>) offsets(%dma_start3A_634 : memref<128xi32, #tpu.memory_space<vmem>>) semaphore(%arg15 : memref<!tpu.dma_semaphore, #tpu.memory_space<semaphore_mem>>)
    %dma_wait3A_638 = arith.constant 0 : i32
    %dma_wait3A_639 = arith.constant 0 : i32
    %dma_wait3A_640 = tpu.memref_slice %arg7[%dma_wait3A_638, %dma_wait3A_639] : memref<40x128xi32, #tpu.memory_space<vmem>> -> memref<1x128xi32, #tpu.memory_space<vmem>>
    %dma_wait3A_641 = tpu.memref_squeeze %dma_wait3A_640 : memref<1x128xi32, #tpu.memory_space<vmem>> -> memref<128xi32, #tpu.memory_space<vmem>>
    %dma_wait3A_642 = arith.constant 0 : i32
    %dma_wait3A_643 = arith.constant 0 : i32
    %dma_wait3A_644 = tpu.memref_slice %arg13[%dma_wait3A_642, %dma_wait3A_643] : memref<10000x64xf32, #tpu.memory_space<vmem_shared>> -> memref<10000x64xf32, #tpu.memory_space<vmem_shared>>
    tpu.wait_indirect_dma semaphore(%arg18 : memref<!tpu.dma_semaphore, #tpu.memory_space<semaphore_mem>>) src(%dma_wait3A_644 : memref<10000x64xf32, #tpu.memory_space<vmem_shared>>) dst(%arg12 : memref<128x64xf32, #tpu.memory_space<vmem>>)
    %dma_start3A_645 = arith.constant 3 : i32
    %dma_start3A_646 = arith.constant 0 : i32
    %dma_start3A_647 = tpu.memref_slice %arg8[%dma_start3A_645, %dma_start3A_646] : memref<40x128xi32, #tpu.memory_space<vmem>> -> memref<1x128xi32, #tpu.memory_space<vmem>>
    %dma_start3A_648 = tpu.memref_squeeze %dma_start3A_647 : memref<1x128xi32, #tpu.memory_space<vmem>> -> memref<128xi32, #tpu.memory_space<vmem>>
    %dma_start3A_649 = arith.constant 0 : i32
    %dma_start3A_650 = arith.constant 0 : i32
    %dma_start3A_651 = tpu.memref_slice %arg14[%dma_start3A_649, %dma_start3A_650] : memref<10240x64xf32, #tpu.memory_space<vmem_shared>> -> memref<10240x64xf32, #tpu.memory_space<vmem_shared>>
    tpu.enqueue_indirect_dma source(%arg12 : memref<128x64xf32, #tpu.memory_space<vmem>>) target(%dma_start3A_651 : memref<10240x64xf32, #tpu.memory_space<vmem_shared>>) offsets(%dma_start3A_648 : memref<128xi32, #tpu.memory_space<vmem>>) semaphore(%arg22 : memref<!tpu.dma_semaphore, #tpu.memory_space<semaphore_mem>>) {add = true}
    %dma_wait3A_652 = arith.constant 0 : i32
    %dma_wait3A_653 = arith.constant 0 : i32
    %dma_wait3A_654 = tpu.memref_slice %arg8[%dma_wait3A_652, %dma_wait3A_653] : memref<40x128xi32, #tpu.memory_space<vmem>> -> memref<1x128xi32, #tpu.memory_space<vmem>>
    %dma_wait3A_655 = tpu.memref_squeeze %dma_wait3A_654 : memref<1x128xi32, #tpu.memory_space<vmem>> -> memref<128xi32, #tpu.memory_space<vmem>>
    %dma_wait3A_656 = arith.constant 0 : i32
    %dma_wait3A_657 = arith.constant 0 : i32
    %dma_wait3A_658 = tpu.memref_slice %arg14[%dma_wait3A_656, %dma_wait3A_657] : memref<10240x64xf32, #tpu.memory_space<vmem_shared>> -> memref<10240x64xf32, #tpu.memory_space<vmem_shared>>
    tpu.wait_indirect_dma semaphore(%arg20 : memref<!tpu.dma_semaphore, #tpu.memory_space<semaphore_mem>>) src(%arg10 : memref<128x64xf32, #tpu.memory_space<vmem>>) dst(%dma_wait3A_658 : memref<10240x64xf32, #tpu.memory_space<vmem_shared>>)
    %dma_start3A_659 = arith.constant 5 : i32
    %dma_start3A_660 = arith.constant 0 : i32
    %dma_start3A_661 = tpu.memref_slice %arg7[%dma_start3A_659, %dma_start3A_660] : memref<40x128xi32, #tpu.memory_space<vmem>> -> memref<1x128xi32, #tpu.memory_space<vmem>>
    %dma_start3A_662 = tpu.memref_squeeze %dma_start3A_661 : memref<1x128xi32, #tpu.memory_space<vmem>> -> memref<128xi32, #tpu.memory_space<vmem>>
    %dma_start3A_663 = arith.constant 0 : i32
    %dma_start3A_664 = arith.constant 0 : i32
    %dma_start3A_665 = tpu.memref_slice %arg13[%dma_start3A_663, %dma_start3A_664] : memref<10000x64xf32, #tpu.memory_space<vmem_shared>> -> memref<10000x64xf32, #tpu.memory_space<vmem_shared>>
    tpu.enqueue_indirect_dma source(%dma_start3A_665 : memref<10000x64xf32, #tpu.memory_space<vmem_shared>>) target(%arg10 : memref<128x64xf32, #tpu.memory_space<vmem>>) offsets(%dma_start3A_662 : memref<128xi32, #tpu.memory_space<vmem>>) semaphore(%arg16 : memref<!tpu.dma_semaphore, #tpu.memory_space<semaphore_mem>>)
    %scan3A_666 = arith.constant 0 : i32
    %scan3A_667 = arith.constant 1 : i32
    %scan3A_668 = arith.constant 9 : i32
    %scan3A_669 = arith.addi %scan3A_667, %scan3A_668 : i32
    %scan3A_670 = arith.constant 1 : i32
    scf.for %scan3A_705 = %scan3A_667 to %scan3A_669 step %scan3A_670  : i32 {
      %mul3A_706 = arith.constant 4 : i32
      %mul3A_707 = arith.muli %mul3A_706, %scan3A_705 : i32
      %dma_wait3A_708 = arith.constant 0 : i32
      %dma_wait3A_709 = arith.constant 0 : i32
      %dma_wait3A_710 = tpu.memref_slice %arg7[%dma_wait3A_708, %dma_wait3A_709] : memref<40x128xi32, #tpu.memory_space<vmem>> -> memref<1x128xi32, #tpu.memory_space<vmem>>
      %dma_wait3A_711 = tpu.memref_squeeze %dma_wait3A_710 : memref<1x128xi32, #tpu.memory_space<vmem>> -> memref<128xi32, #tpu.memory_space<vmem>>
      %dma_wait3A_712 = arith.constant 0 : i32
      %dma_wait3A_713 = arith.constant 0 : i32
      %dma_wait3A_714 = tpu.memref_slice %arg13[%dma_wait3A_712, %dma_wait3A_713] : memref<10000x64xf32, #tpu.memory_space<vmem_shared>> -> memref<10000x64xf32, #tpu.memory_space<vmem_shared>>
      tpu.wait_indirect_dma semaphore(%arg15 : memref<!tpu.dma_semaphore, #tpu.memory_space<semaphore_mem>>) src(%dma_wait3A_714 : memref<10000x64xf32, #tpu.memory_space<vmem_shared>>) dst(%arg9 : memref<128x64xf32, #tpu.memory_space<vmem>>)
      %dma_start3A_715 = arith.constant 0 : i32
      %dma_start3A_716 = tpu.memref_slice %arg8[%mul3A_707, %dma_start3A_715] : memref<40x128xi32, #tpu.memory_space<vmem>> -> memref<1x128xi32, #tpu.memory_space<vmem>>
      %dma_start3A_717 = tpu.memref_squeeze %dma_start3A_716 : memref<1x128xi32, #tpu.memory_space<vmem>> -> memref<128xi32, #tpu.memory_space<vmem>>
      %dma_start3A_718 = arith.constant 0 : i32
      %dma_start3A_719 = arith.constant 0 : i32
      %dma_start3A_720 = tpu.memref_slice %arg14[%dma_start3A_718, %dma_start3A_719] : memref<10240x64xf32, #tpu.memory_space<vmem_shared>> -> memref<10240x64xf32, #tpu.memory_space<vmem_shared>>
      tpu.enqueue_indirect_dma source(%arg9 : memref<128x64xf32, #tpu.memory_space<vmem>>) target(%dma_start3A_720 : memref<10240x64xf32, #tpu.memory_space<vmem_shared>>) offsets(%dma_start3A_717 : memref<128xi32, #tpu.memory_space<vmem>>) semaphore(%arg19 : memref<!tpu.dma_semaphore, #tpu.memory_space<semaphore_mem>>) {add = true}
      %dma_wait3A_721 = arith.constant 0 : i32
      %dma_wait3A_722 = arith.constant 0 : i32
      %dma_wait3A_723 = tpu.memref_slice %arg8[%dma_wait3A_721, %dma_wait3A_722] : memref<40x128xi32, #tpu.memory_space<vmem>> -> memref<1x128xi32, #tpu.memory_space<vmem>>
      %dma_wait3A_724 = tpu.memref_squeeze %dma_wait3A_723 : memref<1x128xi32, #tpu.memory_space<vmem>> -> memref<128xi32, #tpu.memory_space<vmem>>
      %dma_wait3A_725 = arith.constant 0 : i32
      %dma_wait3A_726 = arith.constant 0 : i32
      %dma_wait3A_727 = tpu.memref_slice %arg14[%dma_wait3A_725, %dma_wait3A_726] : memref<10240x64xf32, #tpu.memory_space<vmem_shared>> -> memref<10240x64xf32, #tpu.memory_space<vmem_shared>>
      tpu.wait_indirect_dma semaphore(%arg21 : memref<!tpu.dma_semaphore, #tpu.memory_space<semaphore_mem>>) src(%arg11 : memref<128x64xf32, #tpu.memory_space<vmem>>) dst(%dma_wait3A_727 : memref<10240x64xf32, #tpu.memory_space<vmem_shared>>)
      %add3A_728 = arith.constant 2 : i32
      %add3A_729 = arith.addi %mul3A_707, %add3A_728 : i32
      %min3A = arith.constant 39 : i32
      %min3A_730 = arith.minsi %add3A_729, %min3A : i32
      %dma_start3A_731 = arith.constant 0 : i32
      %dma_start3A_732 = tpu.memref_slice %arg7[%min3A_730, %dma_start3A_731] : memref<40x128xi32, #tpu.memory_space<vmem>> -> memref<1x128xi32, #tpu.memory_space<vmem>>
      %dma_start3A_733 = tpu.memref_squeeze %dma_start3A_732 : memref<1x128xi32, #tpu.memory_space<vmem>> -> memref<128xi32, #tpu.memory_space<vmem>>
      %dma_start3A_734 = arith.constant 0 : i32
      %dma_start3A_735 = arith.constant 0 : i32
      %dma_start3A_736 = tpu.memref_slice %arg13[%dma_start3A_734, %dma_start3A_735] : memref<10000x64xf32, #tpu.memory_space<vmem_shared>> -> memref<10000x64xf32, #tpu.memory_space<vmem_shared>>
      tpu.enqueue_indirect_dma source(%dma_start3A_736 : memref<10000x64xf32, #tpu.memory_space<vmem_shared>>) target(%arg11 : memref<128x64xf32, #tpu.memory_space<vmem>>) offsets(%dma_start3A_733 : memref<128xi32, #tpu.memory_space<vmem>>) semaphore(%arg17 : memref<!tpu.dma_semaphore, #tpu.memory_space<semaphore_mem>>)
      %dma_wait3A_737 = arith.constant 0 : i32
      %dma_wait3A_738 = arith.constant 0 : i32
      %dma_wait3A_739 = tpu.memref_slice %arg7[%dma_wait3A_737, %dma_wait3A_738] : memref<40x128xi32, #tpu.memory_space<vmem>> -> memref<1x128xi32, #tpu.memory_space<vmem>>
      %dma_wait3A_740 = tpu.memref_squeeze %dma_wait3A_739 : memref<1x128xi32, #tpu.memory_space<vmem>> -> memref<128xi32, #tpu.memory_space<vmem>>
      %dma_wait3A_741 = arith.constant 0 : i32
      %dma_wait3A_742 = arith.constant 0 : i32
      %dma_wait3A_743 = tpu.memref_slice %arg13[%dma_wait3A_741, %dma_wait3A_742] : memref<10000x64xf32, #tpu.memory_space<vmem_shared>> -> memref<10000x64xf32, #tpu.memory_space<vmem_shared>>
      tpu.wait_indirect_dma semaphore(%arg16 : memref<!tpu.dma_semaphore, #tpu.memory_space<semaphore_mem>>) src(%dma_wait3A_743 : memref<10000x64xf32, #tpu.memory_space<vmem_shared>>) dst(%arg10 : memref<128x64xf32, #tpu.memory_space<vmem>>)
      %add3A_744 = arith.constant 1 : i32
      %add3A_745 = arith.addi %mul3A_707, %add3A_744 : i32
      %dma_start3A_746 = arith.constant 0 : i32
      %dma_start3A_747 = tpu.memref_slice %arg8[%add3A_745, %dma_start3A_746] : memref<40x128xi32, #tpu.memory_space<vmem>> -> memref<1x128xi32, #tpu.memory_space<vmem>>
      %dma_start3A_748 = tpu.memref_squeeze %dma_start3A_747 : memref<1x128xi32, #tpu.memory_space<vmem>> -> memref<128xi32, #tpu.memory_space<vmem>>
      %dma_start3A_749 = arith.constant 0 : i32
      %dma_start3A_750 = arith.constant 0 : i32
      %dma_start3A_751 = tpu.memref_slice %arg14[%dma_start3A_749, %dma_start3A_750] : memref<10240x64xf32, #tpu.memory_space<vmem_shared>> -> memref<10240x64xf32, #tpu.memory_space<vmem_shared>>
      tpu.enqueue_indirect_dma source(%arg10 : memref<128x64xf32, #tpu.memory_space<vmem>>) target(%dma_start3A_751 : memref<10240x64xf32, #tpu.memory_space<vmem_shared>>) offsets(%dma_start3A_748 : memref<128xi32, #tpu.memory_space<vmem>>) semaphore(%arg20 : memref<!tpu.dma_semaphore, #tpu.memory_space<semaphore_mem>>) {add = true}
      %dma_wait3A_752 = arith.constant 0 : i32
      %dma_wait3A_753 = arith.constant 0 : i32
      %dma_wait3A_754 = tpu.memref_slice %arg8[%dma_wait3A_752, %dma_wait3A_753] : memref<40x128xi32, #tpu.memory_space<vmem>> -> memref<1x128xi32, #tpu.memory_space<vmem>>
      %dma_wait3A_755 = tpu.memref_squeeze %dma_wait3A_754 : memref<1x128xi32, #tpu.memory_space<vmem>> -> memref<128xi32, #tpu.memory_space<vmem>>
      %dma_wait3A_756 = arith.constant 0 : i32
      %dma_wait3A_757 = arith.constant 0 : i32
      %dma_wait3A_758 = tpu.memref_slice %arg14[%dma_wait3A_756, %dma_wait3A_757] : memref<10240x64xf32, #tpu.memory_space<vmem_shared>> -> memref<10240x64xf32, #tpu.memory_space<vmem_shared>>
      tpu.wait_indirect_dma semaphore(%arg22 : memref<!tpu.dma_semaphore, #tpu.memory_space<semaphore_mem>>) src(%arg12 : memref<128x64xf32, #tpu.memory_space<vmem>>) dst(%dma_wait3A_758 : memref<10240x64xf32, #tpu.memory_space<vmem_shared>>)
      %add3A_759 = arith.constant 3 : i32
      %add3A_760 = arith.addi %mul3A_707, %add3A_759 : i32
      %min3A_761 = arith.constant 39 : i32
      %min3A_762 = arith.minsi %add3A_760, %min3A_761 : i32
      %dma_start3A_763 = arith.constant 0 : i32
      %dma_start3A_764 = tpu.memref_slice %arg7[%min3A_762, %dma_start3A_763] : memref<40x128xi32, #tpu.memory_space<vmem>> -> memref<1x128xi32, #tpu.memory_space<vmem>>
      %dma_start3A_765 = tpu.memref_squeeze %dma_start3A_764 : memref<1x128xi32, #tpu.memory_space<vmem>> -> memref<128xi32, #tpu.memory_space<vmem>>
      %dma_start3A_766 = arith.constant 0 : i32
      %dma_start3A_767 = arith.constant 0 : i32
      %dma_start3A_768 = tpu.memref_slice %arg13[%dma_start3A_766, %dma_start3A_767] : memref<10000x64xf32, #tpu.memory_space<vmem_shared>> -> memref<10000x64xf32, #tpu.memory_space<vmem_shared>>
      tpu.enqueue_indirect_dma source(%dma_start3A_768 : memref<10000x64xf32, #tpu.memory_space<vmem_shared>>) target(%arg12 : memref<128x64xf32, #tpu.memory_space<vmem>>) offsets(%dma_start3A_765 : memref<128xi32, #tpu.memory_space<vmem>>) semaphore(%arg18 : memref<!tpu.dma_semaphore, #tpu.memory_space<semaphore_mem>>)
      %dma_wait3A_769 = arith.constant 0 : i32
      %dma_wait3A_770 = arith.constant 0 : i32
      %dma_wait3A_771 = tpu.memref_slice %arg7[%dma_wait3A_769, %dma_wait3A_770] : memref<40x128xi32, #tpu.memory_space<vmem>> -> memref<1x128xi32, #tpu.memory_space<vmem>>
      %dma_wait3A_772 = tpu.memref_squeeze %dma_wait3A_771 : memref<1x128xi32, #tpu.memory_space<vmem>> -> memref<128xi32, #tpu.memory_space<vmem>>
      %dma_wait3A_773 = arith.constant 0 : i32
      %dma_wait3A_774 = arith.constant 0 : i32
      %dma_wait3A_775 = tpu.memref_slice %arg13[%dma_wait3A_773, %dma_wait3A_774] : memref<10000x64xf32, #tpu.memory_space<vmem_shared>> -> memref<10000x64xf32, #tpu.memory_space<vmem_shared>>
      tpu.wait_indirect_dma semaphore(%arg17 : memref<!tpu.dma_semaphore, #tpu.memory_space<semaphore_mem>>) src(%dma_wait3A_775 : memref<10000x64xf32, #tpu.memory_space<vmem_shared>>) dst(%arg11 : memref<128x64xf32, #tpu.memory_space<vmem>>)
      %add3A_776 = arith.constant 2 : i32
      %add3A_777 = arith.addi %mul3A_707, %add3A_776 : i32
      %dma_start3A_778 = arith.constant 0 : i32
      %dma_start3A_779 = tpu.memref_slice %arg8[%add3A_777, %dma_start3A_778] : memref<40x128xi32, #tpu.memory_space<vmem>> -> memref<1x128xi32, #tpu.memory_space<vmem>>
      %dma_start3A_780 = tpu.memref_squeeze %dma_start3A_779 : memref<1x128xi32, #tpu.memory_space<vmem>> -> memref<128xi32, #tpu.memory_space<vmem>>
      %dma_start3A_781 = arith.constant 0 : i32
      %dma_start3A_782 = arith.constant 0 : i32
      %dma_start3A_783 = tpu.memref_slice %arg14[%dma_start3A_781, %dma_start3A_782] : memref<10240x64xf32, #tpu.memory_space<vmem_shared>> -> memref<10240x64xf32, #tpu.memory_space<vmem_shared>>
      tpu.enqueue_indirect_dma source(%arg11 : memref<128x64xf32, #tpu.memory_space<vmem>>) target(%dma_start3A_783 : memref<10240x64xf32, #tpu.memory_space<vmem_shared>>) offsets(%dma_start3A_780 : memref<128xi32, #tpu.memory_space<vmem>>) semaphore(%arg21 : memref<!tpu.dma_semaphore, #tpu.memory_space<semaphore_mem>>) {add = true}
      %dma_wait3A_784 = arith.constant 0 : i32
      %dma_wait3A_785 = arith.constant 0 : i32
      %dma_wait3A_786 = tpu.memref_slice %arg8[%dma_wait3A_784, %dma_wait3A_785] : memref<40x128xi32, #tpu.memory_space<vmem>> -> memref<1x128xi32, #tpu.memory_space<vmem>>
      %dma_wait3A_787 = tpu.memref_squeeze %dma_wait3A_786 : memref<1x128xi32, #tpu.memory_space<vmem>> -> memref<128xi32, #tpu.memory_space<vmem>>
      %dma_wait3A_788 = arith.constant 0 : i32
      %dma_wait3A_789 = arith.constant 0 : i32
      %dma_wait3A_790 = tpu.memref_slice %arg14[%dma_wait3A_788, %dma_wait3A_789] : memref<10240x64xf32, #tpu.memory_space<vmem_shared>> -> memref<10240x64xf32, #tpu.memory_space<vmem_shared>>
      tpu.wait_indirect_dma semaphore(%arg19 : memref<!tpu.dma_semaphore, #tpu.memory_space<semaphore_mem>>) src(%arg9 : memref<128x64xf32, #tpu.memory_space<vmem>>) dst(%dma_wait3A_790 : memref<10240x64xf32, #tpu.memory_space<vmem_shared>>)
      %add3A_791 = arith.constant 4 : i32
      %add3A_792 = arith.addi %mul3A_707, %add3A_791 : i32
      %min3A_793 = arith.constant 39 : i32
      %min3A_794 = arith.minsi %add3A_792, %min3A_793 : i32
      %dma_start3A_795 = arith.constant 0 : i32
      %dma_start3A_796 = tpu.memref_slice %arg7[%min3A_794, %dma_start3A_795] : memref<40x128xi32, #tpu.memory_space<vmem>> -> memref<1x128xi32, #tpu.memory_space<vmem>>
      %dma_start3A_797 = tpu.memref_squeeze %dma_start3A_796 : memref<1x128xi32, #tpu.memory_space<vmem>> -> memref<128xi32, #tpu.memory_space<vmem>>
      %dma_start3A_798 = arith.constant 0 : i32
      %dma_start3A_799 = arith.constant 0 : i32
      %dma_start3A_800 = tpu.memref_slice %arg13[%dma_start3A_798, %dma_start3A_799] : memref<10000x64xf32, #tpu.memory_space<vmem_shared>> -> memref<10000x64xf32, #tpu.memory_space<vmem_shared>>
      tpu.enqueue_indirect_dma source(%dma_start3A_800 : memref<10000x64xf32, #tpu.memory_space<vmem_shared>>) target(%arg9 : memref<128x64xf32, #tpu.memory_space<vmem>>) offsets(%dma_start3A_797 : memref<128xi32, #tpu.memory_space<vmem>>) semaphore(%arg15 : memref<!tpu.dma_semaphore, #tpu.memory_space<semaphore_mem>>)
      %dma_wait3A_801 = arith.constant 0 : i32
      %dma_wait3A_802 = arith.constant 0 : i32
      %dma_wait3A_803 = tpu.memref_slice %arg7[%dma_wait3A_801, %dma_wait3A_802] : memref<40x128xi32, #tpu.memory_space<vmem>> -> memref<1x128xi32, #tpu.memory_space<vmem>>
      %dma_wait3A_804 = tpu.memref_squeeze %dma_wait3A_803 : memref<1x128xi32, #tpu.memory_space<vmem>> -> memref<128xi32, #tpu.memory_space<vmem>>
      %dma_wait3A_805 = arith.constant 0 : i32
      %dma_wait3A_806 = arith.constant 0 : i32
      %dma_wait3A_807 = tpu.memref_slice %arg13[%dma_wait3A_805, %dma_wait3A_806] : memref<10000x64xf32, #tpu.memory_space<vmem_shared>> -> memref<10000x64xf32, #tpu.memory_space<vmem_shared>>
      tpu.wait_indirect_dma semaphore(%arg18 : memref<!tpu.dma_semaphore, #tpu.memory_space<semaphore_mem>>) src(%dma_wait3A_807 : memref<10000x64xf32, #tpu.memory_space<vmem_shared>>) dst(%arg12 : memref<128x64xf32, #tpu.memory_space<vmem>>)
      %add3A_808 = arith.constant 3 : i32
      %add3A_809 = arith.addi %mul3A_707, %add3A_808 : i32
      %dma_start3A_810 = arith.constant 0 : i32
      %dma_start3A_811 = tpu.memref_slice %arg8[%add3A_809, %dma_start3A_810] : memref<40x128xi32, #tpu.memory_space<vmem>> -> memref<1x128xi32, #tpu.memory_space<vmem>>
      %dma_start3A_812 = tpu.memref_squeeze %dma_start3A_811 : memref<1x128xi32, #tpu.memory_space<vmem>> -> memref<128xi32, #tpu.memory_space<vmem>>
      %dma_start3A_813 = arith.constant 0 : i32
      %dma_start3A_814 = arith.constant 0 : i32
      %dma_start3A_815 = tpu.memref_slice %arg14[%dma_start3A_813, %dma_start3A_814] : memref<10240x64xf32, #tpu.memory_space<vmem_shared>> -> memref<10240x64xf32, #tpu.memory_space<vmem_shared>>
      tpu.enqueue_indirect_dma source(%arg12 : memref<128x64xf32, #tpu.memory_space<vmem>>) target(%dma_start3A_815 : memref<10240x64xf32, #tpu.memory_space<vmem_shared>>) offsets(%dma_start3A_812 : memref<128xi32, #tpu.memory_space<vmem>>) semaphore(%arg22 : memref<!tpu.dma_semaphore, #tpu.memory_space<semaphore_mem>>) {add = true}
      %dma_wait3A_816 = arith.constant 0 : i32
      %dma_wait3A_817 = arith.constant 0 : i32
      %dma_wait3A_818 = tpu.memref_slice %arg8[%dma_wait3A_816, %dma_wait3A_817] : memref<40x128xi32, #tpu.memory_space<vmem>> -> memref<1x128xi32, #tpu.memory_space<vmem>>
      %dma_wait3A_819 = tpu.memref_squeeze %dma_wait3A_818 : memref<1x128xi32, #tpu.memory_space<vmem>> -> memref<128xi32, #tpu.memory_space<vmem>>
      %dma_wait3A_820 = arith.constant 0 : i32
      %dma_wait3A_821 = arith.constant 0 : i32
      %dma_wait3A_822 = tpu.memref_slice %arg14[%dma_wait3A_820, %dma_wait3A_821] : memref<10240x64xf32, #tpu.memory_space<vmem_shared>> -> memref<10240x64xf32, #tpu.memory_space<vmem_shared>>
      tpu.wait_indirect_dma semaphore(%arg20 : memref<!tpu.dma_semaphore, #tpu.memory_space<semaphore_mem>>) src(%arg10 : memref<128x64xf32, #tpu.memory_space<vmem>>) dst(%dma_wait3A_822 : memref<10240x64xf32, #tpu.memory_space<vmem_shared>>)
      %add3A_823 = arith.constant 5 : i32
      %add3A_824 = arith.addi %mul3A_707, %add3A_823 : i32
      %min3A_825 = arith.constant 39 : i32
      %min3A_826 = arith.minsi %add3A_824, %min3A_825 : i32
      %dma_start3A_827 = arith.constant 0 : i32
      %dma_start3A_828 = tpu.memref_slice %arg7[%min3A_826, %dma_start3A_827] : memref<40x128xi32, #tpu.memory_space<vmem>> -> memref<1x128xi32, #tpu.memory_space<vmem>>
      %dma_start3A_829 = tpu.memref_squeeze %dma_start3A_828 : memref<1x128xi32, #tpu.memory_space<vmem>> -> memref<128xi32, #tpu.memory_space<vmem>>
      %dma_start3A_830 = arith.constant 0 : i32
      %dma_start3A_831 = arith.constant 0 : i32
      %dma_start3A_832 = tpu.memref_slice %arg13[%dma_start3A_830, %dma_start3A_831] : memref<10000x64xf32, #tpu.memory_space<vmem_shared>> -> memref<10000x64xf32, #tpu.memory_space<vmem_shared>>
      tpu.enqueue_indirect_dma source(%dma_start3A_832 : memref<10000x64xf32, #tpu.memory_space<vmem_shared>>) target(%arg10 : memref<128x64xf32, #tpu.memory_space<vmem>>) offsets(%dma_start3A_829 : memref<128xi32, #tpu.memory_space<vmem>>) semaphore(%arg16 : memref<!tpu.dma_semaphore, #tpu.memory_space<semaphore_mem>>)
    }
    %scan3A_671 = arith.constant 9 : i32
    %dma_wait3A_672 = arith.constant 0 : i32
    %dma_wait3A_673 = arith.constant 0 : i32
    %dma_wait3A_674 = tpu.memref_slice %arg7[%dma_wait3A_672, %dma_wait3A_673] : memref<40x128xi32, #tpu.memory_space<vmem>> -> memref<1x128xi32, #tpu.memory_space<vmem>>
    %dma_wait3A_675 = tpu.memref_squeeze %dma_wait3A_674 : memref<1x128xi32, #tpu.memory_space<vmem>> -> memref<128xi32, #tpu.memory_space<vmem>>
    %dma_wait3A_676 = arith.constant 0 : i32
    %dma_wait3A_677 = arith.constant 0 : i32
    %dma_wait3A_678 = tpu.memref_slice %arg13[%dma_wait3A_676, %dma_wait3A_677] : memref<10000x64xf32, #tpu.memory_space<vmem_shared>> -> memref<10000x64xf32, #tpu.memory_space<vmem_shared>>
    tpu.wait_indirect_dma semaphore(%arg15 : memref<!tpu.dma_semaphore, #tpu.memory_space<semaphore_mem>>) src(%dma_wait3A_678 : memref<10000x64xf32, #tpu.memory_space<vmem_shared>>) dst(%arg9 : memref<128x64xf32, #tpu.memory_space<vmem>>)
    %dma_wait3A_679 = arith.constant 0 : i32
    %dma_wait3A_680 = arith.constant 0 : i32
    %dma_wait3A_681 = tpu.memref_slice %arg7[%dma_wait3A_679, %dma_wait3A_680] : memref<40x128xi32, #tpu.memory_space<vmem>> -> memref<1x128xi32, #tpu.memory_space<vmem>>
    %dma_wait3A_682 = tpu.memref_squeeze %dma_wait3A_681 : memref<1x128xi32, #tpu.memory_space<vmem>> -> memref<128xi32, #tpu.memory_space<vmem>>
    %dma_wait3A_683 = arith.constant 0 : i32
    %dma_wait3A_684 = arith.constant 0 : i32
    %dma_wait3A_685 = tpu.memref_slice %arg13[%dma_wait3A_683, %dma_wait3A_684] : memref<10000x64xf32, #tpu.memory_space<vmem_shared>> -> memref<10000x64xf32, #tpu.memory_space<vmem_shared>>
    tpu.wait_indirect_dma semaphore(%arg16 : memref<!tpu.dma_semaphore, #tpu.memory_space<semaphore_mem>>) src(%dma_wait3A_685 : memref<10000x64xf32, #tpu.memory_space<vmem_shared>>) dst(%arg10 : memref<128x64xf32, #tpu.memory_space<vmem>>)
    %dma_wait3A_686 = arith.constant 0 : i32
    %dma_wait3A_687 = arith.constant 0 : i32
    %dma_wait3A_688 = tpu.memref_slice %arg8[%dma_wait3A_686, %dma_wait3A_687] : memref<40x128xi32, #tpu.memory_space<vmem>> -> memref<1x128xi32, #tpu.memory_space<vmem>>
    %dma_wait3A_689 = tpu.memref_squeeze %dma_wait3A_688 : memref<1x128xi32, #tpu.memory_space<vmem>> -> memref<128xi32, #tpu.memory_space<vmem>>
    %dma_wait3A_690 = arith.constant 0 : i32
    %dma_wait3A_691 = arith.constant 0 : i32
    %dma_wait3A_692 = tpu.memref_slice %arg14[%dma_wait3A_690, %dma_wait3A_691] : memref<10240x64xf32, #tpu.memory_space<vmem_shared>> -> memref<10240x64xf32, #tpu.memory_space<vmem_shared>>
    tpu.wait_indirect_dma semaphore(%arg21 : memref<!tpu.dma_semaphore, #tpu.memory_space<semaphore_mem>>) src(%arg11 : memref<128x64xf32, #tpu.memory_space<vmem>>) dst(%dma_wait3A_692 : memref<10240x64xf32, #tpu.memory_space<vmem_shared>>)
    %dma_wait3A_693 = arith.constant 0 : i32
    %dma_wait3A_694 = arith.constant 0 : i32
    %dma_wait3A_695 = tpu.memref_slice %arg8[%dma_wait3A_693, %dma_wait3A_694] : memref<40x128xi32, #tpu.memory_space<vmem>> -> memref<1x128xi32, #tpu.memory_space<vmem>>
    %dma_wait3A_696 = tpu.memref_squeeze %dma_wait3A_695 : memref<1x128xi32, #tpu.memory_space<vmem>> -> memref<128xi32, #tpu.memory_space<vmem>>
    %dma_wait3A_697 = arith.constant 0 : i32
    %dma_wait3A_698 = arith.constant 0 : i32
    %dma_wait3A_699 = tpu.memref_slice %arg14[%dma_wait3A_697, %dma_wait3A_698] : memref<10240x64xf32, #tpu.memory_space<vmem_shared>> -> memref<10240x64xf32, #tpu.memory_space<vmem_shared>>
    tpu.wait_indirect_dma semaphore(%arg22 : memref<!tpu.dma_semaphore, #tpu.memory_space<semaphore_mem>>) src(%arg12 : memref<128x64xf32, #tpu.memory_space<vmem>>) dst(%dma_wait3A_699 : memref<10240x64xf32, #tpu.memory_space<vmem_shared>>)
    %barrier3A_700 = arith.constant 0 : index
    tpu.barrier barrier_id(%barrier3A_700)
    %mul3A_701 = arith.constant 640 : i32
    %mul3A_702 = arith.muli %arg1, %mul3A_701 : i32
    %mul3A_703 = arith.constant 640 : i32
    %mul3A_704 = arith.muli %arg1, %mul3A_703 : i32
    "tpu.region"() ({
      %run_scoped3A = tpu.sem_alloc : memref<!tpu.dma_semaphore, #tpu.memory_space<semaphore_mem>>
      %dma_start3A_705 = arith.constant 64 : i32
      %dma_start3A_706 = tpu.memref_slice %arg6[%arg0, %mul3A_704, %dma_start3A_705] : memref<2x10240x128xf32, #tpu.memory_space<hbm>> -> memref<1x640x64xf32, #tpu.memory_space<hbm>>
      %dma_start3A_707 = tpu.memref_squeeze %dma_start3A_706 : memref<1x640x64xf32, #tpu.memory_space<hbm>> -> memref<640x64xf32, #tpu.memory_space<hbm>>
      %dma_start3A_708 = arith.constant 0 : i32
      %dma_start3A_709 = tpu.memref_slice %arg14[%mul3A_702, %dma_start3A_708] : memref<10240x64xf32, #tpu.memory_space<vmem_shared>> -> memref<640x64xf32, #tpu.memory_space<vmem_shared>>
      tpu.enqueue_dma source(%dma_start3A_709 : memref<640x64xf32, #tpu.memory_space<vmem_shared>>) target(%dma_start3A_707 : memref<640x64xf32, #tpu.memory_space<hbm>>) target_semaphore(%run_scoped3A : memref<!tpu.dma_semaphore, #tpu.memory_space<semaphore_mem>>)
      %dma_wait3A_710 = arith.constant 64 : i32
      %dma_wait3A_711 = tpu.memref_slice %arg6[%arg0, %mul3A_704, %dma_wait3A_710] : memref<2x10240x128xf32, #tpu.memory_space<hbm>> -> memref<1x640x64xf32, #tpu.memory_space<hbm>>
      %dma_wait3A_712 = tpu.memref_squeeze %dma_wait3A_711 : memref<1x640x64xf32, #tpu.memory_space<hbm>> -> memref<640x64xf32, #tpu.memory_space<hbm>>
      %dma_wait3A_713 = arith.constant 0 : i32
      %dma_wait3A_714 = tpu.memref_slice %arg14[%mul3A_702, %dma_wait3A_713] : memref<10240x64xf32, #tpu.memory_space<vmem_shared>> -> memref<640x64xf32, #tpu.memory_space<vmem_shared>>
      tpu.wait_dma2 semaphore(%run_scoped3A : memref<!tpu.dma_semaphore, #tpu.memory_space<semaphore_mem>>) src(%dma_wait3A_714 : memref<640x64xf32, #tpu.memory_space<vmem_shared>>) dst(%dma_wait3A_712 : memref<640x64xf32, #tpu.memory_space<hbm>>)
      tpu.yield
    }) : () -> ()
    return
  }
}

#map = affine_map<(d0, d1) -> (0, 0)>
#map1 = affine_map<(d0, d1) -> (0, 0, 0)>
module attributes {stable_mosaic.version = 14 : i64} {
  func.func @agg(%arg0: i32, %arg1: i32, %arg2: memref<10000x128xf32, #tpu.memory_space<hbm>>, %arg3: memref<32x80x128xi32, #tpu.memory_space<hbm>>, %arg4: memref<32x80x128xi32, #tpu.memory_space<hbm>>, %arg5: memref<640x64xf32, #tpu.memory_space<hbm>>, %arg6: memref<2x10240x128xf32, #tpu.memory_space<hbm>>, %arg7: memref<40x128xi32, #tpu.memory_space<vmem>>, %arg8: memref<40x128xi32, #tpu.memory_space<vmem>>, %arg9: memref<128x64xf32, #tpu.memory_space<vmem>>, %arg10: memref<128x64xf32, #tpu.memory_space<vmem>>, %arg11: memref<128x64xf32, #tpu.memory_space<vmem>>, %arg12: memref<128x64xf32, #tpu.memory_space<vmem>>, %arg13: memref<10000x64xf32, #tpu.memory_space<vmem_shared>>, %arg14: memref<10240x64xf32, #tpu.memory_space<vmem_shared>>, %arg15: memref<!tpu.dma_semaphore, #tpu.memory_space<semaphore_mem>>, %arg16: memref<!tpu.dma_semaphore, #tpu.memory_space<semaphore_mem>>, %arg17: memref<!tpu.dma_semaphore, #tpu.memory_space<semaphore_mem>>, %arg18: memref<!tpu.dma_semaphore, #tpu.memory_space<semaphore_mem>>, %arg19: memref<!tpu.dma_semaphore, #tpu.memory_space<semaphore_mem>>, %arg20: memref<!tpu.dma_semaphore, #tpu.memory_space<semaphore_mem>>, %arg21: memref<!tpu.dma_semaphore, #tpu.memory_space<semaphore_mem>>, %arg22: memref<!tpu.dma_semaphore, #tpu.memory_space<semaphore_mem>>) attributes {dimension_semantics = [#tpu.dimension_semantics<core_parallel>, #tpu.dimension_semantics<subcore_parallel>], iteration_bounds = array<i64: 2, 16>, scalar_prefetch = 0 : i64, scratch_operands = 16 : i64, tpu.core_type = #tpu.core_type<sc_vector_subcore>, window_params = [{transform_indices = #map}, {transform_indices = #map1}, {transform_indices = #map1}, {transform_indices = #map}, {transform_indices = #map1}]} {
    %mul3A = arith.constant 16 : i32
    %mul3A_0 = arith.muli %arg0, %mul3A : i32
    %add3A = arith.addi %mul3A_0, %arg1 : i32
    %mul3A_1 = arith.constant 625 : i32
    %mul3A_2 = arith.muli %arg1, %mul3A_1 : i32
    %mul3A_3 = arith.constant 625 : i32
    %mul3A_4 = arith.muli %arg1, %mul3A_3 : i32
    %dma_start3A = arith.constant 0 : i32
    %dma_start3A_5 = tpu.memref_slice %arg13[%mul3A_4, %dma_start3A] : memref<10000x64xf32, #tpu.memory_space<vmem_shared>> -> memref<625x64xf32, #tpu.memory_space<vmem_shared>>
    %dma_start3A_6 = arith.constant 0 : i32
    %dma_start3A_7 = tpu.memref_slice %arg2[%mul3A_2, %dma_start3A_6] : memref<10000x128xf32, #tpu.memory_space<hbm>> -> memref<625x64xf32, #tpu.memory_space<hbm>>
    tpu.enqueue_dma source(%dma_start3A_7 : memref<625x64xf32, #tpu.memory_space<hbm>>) target(%dma_start3A_5 : memref<625x64xf32, #tpu.memory_space<vmem_shared>>) target_semaphore(%arg15 : memref<!tpu.dma_semaphore, #tpu.memory_space<semaphore_mem>>)
    %mul3A_8 = arith.constant 640 : i32
    %mul3A_9 = arith.muli %arg1, %mul3A_8 : i32
    %dma_start3A_10 = arith.constant 0 : i32
    %dma_start3A_11 = tpu.memref_slice %arg14[%mul3A_9, %dma_start3A_10] : memref<10240x64xf32, #tpu.memory_space<vmem_shared>> -> memref<640x64xf32, #tpu.memory_space<vmem_shared>>
    tpu.enqueue_dma source(%arg5 : memref<640x64xf32, #tpu.memory_space<hbm>>) target(%dma_start3A_11 : memref<640x64xf32, #tpu.memory_space<vmem_shared>>) target_semaphore(%arg16 : memref<!tpu.dma_semaphore, #tpu.memory_space<semaphore_mem>>)
    %dma_start3A_12 = arith.constant 0 : i32
    %dma_start3A_13 = arith.constant 0 : i32
    %dma_start3A_14 = tpu.memref_slice %arg3[%add3A, %dma_start3A_12, %dma_start3A_13] : memref<32x80x128xi32, #tpu.memory_space<hbm>> -> memref<1x40x128xi32, #tpu.memory_space<hbm>>
    %dma_start3A_15 = tpu.memref_squeeze %dma_start3A_14 : memref<1x40x128xi32, #tpu.memory_space<hbm>> -> memref<40x128xi32, #tpu.memory_space<hbm>>
    %dma_start3A_16 = arith.constant 0 : i32
    %dma_start3A_17 = arith.constant 0 : i32
    %dma_start3A_18 = tpu.memref_slice %arg3[%add3A, %dma_start3A_16, %dma_start3A_17] : memref<32x80x128xi32, #tpu.memory_space<hbm>> -> memref<1x40x128xi32, #tpu.memory_space<hbm>>
    %dma_start3A_19 = tpu.memref_squeeze %dma_start3A_18 : memref<1x40x128xi32, #tpu.memory_space<hbm>> -> memref<40x128xi32, #tpu.memory_space<hbm>>
    tpu.enqueue_dma source(%dma_start3A_19 : memref<40x128xi32, #tpu.memory_space<hbm>>) target(%arg7 : memref<40x128xi32, #tpu.memory_space<vmem>>) target_semaphore(%arg17 : memref<!tpu.dma_semaphore, #tpu.memory_space<semaphore_mem>>)
    %dma_start3A_20 = arith.constant 0 : i32
    %dma_start3A_21 = arith.constant 0 : i32
    %dma_start3A_22 = tpu.memref_slice %arg4[%add3A, %dma_start3A_20, %dma_start3A_21] : memref<32x80x128xi32, #tpu.memory_space<hbm>> -> memref<1x40x128xi32, #tpu.memory_space<hbm>>
    %dma_start3A_23 = tpu.memref_squeeze %dma_start3A_22 : memref<1x40x128xi32, #tpu.memory_space<hbm>> -> memref<40x128xi32, #tpu.memory_space<hbm>>
    %dma_start3A_24 = arith.constant 0 : i32
    %dma_start3A_25 = arith.constant 0 : i32
    %dma_start3A_26 = tpu.memref_slice %arg4[%add3A, %dma_start3A_24, %dma_start3A_25] : memref<32x80x128xi32, #tpu.memory_space<hbm>> -> memref<1x40x128xi32, #tpu.memory_space<hbm>>
    %dma_start3A_27 = tpu.memref_squeeze %dma_start3A_26 : memref<1x40x128xi32, #tpu.memory_space<hbm>> -> memref<40x128xi32, #tpu.memory_space<hbm>>
    tpu.enqueue_dma source(%dma_start3A_27 : memref<40x128xi32, #tpu.memory_space<hbm>>) target(%arg8 : memref<40x128xi32, #tpu.memory_space<vmem>>) target_semaphore(%arg18 : memref<!tpu.dma_semaphore, #tpu.memory_space<semaphore_mem>>)
    %mul3A_28 = arith.constant 625 : i32
    %mul3A_29 = arith.muli %arg1, %mul3A_28 : i32
    %mul3A_30 = arith.constant 625 : i32
    %mul3A_31 = arith.muli %arg1, %mul3A_30 : i32
    %dma_wait3A = arith.constant 0 : i32
    %dma_wait3A_32 = tpu.memref_slice %arg13[%mul3A_31, %dma_wait3A] : memref<10000x64xf32, #tpu.memory_space<vmem_shared>> -> memref<625x64xf32, #tpu.memory_space<vmem_shared>>
    %dma_wait3A_33 = arith.constant 0 : i32
    %dma_wait3A_34 = tpu.memref_slice %arg2[%mul3A_29, %dma_wait3A_33] : memref<10000x128xf32, #tpu.memory_space<hbm>> -> memref<625x64xf32, #tpu.memory_space<hbm>>
    tpu.wait_dma2 semaphore(%arg15 : memref<!tpu.dma_semaphore, #tpu.memory_space<semaphore_mem>>) src(%dma_wait3A_34 : memref<625x64xf32, #tpu.memory_space<hbm>>) dst(%dma_wait3A_32 : memref<625x64xf32, #tpu.memory_space<vmem_shared>>)
    %mul3A_35 = arith.constant 640 : i32
    %mul3A_36 = arith.muli %arg1, %mul3A_35 : i32
    %dma_wait3A_37 = arith.constant 0 : i32
    %dma_wait3A_38 = tpu.memref_slice %arg14[%mul3A_36, %dma_wait3A_37] : memref<10240x64xf32, #tpu.memory_space<vmem_shared>> -> memref<640x64xf32, #tpu.memory_space<vmem_shared>>
    tpu.wait_dma2 semaphore(%arg16 : memref<!tpu.dma_semaphore, #tpu.memory_space<semaphore_mem>>) src(%arg5 : memref<640x64xf32, #tpu.memory_space<hbm>>) dst(%dma_wait3A_38 : memref<640x64xf32, #tpu.memory_space<vmem_shared>>)
    %dma_wait3A_39 = arith.constant 0 : i32
    %dma_wait3A_40 = arith.constant 0 : i32
    %dma_wait3A_41 = tpu.memref_slice %arg3[%add3A, %dma_wait3A_39, %dma_wait3A_40] : memref<32x80x128xi32, #tpu.memory_space<hbm>> -> memref<1x40x128xi32, #tpu.memory_space<hbm>>
    %dma_wait3A_42 = tpu.memref_squeeze %dma_wait3A_41 : memref<1x40x128xi32, #tpu.memory_space<hbm>> -> memref<40x128xi32, #tpu.memory_space<hbm>>
    %dma_wait3A_43 = arith.constant 0 : i32
    %dma_wait3A_44 = arith.constant 0 : i32
    %dma_wait3A_45 = tpu.memref_slice %arg3[%add3A, %dma_wait3A_43, %dma_wait3A_44] : memref<32x80x128xi32, #tpu.memory_space<hbm>> -> memref<1x40x128xi32, #tpu.memory_space<hbm>>
    %dma_wait3A_46 = tpu.memref_squeeze %dma_wait3A_45 : memref<1x40x128xi32, #tpu.memory_space<hbm>> -> memref<40x128xi32, #tpu.memory_space<hbm>>
    tpu.wait_dma2 semaphore(%arg17 : memref<!tpu.dma_semaphore, #tpu.memory_space<semaphore_mem>>) src(%dma_wait3A_46 : memref<40x128xi32, #tpu.memory_space<hbm>>) dst(%arg7 : memref<40x128xi32, #tpu.memory_space<vmem>>)
    %dma_wait3A_47 = arith.constant 0 : i32
    %dma_wait3A_48 = arith.constant 0 : i32
    %dma_wait3A_49 = tpu.memref_slice %arg4[%add3A, %dma_wait3A_47, %dma_wait3A_48] : memref<32x80x128xi32, #tpu.memory_space<hbm>> -> memref<1x40x128xi32, #tpu.memory_space<hbm>>
    %dma_wait3A_50 = tpu.memref_squeeze %dma_wait3A_49 : memref<1x40x128xi32, #tpu.memory_space<hbm>> -> memref<40x128xi32, #tpu.memory_space<hbm>>
    %dma_wait3A_51 = arith.constant 0 : i32
    %dma_wait3A_52 = arith.constant 0 : i32
    %dma_wait3A_53 = tpu.memref_slice %arg4[%add3A, %dma_wait3A_51, %dma_wait3A_52] : memref<32x80x128xi32, #tpu.memory_space<hbm>> -> memref<1x40x128xi32, #tpu.memory_space<hbm>>
    %dma_wait3A_54 = tpu.memref_squeeze %dma_wait3A_53 : memref<1x40x128xi32, #tpu.memory_space<hbm>> -> memref<40x128xi32, #tpu.memory_space<hbm>>
    tpu.wait_dma2 semaphore(%arg18 : memref<!tpu.dma_semaphore, #tpu.memory_space<semaphore_mem>>) src(%dma_wait3A_54 : memref<40x128xi32, #tpu.memory_space<hbm>>) dst(%arg8 : memref<40x128xi32, #tpu.memory_space<vmem>>)
    %barrier3A = arith.constant 0 : index
    tpu.barrier barrier_id(%barrier3A)
    %dma_start3A_55 = arith.constant 0 : i32
    %dma_start3A_56 = arith.constant 0 : i32
    %dma_start3A_57 = tpu.memref_slice %arg7[%dma_start3A_55, %dma_start3A_56] : memref<40x128xi32, #tpu.memory_space<vmem>> -> memref<1x128xi32, #tpu.memory_space<vmem>>
    %dma_start3A_58 = tpu.memref_squeeze %dma_start3A_57 : memref<1x128xi32, #tpu.memory_space<vmem>> -> memref<128xi32, #tpu.memory_space<vmem>>
    %dma_start3A_59 = arith.constant 0 : i32
    %dma_start3A_60 = arith.constant 0 : i32
    %dma_start3A_61 = tpu.memref_slice %arg13[%dma_start3A_59, %dma_start3A_60] : memref<10000x64xf32, #tpu.memory_space<vmem_shared>> -> memref<10000x64xf32, #tpu.memory_space<vmem_shared>>
    tpu.enqueue_indirect_dma source(%dma_start3A_61 : memref<10000x64xf32, #tpu.memory_space<vmem_shared>>) target(%arg9 : memref<128x64xf32, #tpu.memory_space<vmem>>) offsets(%dma_start3A_58 : memref<128xi32, #tpu.memory_space<vmem>>) semaphore(%arg15 : memref<!tpu.dma_semaphore, #tpu.memory_space<semaphore_mem>>)
    %dma_start3A_62 = arith.constant 1 : i32
    %dma_start3A_63 = arith.constant 0 : i32
    %dma_start3A_64 = tpu.memref_slice %arg7[%dma_start3A_62, %dma_start3A_63] : memref<40x128xi32, #tpu.memory_space<vmem>> -> memref<1x128xi32, #tpu.memory_space<vmem>>
    %dma_start3A_65 = tpu.memref_squeeze %dma_start3A_64 : memref<1x128xi32, #tpu.memory_space<vmem>> -> memref<128xi32, #tpu.memory_space<vmem>>
    %dma_start3A_66 = arith.constant 0 : i32
    %dma_start3A_67 = arith.constant 0 : i32
    %dma_start3A_68 = tpu.memref_slice %arg13[%dma_start3A_66, %dma_start3A_67] : memref<10000x64xf32, #tpu.memory_space<vmem_shared>> -> memref<10000x64xf32, #tpu.memory_space<vmem_shared>>
    tpu.enqueue_indirect_dma source(%dma_start3A_68 : memref<10000x64xf32, #tpu.memory_space<vmem_shared>>) target(%arg10 : memref<128x64xf32, #tpu.memory_space<vmem>>) offsets(%dma_start3A_65 : memref<128xi32, #tpu.memory_space<vmem>>) semaphore(%arg16 : memref<!tpu.dma_semaphore, #tpu.memory_space<semaphore_mem>>)
    %dma_wait3A_69 = arith.constant 0 : i32
    %dma_wait3A_70 = arith.constant 0 : i32
    %dma_wait3A_71 = tpu.memref_slice %arg7[%dma_wait3A_69, %dma_wait3A_70] : memref<40x128xi32, #tpu.memory_space<vmem>> -> memref<1x128xi32, #tpu.memory_space<vmem>>
    %dma_wait3A_72 = tpu.memref_squeeze %dma_wait3A_71 : memref<1x128xi32, #tpu.memory_space<vmem>> -> memref<128xi32, #tpu.memory_space<vmem>>
    %dma_wait3A_73 = arith.constant 0 : i32
    %dma_wait3A_74 = arith.constant 0 : i32
    %dma_wait3A_75 = tpu.memref_slice %arg13[%dma_wait3A_73, %dma_wait3A_74] : memref<10000x64xf32, #tpu.memory_space<vmem_shared>> -> memref<10000x64xf32, #tpu.memory_space<vmem_shared>>
    tpu.wait_indirect_dma semaphore(%arg15 : memref<!tpu.dma_semaphore, #tpu.memory_space<semaphore_mem>>) src(%dma_wait3A_75 : memref<10000x64xf32, #tpu.memory_space<vmem_shared>>) dst(%arg9 : memref<128x64xf32, #tpu.memory_space<vmem>>)
    %dma_start3A_76 = arith.constant 0 : i32
    %dma_start3A_77 = arith.constant 0 : i32
    %dma_start3A_78 = tpu.memref_slice %arg8[%dma_start3A_76, %dma_start3A_77] : memref<40x128xi32, #tpu.memory_space<vmem>> -> memref<1x128xi32, #tpu.memory_space<vmem>>
    %dma_start3A_79 = tpu.memref_squeeze %dma_start3A_78 : memref<1x128xi32, #tpu.memory_space<vmem>> -> memref<128xi32, #tpu.memory_space<vmem>>
    %dma_start3A_80 = arith.constant 0 : i32
    %dma_start3A_81 = arith.constant 0 : i32
    %dma_start3A_82 = tpu.memref_slice %arg14[%dma_start3A_80, %dma_start3A_81] : memref<10240x64xf32, #tpu.memory_space<vmem_shared>> -> memref<10240x64xf32, #tpu.memory_space<vmem_shared>>
    tpu.enqueue_indirect_dma source(%arg9 : memref<128x64xf32, #tpu.memory_space<vmem>>) target(%dma_start3A_82 : memref<10240x64xf32, #tpu.memory_space<vmem_shared>>) offsets(%dma_start3A_79 : memref<128xi32, #tpu.memory_space<vmem>>) semaphore(%arg19 : memref<!tpu.dma_semaphore, #tpu.memory_space<semaphore_mem>>) {add = true}
    %dma_start3A_83 = arith.constant 2 : i32
    %dma_start3A_84 = arith.constant 0 : i32
    %dma_start3A_85 = tpu.memref_slice %arg7[%dma_start3A_83, %dma_start3A_84] : memref<40x128xi32, #tpu.memory_space<vmem>> -> memref<1x128xi32, #tpu.memory_space<vmem>>
    %dma_start3A_86 = tpu.memref_squeeze %dma_start3A_85 : memref<1x128xi32, #tpu.memory_space<vmem>> -> memref<128xi32, #tpu.memory_space<vmem>>
    %dma_start3A_87 = arith.constant 0 : i32
    %dma_start3A_88 = arith.constant 0 : i32
    %dma_start3A_89 = tpu.memref_slice %arg13[%dma_start3A_87, %dma_start3A_88] : memref<10000x64xf32, #tpu.memory_space<vmem_shared>> -> memref<10000x64xf32, #tpu.memory_space<vmem_shared>>
    tpu.enqueue_indirect_dma source(%dma_start3A_89 : memref<10000x64xf32, #tpu.memory_space<vmem_shared>>) target(%arg11 : memref<128x64xf32, #tpu.memory_space<vmem>>) offsets(%dma_start3A_86 : memref<128xi32, #tpu.memory_space<vmem>>) semaphore(%arg17 : memref<!tpu.dma_semaphore, #tpu.memory_space<semaphore_mem>>)
    %dma_wait3A_90 = arith.constant 0 : i32
    %dma_wait3A_91 = arith.constant 0 : i32
    %dma_wait3A_92 = tpu.memref_slice %arg7[%dma_wait3A_90, %dma_wait3A_91] : memref<40x128xi32, #tpu.memory_space<vmem>> -> memref<1x128xi32, #tpu.memory_space<vmem>>
    %dma_wait3A_93 = tpu.memref_squeeze %dma_wait3A_92 : memref<1x128xi32, #tpu.memory_space<vmem>> -> memref<128xi32, #tpu.memory_space<vmem>>
    %dma_wait3A_94 = arith.constant 0 : i32
    %dma_wait3A_95 = arith.constant 0 : i32
    %dma_wait3A_96 = tpu.memref_slice %arg13[%dma_wait3A_94, %dma_wait3A_95] : memref<10000x64xf32, #tpu.memory_space<vmem_shared>> -> memref<10000x64xf32, #tpu.memory_space<vmem_shared>>
    tpu.wait_indirect_dma semaphore(%arg16 : memref<!tpu.dma_semaphore, #tpu.memory_space<semaphore_mem>>) src(%dma_wait3A_96 : memref<10000x64xf32, #tpu.memory_space<vmem_shared>>) dst(%arg10 : memref<128x64xf32, #tpu.memory_space<vmem>>)
    %dma_start3A_97 = arith.constant 1 : i32
    %dma_start3A_98 = arith.constant 0 : i32
    %dma_start3A_99 = tpu.memref_slice %arg8[%dma_start3A_97, %dma_start3A_98] : memref<40x128xi32, #tpu.memory_space<vmem>> -> memref<1x128xi32, #tpu.memory_space<vmem>>
    %dma_start3A_100 = tpu.memref_squeeze %dma_start3A_99 : memref<1x128xi32, #tpu.memory_space<vmem>> -> memref<128xi32, #tpu.memory_space<vmem>>
    %dma_start3A_101 = arith.constant 0 : i32
    %dma_start3A_102 = arith.constant 0 : i32
    %dma_start3A_103 = tpu.memref_slice %arg14[%dma_start3A_101, %dma_start3A_102] : memref<10240x64xf32, #tpu.memory_space<vmem_shared>> -> memref<10240x64xf32, #tpu.memory_space<vmem_shared>>
    tpu.enqueue_indirect_dma source(%arg10 : memref<128x64xf32, #tpu.memory_space<vmem>>) target(%dma_start3A_103 : memref<10240x64xf32, #tpu.memory_space<vmem_shared>>) offsets(%dma_start3A_100 : memref<128xi32, #tpu.memory_space<vmem>>) semaphore(%arg20 : memref<!tpu.dma_semaphore, #tpu.memory_space<semaphore_mem>>) {add = true}
    %dma_start3A_104 = arith.constant 3 : i32
    %dma_start3A_105 = arith.constant 0 : i32
    %dma_start3A_106 = tpu.memref_slice %arg7[%dma_start3A_104, %dma_start3A_105] : memref<40x128xi32, #tpu.memory_space<vmem>> -> memref<1x128xi32, #tpu.memory_space<vmem>>
    %dma_start3A_107 = tpu.memref_squeeze %dma_start3A_106 : memref<1x128xi32, #tpu.memory_space<vmem>> -> memref<128xi32, #tpu.memory_space<vmem>>
    %dma_start3A_108 = arith.constant 0 : i32
    %dma_start3A_109 = arith.constant 0 : i32
    %dma_start3A_110 = tpu.memref_slice %arg13[%dma_start3A_108, %dma_start3A_109] : memref<10000x64xf32, #tpu.memory_space<vmem_shared>> -> memref<10000x64xf32, #tpu.memory_space<vmem_shared>>
    tpu.enqueue_indirect_dma source(%dma_start3A_110 : memref<10000x64xf32, #tpu.memory_space<vmem_shared>>) target(%arg12 : memref<128x64xf32, #tpu.memory_space<vmem>>) offsets(%dma_start3A_107 : memref<128xi32, #tpu.memory_space<vmem>>) semaphore(%arg18 : memref<!tpu.dma_semaphore, #tpu.memory_space<semaphore_mem>>)
    %dma_wait3A_111 = arith.constant 0 : i32
    %dma_wait3A_112 = arith.constant 0 : i32
    %dma_wait3A_113 = tpu.memref_slice %arg7[%dma_wait3A_111, %dma_wait3A_112] : memref<40x128xi32, #tpu.memory_space<vmem>> -> memref<1x128xi32, #tpu.memory_space<vmem>>
    %dma_wait3A_114 = tpu.memref_squeeze %dma_wait3A_113 : memref<1x128xi32, #tpu.memory_space<vmem>> -> memref<128xi32, #tpu.memory_space<vmem>>
    %dma_wait3A_115 = arith.constant 0 : i32
    %dma_wait3A_116 = arith.constant 0 : i32
    %dma_wait3A_117 = tpu.memref_slice %arg13[%dma_wait3A_115, %dma_wait3A_116] : memref<10000x64xf32, #tpu.memory_space<vmem_shared>> -> memref<10000x64xf32, #tpu.memory_space<vmem_shared>>
    tpu.wait_indirect_dma semaphore(%arg17 : memref<!tpu.dma_semaphore, #tpu.memory_space<semaphore_mem>>) src(%dma_wait3A_117 : memref<10000x64xf32, #tpu.memory_space<vmem_shared>>) dst(%arg11 : memref<128x64xf32, #tpu.memory_space<vmem>>)
    %dma_start3A_118 = arith.constant 2 : i32
    %dma_start3A_119 = arith.constant 0 : i32
    %dma_start3A_120 = tpu.memref_slice %arg8[%dma_start3A_118, %dma_start3A_119] : memref<40x128xi32, #tpu.memory_space<vmem>> -> memref<1x128xi32, #tpu.memory_space<vmem>>
    %dma_start3A_121 = tpu.memref_squeeze %dma_start3A_120 : memref<1x128xi32, #tpu.memory_space<vmem>> -> memref<128xi32, #tpu.memory_space<vmem>>
    %dma_start3A_122 = arith.constant 0 : i32
    %dma_start3A_123 = arith.constant 0 : i32
    %dma_start3A_124 = tpu.memref_slice %arg14[%dma_start3A_122, %dma_start3A_123] : memref<10240x64xf32, #tpu.memory_space<vmem_shared>> -> memref<10240x64xf32, #tpu.memory_space<vmem_shared>>
    tpu.enqueue_indirect_dma source(%arg11 : memref<128x64xf32, #tpu.memory_space<vmem>>) target(%dma_start3A_124 : memref<10240x64xf32, #tpu.memory_space<vmem_shared>>) offsets(%dma_start3A_121 : memref<128xi32, #tpu.memory_space<vmem>>) semaphore(%arg21 : memref<!tpu.dma_semaphore, #tpu.memory_space<semaphore_mem>>) {add = true}
    %dma_wait3A_125 = arith.constant 0 : i32
    %dma_wait3A_126 = arith.constant 0 : i32
    %dma_wait3A_127 = tpu.memref_slice %arg8[%dma_wait3A_125, %dma_wait3A_126] : memref<40x128xi32, #tpu.memory_space<vmem>> -> memref<1x128xi32, #tpu.memory_space<vmem>>
    %dma_wait3A_128 = tpu.memref_squeeze %dma_wait3A_127 : memref<1x128xi32, #tpu.memory_space<vmem>> -> memref<128xi32, #tpu.memory_space<vmem>>
    %dma_wait3A_129 = arith.constant 0 : i32
    %dma_wait3A_130 = arith.constant 0 : i32
    %dma_wait3A_131 = tpu.memref_slice %arg14[%dma_wait3A_129, %dma_wait3A_130] : memref<10240x64xf32, #tpu.memory_space<vmem_shared>> -> memref<10240x64xf32, #tpu.memory_space<vmem_shared>>
    tpu.wait_indirect_dma semaphore(%arg19 : memref<!tpu.dma_semaphore, #tpu.memory_space<semaphore_mem>>) src(%arg9 : memref<128x64xf32, #tpu.memory_space<vmem>>) dst(%dma_wait3A_131 : memref<10240x64xf32, #tpu.memory_space<vmem_shared>>)
    %dma_start3A_132 = arith.constant 4 : i32
    %dma_start3A_133 = arith.constant 0 : i32
    %dma_start3A_134 = tpu.memref_slice %arg7[%dma_start3A_132, %dma_start3A_133] : memref<40x128xi32, #tpu.memory_space<vmem>> -> memref<1x128xi32, #tpu.memory_space<vmem>>
    %dma_start3A_135 = tpu.memref_squeeze %dma_start3A_134 : memref<1x128xi32, #tpu.memory_space<vmem>> -> memref<128xi32, #tpu.memory_space<vmem>>
    %dma_start3A_136 = arith.constant 0 : i32
    %dma_start3A_137 = arith.constant 0 : i32
    %dma_start3A_138 = tpu.memref_slice %arg13[%dma_start3A_136, %dma_start3A_137] : memref<10000x64xf32, #tpu.memory_space<vmem_shared>> -> memref<10000x64xf32, #tpu.memory_space<vmem_shared>>
    tpu.enqueue_indirect_dma source(%dma_start3A_138 : memref<10000x64xf32, #tpu.memory_space<vmem_shared>>) target(%arg9 : memref<128x64xf32, #tpu.memory_space<vmem>>) offsets(%dma_start3A_135 : memref<128xi32, #tpu.memory_space<vmem>>) semaphore(%arg15 : memref<!tpu.dma_semaphore, #tpu.memory_space<semaphore_mem>>)
    %dma_wait3A_139 = arith.constant 0 : i32
    %dma_wait3A_140 = arith.constant 0 : i32
    %dma_wait3A_141 = tpu.memref_slice %arg7[%dma_wait3A_139, %dma_wait3A_140] : memref<40x128xi32, #tpu.memory_space<vmem>> -> memref<1x128xi32, #tpu.memory_space<vmem>>
    %dma_wait3A_142 = tpu.memref_squeeze %dma_wait3A_141 : memref<1x128xi32, #tpu.memory_space<vmem>> -> memref<128xi32, #tpu.memory_space<vmem>>
    %dma_wait3A_143 = arith.constant 0 : i32
    %dma_wait3A_144 = arith.constant 0 : i32
    %dma_wait3A_145 = tpu.memref_slice %arg13[%dma_wait3A_143, %dma_wait3A_144] : memref<10000x64xf32, #tpu.memory_space<vmem_shared>> -> memref<10000x64xf32, #tpu.memory_space<vmem_shared>>
    tpu.wait_indirect_dma semaphore(%arg18 : memref<!tpu.dma_semaphore, #tpu.memory_space<semaphore_mem>>) src(%dma_wait3A_145 : memref<10000x64xf32, #tpu.memory_space<vmem_shared>>) dst(%arg12 : memref<128x64xf32, #tpu.memory_space<vmem>>)
    %dma_start3A_146 = arith.constant 3 : i32
    %dma_start3A_147 = arith.constant 0 : i32
    %dma_start3A_148 = tpu.memref_slice %arg8[%dma_start3A_146, %dma_start3A_147] : memref<40x128xi32, #tpu.memory_space<vmem>> -> memref<1x128xi32, #tpu.memory_space<vmem>>
    %dma_start3A_149 = tpu.memref_squeeze %dma_start3A_148 : memref<1x128xi32, #tpu.memory_space<vmem>> -> memref<128xi32, #tpu.memory_space<vmem>>
    %dma_start3A_150 = arith.constant 0 : i32
    %dma_start3A_151 = arith.constant 0 : i32
    %dma_start3A_152 = tpu.memref_slice %arg14[%dma_start3A_150, %dma_start3A_151] : memref<10240x64xf32, #tpu.memory_space<vmem_shared>> -> memref<10240x64xf32, #tpu.memory_space<vmem_shared>>
    tpu.enqueue_indirect_dma source(%arg12 : memref<128x64xf32, #tpu.memory_space<vmem>>) target(%dma_start3A_152 : memref<10240x64xf32, #tpu.memory_space<vmem_shared>>) offsets(%dma_start3A_149 : memref<128xi32, #tpu.memory_space<vmem>>) semaphore(%arg22 : memref<!tpu.dma_semaphore, #tpu.memory_space<semaphore_mem>>) {add = true}
    %dma_wait3A_153 = arith.constant 0 : i32
    %dma_wait3A_154 = arith.constant 0 : i32
    %dma_wait3A_155 = tpu.memref_slice %arg8[%dma_wait3A_153, %dma_wait3A_154] : memref<40x128xi32, #tpu.memory_space<vmem>> -> memref<1x128xi32, #tpu.memory_space<vmem>>
    %dma_wait3A_156 = tpu.memref_squeeze %dma_wait3A_155 : memref<1x128xi32, #tpu.memory_space<vmem>> -> memref<128xi32, #tpu.memory_space<vmem>>
    %dma_wait3A_157 = arith.constant 0 : i32
    %dma_wait3A_158 = arith.constant 0 : i32
    %dma_wait3A_159 = tpu.memref_slice %arg14[%dma_wait3A_157, %dma_wait3A_158] : memref<10240x64xf32, #tpu.memory_space<vmem_shared>> -> memref<10240x64xf32, #tpu.memory_space<vmem_shared>>
    tpu.wait_indirect_dma semaphore(%arg20 : memref<!tpu.dma_semaphore, #tpu.memory_space<semaphore_mem>>) src(%arg10 : memref<128x64xf32, #tpu.memory_space<vmem>>) dst(%dma_wait3A_159 : memref<10240x64xf32, #tpu.memory_space<vmem_shared>>)
    %dma_start3A_160 = arith.constant 5 : i32
    %dma_start3A_161 = arith.constant 0 : i32
    %dma_start3A_162 = tpu.memref_slice %arg7[%dma_start3A_160, %dma_start3A_161] : memref<40x128xi32, #tpu.memory_space<vmem>> -> memref<1x128xi32, #tpu.memory_space<vmem>>
    %dma_start3A_163 = tpu.memref_squeeze %dma_start3A_162 : memref<1x128xi32, #tpu.memory_space<vmem>> -> memref<128xi32, #tpu.memory_space<vmem>>
    %dma_start3A_164 = arith.constant 0 : i32
    %dma_start3A_165 = arith.constant 0 : i32
    %dma_start3A_166 = tpu.memref_slice %arg13[%dma_start3A_164, %dma_start3A_165] : memref<10000x64xf32, #tpu.memory_space<vmem_shared>> -> memref<10000x64xf32, #tpu.memory_space<vmem_shared>>
    tpu.enqueue_indirect_dma source(%dma_start3A_166 : memref<10000x64xf32, #tpu.memory_space<vmem_shared>>) target(%arg10 : memref<128x64xf32, #tpu.memory_space<vmem>>) offsets(%dma_start3A_163 : memref<128xi32, #tpu.memory_space<vmem>>) semaphore(%arg16 : memref<!tpu.dma_semaphore, #tpu.memory_space<semaphore_mem>>)
    %scan3A = arith.constant 0 : i32
    %scan3A_167 = arith.constant 1 : i32
    %scan3A_168 = arith.constant 9 : i32
    %scan3A_169 = arith.addi %scan3A_167, %scan3A_168 : i32
    %scan3A_170 = arith.constant 1 : i32
    scf.for %scan3A_351 = %scan3A_167 to %scan3A_169 step %scan3A_170  : i32 {
      %mul3A_352 = arith.constant 4 : i32
      %mul3A_353 = arith.muli %mul3A_352, %scan3A_351 : i32
      %dma_wait3A_354 = arith.constant 0 : i32
      %dma_wait3A_355 = arith.constant 0 : i32
      %dma_wait3A_356 = tpu.memref_slice %arg7[%dma_wait3A_354, %dma_wait3A_355] : memref<40x128xi32, #tpu.memory_space<vmem>> -> memref<1x128xi32, #tpu.memory_space<vmem>>
      %dma_wait3A_357 = tpu.memref_squeeze %dma_wait3A_356 : memref<1x128xi32, #tpu.memory_space<vmem>> -> memref<128xi32, #tpu.memory_space<vmem>>
      %dma_wait3A_358 = arith.constant 0 : i32
      %dma_wait3A_359 = arith.constant 0 : i32
      %dma_wait3A_360 = tpu.memref_slice %arg13[%dma_wait3A_358, %dma_wait3A_359] : memref<10000x64xf32, #tpu.memory_space<vmem_shared>> -> memref<10000x64xf32, #tpu.memory_space<vmem_shared>>
      tpu.wait_indirect_dma semaphore(%arg15 : memref<!tpu.dma_semaphore, #tpu.memory_space<semaphore_mem>>) src(%dma_wait3A_360 : memref<10000x64xf32, #tpu.memory_space<vmem_shared>>) dst(%arg9 : memref<128x64xf32, #tpu.memory_space<vmem>>)
      %dma_start3A_361 = arith.constant 0 : i32
      %dma_start3A_362 = tpu.memref_slice %arg8[%mul3A_353, %dma_start3A_361] : memref<40x128xi32, #tpu.memory_space<vmem>> -> memref<1x128xi32, #tpu.memory_space<vmem>>
      %dma_start3A_363 = tpu.memref_squeeze %dma_start3A_362 : memref<1x128xi32, #tpu.memory_space<vmem>> -> memref<128xi32, #tpu.memory_space<vmem>>
      %dma_start3A_364 = arith.constant 0 : i32
      %dma_start3A_365 = arith.constant 0 : i32
      %dma_start3A_366 = tpu.memref_slice %arg14[%dma_start3A_364, %dma_start3A_365] : memref<10240x64xf32, #tpu.memory_space<vmem_shared>> -> memref<10240x64xf32, #tpu.memory_space<vmem_shared>>
      tpu.enqueue_indirect_dma source(%arg9 : memref<128x64xf32, #tpu.memory_space<vmem>>) target(%dma_start3A_366 : memref<10240x64xf32, #tpu.memory_space<vmem_shared>>) offsets(%dma_start3A_363 : memref<128xi32, #tpu.memory_space<vmem>>) semaphore(%arg19 : memref<!tpu.dma_semaphore, #tpu.memory_space<semaphore_mem>>) {add = true}
      %dma_wait3A_367 = arith.constant 0 : i32
      %dma_wait3A_368 = arith.constant 0 : i32
      %dma_wait3A_369 = tpu.memref_slice %arg8[%dma_wait3A_367, %dma_wait3A_368] : memref<40x128xi32, #tpu.memory_space<vmem>> -> memref<1x128xi32, #tpu.memory_space<vmem>>
      %dma_wait3A_370 = tpu.memref_squeeze %dma_wait3A_369 : memref<1x128xi32, #tpu.memory_space<vmem>> -> memref<128xi32, #tpu.memory_space<vmem>>
      %dma_wait3A_371 = arith.constant 0 : i32
      %dma_wait3A_372 = arith.constant 0 : i32
      %dma_wait3A_373 = tpu.memref_slice %arg14[%dma_wait3A_371, %dma_wait3A_372] : memref<10240x64xf32, #tpu.memory_space<vmem_shared>> -> memref<10240x64xf32, #tpu.memory_space<vmem_shared>>
      tpu.wait_indirect_dma semaphore(%arg21 : memref<!tpu.dma_semaphore, #tpu.memory_space<semaphore_mem>>) src(%arg11 : memref<128x64xf32, #tpu.memory_space<vmem>>) dst(%dma_wait3A_373 : memref<10240x64xf32, #tpu.memory_space<vmem_shared>>)
      %add3A_374 = arith.constant 2 : i32
      %add3A_375 = arith.addi %mul3A_353, %add3A_374 : i32
      %min3A = arith.constant 39 : i32
      %min3A_376 = arith.minsi %add3A_375, %min3A : i32
      %dma_start3A_377 = arith.constant 0 : i32
      %dma_start3A_378 = tpu.memref_slice %arg7[%min3A_376, %dma_start3A_377] : memref<40x128xi32, #tpu.memory_space<vmem>> -> memref<1x128xi32, #tpu.memory_space<vmem>>
      %dma_start3A_379 = tpu.memref_squeeze %dma_start3A_378 : memref<1x128xi32, #tpu.memory_space<vmem>> -> memref<128xi32, #tpu.memory_space<vmem>>
      %dma_start3A_380 = arith.constant 0 : i32
      %dma_start3A_381 = arith.constant 0 : i32
      %dma_start3A_382 = tpu.memref_slice %arg13[%dma_start3A_380, %dma_start3A_381] : memref<10000x64xf32, #tpu.memory_space<vmem_shared>> -> memref<10000x64xf32, #tpu.memory_space<vmem_shared>>
      tpu.enqueue_indirect_dma source(%dma_start3A_382 : memref<10000x64xf32, #tpu.memory_space<vmem_shared>>) target(%arg11 : memref<128x64xf32, #tpu.memory_space<vmem>>) offsets(%dma_start3A_379 : memref<128xi32, #tpu.memory_space<vmem>>) semaphore(%arg17 : memref<!tpu.dma_semaphore, #tpu.memory_space<semaphore_mem>>)
      %dma_wait3A_383 = arith.constant 0 : i32
      %dma_wait3A_384 = arith.constant 0 : i32
      %dma_wait3A_385 = tpu.memref_slice %arg7[%dma_wait3A_383, %dma_wait3A_384] : memref<40x128xi32, #tpu.memory_space<vmem>> -> memref<1x128xi32, #tpu.memory_space<vmem>>
      %dma_wait3A_386 = tpu.memref_squeeze %dma_wait3A_385 : memref<1x128xi32, #tpu.memory_space<vmem>> -> memref<128xi32, #tpu.memory_space<vmem>>
      %dma_wait3A_387 = arith.constant 0 : i32
      %dma_wait3A_388 = arith.constant 0 : i32
      %dma_wait3A_389 = tpu.memref_slice %arg13[%dma_wait3A_387, %dma_wait3A_388] : memref<10000x64xf32, #tpu.memory_space<vmem_shared>> -> memref<10000x64xf32, #tpu.memory_space<vmem_shared>>
      tpu.wait_indirect_dma semaphore(%arg16 : memref<!tpu.dma_semaphore, #tpu.memory_space<semaphore_mem>>) src(%dma_wait3A_389 : memref<10000x64xf32, #tpu.memory_space<vmem_shared>>) dst(%arg10 : memref<128x64xf32, #tpu.memory_space<vmem>>)
      %add3A_390 = arith.constant 1 : i32
      %add3A_391 = arith.addi %mul3A_353, %add3A_390 : i32
      %dma_start3A_392 = arith.constant 0 : i32
      %dma_start3A_393 = tpu.memref_slice %arg8[%add3A_391, %dma_start3A_392] : memref<40x128xi32, #tpu.memory_space<vmem>> -> memref<1x128xi32, #tpu.memory_space<vmem>>
      %dma_start3A_394 = tpu.memref_squeeze %dma_start3A_393 : memref<1x128xi32, #tpu.memory_space<vmem>> -> memref<128xi32, #tpu.memory_space<vmem>>
      %dma_start3A_395 = arith.constant 0 : i32
      %dma_start3A_396 = arith.constant 0 : i32
      %dma_start3A_397 = tpu.memref_slice %arg14[%dma_start3A_395, %dma_start3A_396] : memref<10240x64xf32, #tpu.memory_space<vmem_shared>> -> memref<10240x64xf32, #tpu.memory_space<vmem_shared>>
      tpu.enqueue_indirect_dma source(%arg10 : memref<128x64xf32, #tpu.memory_space<vmem>>) target(%dma_start3A_397 : memref<10240x64xf32, #tpu.memory_space<vmem_shared>>) offsets(%dma_start3A_394 : memref<128xi32, #tpu.memory_space<vmem>>) semaphore(%arg20 : memref<!tpu.dma_semaphore, #tpu.memory_space<semaphore_mem>>) {add = true}
      %dma_wait3A_398 = arith.constant 0 : i32
      %dma_wait3A_399 = arith.constant 0 : i32
      %dma_wait3A_400 = tpu.memref_slice %arg8[%dma_wait3A_398, %dma_wait3A_399] : memref<40x128xi32, #tpu.memory_space<vmem>> -> memref<1x128xi32, #tpu.memory_space<vmem>>
      %dma_wait3A_401 = tpu.memref_squeeze %dma_wait3A_400 : memref<1x128xi32, #tpu.memory_space<vmem>> -> memref<128xi32, #tpu.memory_space<vmem>>
      %dma_wait3A_402 = arith.constant 0 : i32
      %dma_wait3A_403 = arith.constant 0 : i32
      %dma_wait3A_404 = tpu.memref_slice %arg14[%dma_wait3A_402, %dma_wait3A_403] : memref<10240x64xf32, #tpu.memory_space<vmem_shared>> -> memref<10240x64xf32, #tpu.memory_space<vmem_shared>>
      tpu.wait_indirect_dma semaphore(%arg22 : memref<!tpu.dma_semaphore, #tpu.memory_space<semaphore_mem>>) src(%arg12 : memref<128x64xf32, #tpu.memory_space<vmem>>) dst(%dma_wait3A_404 : memref<10240x64xf32, #tpu.memory_space<vmem_shared>>)
      %add3A_405 = arith.constant 3 : i32
      %add3A_406 = arith.addi %mul3A_353, %add3A_405 : i32
      %min3A_407 = arith.constant 39 : i32
      %min3A_408 = arith.minsi %add3A_406, %min3A_407 : i32
      %dma_start3A_409 = arith.constant 0 : i32
      %dma_start3A_410 = tpu.memref_slice %arg7[%min3A_408, %dma_start3A_409] : memref<40x128xi32, #tpu.memory_space<vmem>> -> memref<1x128xi32, #tpu.memory_space<vmem>>
      %dma_start3A_411 = tpu.memref_squeeze %dma_start3A_410 : memref<1x128xi32, #tpu.memory_space<vmem>> -> memref<128xi32, #tpu.memory_space<vmem>>
      %dma_start3A_412 = arith.constant 0 : i32
      %dma_start3A_413 = arith.constant 0 : i32
      %dma_start3A_414 = tpu.memref_slice %arg13[%dma_start3A_412, %dma_start3A_413] : memref<10000x64xf32, #tpu.memory_space<vmem_shared>> -> memref<10000x64xf32, #tpu.memory_space<vmem_shared>>
      tpu.enqueue_indirect_dma source(%dma_start3A_414 : memref<10000x64xf32, #tpu.memory_space<vmem_shared>>) target(%arg12 : memref<128x64xf32, #tpu.memory_space<vmem>>) offsets(%dma_start3A_411 : memref<128xi32, #tpu.memory_space<vmem>>) semaphore(%arg18 : memref<!tpu.dma_semaphore, #tpu.memory_space<semaphore_mem>>)
      %dma_wait3A_415 = arith.constant 0 : i32
      %dma_wait3A_416 = arith.constant 0 : i32
      %dma_wait3A_417 = tpu.memref_slice %arg7[%dma_wait3A_415, %dma_wait3A_416] : memref<40x128xi32, #tpu.memory_space<vmem>> -> memref<1x128xi32, #tpu.memory_space<vmem>>
      %dma_wait3A_418 = tpu.memref_squeeze %dma_wait3A_417 : memref<1x128xi32, #tpu.memory_space<vmem>> -> memref<128xi32, #tpu.memory_space<vmem>>
      %dma_wait3A_419 = arith.constant 0 : i32
      %dma_wait3A_420 = arith.constant 0 : i32
      %dma_wait3A_421 = tpu.memref_slice %arg13[%dma_wait3A_419, %dma_wait3A_420] : memref<10000x64xf32, #tpu.memory_space<vmem_shared>> -> memref<10000x64xf32, #tpu.memory_space<vmem_shared>>
      tpu.wait_indirect_dma semaphore(%arg17 : memref<!tpu.dma_semaphore, #tpu.memory_space<semaphore_mem>>) src(%dma_wait3A_421 : memref<10000x64xf32, #tpu.memory_space<vmem_shared>>) dst(%arg11 : memref<128x64xf32, #tpu.memory_space<vmem>>)
      %add3A_422 = arith.constant 2 : i32
      %add3A_423 = arith.addi %mul3A_353, %add3A_422 : i32
      %dma_start3A_424 = arith.constant 0 : i32
      %dma_start3A_425 = tpu.memref_slice %arg8[%add3A_423, %dma_start3A_424] : memref<40x128xi32, #tpu.memory_space<vmem>> -> memref<1x128xi32, #tpu.memory_space<vmem>>
      %dma_start3A_426 = tpu.memref_squeeze %dma_start3A_425 : memref<1x128xi32, #tpu.memory_space<vmem>> -> memref<128xi32, #tpu.memory_space<vmem>>
      %dma_start3A_427 = arith.constant 0 : i32
      %dma_start3A_428 = arith.constant 0 : i32
      %dma_start3A_429 = tpu.memref_slice %arg14[%dma_start3A_427, %dma_start3A_428] : memref<10240x64xf32, #tpu.memory_space<vmem_shared>> -> memref<10240x64xf32, #tpu.memory_space<vmem_shared>>
      tpu.enqueue_indirect_dma source(%arg11 : memref<128x64xf32, #tpu.memory_space<vmem>>) target(%dma_start3A_429 : memref<10240x64xf32, #tpu.memory_space<vmem_shared>>) offsets(%dma_start3A_426 : memref<128xi32, #tpu.memory_space<vmem>>) semaphore(%arg21 : memref<!tpu.dma_semaphore, #tpu.memory_space<semaphore_mem>>) {add = true}
      %dma_wait3A_430 = arith.constant 0 : i32
      %dma_wait3A_431 = arith.constant 0 : i32
      %dma_wait3A_432 = tpu.memref_slice %arg8[%dma_wait3A_430, %dma_wait3A_431] : memref<40x128xi32, #tpu.memory_space<vmem>> -> memref<1x128xi32, #tpu.memory_space<vmem>>
      %dma_wait3A_433 = tpu.memref_squeeze %dma_wait3A_432 : memref<1x128xi32, #tpu.memory_space<vmem>> -> memref<128xi32, #tpu.memory_space<vmem>>
      %dma_wait3A_434 = arith.constant 0 : i32
      %dma_wait3A_435 = arith.constant 0 : i32
      %dma_wait3A_436 = tpu.memref_slice %arg14[%dma_wait3A_434, %dma_wait3A_435] : memref<10240x64xf32, #tpu.memory_space<vmem_shared>> -> memref<10240x64xf32, #tpu.memory_space<vmem_shared>>
      tpu.wait_indirect_dma semaphore(%arg19 : memref<!tpu.dma_semaphore, #tpu.memory_space<semaphore_mem>>) src(%arg9 : memref<128x64xf32, #tpu.memory_space<vmem>>) dst(%dma_wait3A_436 : memref<10240x64xf32, #tpu.memory_space<vmem_shared>>)
      %add3A_437 = arith.constant 4 : i32
      %add3A_438 = arith.addi %mul3A_353, %add3A_437 : i32
      %min3A_439 = arith.constant 39 : i32
      %min3A_440 = arith.minsi %add3A_438, %min3A_439 : i32
      %dma_start3A_441 = arith.constant 0 : i32
      %dma_start3A_442 = tpu.memref_slice %arg7[%min3A_440, %dma_start3A_441] : memref<40x128xi32, #tpu.memory_space<vmem>> -> memref<1x128xi32, #tpu.memory_space<vmem>>
      %dma_start3A_443 = tpu.memref_squeeze %dma_start3A_442 : memref<1x128xi32, #tpu.memory_space<vmem>> -> memref<128xi32, #tpu.memory_space<vmem>>
      %dma_start3A_444 = arith.constant 0 : i32
      %dma_start3A_445 = arith.constant 0 : i32
      %dma_start3A_446 = tpu.memref_slice %arg13[%dma_start3A_444, %dma_start3A_445] : memref<10000x64xf32, #tpu.memory_space<vmem_shared>> -> memref<10000x64xf32, #tpu.memory_space<vmem_shared>>
      tpu.enqueue_indirect_dma source(%dma_start3A_446 : memref<10000x64xf32, #tpu.memory_space<vmem_shared>>) target(%arg9 : memref<128x64xf32, #tpu.memory_space<vmem>>) offsets(%dma_start3A_443 : memref<128xi32, #tpu.memory_space<vmem>>) semaphore(%arg15 : memref<!tpu.dma_semaphore, #tpu.memory_space<semaphore_mem>>)
      %dma_wait3A_447 = arith.constant 0 : i32
      %dma_wait3A_448 = arith.constant 0 : i32
      %dma_wait3A_449 = tpu.memref_slice %arg7[%dma_wait3A_447, %dma_wait3A_448] : memref<40x128xi32, #tpu.memory_space<vmem>> -> memref<1x128xi32, #tpu.memory_space<vmem>>
      %dma_wait3A_450 = tpu.memref_squeeze %dma_wait3A_449 : memref<1x128xi32, #tpu.memory_space<vmem>> -> memref<128xi32, #tpu.memory_space<vmem>>
      %dma_wait3A_451 = arith.constant 0 : i32
      %dma_wait3A_452 = arith.constant 0 : i32
      %dma_wait3A_453 = tpu.memref_slice %arg13[%dma_wait3A_451, %dma_wait3A_452] : memref<10000x64xf32, #tpu.memory_space<vmem_shared>> -> memref<10000x64xf32, #tpu.memory_space<vmem_shared>>
      tpu.wait_indirect_dma semaphore(%arg18 : memref<!tpu.dma_semaphore, #tpu.memory_space<semaphore_mem>>) src(%dma_wait3A_453 : memref<10000x64xf32, #tpu.memory_space<vmem_shared>>) dst(%arg12 : memref<128x64xf32, #tpu.memory_space<vmem>>)
      %add3A_454 = arith.constant 3 : i32
      %add3A_455 = arith.addi %mul3A_353, %add3A_454 : i32
      %dma_start3A_456 = arith.constant 0 : i32
      %dma_start3A_457 = tpu.memref_slice %arg8[%add3A_455, %dma_start3A_456] : memref<40x128xi32, #tpu.memory_space<vmem>> -> memref<1x128xi32, #tpu.memory_space<vmem>>
      %dma_start3A_458 = tpu.memref_squeeze %dma_start3A_457 : memref<1x128xi32, #tpu.memory_space<vmem>> -> memref<128xi32, #tpu.memory_space<vmem>>
      %dma_start3A_459 = arith.constant 0 : i32
      %dma_start3A_460 = arith.constant 0 : i32
      %dma_start3A_461 = tpu.memref_slice %arg14[%dma_start3A_459, %dma_start3A_460] : memref<10240x64xf32, #tpu.memory_space<vmem_shared>> -> memref<10240x64xf32, #tpu.memory_space<vmem_shared>>
      tpu.enqueue_indirect_dma source(%arg12 : memref<128x64xf32, #tpu.memory_space<vmem>>) target(%dma_start3A_461 : memref<10240x64xf32, #tpu.memory_space<vmem_shared>>) offsets(%dma_start3A_458 : memref<128xi32, #tpu.memory_space<vmem>>) semaphore(%arg22 : memref<!tpu.dma_semaphore, #tpu.memory_space<semaphore_mem>>) {add = true}
      %dma_wait3A_462 = arith.constant 0 : i32
      %dma_wait3A_463 = arith.constant 0 : i32
      %dma_wait3A_464 = tpu.memref_slice %arg8[%dma_wait3A_462, %dma_wait3A_463] : memref<40x128xi32, #tpu.memory_space<vmem>> -> memref<1x128xi32, #tpu.memory_space<vmem>>
      %dma_wait3A_465 = tpu.memref_squeeze %dma_wait3A_464 : memref<1x128xi32, #tpu.memory_space<vmem>> -> memref<128xi32, #tpu.memory_space<vmem>>
      %dma_wait3A_466 = arith.constant 0 : i32
      %dma_wait3A_467 = arith.constant 0 : i32
      %dma_wait3A_468 = tpu.memref_slice %arg14[%dma_wait3A_466, %dma_wait3A_467] : memref<10240x64xf32, #tpu.memory_space<vmem_shared>> -> memref<10240x64xf32, #tpu.memory_space<vmem_shared>>
      tpu.wait_indirect_dma semaphore(%arg20 : memref<!tpu.dma_semaphore, #tpu.memory_space<semaphore_mem>>) src(%arg10 : memref<128x64xf32, #tpu.memory_space<vmem>>) dst(%dma_wait3A_468 : memref<10240x64xf32, #tpu.memory_space<vmem_shared>>)
      %add3A_469 = arith.constant 5 : i32
      %add3A_470 = arith.addi %mul3A_353, %add3A_469 : i32
      %min3A_471 = arith.constant 39 : i32
      %min3A_472 = arith.minsi %add3A_470, %min3A_471 : i32
      %dma_start3A_473 = arith.constant 0 : i32
      %dma_start3A_474 = tpu.memref_slice %arg7[%min3A_472, %dma_start3A_473] : memref<40x128xi32, #tpu.memory_space<vmem>> -> memref<1x128xi32, #tpu.memory_space<vmem>>
      %dma_start3A_475 = tpu.memref_squeeze %dma_start3A_474 : memref<1x128xi32, #tpu.memory_space<vmem>> -> memref<128xi32, #tpu.memory_space<vmem>>
      %dma_start3A_476 = arith.constant 0 : i32
      %dma_start3A_477 = arith.constant 0 : i32
      %dma_start3A_478 = tpu.memref_slice %arg13[%dma_start3A_476, %dma_start3A_477] : memref<10000x64xf32, #tpu.memory_space<vmem_shared>> -> memref<10000x64xf32, #tpu.memory_space<vmem_shared>>
      tpu.enqueue_indirect_dma source(%dma_start3A_478 : memref<10000x64xf32, #tpu.memory_space<vmem_shared>>) target(%arg10 : memref<128x64xf32, #tpu.memory_space<vmem>>) offsets(%dma_start3A_475 : memref<128xi32, #tpu.memory_space<vmem>>) semaphore(%arg16 : memref<!tpu.dma_semaphore, #tpu.memory_space<semaphore_mem>>)
    }
    %scan3A_171 = arith.constant 9 : i32
    %dma_wait3A_172 = arith.constant 0 : i32
    %dma_wait3A_173 = arith.constant 0 : i32
    %dma_wait3A_174 = tpu.memref_slice %arg7[%dma_wait3A_172, %dma_wait3A_173] : memref<40x128xi32, #tpu.memory_space<vmem>> -> memref<1x128xi32, #tpu.memory_space<vmem>>
    %dma_wait3A_175 = tpu.memref_squeeze %dma_wait3A_174 : memref<1x128xi32, #tpu.memory_space<vmem>> -> memref<128xi32, #tpu.memory_space<vmem>>
    %dma_wait3A_176 = arith.constant 0 : i32
    %dma_wait3A_177 = arith.constant 0 : i32
    %dma_wait3A_178 = tpu.memref_slice %arg13[%dma_wait3A_176, %dma_wait3A_177] : memref<10000x64xf32, #tpu.memory_space<vmem_shared>> -> memref<10000x64xf32, #tpu.memory_space<vmem_shared>>
    tpu.wait_indirect_dma semaphore(%arg15 : memref<!tpu.dma_semaphore, #tpu.memory_space<semaphore_mem>>) src(%dma_wait3A_178 : memref<10000x64xf32, #tpu.memory_space<vmem_shared>>) dst(%arg9 : memref<128x64xf32, #tpu.memory_space<vmem>>)
    %dma_wait3A_179 = arith.constant 0 : i32
    %dma_wait3A_180 = arith.constant 0 : i32
    %dma_wait3A_181 = tpu.memref_slice %arg7[%dma_wait3A_179, %dma_wait3A_180] : memref<40x128xi32, #tpu.memory_space<vmem>> -> memref<1x128xi32, #tpu.memory_space<vmem>>
    %dma_wait3A_182 = tpu.memref_squeeze %dma_wait3A_181 : memref<1x128xi32, #tpu.memory_space<vmem>> -> memref<128xi32, #tpu.memory_space<vmem>>
    %dma_wait3A_183 = arith.constant 0 : i32
    %dma_wait3A_184 = arith.constant 0 : i32
    %dma_wait3A_185 = tpu.memref_slice %arg13[%dma_wait3A_183, %dma_wait3A_184] : memref<10000x64xf32, #tpu.memory_space<vmem_shared>> -> memref<10000x64xf32, #tpu.memory_space<vmem_shared>>
    tpu.wait_indirect_dma semaphore(%arg16 : memref<!tpu.dma_semaphore, #tpu.memory_space<semaphore_mem>>) src(%dma_wait3A_185 : memref<10000x64xf32, #tpu.memory_space<vmem_shared>>) dst(%arg10 : memref<128x64xf32, #tpu.memory_space<vmem>>)
    %dma_wait3A_186 = arith.constant 0 : i32
    %dma_wait3A_187 = arith.constant 0 : i32
    %dma_wait3A_188 = tpu.memref_slice %arg8[%dma_wait3A_186, %dma_wait3A_187] : memref<40x128xi32, #tpu.memory_space<vmem>> -> memref<1x128xi32, #tpu.memory_space<vmem>>
    %dma_wait3A_189 = tpu.memref_squeeze %dma_wait3A_188 : memref<1x128xi32, #tpu.memory_space<vmem>> -> memref<128xi32, #tpu.memory_space<vmem>>
    %dma_wait3A_190 = arith.constant 0 : i32
    %dma_wait3A_191 = arith.constant 0 : i32
    %dma_wait3A_192 = tpu.memref_slice %arg14[%dma_wait3A_190, %dma_wait3A_191] : memref<10240x64xf32, #tpu.memory_space<vmem_shared>> -> memref<10240x64xf32, #tpu.memory_space<vmem_shared>>
    tpu.wait_indirect_dma semaphore(%arg21 : memref<!tpu.dma_semaphore, #tpu.memory_space<semaphore_mem>>) src(%arg11 : memref<128x64xf32, #tpu.memory_space<vmem>>) dst(%dma_wait3A_192 : memref<10240x64xf32, #tpu.memory_space<vmem_shared>>)
    %dma_wait3A_193 = arith.constant 0 : i32
    %dma_wait3A_194 = arith.constant 0 : i32
    %dma_wait3A_195 = tpu.memref_slice %arg8[%dma_wait3A_193, %dma_wait3A_194] : memref<40x128xi32, #tpu.memory_space<vmem>> -> memref<1x128xi32, #tpu.memory_space<vmem>>
    %dma_wait3A_196 = tpu.memref_squeeze %dma_wait3A_195 : memref<1x128xi32, #tpu.memory_space<vmem>> -> memref<128xi32, #tpu.memory_space<vmem>>
    %dma_wait3A_197 = arith.constant 0 : i32
    %dma_wait3A_198 = arith.constant 0 : i32
    %dma_wait3A_199 = tpu.memref_slice %arg14[%dma_wait3A_197, %dma_wait3A_198] : memref<10240x64xf32, #tpu.memory_space<vmem_shared>> -> memref<10240x64xf32, #tpu.memory_space<vmem_shared>>
    tpu.wait_indirect_dma semaphore(%arg22 : memref<!tpu.dma_semaphore, #tpu.memory_space<semaphore_mem>>) src(%arg12 : memref<128x64xf32, #tpu.memory_space<vmem>>) dst(%dma_wait3A_199 : memref<10240x64xf32, #tpu.memory_space<vmem_shared>>)
    "tpu.region"() ({
      %run_scoped3A = tpu.sem_alloc : memref<!tpu.dma_semaphore, #tpu.memory_space<semaphore_mem>>
      %dma_start3A_351 = arith.constant 40 : i32
      %dma_start3A_352 = arith.constant 0 : i32
      %dma_start3A_353 = tpu.memref_slice %arg3[%add3A, %dma_start3A_351, %dma_start3A_352] : memref<32x80x128xi32, #tpu.memory_space<hbm>> -> memref<1x40x128xi32, #tpu.memory_space<hbm>>
      %dma_start3A_354 = tpu.memref_squeeze %dma_start3A_353 : memref<1x40x128xi32, #tpu.memory_space<hbm>> -> memref<40x128xi32, #tpu.memory_space<hbm>>
      %dma_start3A_355 = arith.constant 40 : i32
      %dma_start3A_356 = arith.constant 0 : i32
      %dma_start3A_357 = tpu.memref_slice %arg3[%add3A, %dma_start3A_355, %dma_start3A_356] : memref<32x80x128xi32, #tpu.memory_space<hbm>> -> memref<1x40x128xi32, #tpu.memory_space<hbm>>
      %dma_start3A_358 = tpu.memref_squeeze %dma_start3A_357 : memref<1x40x128xi32, #tpu.memory_space<hbm>> -> memref<40x128xi32, #tpu.memory_space<hbm>>
      tpu.enqueue_dma source(%dma_start3A_358 : memref<40x128xi32, #tpu.memory_space<hbm>>) target(%arg7 : memref<40x128xi32, #tpu.memory_space<vmem>>) target_semaphore(%run_scoped3A : memref<!tpu.dma_semaphore, #tpu.memory_space<semaphore_mem>>)
      %dma_wait3A_359 = arith.constant 40 : i32
      %dma_wait3A_360 = arith.constant 0 : i32
      %dma_wait3A_361 = tpu.memref_slice %arg3[%add3A, %dma_wait3A_359, %dma_wait3A_360] : memref<32x80x128xi32, #tpu.memory_space<hbm>> -> memref<1x40x128xi32, #tpu.memory_space<hbm>>
      %dma_wait3A_362 = tpu.memref_squeeze %dma_wait3A_361 : memref<1x40x128xi32, #tpu.memory_space<hbm>> -> memref<40x128xi32, #tpu.memory_space<hbm>>
      %dma_wait3A_363 = arith.constant 40 : i32
      %dma_wait3A_364 = arith.constant 0 : i32
      %dma_wait3A_365 = tpu.memref_slice %arg3[%add3A, %dma_wait3A_363, %dma_wait3A_364] : memref<32x80x128xi32, #tpu.memory_space<hbm>> -> memref<1x40x128xi32, #tpu.memory_space<hbm>>
      %dma_wait3A_366 = tpu.memref_squeeze %dma_wait3A_365 : memref<1x40x128xi32, #tpu.memory_space<hbm>> -> memref<40x128xi32, #tpu.memory_space<hbm>>
      tpu.wait_dma2 semaphore(%run_scoped3A : memref<!tpu.dma_semaphore, #tpu.memory_space<semaphore_mem>>) src(%dma_wait3A_366 : memref<40x128xi32, #tpu.memory_space<hbm>>) dst(%arg7 : memref<40x128xi32, #tpu.memory_space<vmem>>)
      tpu.yield
    }) : () -> ()
    "tpu.region"() ({
      %run_scoped3A = tpu.sem_alloc : memref<!tpu.dma_semaphore, #tpu.memory_space<semaphore_mem>>
      %dma_start3A_351 = arith.constant 40 : i32
      %dma_start3A_352 = arith.constant 0 : i32
      %dma_start3A_353 = tpu.memref_slice %arg4[%add3A, %dma_start3A_351, %dma_start3A_352] : memref<32x80x128xi32, #tpu.memory_space<hbm>> -> memref<1x40x128xi32, #tpu.memory_space<hbm>>
      %dma_start3A_354 = tpu.memref_squeeze %dma_start3A_353 : memref<1x40x128xi32, #tpu.memory_space<hbm>> -> memref<40x128xi32, #tpu.memory_space<hbm>>
      %dma_start3A_355 = arith.constant 40 : i32
      %dma_start3A_356 = arith.constant 0 : i32
      %dma_start3A_357 = tpu.memref_slice %arg4[%add3A, %dma_start3A_355, %dma_start3A_356] : memref<32x80x128xi32, #tpu.memory_space<hbm>> -> memref<1x40x128xi32, #tpu.memory_space<hbm>>
      %dma_start3A_358 = tpu.memref_squeeze %dma_start3A_357 : memref<1x40x128xi32, #tpu.memory_space<hbm>> -> memref<40x128xi32, #tpu.memory_space<hbm>>
      tpu.enqueue_dma source(%dma_start3A_358 : memref<40x128xi32, #tpu.memory_space<hbm>>) target(%arg8 : memref<40x128xi32, #tpu.memory_space<vmem>>) target_semaphore(%run_scoped3A : memref<!tpu.dma_semaphore, #tpu.memory_space<semaphore_mem>>)
      %dma_wait3A_359 = arith.constant 40 : i32
      %dma_wait3A_360 = arith.constant 0 : i32
      %dma_wait3A_361 = tpu.memref_slice %arg4[%add3A, %dma_wait3A_359, %dma_wait3A_360] : memref<32x80x128xi32, #tpu.memory_space<hbm>> -> memref<1x40x128xi32, #tpu.memory_space<hbm>>
      %dma_wait3A_362 = tpu.memref_squeeze %dma_wait3A_361 : memref<1x40x128xi32, #tpu.memory_space<hbm>> -> memref<40x128xi32, #tpu.memory_space<hbm>>
      %dma_wait3A_363 = arith.constant 40 : i32
      %dma_wait3A_364 = arith.constant 0 : i32
      %dma_wait3A_365 = tpu.memref_slice %arg4[%add3A, %dma_wait3A_363, %dma_wait3A_364] : memref<32x80x128xi32, #tpu.memory_space<hbm>> -> memref<1x40x128xi32, #tpu.memory_space<hbm>>
      %dma_wait3A_366 = tpu.memref_squeeze %dma_wait3A_365 : memref<1x40x128xi32, #tpu.memory_space<hbm>> -> memref<40x128xi32, #tpu.memory_space<hbm>>
      tpu.wait_dma2 semaphore(%run_scoped3A : memref<!tpu.dma_semaphore, #tpu.memory_space<semaphore_mem>>) src(%dma_wait3A_366 : memref<40x128xi32, #tpu.memory_space<hbm>>) dst(%arg8 : memref<40x128xi32, #tpu.memory_space<vmem>>)
      tpu.yield
    }) : () -> ()
    %dma_start3A_200 = arith.constant 0 : i32
    %dma_start3A_201 = arith.constant 0 : i32
    %dma_start3A_202 = tpu.memref_slice %arg7[%dma_start3A_200, %dma_start3A_201] : memref<40x128xi32, #tpu.memory_space<vmem>> -> memref<1x128xi32, #tpu.memory_space<vmem>>
    %dma_start3A_203 = tpu.memref_squeeze %dma_start3A_202 : memref<1x128xi32, #tpu.memory_space<vmem>> -> memref<128xi32, #tpu.memory_space<vmem>>
    %dma_start3A_204 = arith.constant 0 : i32
    %dma_start3A_205 = arith.constant 0 : i32
    %dma_start3A_206 = tpu.memref_slice %arg13[%dma_start3A_204, %dma_start3A_205] : memref<10000x64xf32, #tpu.memory_space<vmem_shared>> -> memref<10000x64xf32, #tpu.memory_space<vmem_shared>>
    tpu.enqueue_indirect_dma source(%dma_start3A_206 : memref<10000x64xf32, #tpu.memory_space<vmem_shared>>) target(%arg9 : memref<128x64xf32, #tpu.memory_space<vmem>>) offsets(%dma_start3A_203 : memref<128xi32, #tpu.memory_space<vmem>>) semaphore(%arg15 : memref<!tpu.dma_semaphore, #tpu.memory_space<semaphore_mem>>)
    %dma_start3A_207 = arith.constant 1 : i32
    %dma_start3A_208 = arith.constant 0 : i32
    %dma_start3A_209 = tpu.memref_slice %arg7[%dma_start3A_207, %dma_start3A_208] : memref<40x128xi32, #tpu.memory_space<vmem>> -> memref<1x128xi32, #tpu.memory_space<vmem>>
    %dma_start3A_210 = tpu.memref_squeeze %dma_start3A_209 : memref<1x128xi32, #tpu.memory_space<vmem>> -> memref<128xi32, #tpu.memory_space<vmem>>
    %dma_start3A_211 = arith.constant 0 : i32
    %dma_start3A_212 = arith.constant 0 : i32
    %dma_start3A_213 = tpu.memref_slice %arg13[%dma_start3A_211, %dma_start3A_212] : memref<10000x64xf32, #tpu.memory_space<vmem_shared>> -> memref<10000x64xf32, #tpu.memory_space<vmem_shared>>
    tpu.enqueue_indirect_dma source(%dma_start3A_213 : memref<10000x64xf32, #tpu.memory_space<vmem_shared>>) target(%arg10 : memref<128x64xf32, #tpu.memory_space<vmem>>) offsets(%dma_start3A_210 : memref<128xi32, #tpu.memory_space<vmem>>) semaphore(%arg16 : memref<!tpu.dma_semaphore, #tpu.memory_space<semaphore_mem>>)
    %dma_wait3A_214 = arith.constant 0 : i32
    %dma_wait3A_215 = arith.constant 0 : i32
    %dma_wait3A_216 = tpu.memref_slice %arg7[%dma_wait3A_214, %dma_wait3A_215] : memref<40x128xi32, #tpu.memory_space<vmem>> -> memref<1x128xi32, #tpu.memory_space<vmem>>
    %dma_wait3A_217 = tpu.memref_squeeze %dma_wait3A_216 : memref<1x128xi32, #tpu.memory_space<vmem>> -> memref<128xi32, #tpu.memory_space<vmem>>
    %dma_wait3A_218 = arith.constant 0 : i32
    %dma_wait3A_219 = arith.constant 0 : i32
    %dma_wait3A_220 = tpu.memref_slice %arg13[%dma_wait3A_218, %dma_wait3A_219] : memref<10000x64xf32, #tpu.memory_space<vmem_shared>> -> memref<10000x64xf32, #tpu.memory_space<vmem_shared>>
    tpu.wait_indirect_dma semaphore(%arg15 : memref<!tpu.dma_semaphore, #tpu.memory_space<semaphore_mem>>) src(%dma_wait3A_220 : memref<10000x64xf32, #tpu.memory_space<vmem_shared>>) dst(%arg9 : memref<128x64xf32, #tpu.memory_space<vmem>>)
    %dma_start3A_221 = arith.constant 0 : i32
    %dma_start3A_222 = arith.constant 0 : i32
    %dma_start3A_223 = tpu.memref_slice %arg8[%dma_start3A_221, %dma_start3A_222] : memref<40x128xi32, #tpu.memory_space<vmem>> -> memref<1x128xi32, #tpu.memory_space<vmem>>
    %dma_start3A_224 = tpu.memref_squeeze %dma_start3A_223 : memref<1x128xi32, #tpu.memory_space<vmem>> -> memref<128xi32, #tpu.memory_space<vmem>>
    %dma_start3A_225 = arith.constant 0 : i32
    %dma_start3A_226 = arith.constant 0 : i32
    %dma_start3A_227 = tpu.memref_slice %arg14[%dma_start3A_225, %dma_start3A_226] : memref<10240x64xf32, #tpu.memory_space<vmem_shared>> -> memref<10240x64xf32, #tpu.memory_space<vmem_shared>>
    tpu.enqueue_indirect_dma source(%arg9 : memref<128x64xf32, #tpu.memory_space<vmem>>) target(%dma_start3A_227 : memref<10240x64xf32, #tpu.memory_space<vmem_shared>>) offsets(%dma_start3A_224 : memref<128xi32, #tpu.memory_space<vmem>>) semaphore(%arg19 : memref<!tpu.dma_semaphore, #tpu.memory_space<semaphore_mem>>) {add = true}
    %dma_start3A_228 = arith.constant 2 : i32
    %dma_start3A_229 = arith.constant 0 : i32
    %dma_start3A_230 = tpu.memref_slice %arg7[%dma_start3A_228, %dma_start3A_229] : memref<40x128xi32, #tpu.memory_space<vmem>> -> memref<1x128xi32, #tpu.memory_space<vmem>>
    %dma_start3A_231 = tpu.memref_squeeze %dma_start3A_230 : memref<1x128xi32, #tpu.memory_space<vmem>> -> memref<128xi32, #tpu.memory_space<vmem>>
    %dma_start3A_232 = arith.constant 0 : i32
    %dma_start3A_233 = arith.constant 0 : i32
    %dma_start3A_234 = tpu.memref_slice %arg13[%dma_start3A_232, %dma_start3A_233] : memref<10000x64xf32, #tpu.memory_space<vmem_shared>> -> memref<10000x64xf32, #tpu.memory_space<vmem_shared>>
    tpu.enqueue_indirect_dma source(%dma_start3A_234 : memref<10000x64xf32, #tpu.memory_space<vmem_shared>>) target(%arg11 : memref<128x64xf32, #tpu.memory_space<vmem>>) offsets(%dma_start3A_231 : memref<128xi32, #tpu.memory_space<vmem>>) semaphore(%arg17 : memref<!tpu.dma_semaphore, #tpu.memory_space<semaphore_mem>>)
    %dma_wait3A_235 = arith.constant 0 : i32
    %dma_wait3A_236 = arith.constant 0 : i32
    %dma_wait3A_237 = tpu.memref_slice %arg7[%dma_wait3A_235, %dma_wait3A_236] : memref<40x128xi32, #tpu.memory_space<vmem>> -> memref<1x128xi32, #tpu.memory_space<vmem>>
    %dma_wait3A_238 = tpu.memref_squeeze %dma_wait3A_237 : memref<1x128xi32, #tpu.memory_space<vmem>> -> memref<128xi32, #tpu.memory_space<vmem>>
    %dma_wait3A_239 = arith.constant 0 : i32
    %dma_wait3A_240 = arith.constant 0 : i32
    %dma_wait3A_241 = tpu.memref_slice %arg13[%dma_wait3A_239, %dma_wait3A_240] : memref<10000x64xf32, #tpu.memory_space<vmem_shared>> -> memref<10000x64xf32, #tpu.memory_space<vmem_shared>>
    tpu.wait_indirect_dma semaphore(%arg16 : memref<!tpu.dma_semaphore, #tpu.memory_space<semaphore_mem>>) src(%dma_wait3A_241 : memref<10000x64xf32, #tpu.memory_space<vmem_shared>>) dst(%arg10 : memref<128x64xf32, #tpu.memory_space<vmem>>)
    %dma_start3A_242 = arith.constant 1 : i32
    %dma_start3A_243 = arith.constant 0 : i32
    %dma_start3A_244 = tpu.memref_slice %arg8[%dma_start3A_242, %dma_start3A_243] : memref<40x128xi32, #tpu.memory_space<vmem>> -> memref<1x128xi32, #tpu.memory_space<vmem>>
    %dma_start3A_245 = tpu.memref_squeeze %dma_start3A_244 : memref<1x128xi32, #tpu.memory_space<vmem>> -> memref<128xi32, #tpu.memory_space<vmem>>
    %dma_start3A_246 = arith.constant 0 : i32
    %dma_start3A_247 = arith.constant 0 : i32
    %dma_start3A_248 = tpu.memref_slice %arg14[%dma_start3A_246, %dma_start3A_247] : memref<10240x64xf32, #tpu.memory_space<vmem_shared>> -> memref<10240x64xf32, #tpu.memory_space<vmem_shared>>
    tpu.enqueue_indirect_dma source(%arg10 : memref<128x64xf32, #tpu.memory_space<vmem>>) target(%dma_start3A_248 : memref<10240x64xf32, #tpu.memory_space<vmem_shared>>) offsets(%dma_start3A_245 : memref<128xi32, #tpu.memory_space<vmem>>) semaphore(%arg20 : memref<!tpu.dma_semaphore, #tpu.memory_space<semaphore_mem>>) {add = true}
    %dma_start3A_249 = arith.constant 3 : i32
    %dma_start3A_250 = arith.constant 0 : i32
    %dma_start3A_251 = tpu.memref_slice %arg7[%dma_start3A_249, %dma_start3A_250] : memref<40x128xi32, #tpu.memory_space<vmem>> -> memref<1x128xi32, #tpu.memory_space<vmem>>
    %dma_start3A_252 = tpu.memref_squeeze %dma_start3A_251 : memref<1x128xi32, #tpu.memory_space<vmem>> -> memref<128xi32, #tpu.memory_space<vmem>>
    %dma_start3A_253 = arith.constant 0 : i32
    %dma_start3A_254 = arith.constant 0 : i32
    %dma_start3A_255 = tpu.memref_slice %arg13[%dma_start3A_253, %dma_start3A_254] : memref<10000x64xf32, #tpu.memory_space<vmem_shared>> -> memref<10000x64xf32, #tpu.memory_space<vmem_shared>>
    tpu.enqueue_indirect_dma source(%dma_start3A_255 : memref<10000x64xf32, #tpu.memory_space<vmem_shared>>) target(%arg12 : memref<128x64xf32, #tpu.memory_space<vmem>>) offsets(%dma_start3A_252 : memref<128xi32, #tpu.memory_space<vmem>>) semaphore(%arg18 : memref<!tpu.dma_semaphore, #tpu.memory_space<semaphore_mem>>)
    %dma_wait3A_256 = arith.constant 0 : i32
    %dma_wait3A_257 = arith.constant 0 : i32
    %dma_wait3A_258 = tpu.memref_slice %arg7[%dma_wait3A_256, %dma_wait3A_257] : memref<40x128xi32, #tpu.memory_space<vmem>> -> memref<1x128xi32, #tpu.memory_space<vmem>>
    %dma_wait3A_259 = tpu.memref_squeeze %dma_wait3A_258 : memref<1x128xi32, #tpu.memory_space<vmem>> -> memref<128xi32, #tpu.memory_space<vmem>>
    %dma_wait3A_260 = arith.constant 0 : i32
    %dma_wait3A_261 = arith.constant 0 : i32
    %dma_wait3A_262 = tpu.memref_slice %arg13[%dma_wait3A_260, %dma_wait3A_261] : memref<10000x64xf32, #tpu.memory_space<vmem_shared>> -> memref<10000x64xf32, #tpu.memory_space<vmem_shared>>
    tpu.wait_indirect_dma semaphore(%arg17 : memref<!tpu.dma_semaphore, #tpu.memory_space<semaphore_mem>>) src(%dma_wait3A_262 : memref<10000x64xf32, #tpu.memory_space<vmem_shared>>) dst(%arg11 : memref<128x64xf32, #tpu.memory_space<vmem>>)
    %dma_start3A_263 = arith.constant 2 : i32
    %dma_start3A_264 = arith.constant 0 : i32
    %dma_start3A_265 = tpu.memref_slice %arg8[%dma_start3A_263, %dma_start3A_264] : memref<40x128xi32, #tpu.memory_space<vmem>> -> memref<1x128xi32, #tpu.memory_space<vmem>>
    %dma_start3A_266 = tpu.memref_squeeze %dma_start3A_265 : memref<1x128xi32, #tpu.memory_space<vmem>> -> memref<128xi32, #tpu.memory_space<vmem>>
    %dma_start3A_267 = arith.constant 0 : i32
    %dma_start3A_268 = arith.constant 0 : i32
    %dma_start3A_269 = tpu.memref_slice %arg14[%dma_start3A_267, %dma_start3A_268] : memref<10240x64xf32, #tpu.memory_space<vmem_shared>> -> memref<10240x64xf32, #tpu.memory_space<vmem_shared>>
    tpu.enqueue_indirect_dma source(%arg11 : memref<128x64xf32, #tpu.memory_space<vmem>>) target(%dma_start3A_269 : memref<10240x64xf32, #tpu.memory_space<vmem_shared>>) offsets(%dma_start3A_266 : memref<128xi32, #tpu.memory_space<vmem>>) semaphore(%arg21 : memref<!tpu.dma_semaphore, #tpu.memory_space<semaphore_mem>>) {add = true}
    %dma_wait3A_270 = arith.constant 0 : i32
    %dma_wait3A_271 = arith.constant 0 : i32
    %dma_wait3A_272 = tpu.memref_slice %arg8[%dma_wait3A_270, %dma_wait3A_271] : memref<40x128xi32, #tpu.memory_space<vmem>> -> memref<1x128xi32, #tpu.memory_space<vmem>>
    %dma_wait3A_273 = tpu.memref_squeeze %dma_wait3A_272 : memref<1x128xi32, #tpu.memory_space<vmem>> -> memref<128xi32, #tpu.memory_space<vmem>>
    %dma_wait3A_274 = arith.constant 0 : i32
    %dma_wait3A_275 = arith.constant 0 : i32
    %dma_wait3A_276 = tpu.memref_slice %arg14[%dma_wait3A_274, %dma_wait3A_275] : memref<10240x64xf32, #tpu.memory_space<vmem_shared>> -> memref<10240x64xf32, #tpu.memory_space<vmem_shared>>
    tpu.wait_indirect_dma semaphore(%arg19 : memref<!tpu.dma_semaphore, #tpu.memory_space<semaphore_mem>>) src(%arg9 : memref<128x64xf32, #tpu.memory_space<vmem>>) dst(%dma_wait3A_276 : memref<10240x64xf32, #tpu.memory_space<vmem_shared>>)
    %dma_start3A_277 = arith.constant 4 : i32
    %dma_start3A_278 = arith.constant 0 : i32
    %dma_start3A_279 = tpu.memref_slice %arg7[%dma_start3A_277, %dma_start3A_278] : memref<40x128xi32, #tpu.memory_space<vmem>> -> memref<1x128xi32, #tpu.memory_space<vmem>>
    %dma_start3A_280 = tpu.memref_squeeze %dma_start3A_279 : memref<1x128xi32, #tpu.memory_space<vmem>> -> memref<128xi32, #tpu.memory_space<vmem>>
    %dma_start3A_281 = arith.constant 0 : i32
    %dma_start3A_282 = arith.constant 0 : i32
    %dma_start3A_283 = tpu.memref_slice %arg13[%dma_start3A_281, %dma_start3A_282] : memref<10000x64xf32, #tpu.memory_space<vmem_shared>> -> memref<10000x64xf32, #tpu.memory_space<vmem_shared>>
    tpu.enqueue_indirect_dma source(%dma_start3A_283 : memref<10000x64xf32, #tpu.memory_space<vmem_shared>>) target(%arg9 : memref<128x64xf32, #tpu.memory_space<vmem>>) offsets(%dma_start3A_280 : memref<128xi32, #tpu.memory_space<vmem>>) semaphore(%arg15 : memref<!tpu.dma_semaphore, #tpu.memory_space<semaphore_mem>>)
    %dma_wait3A_284 = arith.constant 0 : i32
    %dma_wait3A_285 = arith.constant 0 : i32
    %dma_wait3A_286 = tpu.memref_slice %arg7[%dma_wait3A_284, %dma_wait3A_285] : memref<40x128xi32, #tpu.memory_space<vmem>> -> memref<1x128xi32, #tpu.memory_space<vmem>>
    %dma_wait3A_287 = tpu.memref_squeeze %dma_wait3A_286 : memref<1x128xi32, #tpu.memory_space<vmem>> -> memref<128xi32, #tpu.memory_space<vmem>>
    %dma_wait3A_288 = arith.constant 0 : i32
    %dma_wait3A_289 = arith.constant 0 : i32
    %dma_wait3A_290 = tpu.memref_slice %arg13[%dma_wait3A_288, %dma_wait3A_289] : memref<10000x64xf32, #tpu.memory_space<vmem_shared>> -> memref<10000x64xf32, #tpu.memory_space<vmem_shared>>
    tpu.wait_indirect_dma semaphore(%arg18 : memref<!tpu.dma_semaphore, #tpu.memory_space<semaphore_mem>>) src(%dma_wait3A_290 : memref<10000x64xf32, #tpu.memory_space<vmem_shared>>) dst(%arg12 : memref<128x64xf32, #tpu.memory_space<vmem>>)
    %dma_start3A_291 = arith.constant 3 : i32
    %dma_start3A_292 = arith.constant 0 : i32
    %dma_start3A_293 = tpu.memref_slice %arg8[%dma_start3A_291, %dma_start3A_292] : memref<40x128xi32, #tpu.memory_space<vmem>> -> memref<1x128xi32, #tpu.memory_space<vmem>>
    %dma_start3A_294 = tpu.memref_squeeze %dma_start3A_293 : memref<1x128xi32, #tpu.memory_space<vmem>> -> memref<128xi32, #tpu.memory_space<vmem>>
    %dma_start3A_295 = arith.constant 0 : i32
    %dma_start3A_296 = arith.constant 0 : i32
    %dma_start3A_297 = tpu.memref_slice %arg14[%dma_start3A_295, %dma_start3A_296] : memref<10240x64xf32, #tpu.memory_space<vmem_shared>> -> memref<10240x64xf32, #tpu.memory_space<vmem_shared>>
    tpu.enqueue_indirect_dma source(%arg12 : memref<128x64xf32, #tpu.memory_space<vmem>>) target(%dma_start3A_297 : memref<10240x64xf32, #tpu.memory_space<vmem_shared>>) offsets(%dma_start3A_294 : memref<128xi32, #tpu.memory_space<vmem>>) semaphore(%arg22 : memref<!tpu.dma_semaphore, #tpu.memory_space<semaphore_mem>>) {add = true}
    %dma_wait3A_298 = arith.constant 0 : i32
    %dma_wait3A_299 = arith.constant 0 : i32
    %dma_wait3A_300 = tpu.memref_slice %arg8[%dma_wait3A_298, %dma_wait3A_299] : memref<40x128xi32, #tpu.memory_space<vmem>> -> memref<1x128xi32, #tpu.memory_space<vmem>>
    %dma_wait3A_301 = tpu.memref_squeeze %dma_wait3A_300 : memref<1x128xi32, #tpu.memory_space<vmem>> -> memref<128xi32, #tpu.memory_space<vmem>>
    %dma_wait3A_302 = arith.constant 0 : i32
    %dma_wait3A_303 = arith.constant 0 : i32
    %dma_wait3A_304 = tpu.memref_slice %arg14[%dma_wait3A_302, %dma_wait3A_303] : memref<10240x64xf32, #tpu.memory_space<vmem_shared>> -> memref<10240x64xf32, #tpu.memory_space<vmem_shared>>
    tpu.wait_indirect_dma semaphore(%arg20 : memref<!tpu.dma_semaphore, #tpu.memory_space<semaphore_mem>>) src(%arg10 : memref<128x64xf32, #tpu.memory_space<vmem>>) dst(%dma_wait3A_304 : memref<10240x64xf32, #tpu.memory_space<vmem_shared>>)
    %dma_start3A_305 = arith.constant 5 : i32
    %dma_start3A_306 = arith.constant 0 : i32
    %dma_start3A_307 = tpu.memref_slice %arg7[%dma_start3A_305, %dma_start3A_306] : memref<40x128xi32, #tpu.memory_space<vmem>> -> memref<1x128xi32, #tpu.memory_space<vmem>>
    %dma_start3A_308 = tpu.memref_squeeze %dma_start3A_307 : memref<1x128xi32, #tpu.memory_space<vmem>> -> memref<128xi32, #tpu.memory_space<vmem>>
    %dma_start3A_309 = arith.constant 0 : i32
    %dma_start3A_310 = arith.constant 0 : i32
    %dma_start3A_311 = tpu.memref_slice %arg13[%dma_start3A_309, %dma_start3A_310] : memref<10000x64xf32, #tpu.memory_space<vmem_shared>> -> memref<10000x64xf32, #tpu.memory_space<vmem_shared>>
    tpu.enqueue_indirect_dma source(%dma_start3A_311 : memref<10000x64xf32, #tpu.memory_space<vmem_shared>>) target(%arg10 : memref<128x64xf32, #tpu.memory_space<vmem>>) offsets(%dma_start3A_308 : memref<128xi32, #tpu.memory_space<vmem>>) semaphore(%arg16 : memref<!tpu.dma_semaphore, #tpu.memory_space<semaphore_mem>>)
    %scan3A_312 = arith.constant 0 : i32
    %scan3A_313 = arith.constant 1 : i32
    %scan3A_314 = arith.constant 9 : i32
    %scan3A_315 = arith.addi %scan3A_313, %scan3A_314 : i32
    %scan3A_316 = arith.constant 1 : i32
    scf.for %scan3A_351 = %scan3A_313 to %scan3A_315 step %scan3A_316  : i32 {
      %mul3A_352 = arith.constant 4 : i32
      %mul3A_353 = arith.muli %mul3A_352, %scan3A_351 : i32
      %dma_wait3A_354 = arith.constant 0 : i32
      %dma_wait3A_355 = arith.constant 0 : i32
      %dma_wait3A_356 = tpu.memref_slice %arg7[%dma_wait3A_354, %dma_wait3A_355] : memref<40x128xi32, #tpu.memory_space<vmem>> -> memref<1x128xi32, #tpu.memory_space<vmem>>
      %dma_wait3A_357 = tpu.memref_squeeze %dma_wait3A_356 : memref<1x128xi32, #tpu.memory_space<vmem>> -> memref<128xi32, #tpu.memory_space<vmem>>
      %dma_wait3A_358 = arith.constant 0 : i32
      %dma_wait3A_359 = arith.constant 0 : i32
      %dma_wait3A_360 = tpu.memref_slice %arg13[%dma_wait3A_358, %dma_wait3A_359] : memref<10000x64xf32, #tpu.memory_space<vmem_shared>> -> memref<10000x64xf32, #tpu.memory_space<vmem_shared>>
      tpu.wait_indirect_dma semaphore(%arg15 : memref<!tpu.dma_semaphore, #tpu.memory_space<semaphore_mem>>) src(%dma_wait3A_360 : memref<10000x64xf32, #tpu.memory_space<vmem_shared>>) dst(%arg9 : memref<128x64xf32, #tpu.memory_space<vmem>>)
      %dma_start3A_361 = arith.constant 0 : i32
      %dma_start3A_362 = tpu.memref_slice %arg8[%mul3A_353, %dma_start3A_361] : memref<40x128xi32, #tpu.memory_space<vmem>> -> memref<1x128xi32, #tpu.memory_space<vmem>>
      %dma_start3A_363 = tpu.memref_squeeze %dma_start3A_362 : memref<1x128xi32, #tpu.memory_space<vmem>> -> memref<128xi32, #tpu.memory_space<vmem>>
      %dma_start3A_364 = arith.constant 0 : i32
      %dma_start3A_365 = arith.constant 0 : i32
      %dma_start3A_366 = tpu.memref_slice %arg14[%dma_start3A_364, %dma_start3A_365] : memref<10240x64xf32, #tpu.memory_space<vmem_shared>> -> memref<10240x64xf32, #tpu.memory_space<vmem_shared>>
      tpu.enqueue_indirect_dma source(%arg9 : memref<128x64xf32, #tpu.memory_space<vmem>>) target(%dma_start3A_366 : memref<10240x64xf32, #tpu.memory_space<vmem_shared>>) offsets(%dma_start3A_363 : memref<128xi32, #tpu.memory_space<vmem>>) semaphore(%arg19 : memref<!tpu.dma_semaphore, #tpu.memory_space<semaphore_mem>>) {add = true}
      %dma_wait3A_367 = arith.constant 0 : i32
      %dma_wait3A_368 = arith.constant 0 : i32
      %dma_wait3A_369 = tpu.memref_slice %arg8[%dma_wait3A_367, %dma_wait3A_368] : memref<40x128xi32, #tpu.memory_space<vmem>> -> memref<1x128xi32, #tpu.memory_space<vmem>>
      %dma_wait3A_370 = tpu.memref_squeeze %dma_wait3A_369 : memref<1x128xi32, #tpu.memory_space<vmem>> -> memref<128xi32, #tpu.memory_space<vmem>>
      %dma_wait3A_371 = arith.constant 0 : i32
      %dma_wait3A_372 = arith.constant 0 : i32
      %dma_wait3A_373 = tpu.memref_slice %arg14[%dma_wait3A_371, %dma_wait3A_372] : memref<10240x64xf32, #tpu.memory_space<vmem_shared>> -> memref<10240x64xf32, #tpu.memory_space<vmem_shared>>
      tpu.wait_indirect_dma semaphore(%arg21 : memref<!tpu.dma_semaphore, #tpu.memory_space<semaphore_mem>>) src(%arg11 : memref<128x64xf32, #tpu.memory_space<vmem>>) dst(%dma_wait3A_373 : memref<10240x64xf32, #tpu.memory_space<vmem_shared>>)
      %add3A_374 = arith.constant 2 : i32
      %add3A_375 = arith.addi %mul3A_353, %add3A_374 : i32
      %min3A = arith.constant 39 : i32
      %min3A_376 = arith.minsi %add3A_375, %min3A : i32
      %dma_start3A_377 = arith.constant 0 : i32
      %dma_start3A_378 = tpu.memref_slice %arg7[%min3A_376, %dma_start3A_377] : memref<40x128xi32, #tpu.memory_space<vmem>> -> memref<1x128xi32, #tpu.memory_space<vmem>>
      %dma_start3A_379 = tpu.memref_squeeze %dma_start3A_378 : memref<1x128xi32, #tpu.memory_space<vmem>> -> memref<128xi32, #tpu.memory_space<vmem>>
      %dma_start3A_380 = arith.constant 0 : i32
      %dma_start3A_381 = arith.constant 0 : i32
      %dma_start3A_382 = tpu.memref_slice %arg13[%dma_start3A_380, %dma_start3A_381] : memref<10000x64xf32, #tpu.memory_space<vmem_shared>> -> memref<10000x64xf32, #tpu.memory_space<vmem_shared>>
      tpu.enqueue_indirect_dma source(%dma_start3A_382 : memref<10000x64xf32, #tpu.memory_space<vmem_shared>>) target(%arg11 : memref<128x64xf32, #tpu.memory_space<vmem>>) offsets(%dma_start3A_379 : memref<128xi32, #tpu.memory_space<vmem>>) semaphore(%arg17 : memref<!tpu.dma_semaphore, #tpu.memory_space<semaphore_mem>>)
      %dma_wait3A_383 = arith.constant 0 : i32
      %dma_wait3A_384 = arith.constant 0 : i32
      %dma_wait3A_385 = tpu.memref_slice %arg7[%dma_wait3A_383, %dma_wait3A_384] : memref<40x128xi32, #tpu.memory_space<vmem>> -> memref<1x128xi32, #tpu.memory_space<vmem>>
      %dma_wait3A_386 = tpu.memref_squeeze %dma_wait3A_385 : memref<1x128xi32, #tpu.memory_space<vmem>> -> memref<128xi32, #tpu.memory_space<vmem>>
      %dma_wait3A_387 = arith.constant 0 : i32
      %dma_wait3A_388 = arith.constant 0 : i32
      %dma_wait3A_389 = tpu.memref_slice %arg13[%dma_wait3A_387, %dma_wait3A_388] : memref<10000x64xf32, #tpu.memory_space<vmem_shared>> -> memref<10000x64xf32, #tpu.memory_space<vmem_shared>>
      tpu.wait_indirect_dma semaphore(%arg16 : memref<!tpu.dma_semaphore, #tpu.memory_space<semaphore_mem>>) src(%dma_wait3A_389 : memref<10000x64xf32, #tpu.memory_space<vmem_shared>>) dst(%arg10 : memref<128x64xf32, #tpu.memory_space<vmem>>)
      %add3A_390 = arith.constant 1 : i32
      %add3A_391 = arith.addi %mul3A_353, %add3A_390 : i32
      %dma_start3A_392 = arith.constant 0 : i32
      %dma_start3A_393 = tpu.memref_slice %arg8[%add3A_391, %dma_start3A_392] : memref<40x128xi32, #tpu.memory_space<vmem>> -> memref<1x128xi32, #tpu.memory_space<vmem>>
      %dma_start3A_394 = tpu.memref_squeeze %dma_start3A_393 : memref<1x128xi32, #tpu.memory_space<vmem>> -> memref<128xi32, #tpu.memory_space<vmem>>
      %dma_start3A_395 = arith.constant 0 : i32
      %dma_start3A_396 = arith.constant 0 : i32
      %dma_start3A_397 = tpu.memref_slice %arg14[%dma_start3A_395, %dma_start3A_396] : memref<10240x64xf32, #tpu.memory_space<vmem_shared>> -> memref<10240x64xf32, #tpu.memory_space<vmem_shared>>
      tpu.enqueue_indirect_dma source(%arg10 : memref<128x64xf32, #tpu.memory_space<vmem>>) target(%dma_start3A_397 : memref<10240x64xf32, #tpu.memory_space<vmem_shared>>) offsets(%dma_start3A_394 : memref<128xi32, #tpu.memory_space<vmem>>) semaphore(%arg20 : memref<!tpu.dma_semaphore, #tpu.memory_space<semaphore_mem>>) {add = true}
      %dma_wait3A_398 = arith.constant 0 : i32
      %dma_wait3A_399 = arith.constant 0 : i32
      %dma_wait3A_400 = tpu.memref_slice %arg8[%dma_wait3A_398, %dma_wait3A_399] : memref<40x128xi32, #tpu.memory_space<vmem>> -> memref<1x128xi32, #tpu.memory_space<vmem>>
      %dma_wait3A_401 = tpu.memref_squeeze %dma_wait3A_400 : memref<1x128xi32, #tpu.memory_space<vmem>> -> memref<128xi32, #tpu.memory_space<vmem>>
      %dma_wait3A_402 = arith.constant 0 : i32
      %dma_wait3A_403 = arith.constant 0 : i32
      %dma_wait3A_404 = tpu.memref_slice %arg14[%dma_wait3A_402, %dma_wait3A_403] : memref<10240x64xf32, #tpu.memory_space<vmem_shared>> -> memref<10240x64xf32, #tpu.memory_space<vmem_shared>>
      tpu.wait_indirect_dma semaphore(%arg22 : memref<!tpu.dma_semaphore, #tpu.memory_space<semaphore_mem>>) src(%arg12 : memref<128x64xf32, #tpu.memory_space<vmem>>) dst(%dma_wait3A_404 : memref<10240x64xf32, #tpu.memory_space<vmem_shared>>)
      %add3A_405 = arith.constant 3 : i32
      %add3A_406 = arith.addi %mul3A_353, %add3A_405 : i32
      %min3A_407 = arith.constant 39 : i32
      %min3A_408 = arith.minsi %add3A_406, %min3A_407 : i32
      %dma_start3A_409 = arith.constant 0 : i32
      %dma_start3A_410 = tpu.memref_slice %arg7[%min3A_408, %dma_start3A_409] : memref<40x128xi32, #tpu.memory_space<vmem>> -> memref<1x128xi32, #tpu.memory_space<vmem>>
      %dma_start3A_411 = tpu.memref_squeeze %dma_start3A_410 : memref<1x128xi32, #tpu.memory_space<vmem>> -> memref<128xi32, #tpu.memory_space<vmem>>
      %dma_start3A_412 = arith.constant 0 : i32
      %dma_start3A_413 = arith.constant 0 : i32
      %dma_start3A_414 = tpu.memref_slice %arg13[%dma_start3A_412, %dma_start3A_413] : memref<10000x64xf32, #tpu.memory_space<vmem_shared>> -> memref<10000x64xf32, #tpu.memory_space<vmem_shared>>
      tpu.enqueue_indirect_dma source(%dma_start3A_414 : memref<10000x64xf32, #tpu.memory_space<vmem_shared>>) target(%arg12 : memref<128x64xf32, #tpu.memory_space<vmem>>) offsets(%dma_start3A_411 : memref<128xi32, #tpu.memory_space<vmem>>) semaphore(%arg18 : memref<!tpu.dma_semaphore, #tpu.memory_space<semaphore_mem>>)
      %dma_wait3A_415 = arith.constant 0 : i32
      %dma_wait3A_416 = arith.constant 0 : i32
      %dma_wait3A_417 = tpu.memref_slice %arg7[%dma_wait3A_415, %dma_wait3A_416] : memref<40x128xi32, #tpu.memory_space<vmem>> -> memref<1x128xi32, #tpu.memory_space<vmem>>
      %dma_wait3A_418 = tpu.memref_squeeze %dma_wait3A_417 : memref<1x128xi32, #tpu.memory_space<vmem>> -> memref<128xi32, #tpu.memory_space<vmem>>
      %dma_wait3A_419 = arith.constant 0 : i32
      %dma_wait3A_420 = arith.constant 0 : i32
      %dma_wait3A_421 = tpu.memref_slice %arg13[%dma_wait3A_419, %dma_wait3A_420] : memref<10000x64xf32, #tpu.memory_space<vmem_shared>> -> memref<10000x64xf32, #tpu.memory_space<vmem_shared>>
      tpu.wait_indirect_dma semaphore(%arg17 : memref<!tpu.dma_semaphore, #tpu.memory_space<semaphore_mem>>) src(%dma_wait3A_421 : memref<10000x64xf32, #tpu.memory_space<vmem_shared>>) dst(%arg11 : memref<128x64xf32, #tpu.memory_space<vmem>>)
      %add3A_422 = arith.constant 2 : i32
      %add3A_423 = arith.addi %mul3A_353, %add3A_422 : i32
      %dma_start3A_424 = arith.constant 0 : i32
      %dma_start3A_425 = tpu.memref_slice %arg8[%add3A_423, %dma_start3A_424] : memref<40x128xi32, #tpu.memory_space<vmem>> -> memref<1x128xi32, #tpu.memory_space<vmem>>
      %dma_start3A_426 = tpu.memref_squeeze %dma_start3A_425 : memref<1x128xi32, #tpu.memory_space<vmem>> -> memref<128xi32, #tpu.memory_space<vmem>>
      %dma_start3A_427 = arith.constant 0 : i32
      %dma_start3A_428 = arith.constant 0 : i32
      %dma_start3A_429 = tpu.memref_slice %arg14[%dma_start3A_427, %dma_start3A_428] : memref<10240x64xf32, #tpu.memory_space<vmem_shared>> -> memref<10240x64xf32, #tpu.memory_space<vmem_shared>>
      tpu.enqueue_indirect_dma source(%arg11 : memref<128x64xf32, #tpu.memory_space<vmem>>) target(%dma_start3A_429 : memref<10240x64xf32, #tpu.memory_space<vmem_shared>>) offsets(%dma_start3A_426 : memref<128xi32, #tpu.memory_space<vmem>>) semaphore(%arg21 : memref<!tpu.dma_semaphore, #tpu.memory_space<semaphore_mem>>) {add = true}
      %dma_wait3A_430 = arith.constant 0 : i32
      %dma_wait3A_431 = arith.constant 0 : i32
      %dma_wait3A_432 = tpu.memref_slice %arg8[%dma_wait3A_430, %dma_wait3A_431] : memref<40x128xi32, #tpu.memory_space<vmem>> -> memref<1x128xi32, #tpu.memory_space<vmem>>
      %dma_wait3A_433 = tpu.memref_squeeze %dma_wait3A_432 : memref<1x128xi32, #tpu.memory_space<vmem>> -> memref<128xi32, #tpu.memory_space<vmem>>
      %dma_wait3A_434 = arith.constant 0 : i32
      %dma_wait3A_435 = arith.constant 0 : i32
      %dma_wait3A_436 = tpu.memref_slice %arg14[%dma_wait3A_434, %dma_wait3A_435] : memref<10240x64xf32, #tpu.memory_space<vmem_shared>> -> memref<10240x64xf32, #tpu.memory_space<vmem_shared>>
      tpu.wait_indirect_dma semaphore(%arg19 : memref<!tpu.dma_semaphore, #tpu.memory_space<semaphore_mem>>) src(%arg9 : memref<128x64xf32, #tpu.memory_space<vmem>>) dst(%dma_wait3A_436 : memref<10240x64xf32, #tpu.memory_space<vmem_shared>>)
      %add3A_437 = arith.constant 4 : i32
      %add3A_438 = arith.addi %mul3A_353, %add3A_437 : i32
      %min3A_439 = arith.constant 39 : i32
      %min3A_440 = arith.minsi %add3A_438, %min3A_439 : i32
      %dma_start3A_441 = arith.constant 0 : i32
      %dma_start3A_442 = tpu.memref_slice %arg7[%min3A_440, %dma_start3A_441] : memref<40x128xi32, #tpu.memory_space<vmem>> -> memref<1x128xi32, #tpu.memory_space<vmem>>
      %dma_start3A_443 = tpu.memref_squeeze %dma_start3A_442 : memref<1x128xi32, #tpu.memory_space<vmem>> -> memref<128xi32, #tpu.memory_space<vmem>>
      %dma_start3A_444 = arith.constant 0 : i32
      %dma_start3A_445 = arith.constant 0 : i32
      %dma_start3A_446 = tpu.memref_slice %arg13[%dma_start3A_444, %dma_start3A_445] : memref<10000x64xf32, #tpu.memory_space<vmem_shared>> -> memref<10000x64xf32, #tpu.memory_space<vmem_shared>>
      tpu.enqueue_indirect_dma source(%dma_start3A_446 : memref<10000x64xf32, #tpu.memory_space<vmem_shared>>) target(%arg9 : memref<128x64xf32, #tpu.memory_space<vmem>>) offsets(%dma_start3A_443 : memref<128xi32, #tpu.memory_space<vmem>>) semaphore(%arg15 : memref<!tpu.dma_semaphore, #tpu.memory_space<semaphore_mem>>)
      %dma_wait3A_447 = arith.constant 0 : i32
      %dma_wait3A_448 = arith.constant 0 : i32
      %dma_wait3A_449 = tpu.memref_slice %arg7[%dma_wait3A_447, %dma_wait3A_448] : memref<40x128xi32, #tpu.memory_space<vmem>> -> memref<1x128xi32, #tpu.memory_space<vmem>>
      %dma_wait3A_450 = tpu.memref_squeeze %dma_wait3A_449 : memref<1x128xi32, #tpu.memory_space<vmem>> -> memref<128xi32, #tpu.memory_space<vmem>>
      %dma_wait3A_451 = arith.constant 0 : i32
      %dma_wait3A_452 = arith.constant 0 : i32
      %dma_wait3A_453 = tpu.memref_slice %arg13[%dma_wait3A_451, %dma_wait3A_452] : memref<10000x64xf32, #tpu.memory_space<vmem_shared>> -> memref<10000x64xf32, #tpu.memory_space<vmem_shared>>
      tpu.wait_indirect_dma semaphore(%arg18 : memref<!tpu.dma_semaphore, #tpu.memory_space<semaphore_mem>>) src(%dma_wait3A_453 : memref<10000x64xf32, #tpu.memory_space<vmem_shared>>) dst(%arg12 : memref<128x64xf32, #tpu.memory_space<vmem>>)
      %add3A_454 = arith.constant 3 : i32
      %add3A_455 = arith.addi %mul3A_353, %add3A_454 : i32
      %dma_start3A_456 = arith.constant 0 : i32
      %dma_start3A_457 = tpu.memref_slice %arg8[%add3A_455, %dma_start3A_456] : memref<40x128xi32, #tpu.memory_space<vmem>> -> memref<1x128xi32, #tpu.memory_space<vmem>>
      %dma_start3A_458 = tpu.memref_squeeze %dma_start3A_457 : memref<1x128xi32, #tpu.memory_space<vmem>> -> memref<128xi32, #tpu.memory_space<vmem>>
      %dma_start3A_459 = arith.constant 0 : i32
      %dma_start3A_460 = arith.constant 0 : i32
      %dma_start3A_461 = tpu.memref_slice %arg14[%dma_start3A_459, %dma_start3A_460] : memref<10240x64xf32, #tpu.memory_space<vmem_shared>> -> memref<10240x64xf32, #tpu.memory_space<vmem_shared>>
      tpu.enqueue_indirect_dma source(%arg12 : memref<128x64xf32, #tpu.memory_space<vmem>>) target(%dma_start3A_461 : memref<10240x64xf32, #tpu.memory_space<vmem_shared>>) offsets(%dma_start3A_458 : memref<128xi32, #tpu.memory_space<vmem>>) semaphore(%arg22 : memref<!tpu.dma_semaphore, #tpu.memory_space<semaphore_mem>>) {add = true}
      %dma_wait3A_462 = arith.constant 0 : i32
      %dma_wait3A_463 = arith.constant 0 : i32
      %dma_wait3A_464 = tpu.memref_slice %arg8[%dma_wait3A_462, %dma_wait3A_463] : memref<40x128xi32, #tpu.memory_space<vmem>> -> memref<1x128xi32, #tpu.memory_space<vmem>>
      %dma_wait3A_465 = tpu.memref_squeeze %dma_wait3A_464 : memref<1x128xi32, #tpu.memory_space<vmem>> -> memref<128xi32, #tpu.memory_space<vmem>>
      %dma_wait3A_466 = arith.constant 0 : i32
      %dma_wait3A_467 = arith.constant 0 : i32
      %dma_wait3A_468 = tpu.memref_slice %arg14[%dma_wait3A_466, %dma_wait3A_467] : memref<10240x64xf32, #tpu.memory_space<vmem_shared>> -> memref<10240x64xf32, #tpu.memory_space<vmem_shared>>
      tpu.wait_indirect_dma semaphore(%arg20 : memref<!tpu.dma_semaphore, #tpu.memory_space<semaphore_mem>>) src(%arg10 : memref<128x64xf32, #tpu.memory_space<vmem>>) dst(%dma_wait3A_468 : memref<10240x64xf32, #tpu.memory_space<vmem_shared>>)
      %add3A_469 = arith.constant 5 : i32
      %add3A_470 = arith.addi %mul3A_353, %add3A_469 : i32
      %min3A_471 = arith.constant 39 : i32
      %min3A_472 = arith.minsi %add3A_470, %min3A_471 : i32
      %dma_start3A_473 = arith.constant 0 : i32
      %dma_start3A_474 = tpu.memref_slice %arg7[%min3A_472, %dma_start3A_473] : memref<40x128xi32, #tpu.memory_space<vmem>> -> memref<1x128xi32, #tpu.memory_space<vmem>>
      %dma_start3A_475 = tpu.memref_squeeze %dma_start3A_474 : memref<1x128xi32, #tpu.memory_space<vmem>> -> memref<128xi32, #tpu.memory_space<vmem>>
      %dma_start3A_476 = arith.constant 0 : i32
      %dma_start3A_477 = arith.constant 0 : i32
      %dma_start3A_478 = tpu.memref_slice %arg13[%dma_start3A_476, %dma_start3A_477] : memref<10000x64xf32, #tpu.memory_space<vmem_shared>> -> memref<10000x64xf32, #tpu.memory_space<vmem_shared>>
      tpu.enqueue_indirect_dma source(%dma_start3A_478 : memref<10000x64xf32, #tpu.memory_space<vmem_shared>>) target(%arg10 : memref<128x64xf32, #tpu.memory_space<vmem>>) offsets(%dma_start3A_475 : memref<128xi32, #tpu.memory_space<vmem>>) semaphore(%arg16 : memref<!tpu.dma_semaphore, #tpu.memory_space<semaphore_mem>>)
    }
    %scan3A_317 = arith.constant 9 : i32
    %dma_wait3A_318 = arith.constant 0 : i32
    %dma_wait3A_319 = arith.constant 0 : i32
    %dma_wait3A_320 = tpu.memref_slice %arg7[%dma_wait3A_318, %dma_wait3A_319] : memref<40x128xi32, #tpu.memory_space<vmem>> -> memref<1x128xi32, #tpu.memory_space<vmem>>
    %dma_wait3A_321 = tpu.memref_squeeze %dma_wait3A_320 : memref<1x128xi32, #tpu.memory_space<vmem>> -> memref<128xi32, #tpu.memory_space<vmem>>
    %dma_wait3A_322 = arith.constant 0 : i32
    %dma_wait3A_323 = arith.constant 0 : i32
    %dma_wait3A_324 = tpu.memref_slice %arg13[%dma_wait3A_322, %dma_wait3A_323] : memref<10000x64xf32, #tpu.memory_space<vmem_shared>> -> memref<10000x64xf32, #tpu.memory_space<vmem_shared>>
    tpu.wait_indirect_dma semaphore(%arg15 : memref<!tpu.dma_semaphore, #tpu.memory_space<semaphore_mem>>) src(%dma_wait3A_324 : memref<10000x64xf32, #tpu.memory_space<vmem_shared>>) dst(%arg9 : memref<128x64xf32, #tpu.memory_space<vmem>>)
    %dma_wait3A_325 = arith.constant 0 : i32
    %dma_wait3A_326 = arith.constant 0 : i32
    %dma_wait3A_327 = tpu.memref_slice %arg7[%dma_wait3A_325, %dma_wait3A_326] : memref<40x128xi32, #tpu.memory_space<vmem>> -> memref<1x128xi32, #tpu.memory_space<vmem>>
    %dma_wait3A_328 = tpu.memref_squeeze %dma_wait3A_327 : memref<1x128xi32, #tpu.memory_space<vmem>> -> memref<128xi32, #tpu.memory_space<vmem>>
    %dma_wait3A_329 = arith.constant 0 : i32
    %dma_wait3A_330 = arith.constant 0 : i32
    %dma_wait3A_331 = tpu.memref_slice %arg13[%dma_wait3A_329, %dma_wait3A_330] : memref<10000x64xf32, #tpu.memory_space<vmem_shared>> -> memref<10000x64xf32, #tpu.memory_space<vmem_shared>>
    tpu.wait_indirect_dma semaphore(%arg16 : memref<!tpu.dma_semaphore, #tpu.memory_space<semaphore_mem>>) src(%dma_wait3A_331 : memref<10000x64xf32, #tpu.memory_space<vmem_shared>>) dst(%arg10 : memref<128x64xf32, #tpu.memory_space<vmem>>)
    %dma_wait3A_332 = arith.constant 0 : i32
    %dma_wait3A_333 = arith.constant 0 : i32
    %dma_wait3A_334 = tpu.memref_slice %arg8[%dma_wait3A_332, %dma_wait3A_333] : memref<40x128xi32, #tpu.memory_space<vmem>> -> memref<1x128xi32, #tpu.memory_space<vmem>>
    %dma_wait3A_335 = tpu.memref_squeeze %dma_wait3A_334 : memref<1x128xi32, #tpu.memory_space<vmem>> -> memref<128xi32, #tpu.memory_space<vmem>>
    %dma_wait3A_336 = arith.constant 0 : i32
    %dma_wait3A_337 = arith.constant 0 : i32
    %dma_wait3A_338 = tpu.memref_slice %arg14[%dma_wait3A_336, %dma_wait3A_337] : memref<10240x64xf32, #tpu.memory_space<vmem_shared>> -> memref<10240x64xf32, #tpu.memory_space<vmem_shared>>
    tpu.wait_indirect_dma semaphore(%arg21 : memref<!tpu.dma_semaphore, #tpu.memory_space<semaphore_mem>>) src(%arg11 : memref<128x64xf32, #tpu.memory_space<vmem>>) dst(%dma_wait3A_338 : memref<10240x64xf32, #tpu.memory_space<vmem_shared>>)
    %dma_wait3A_339 = arith.constant 0 : i32
    %dma_wait3A_340 = arith.constant 0 : i32
    %dma_wait3A_341 = tpu.memref_slice %arg8[%dma_wait3A_339, %dma_wait3A_340] : memref<40x128xi32, #tpu.memory_space<vmem>> -> memref<1x128xi32, #tpu.memory_space<vmem>>
    %dma_wait3A_342 = tpu.memref_squeeze %dma_wait3A_341 : memref<1x128xi32, #tpu.memory_space<vmem>> -> memref<128xi32, #tpu.memory_space<vmem>>
    %dma_wait3A_343 = arith.constant 0 : i32
    %dma_wait3A_344 = arith.constant 0 : i32
    %dma_wait3A_345 = tpu.memref_slice %arg14[%dma_wait3A_343, %dma_wait3A_344] : memref<10240x64xf32, #tpu.memory_space<vmem_shared>> -> memref<10240x64xf32, #tpu.memory_space<vmem_shared>>
    tpu.wait_indirect_dma semaphore(%arg22 : memref<!tpu.dma_semaphore, #tpu.memory_space<semaphore_mem>>) src(%arg12 : memref<128x64xf32, #tpu.memory_space<vmem>>) dst(%dma_wait3A_345 : memref<10240x64xf32, #tpu.memory_space<vmem_shared>>)
    %barrier3A_346 = arith.constant 0 : index
    tpu.barrier barrier_id(%barrier3A_346)
    %mul3A_347 = arith.constant 640 : i32
    %mul3A_348 = arith.muli %arg1, %mul3A_347 : i32
    %mul3A_349 = arith.constant 640 : i32
    %mul3A_350 = arith.muli %arg1, %mul3A_349 : i32
    "tpu.region"() ({
      %run_scoped3A = tpu.sem_alloc : memref<!tpu.dma_semaphore, #tpu.memory_space<semaphore_mem>>
      %dma_start3A_351 = arith.constant 0 : i32
      %dma_start3A_352 = tpu.memref_slice %arg6[%arg0, %mul3A_350, %dma_start3A_351] : memref<2x10240x128xf32, #tpu.memory_space<hbm>> -> memref<1x640x64xf32, #tpu.memory_space<hbm>>
      %dma_start3A_353 = tpu.memref_squeeze %dma_start3A_352 : memref<1x640x64xf32, #tpu.memory_space<hbm>> -> memref<640x64xf32, #tpu.memory_space<hbm>>
      %dma_start3A_354 = arith.constant 0 : i32
      %dma_start3A_355 = tpu.memref_slice %arg14[%mul3A_348, %dma_start3A_354] : memref<10240x64xf32, #tpu.memory_space<vmem_shared>> -> memref<640x64xf32, #tpu.memory_space<vmem_shared>>
      tpu.enqueue_dma source(%dma_start3A_355 : memref<640x64xf32, #tpu.memory_space<vmem_shared>>) target(%dma_start3A_353 : memref<640x64xf32, #tpu.memory_space<hbm>>) target_semaphore(%run_scoped3A : memref<!tpu.dma_semaphore, #tpu.memory_space<semaphore_mem>>)
      %dma_wait3A_356 = arith.constant 0 : i32
      %dma_wait3A_357 = tpu.memref_slice %arg6[%arg0, %mul3A_350, %dma_wait3A_356] : memref<2x10240x128xf32, #tpu.memory_space<hbm>> -> memref<1x640x64xf32, #tpu.memory_space<hbm>>
      %dma_wait3A_358 = tpu.memref_squeeze %dma_wait3A_357 : memref<1x640x64xf32, #tpu.memory_space<hbm>> -> memref<640x64xf32, #tpu.memory_space<hbm>>
      %dma_wait3A_359 = arith.constant 0 : i32
      %dma_wait3A_360 = tpu.memref_slice %arg14[%mul3A_348, %dma_wait3A_359] : memref<10240x64xf32, #tpu.memory_space<vmem_shared>> -> memref<640x64xf32, #tpu.memory_space<vmem_shared>>
      tpu.wait_dma2 semaphore(%run_scoped3A : memref<!tpu.dma_semaphore, #tpu.memory_space<semaphore_mem>>) src(%dma_wait3A_360 : memref<640x64xf32, #tpu.memory_space<vmem_shared>>) dst(%dma_wait3A_358 : memref<640x64xf32, #tpu.memory_space<hbm>>)
      tpu.yield
    }) : () -> ()
    return
  }
}

#map = affine_map<(d0, d1) -> (0, 0, 0)>
#map1 = affine_map<(d0, d1) -> (0, 0)>
module attributes {stable_mosaic.version = 14 : i64} {
  func.func @_deg_kernel(%arg0: i32, %arg1: i32, %arg2: memref<32x80x128xi32, #tpu.memory_space<hbm>>, %arg3: memref<128x16xf32, #tpu.memory_space<hbm>>, %arg4: memref<640x16xf32, #tpu.memory_space<hbm>>, %arg5: memref<2x10240x128xf32, #tpu.memory_space<hbm>>, %arg6: memref<80x128xi32, #tpu.memory_space<vmem>>, %arg7: memref<128x16xf32, #tpu.memory_space<vmem>>, %arg8: memref<10240x16xf32, #tpu.memory_space<vmem_shared>>) attributes {dimension_semantics = [#tpu.dimension_semantics<core_parallel>, #tpu.dimension_semantics<subcore_parallel>], iteration_bounds = array<i64: 2, 16>, scalar_prefetch = 0 : i64, scratch_operands = 3 : i64, tpu.core_type = #tpu.core_type<sc_vector_subcore>, window_params = [{transform_indices = #map}, {transform_indices = #map1}, {transform_indices = #map1}, {transform_indices = #map}]} {
    %mul3A = arith.constant 16 : i32
    %mul3A_0 = arith.muli %arg0, %mul3A : i32
    %add3A = arith.addi %mul3A_0, %arg1 : i32
    %mul3A_1 = arith.constant 640 : i32
    %mul3A_2 = arith.muli %arg1, %mul3A_1 : i32
    "tpu.region"() ({
      %run_scoped3A = tpu.sem_alloc : memref<!tpu.dma_semaphore, #tpu.memory_space<semaphore_mem>>
      %dma_start3A = arith.constant 0 : i32
      %dma_start3A_13 = tpu.memref_slice %arg8[%mul3A_2, %dma_start3A] : memref<10240x16xf32, #tpu.memory_space<vmem_shared>> -> memref<640x16xf32, #tpu.memory_space<vmem_shared>>
      tpu.enqueue_dma source(%arg4 : memref<640x16xf32, #tpu.memory_space<hbm>>) target(%dma_start3A_13 : memref<640x16xf32, #tpu.memory_space<vmem_shared>>) target_semaphore(%run_scoped3A : memref<!tpu.dma_semaphore, #tpu.memory_space<semaphore_mem>>)
      %dma_wait3A = arith.constant 0 : i32
      %dma_wait3A_14 = tpu.memref_slice %arg8[%mul3A_2, %dma_wait3A] : memref<10240x16xf32, #tpu.memory_space<vmem_shared>> -> memref<640x16xf32, #tpu.memory_space<vmem_shared>>
      tpu.wait_dma2 semaphore(%run_scoped3A : memref<!tpu.dma_semaphore, #tpu.memory_space<semaphore_mem>>) src(%arg4 : memref<640x16xf32, #tpu.memory_space<hbm>>) dst(%dma_wait3A_14 : memref<640x16xf32, #tpu.memory_space<vmem_shared>>)
      tpu.yield
    }) : () -> ()
    "tpu.region"() ({
      %run_scoped3A = tpu.sem_alloc : memref<!tpu.dma_semaphore, #tpu.memory_space<semaphore_mem>>
      %dma_start3A = arith.constant 0 : i32
      %dma_start3A_13 = arith.constant 0 : i32
      %dma_start3A_14 = tpu.memref_slice %arg2[%add3A, %dma_start3A, %dma_start3A_13] : memref<32x80x128xi32, #tpu.memory_space<hbm>> -> memref<1x80x128xi32, #tpu.memory_space<hbm>>
      %dma_start3A_15 = tpu.memref_squeeze %dma_start3A_14 : memref<1x80x128xi32, #tpu.memory_space<hbm>> -> memref<80x128xi32, #tpu.memory_space<hbm>>
      %dma_start3A_16 = arith.constant 0 : i32
      %dma_start3A_17 = arith.constant 0 : i32
      %dma_start3A_18 = tpu.memref_slice %arg2[%add3A, %dma_start3A_16, %dma_start3A_17] : memref<32x80x128xi32, #tpu.memory_space<hbm>> -> memref<1x80x128xi32, #tpu.memory_space<hbm>>
      %dma_start3A_19 = tpu.memref_squeeze %dma_start3A_18 : memref<1x80x128xi32, #tpu.memory_space<hbm>> -> memref<80x128xi32, #tpu.memory_space<hbm>>
      tpu.enqueue_dma source(%dma_start3A_19 : memref<80x128xi32, #tpu.memory_space<hbm>>) target(%arg6 : memref<80x128xi32, #tpu.memory_space<vmem>>) target_semaphore(%run_scoped3A : memref<!tpu.dma_semaphore, #tpu.memory_space<semaphore_mem>>)
      %dma_wait3A = arith.constant 0 : i32
      %dma_wait3A_20 = arith.constant 0 : i32
      %dma_wait3A_21 = tpu.memref_slice %arg2[%add3A, %dma_wait3A, %dma_wait3A_20] : memref<32x80x128xi32, #tpu.memory_space<hbm>> -> memref<1x80x128xi32, #tpu.memory_space<hbm>>
      %dma_wait3A_22 = tpu.memref_squeeze %dma_wait3A_21 : memref<1x80x128xi32, #tpu.memory_space<hbm>> -> memref<80x128xi32, #tpu.memory_space<hbm>>
      %dma_wait3A_23 = arith.constant 0 : i32
      %dma_wait3A_24 = arith.constant 0 : i32
      %dma_wait3A_25 = tpu.memref_slice %arg2[%add3A, %dma_wait3A_23, %dma_wait3A_24] : memref<32x80x128xi32, #tpu.memory_space<hbm>> -> memref<1x80x128xi32, #tpu.memory_space<hbm>>
      %dma_wait3A_26 = tpu.memref_squeeze %dma_wait3A_25 : memref<1x80x128xi32, #tpu.memory_space<hbm>> -> memref<80x128xi32, #tpu.memory_space<hbm>>
      tpu.wait_dma2 semaphore(%run_scoped3A : memref<!tpu.dma_semaphore, #tpu.memory_space<semaphore_mem>>) src(%dma_wait3A_26 : memref<80x128xi32, #tpu.memory_space<hbm>>) dst(%arg6 : memref<80x128xi32, #tpu.memory_space<vmem>>)
      tpu.yield
    }) : () -> ()
    "tpu.region"() ({
      %run_scoped3A = tpu.sem_alloc : memref<!tpu.dma_semaphore, #tpu.memory_space<semaphore_mem>>
      tpu.enqueue_dma source(%arg3 : memref<128x16xf32, #tpu.memory_space<hbm>>) target(%arg7 : memref<128x16xf32, #tpu.memory_space<vmem>>) target_semaphore(%run_scoped3A : memref<!tpu.dma_semaphore, #tpu.memory_space<semaphore_mem>>)
      tpu.wait_dma2 semaphore(%run_scoped3A : memref<!tpu.dma_semaphore, #tpu.memory_space<semaphore_mem>>) src(%arg3 : memref<128x16xf32, #tpu.memory_space<hbm>>) dst(%arg7 : memref<128x16xf32, #tpu.memory_space<vmem>>)
      tpu.yield
    }) : () -> ()
    %barrier3A = arith.constant 0 : index
    tpu.barrier barrier_id(%barrier3A)
    %scan3A = arith.constant 0 : i32
    %scan3A_3 = arith.constant 0 : i32
    %scan3A_4 = arith.constant 80 : i32
    %scan3A_5 = arith.addi %scan3A_3, %scan3A_4 : i32
    %scan3A_6 = arith.constant 1 : i32
    scf.for %scan3A_13 = %scan3A_3 to %scan3A_5 step %scan3A_6  : i32 {
      "tpu.region"() ({
        %run_scoped3A = tpu.sem_alloc : memref<!tpu.dma_semaphore, #tpu.memory_space<semaphore_mem>>
        %dma_start3A = arith.constant 0 : i32
        %dma_start3A_14 = tpu.memref_slice %arg6[%scan3A_13, %dma_start3A] : memref<80x128xi32, #tpu.memory_space<vmem>> -> memref<1x128xi32, #tpu.memory_space<vmem>>
        %dma_start3A_15 = tpu.memref_squeeze %dma_start3A_14 : memref<1x128xi32, #tpu.memory_space<vmem>> -> memref<128xi32, #tpu.memory_space<vmem>>
        %dma_start3A_16 = arith.constant 0 : i32
        %dma_start3A_17 = arith.constant 0 : i32
        %dma_start3A_18 = tpu.memref_slice %arg8[%dma_start3A_16, %dma_start3A_17] : memref<10240x16xf32, #tpu.memory_space<vmem_shared>> -> memref<10240x16xf32, #tpu.memory_space<vmem_shared>>
        tpu.enqueue_indirect_dma source(%arg7 : memref<128x16xf32, #tpu.memory_space<vmem>>) target(%dma_start3A_18 : memref<10240x16xf32, #tpu.memory_space<vmem_shared>>) offsets(%dma_start3A_15 : memref<128xi32, #tpu.memory_space<vmem>>) semaphore(%run_scoped3A : memref<!tpu.dma_semaphore, #tpu.memory_space<semaphore_mem>>) {add = true}
        %dma_wait3A = arith.constant 0 : i32
        %dma_wait3A_19 = tpu.memref_slice %arg6[%scan3A_13, %dma_wait3A] : memref<80x128xi32, #tpu.memory_space<vmem>> -> memref<1x128xi32, #tpu.memory_space<vmem>>
        %dma_wait3A_20 = tpu.memref_squeeze %dma_wait3A_19 : memref<1x128xi32, #tpu.memory_space<vmem>> -> memref<128xi32, #tpu.memory_space<vmem>>
        %dma_wait3A_21 = arith.constant 0 : i32
        %dma_wait3A_22 = arith.constant 0 : i32
        %dma_wait3A_23 = tpu.memref_slice %arg8[%dma_wait3A_21, %dma_wait3A_22] : memref<10240x16xf32, #tpu.memory_space<vmem_shared>> -> memref<10240x16xf32, #tpu.memory_space<vmem_shared>>
        tpu.wait_indirect_dma semaphore(%run_scoped3A : memref<!tpu.dma_semaphore, #tpu.memory_space<semaphore_mem>>) src(%arg7 : memref<128x16xf32, #tpu.memory_space<vmem>>) dst(%dma_wait3A_23 : memref<10240x16xf32, #tpu.memory_space<vmem_shared>>)
        tpu.yield
      }) : () -> ()
    }
    %scan3A_7 = arith.constant 80 : i32
    %barrier3A_8 = arith.constant 0 : index
    tpu.barrier barrier_id(%barrier3A_8)
    %mul3A_9 = arith.constant 640 : i32
    %mul3A_10 = arith.muli %arg1, %mul3A_9 : i32
    %mul3A_11 = arith.constant 640 : i32
    %mul3A_12 = arith.muli %arg1, %mul3A_11 : i32
    "tpu.region"() ({
      %run_scoped3A = tpu.sem_alloc : memref<!tpu.dma_semaphore, #tpu.memory_space<semaphore_mem>>
      %dma_start3A = arith.constant 0 : i32
      %dma_start3A_13 = tpu.memref_slice %arg5[%arg0, %mul3A_12, %dma_start3A] : memref<2x10240x128xf32, #tpu.memory_space<hbm>> -> memref<1x640x16xf32, #tpu.memory_space<hbm>>
      %dma_start3A_14 = tpu.memref_squeeze %dma_start3A_13 : memref<1x640x16xf32, #tpu.memory_space<hbm>> -> memref<640x16xf32, #tpu.memory_space<hbm>>
      %dma_start3A_15 = arith.constant 0 : i32
      %dma_start3A_16 = tpu.memref_slice %arg8[%mul3A_10, %dma_start3A_15] : memref<10240x16xf32, #tpu.memory_space<vmem_shared>> -> memref<640x16xf32, #tpu.memory_space<vmem_shared>>
      tpu.enqueue_dma source(%dma_start3A_16 : memref<640x16xf32, #tpu.memory_space<vmem_shared>>) target(%dma_start3A_14 : memref<640x16xf32, #tpu.memory_space<hbm>>) target_semaphore(%run_scoped3A : memref<!tpu.dma_semaphore, #tpu.memory_space<semaphore_mem>>)
      %dma_wait3A = arith.constant 0 : i32
      %dma_wait3A_17 = tpu.memref_slice %arg5[%arg0, %mul3A_12, %dma_wait3A] : memref<2x10240x128xf32, #tpu.memory_space<hbm>> -> memref<1x640x16xf32, #tpu.memory_space<hbm>>
      %dma_wait3A_18 = tpu.memref_squeeze %dma_wait3A_17 : memref<1x640x16xf32, #tpu.memory_space<hbm>> -> memref<640x16xf32, #tpu.memory_space<hbm>>
      %dma_wait3A_19 = arith.constant 0 : i32
      %dma_wait3A_20 = tpu.memref_slice %arg8[%mul3A_10, %dma_wait3A_19] : memref<10240x16xf32, #tpu.memory_space<vmem_shared>> -> memref<640x16xf32, #tpu.memory_space<vmem_shared>>
      tpu.wait_dma2 semaphore(%run_scoped3A : memref<!tpu.dma_semaphore, #tpu.memory_space<semaphore_mem>>) src(%dma_wait3A_20 : memref<640x16xf32, #tpu.memory_space<vmem_shared>>) dst(%dma_wait3A_18 : memref<640x16xf32, #tpu.memory_space<hbm>>)
      tpu.yield
    }) : () -> ()
    return
  }
}

module attributes {stable_mosaic.version = 14 : i64} {
  func.func @_mm_body(%arg0: i32, %arg1: memref<1000x128xf32, #tpu.memory_space<vmem>>, %arg2: memref<128x128xf32, #tpu.memory_space<vmem>>, %arg3: memref<1000x128xf32, #tpu.memory_space<vmem>>) attributes {dimension_semantics = [#tpu.dimension_semantics<arbitrary>], iteration_bounds = array<i64: 10>, scalar_prefetch = 0 : i64, scratch_operands = 0 : i64, tpu.core_type = #tpu.core_type<tc>, window_params = [{transform_indices = @transform_0, window_bounds = array<i64: 1000, 128>}, {pipeline_mode = #tpu.pipeline_mode<synchronous>, transform_indices = @transform_1, window_bounds = array<i64: 128, 128>}, {transform_indices = @transform_2, window_bounds = array<i64: 1000, 128>}]} {
    %get3A = arith.constant 0 : index
    %get3A_0 = arith.constant 0 : index
    %get3A_1 = vector.load %arg1[%get3A, %get3A_0] : memref<1000x128xf32, #tpu.memory_space<vmem>>, vector<1000x128xf32>
    %get3A_2 = arith.constant 0 : index
    %get3A_3 = arith.constant 0 : index
    %get3A_4 = vector.load %arg2[%get3A_2, %get3A_3] : memref<128x128xf32, #tpu.memory_space<vmem>>, vector<128x128xf32>
    %dot_general3A = arith.constant dense<0.000000e+00> : vector<1000x128xf32>
    %dot_general3A_5 = tpu.matmul %get3A_1, %get3A_4, %dot_general3A {dimension_numbers = #tpu.dot_dimension_numbers<[1], [0], [0], [1], [0, 0, 1, 1], [], []>, transpose_lhs_hint = false} : vector<1000x128xf32>, vector<128x128xf32>, vector<1000x128xf32> -> vector<1000x128xf32>
    %swap3A = arith.constant 0 : index
    %swap3A_6 = arith.constant 0 : index
    %swap3A_7 = vector.load %arg3[%swap3A, %swap3A_6] : memref<1000x128xf32, #tpu.memory_space<vmem>>, vector<1000x128xf32>
    tpu.vector_store %arg3[%swap3A, %swap3A_6], %dot_general3A_5 {strides = array<i32>} : memref<1000x128xf32, #tpu.memory_space<vmem>>, vector<1000x128xf32>,
    return
  }
  func.func @transform_0(%arg0: i32) -> (i32, i32) {
    %c0_i32 = arith.constant 0 : i32
    %c0_i32_0 = arith.constant 0 : i32
    return %arg0, %c0_i32 : i32, i32
  }
  func.func @transform_1(%arg0: i32) -> (i32, i32) {
    %c0_i32 = arith.constant 0 : i32
    %c0_i32_0 = arith.constant 0 : i32
    %c0_i32_1 = arith.constant 0 : i32
    return %c0_i32, %c0_i32_0 : i32, i32
  }
  func.func @transform_2(%arg0: i32) -> (i32, i32) {
    %c0_i32 = arith.constant 0 : i32
    %c0_i32_0 = arith.constant 0 : i32
    return %arg0, %c0_i32 : i32, i32
  }
}

module attributes {stable_mosaic.version = 14 : i64} {
  func.func @_scale0_body(%arg0: i32, %arg1: memref<2x1000x128xf32, #tpu.memory_space<vmem>>, %arg2: memref<1000x128xf32, #tpu.memory_space<vmem>>, %arg3: memref<1000x128xf32, #tpu.memory_space<vmem>>, %arg4: memref<1000x1xf32, #tpu.memory_space<vmem>>) attributes {dimension_semantics = [#tpu.dimension_semantics<arbitrary>], iteration_bounds = array<i64: 10>, scalar_prefetch = 0 : i64, scratch_operands = 0 : i64, tpu.core_type = #tpu.core_type<tc>, window_params = [{transform_indices = @transform_0, window_bounds = array<i64: 2, 1000, 128>}, {transform_indices = @transform_1, window_bounds = array<i64: 1000, 128>}, {transform_indices = @transform_2, window_bounds = array<i64: 1000, 128>}, {transform_indices = @transform_3, window_bounds = array<i64: 1000, 1>}]} {
    %get3A = arith.constant 0 : index
    %get3A_0 = arith.constant 0 : index
    %get3A_1 = arith.constant 0 : index
    %get3A_2 = vector.load %arg1[%get3A, %get3A_0, %get3A_1] : memref<2x1000x128xf32, #tpu.memory_space<vmem>>, vector<1x1000x1xf32>
    %get3A_3 = vector.shape_cast %get3A_2 : vector<1x1000x1xf32> to vector<1000x1xf32>
    %get3A_4 = arith.constant 1 : index
    %get3A_5 = arith.constant 0 : index
    %get3A_6 = arith.constant 0 : index
    %get3A_7 = vector.load %arg1[%get3A_4, %get3A_5, %get3A_6] : memref<2x1000x128xf32, #tpu.memory_space<vmem>>, vector<1x1000x1xf32>
    %get3A_8 = vector.shape_cast %get3A_7 : vector<1x1000x1xf32> to vector<1000x1xf32>
    %add3A = arith.addf %get3A_3, %get3A_8 : vector<1000x1xf32>
    %add3A_9 = arith.constant 1.000000e+00 : f32
    %add3A_10 = vector.broadcast %add3A_9 : f32 to vector<1000x1xf32>
    %add3A_11 = arith.addf %add3A, %add3A_10 : vector<1000x1xf32>
    %rsqrt3A = math.rsqrt %add3A_11 : vector<1000x1xf32>
    %swap3A = arith.constant 0 : index
    %swap3A_12 = arith.constant 0 : index
    %swap3A_13 = vector.load %arg4[%swap3A, %swap3A_12] : memref<1000x1xf32, #tpu.memory_space<vmem>>, vector<1000x1xf32>
    tpu.vector_store %arg4[%swap3A, %swap3A_12], %rsqrt3A {strides = array<i32>} : memref<1000x1xf32, #tpu.memory_space<vmem>>, vector<1000x1xf32>,
    %get3A_14 = arith.constant 0 : index
    %get3A_15 = arith.constant 0 : index
    %get3A_16 = vector.load %arg2[%get3A_14, %get3A_15] : memref<1000x128xf32, #tpu.memory_space<vmem>>, vector<1000x128xf32>
    %mul3A = vector.broadcast %rsqrt3A : vector<1000x1xf32> to vector<1000x128xf32>
    %mul3A_17 = arith.mulf %get3A_16, %mul3A : vector<1000x128xf32>
    %swap3A_18 = arith.constant 0 : index
    %swap3A_19 = arith.constant 0 : index
    %swap3A_20 = vector.load %arg3[%swap3A_18, %swap3A_19] : memref<1000x128xf32, #tpu.memory_space<vmem>>, vector<1000x128xf32>
    tpu.vector_store %arg3[%swap3A_18, %swap3A_19], %mul3A_17 {strides = array<i32>} : memref<1000x128xf32, #tpu.memory_space<vmem>>, vector<1000x128xf32>,
    return
  }
  func.func @transform_0(%arg0: i32) -> (i32, i32, i32) {
    %c0_i32 = arith.constant 0 : i32
    %c0_i32_0 = arith.constant 0 : i32
    %c0_i32_1 = arith.constant 0 : i32
    return %c0_i32, %arg0, %c0_i32_0 : i32, i32, i32
  }
  func.func @transform_1(%arg0: i32) -> (i32, i32) {
    %c0_i32 = arith.constant 0 : i32
    %c0_i32_0 = arith.constant 0 : i32
    return %arg0, %c0_i32 : i32, i32
  }
  func.func @transform_2(%arg0: i32) -> (i32, i32) {
    %c0_i32 = arith.constant 0 : i32
    %c0_i32_0 = arith.constant 0 : i32
    return %arg0, %c0_i32 : i32, i32
  }
  func.func @transform_3(%arg0: i32) -> (i32, i32) {
    %c0_i32 = arith.constant 0 : i32
    %c0_i32_0 = arith.constant 0 : i32
    return %arg0, %c0_i32 : i32, i32
  }
}

module attributes {stable_mosaic.version = 14 : i64} {
  func.func @_mid_body(%arg0: i32, %arg1: memref<2x1000x128xf32, #tpu.memory_space<vmem>>, %arg2: memref<1000x128xf32, #tpu.memory_space<vmem>>, %arg3: memref<1000x1xf32, #tpu.memory_space<vmem>>, %arg4: memref<1x128xf32, #tpu.memory_space<vmem>>, %arg5: memref<128x64xf32, #tpu.memory_space<vmem>>, %arg6: memref<1000x128xf32, #tpu.memory_space<vmem>>) attributes {dimension_semantics = [#tpu.dimension_semantics<arbitrary>], iteration_bounds = array<i64: 10>, scalar_prefetch = 0 : i64, scratch_operands = 0 : i64, tpu.core_type = #tpu.core_type<tc>, window_params = [{transform_indices = @transform_0, window_bounds = array<i64: 2, 1000, 128>}, {transform_indices = @transform_1, window_bounds = array<i64: 1000, 128>}, {transform_indices = @transform_2, window_bounds = array<i64: 1000, 1>}, {pipeline_mode = #tpu.pipeline_mode<synchronous>, transform_indices = @transform_3, window_bounds = array<i64: 1, 128>}, {pipeline_mode = #tpu.pipeline_mode<synchronous>, transform_indices = @transform_4, window_bounds = array<i64: 128, 64>}, {transform_indices = @transform_5, window_bounds = array<i64: 1000, 128>}]} {
    %get3A = arith.constant 0 : index
    %get3A_0 = arith.constant 0 : index
    %get3A_1 = vector.load %arg3[%get3A, %get3A_0] : memref<1000x1xf32, #tpu.memory_space<vmem>>, vector<1000x1xf32>
    %get3A_2 = arith.constant 0 : index
    %get3A_3 = arith.constant 0 : index
    %get3A_4 = arith.constant 0 : index
    %get3A_5 = vector.load %arg1[%get3A_2, %get3A_3, %get3A_4] : memref<2x1000x128xf32, #tpu.memory_space<vmem>>, vector<1x1000x128xf32>
    %get3A_6 = vector.shape_cast %get3A_5 : vector<1x1000x128xf32> to vector<1000x128xf32>
    %get3A_7 = arith.constant 1 : index
    %get3A_8 = arith.constant 0 : index
    %get3A_9 = arith.constant 0 : index
    %get3A_10 = vector.load %arg1[%get3A_7, %get3A_8, %get3A_9] : memref<2x1000x128xf32, #tpu.memory_space<vmem>>, vector<1x1000x128xf32>
    %get3A_11 = vector.shape_cast %get3A_10 : vector<1x1000x128xf32> to vector<1000x128xf32>
    %add3A = arith.addf %get3A_6, %get3A_11 : vector<1000x128xf32>
    %get3A_12 = arith.constant 0 : index
    %get3A_13 = arith.constant 0 : index
    %get3A_14 = vector.load %arg2[%get3A_12, %get3A_13] : memref<1000x128xf32, #tpu.memory_space<vmem>>, vector<1000x128xf32>
    %add3A_15 = arith.addf %add3A, %get3A_14 : vector<1000x128xf32>
    %mul3A = vector.broadcast %get3A_1 : vector<1000x1xf32> to vector<1000x128xf32>
    %mul3A_16 = arith.mulf %mul3A, %add3A_15 : vector<1000x128xf32>
    %get3A_17 = arith.constant 0 : index
    %get3A_18 = arith.constant 0 : index
    %get3A_19 = vector.load %arg4[%get3A_17, %get3A_18] : memref<1x128xf32, #tpu.memory_space<vmem>>, vector<1x128xf32>
    %add3A_20 = vector.broadcast %get3A_19 : vector<1x128xf32> to vector<1000x128xf32>
    %add3A_21 = arith.addf %mul3A_16, %add3A_20 : vector<1000x128xf32>
    %max3A = arith.constant 0.000000e+00 : f32
    %max3A_22 = vector.broadcast %max3A : f32 to vector<1000x128xf32>
    %max3A_23 = arith.maximumf %add3A_21, %max3A_22 : vector<1000x128xf32>
    %get3A_24 = arith.constant 0 : index
    %get3A_25 = arith.constant 0 : index
    %get3A_26 = vector.load %arg5[%get3A_24, %get3A_25] : memref<128x64xf32, #tpu.memory_space<vmem>>, vector<128x64xf32>
    %dot_general3A = arith.constant dense<0.000000e+00> : vector<1000x64xf32>
    %dot_general3A_27 = tpu.matmul %max3A_23, %get3A_26, %dot_general3A {dimension_numbers = #tpu.dot_dimension_numbers<[1], [0], [0], [1], [0, 0, 1, 1], [], []>, transpose_lhs_hint = false} : vector<1000x128xf32>, vector<128x64xf32>, vector<1000x64xf32> -> vector<1000x64xf32>
    %mul3A_28 = vector.broadcast %get3A_1 : vector<1000x1xf32> to vector<1000x64xf32>
    %mul3A_29 = arith.mulf %dot_general3A_27, %mul3A_28 : vector<1000x64xf32>
    %broadcast_in_dim3A = arith.constant 0.000000e+00 : f32
    %broadcast_in_dim3A_30 = vector.broadcast %broadcast_in_dim3A : f32 to vector<1000x64xf32>
    %concatenate3A = tpu.concatenate %mul3A_29, %broadcast_in_dim3A_30 in 1 : vector<1000x64xf32>, vector<1000x64xf32> -> vector<1000x128xf32>
    %swap3A = arith.constant 0 : index
    %swap3A_31 = arith.constant 0 : index
    %swap3A_32 = vector.load %arg6[%swap3A, %swap3A_31] : memref<1000x128xf32, #tpu.memory_space<vmem>>, vector<1000x128xf32>
    tpu.vector_store %arg6[%swap3A, %swap3A_31], %concatenate3A {strides = array<i32>} : memref<1000x128xf32, #tpu.memory_space<vmem>>, vector<1000x128xf32>,
    return
  }
  func.func @transform_0(%arg0: i32) -> (i32, i32, i32) {
    %c0_i32 = arith.constant 0 : i32
    %c0_i32_0 = arith.constant 0 : i32
    %c0_i32_1 = arith.constant 0 : i32
    return %c0_i32, %arg0, %c0_i32_0 : i32, i32, i32
  }
  func.func @transform_1(%arg0: i32) -> (i32, i32) {
    %c0_i32 = arith.constant 0 : i32
    %c0_i32_0 = arith.constant 0 : i32
    return %arg0, %c0_i32 : i32, i32
  }
  func.func @transform_2(%arg0: i32) -> (i32, i32) {
    %c0_i32 = arith.constant 0 : i32
    %c0_i32_0 = arith.constant 0 : i32
    return %arg0, %c0_i32 : i32, i32
  }
  func.func @transform_3(%arg0: i32) -> (i32, i32) {
    %c0_i32 = arith.constant 0 : i32
    %c0_i32_0 = arith.constant 0 : i32
    %c0_i32_1 = arith.constant 0 : i32
    return %c0_i32, %c0_i32_0 : i32, i32
  }
  func.func @transform_4(%arg0: i32) -> (i32, i32) {
    %c0_i32 = arith.constant 0 : i32
    %c0_i32_0 = arith.constant 0 : i32
    %c0_i32_1 = arith.constant 0 : i32
    return %c0_i32, %c0_i32_0 : i32, i32
  }
  func.func @transform_5(%arg0: i32) -> (i32, i32) {
    %c0_i32 = arith.constant 0 : i32
    %c0_i32_0 = arith.constant 0 : i32
    return %arg0, %c0_i32 : i32, i32
  }
}

module attributes {stable_mosaic.version = 14 : i64} {
  func.func @_fin_body(%arg0: i32, %arg1: memref<2x1000x128xf32, #tpu.memory_space<vmem>>, %arg2: memref<1000x128xf32, #tpu.memory_space<vmem>>, %arg3: memref<1000x1xf32, #tpu.memory_space<vmem>>, %arg4: memref<1x64xf32, #tpu.memory_space<vmem>>, %arg5: memref<1000x64xf32, #tpu.memory_space<vmem>>) attributes {dimension_semantics = [#tpu.dimension_semantics<arbitrary>], iteration_bounds = array<i64: 10>, scalar_prefetch = 0 : i64, scratch_operands = 0 : i64, tpu.core_type = #tpu.core_type<tc>, window_params = [{transform_indices = @transform_0, window_bounds = array<i64: 2, 1000, 128>}, {transform_indices = @transform_1, window_bounds = array<i64: 1000, 128>}, {transform_indices = @transform_2, window_bounds = array<i64: 1000, 1>}, {pipeline_mode = #tpu.pipeline_mode<synchronous>, transform_indices = @transform_3, window_bounds = array<i64: 1, 64>}, {transform_indices = @transform_4, window_bounds = array<i64: 1000, 64>}]} {
    %get3A = arith.constant 0 : index
    %get3A_0 = arith.constant 0 : index
    %get3A_1 = arith.constant 0 : index
    %get3A_2 = vector.load %arg1[%get3A, %get3A_0, %get3A_1] : memref<2x1000x128xf32, #tpu.memory_space<vmem>>, vector<1x1000x64xf32>
    %get3A_3 = vector.shape_cast %get3A_2 : vector<1x1000x64xf32> to vector<1000x64xf32>
    %get3A_4 = arith.constant 1 : index
    %get3A_5 = arith.constant 0 : index
    %get3A_6 = arith.constant 0 : index
    %get3A_7 = vector.load %arg1[%get3A_4, %get3A_5, %get3A_6] : memref<2x1000x128xf32, #tpu.memory_space<vmem>>, vector<1x1000x64xf32>
    %get3A_8 = vector.shape_cast %get3A_7 : vector<1x1000x64xf32> to vector<1000x64xf32>
    %add3A = arith.addf %get3A_3, %get3A_8 : vector<1000x64xf32>
    %get3A_9 = arith.constant 0 : index
    %get3A_10 = arith.constant 0 : index
    %get3A_11 = vector.load %arg3[%get3A_9, %get3A_10] : memref<1000x1xf32, #tpu.memory_space<vmem>>, vector<1000x1xf32>
    %get3A_12 = arith.constant 0 : index
    %get3A_13 = arith.constant 0 : index
    %get3A_14 = vector.load %arg2[%get3A_12, %get3A_13] : memref<1000x128xf32, #tpu.memory_space<vmem>>, vector<1000x64xf32>
    %add3A_15 = arith.addf %add3A, %get3A_14 : vector<1000x64xf32>
    %mul3A = vector.broadcast %get3A_11 : vector<1000x1xf32> to vector<1000x64xf32>
    %mul3A_16 = arith.mulf %mul3A, %add3A_15 : vector<1000x64xf32>
    %get3A_17 = arith.constant 0 : index
    %get3A_18 = arith.constant 0 : index
    %get3A_19 = vector.load %arg4[%get3A_17, %get3A_18] : memref<1x64xf32, #tpu.memory_space<vmem>>, vector<1x64xf32>
    %add3A_20 = vector.broadcast %get3A_19 : vector<1x64xf32> to vector<1000x64xf32>
    %add3A_21 = arith.addf %mul3A_16, %add3A_20 : vector<1000x64xf32>
    %swap3A = arith.constant 0 : index
    %swap3A_22 = arith.constant 0 : index
    %swap3A_23 = vector.load %arg5[%swap3A, %swap3A_22] : memref<1000x64xf32, #tpu.memory_space<vmem>>, vector<1000x64xf32>
    tpu.vector_store %arg5[%swap3A, %swap3A_22], %add3A_21 {strides = array<i32>} : memref<1000x64xf32, #tpu.memory_space<vmem>>, vector<1000x64xf32>,
    return
  }
  func.func @transform_0(%arg0: i32) -> (i32, i32, i32) {
    %c0_i32 = arith.constant 0 : i32
    %c0_i32_0 = arith.constant 0 : i32
    %c0_i32_1 = arith.constant 0 : i32
    return %c0_i32, %arg0, %c0_i32_0 : i32, i32, i32
  }
  func.func @transform_1(%arg0: i32) -> (i32, i32) {
    %c0_i32 = arith.constant 0 : i32
    %c0_i32_0 = arith.constant 0 : i32
    return %arg0, %c0_i32 : i32, i32
  }
  func.func @transform_2(%arg0: i32) -> (i32, i32) {
    %c0_i32 = arith.constant 0 : i32
    %c0_i32_0 = arith.constant 0 : i32
    return %arg0, %c0_i32 : i32, i32
  }
  func.func @transform_3(%arg0: i32) -> (i32, i32) {
    %c0_i32 = arith.constant 0 : i32
    %c0_i32_0 = arith.constant 0 : i32
    %c0_i32_1 = arith.constant 0 : i32
    return %c0_i32, %c0_i32_0 : i32, i32
  }
  func.func @transform_4(%arg0: i32) -> (i32, i32) {
    %c0_i32 = arith.constant 0 : i32
    %c0_i32_0 = arith.constant 0 : i32
    return %arg0, %c0_i32 : i32, i32
  }
}

</mosaic_0001>

<sc_bundles>
// kernel: kernel.12.cloned.1.call-start
scs
__scs_entry_jumppad:
0x0: {  	(pc) =	sbr.rel $0x88, $3  }
0x1: {  	(tag) =	ssettag $0x0;
	lr =	simm.s32 $0x1  }
0x2: {  	[smem:$0x3F9B] =	sst lr;
	_ =	strace $0xD0000000  }
0x3: {  	_ = 	snop  }
0x4: {  	_ = 	snop  }
0x5: {  	_ = 	snop  }
0x6: {  	_ = 	snop  }
0x7: {  	_ = 	snop  }
__scs_overlays_trampoline_lowered:
0x8: {  	[smem:$0x3FAA] =	sst s0  }
0x9: {  	[smem:$0x3FAB] =	sst s1  }
0xa: {  	[smem:$0x3FAC] =	sst s2  }
0xb: {  	[smem:$0x3FAD] =	sst s3  }
0xc: {  	[smem:$0x3FAE] =	sst s4  }
0xd: {  	[smem:$0x3FAF] =	sst s5  }
0xe: {  	[smem:$0x3FB0] =	sst s6  }
0xf: {  	[smem:$0x3FB1] =	sst s7  }
0x10: {  	[smem:$0x3FB2] =	sst s8  }
0x11: {  	[smem:$0x3FB3] =	sst s9;
	s0 =	simm.s32 @!p0 $0x0  }
0x12: {  	s1 =	sld [smem:$0x3F99];
	s0 =	simm.s32 @p0 $0x1  }
0x13: {  	[smem:$0x3FB4] =	sst s0;
	s0 =	simm.s32 @!p1 $0x0  }
0x14: {  	s2 =	sld [smem:$0x3F98];
	s0 =	simm.s32 @p1 $0x1  }
0x15: {  	[smem:$0x3FB5] =	sst s0;
	s0 =	simm.s32 @!p2 $0x0  }
0x16: {  	s3 =	sld [smem:$0x3FDB];
	s0 =	simm.s32 @p2 $0x1  }
0x17: {  	s4 =	simm.s32 $0x1BF5;
	[smem:$0x3FB7] =	sst s0  }
0x18: {  	s0 =	sld [smem:$0x3F9A];
	_ =	swait.ge [sflag:s4], $0x0  }
0x19: {  	s7 =	sld [smem:$0x3F9B]  }
0x1a: {  	s8 =	sadd.s32 $0xFFFFE003, lr  }
0x1b: {  	s9 =	sadd.s32 $0xFFFFFEF7, lr;
	s5 =	simm.s32 $0xFFFFFFFF;
	p2 =	slt.u32 s8, $0xFFFFF086  }
0x1c: {  	p1 =	slt.u32 s9, $0xF7A;
	s5 =	simm.s32 @!p2 $0x0  }
0x1d: {  	s5 =	simm.s32 @p1 $0x1;
	p0 =	seq.s32 s7, s2  }
0x1e: {  	s7 =	smul.u32 @!p0 $0xF7A, s2;
	p2 =	seq.s32 @!p0 s5, $0x0  }
0x1f: {  	s9 =	smul.u32 $0xF7A, s1;
	s8 =	simm.s32 @!p0 $0x1BF5;
	p2 =	por !p2, p0  }
0x20: {  	[sflag:s8] =	ssyncset.s32 @!p0 $0xFFFFF086;
	s6 =	sadd.s32 @!p0 s3, s7;
	s7 =	simm.s32 @!p0 $0x108  }
0x21: {  	s3 =	sadd.s32 s3, s9;
	s6 =	sadd.s32 @!p0 $0x88, s6;
	s7 =	simm.s32 @p2 $0x1082  }
0x22: {  	[simem:s7], [sflag:s8] =	dma.local @!p0 [hbm:s6], $0xF7A  }
0x23: {  	s9 =	sor.u32 $0xD0000000, s2;
	s6 =	simm.s32 $0x108;
	_ =	swait.ge @!p0 [sflag:s8], $0x0  }
0x24: {  	s3 =	sadd.s32 $0x88, s3;
	s6 =	simm.s32 @!p1 $0x1082;
	[sflag:s4] =	ssyncset.s32 $0xFFFFF086  }
0x25: {  	[simem:s6], [sflag:s4] =	dma.local [hbm:s3], $0xF7A  }
0x26: {  	[smem:$0x3F9B] =	sst s1;
	(tag) =	ssettag s2;
	_ =	strace s9  }
0x27: {  	s1 =	sld [smem:$0x3FAB]  }
0x28: {  	s2 =	sld [smem:$0x3FAC]  }
0x29: {  	s4 =	sld [smem:$0x3FAE]  }
0x2a: {  	p0 =	seq.s32 s5, $0x0;
	s5 =	sld [smem:$0x3FAF]  }
0x2b: {  	s6 =	sld [smem:$0x3FB0]  }
0x2c: {  	s7 =	sld [smem:$0x3FB1]  }
0x2d: {  	s3 =	simm.s32 $0x108;
	s8 =	sld [smem:$0x3FB2]  }
0x2e: {  	s3 =	simm.s32 @!p0 $0x1082;
	s9 =	sld [smem:$0x3FB3]  }
0x2f: {  	lr =	sadd.s32 s0, s3;
	s0 =	sld [smem:$0x3FAA]  }
0x30: {  	s3 =	sld [smem:$0x3FAD]  }
0x31: {  	[smem:$0x3FB6] =	sst s10  }
0x32: {  	s10 =	sld [smem:$0x3FB4];
	_ =	sdelay $0x3  }
0x33: {  	p0 =	seq.s32 s10, $0x1;
	s10 =	sld [smem:$0x3FB6];
	_ =	sdelay $0x3  }
0x34: {  	[smem:$0x3FB6] =	sst s10  }
0x35: {  	s10 =	sld [smem:$0x3FB5];
	_ =	sdelay $0x3  }
0x36: {  	p1 =	seq.s32 s10, $0x1;
	s10 =	sld [smem:$0x3FB6];
	_ =	sdelay $0x3  }
0x37: {  	[smem:$0x3FB6] =	sst s10  }
0x38: {  	s10 =	sld [smem:$0x3FB7]  }
0x39: {  	_ = 	snop;
	(pc) =	sbr.ind lr, $3  }
0x3a: {  	_ = 	snop  }
0x3b: {  	_ = 	snop  }
0x3c: {  	p2 =	seq.s32 s10, $0x1;
	s10 =	sld [smem:$0x3FB6]  }
0x3d: {  	_ =	shalt  }
0x3e: {  	_ =	shalt  }
0x3f: {  	_ =	shalt  }
0x40: {  	_ =	shalt  }
0x41: {  	_ =	shalt  }
0x42: {  	_ =	shalt  }
0x43: {  	_ =	shalt  }
0x44: {  	_ =	shalt  }
0x45: {  	_ =	shalt  }
0x46: {  	_ =	shalt  }
0x47: {  	_ =	shalt  }
0x48: {  	_ =	shalt  }
0x49: {  	_ =	shalt  }
0x4a: {  	_ =	shalt  }
0x4b: {  	_ =	shalt  }
0x4c: {  	_ =	shalt  }
0x4d: {  	_ =	shalt  }
0x4e: {  	_ =	shalt  }
0x4f: {  	_ =	shalt  }
0x50: {  	_ =	shalt  }
0x51: {  	_ =	shalt  }
0x52: {  	_ =	shalt  }
0x53: {  	_ =	shalt  }
0x54: {  	_ =	shalt  }
0x55: {  	_ =	shalt  }
0x56: {  	_ =	shalt  }
0x57: {  	_ =	shalt  }
0x58: {  	_ =	shalt  }
0x59: {  	_ =	shalt  }
0x5a: {  	_ =	shalt  }
0x5b: {  	_ =	shalt  }
0x5c: {  	_ =	shalt  }
0x5d: {  	_ =	shalt  }
0x5e: {  	_ =	shalt  }
0x5f: {  	_ =	shalt  }
0x60: {  	_ =	shalt  }
0x61: {  	_ =	shalt  }
0x62: {  	_ =	shalt  }
0x63: {  	_ =	shalt  }
0x64: {  	_ =	shalt  }
0x65: {  	_ =	shalt  }
0x66: {  	_ =	shalt  }
0x67: {  	_ =	shalt  }
0x68: {  	_ =	shalt  }
0x69: {  	_ =	shalt  }
0x6a: {  	_ =	shalt  }
0x6b: {  	_ =	shalt  }
0x6c: {  	_ =	shalt  }
0x6d: {  	_ =	shalt  }
0x6e: {  	_ =	shalt  }
0x6f: {  	_ =	shalt  }
0x70: {  	_ =	shalt  }
0x71: {  	_ =	shalt  }
0x72: {  	_ =	shalt  }
0x73: {  	_ =	shalt  }
0x74: {  	_ =	shalt  }
0x75: {  	_ =	shalt  }
0x76: {  	_ =	shalt  }
0x77: {  	_ =	shalt  }
0x78: {  	_ =	shalt  }
0x79: {  	_ =	shalt  }
0x7a: {  	_ =	shalt  }
0x7b: {  	_ =	shalt  }
0x7c: {  	_ =	shalt  }
0x7d: {  	_ =	shalt  }
0x7e: {  	_ =	shalt  }
0x7f: {  	_ =	shalt  }
0x80: {  	_ =	shalt  }
0x81: {  	_ =	shalt  }
0x82: {  	_ =	shalt  }
0x83: {  	_ =	shalt  }
0x84: {  	_ =	shalt  }
0x85: {  	_ =	shalt  }
0x86: {  	_ =	shalt  }
0x87: {  	_ =	shalt  }
.Lfunc_end0:
.L_simem_size_0:
called_computation.1_lowered:
.L_overlay_start_0:
0x88: {  	s2 =	sld [smem:$0x3FD9]  }
0x89: {  	s3 =	sld [smem:$0x3FFE];
	_ =	sdelay $0x1  }
0x8a: {  	s1 =	srdreg.scid  }
0x8b: {  	s0 =	sand.u32 $0x1, s1  }
0x8c: {  	s17 =	sshll.u32 s0, $0xA;
	s2 =	sadd.s32 s3, s2  }
0x8d: {  	s2 =	sadd.s32 s2, s17  }
0x8e: {  	[smem:$0x3FC2] =	sst s2  }
0x8f: {  	_ = 	snop  }
0x90: {  	s2 =	sld [smem:$0x3FD0];
	(tm) =	ssettm $0x1  }
0x91: {  	s18 =	sld [smem:$0x3FFB];
	_ =	sdelay $0x3  }
0x92: {  	_ =	strace s18  }
0x93: {  	s3 =	sld [smem:$0x3FFC];
	_ =	sdelay $0x3  }
0x94: {  	_ =	strace s3  }
0x95: {  	s3 =	sld [smem:$0x3FFD];
	_ =	sdelay $0x3  }
0x96: {  	_ =	strace s3  }
0x97: {  	_ =	strace $0x8FFFFFFF  }
0x98: {  	s19 =	sld [smem:$0x3FDB];
	_ =	sdelay $0x1  }
0x99: {  	s4 =	simm.s32 $_scs_section_size  }
0x9a: {  	s5 =	simm.s32 $_size__tile_overlayer_lowered;
	s6 =	simm.s32 $_tile_overlayer_lowered  }
0x9b: {  	s22 =	simm.s32 $0x1BFF;
	s21 =	sshll.u32 s6, $0x1;
	s3 =	sadd.s32 s4, s19  }
0x9c: {  	s7 =	simm.s32 $0x0;
	s20 =	sshll.u32 s5, $0x1;
	s5 =	sadd.s32 s21, s3  }
0x9d: {  	[timem:s7], [sflag:s22] =	dma.local [hbm:s5], s20  }
0x9e: {  	_ =	swait.ge [sflag:s22], s20  }
0x9f: {  	s4 =	ssub.s32 $0x0, s20;
	[sflag:s22] =	ssyncset.done $0x0  }
0xa0: {  	[sflag:s22] =	ssyncadd.s32 s4;
	_ =	sdelay $0x1  }
0xa1: {  	s23 =	simm.s32 $0x1B8B  }
0xa2: {  	_ =	swait.ge [sflag:s23], $0x1  }
0xa3: {  	[sflag:s23] =	ssyncset.done $0x0  }
0xa4: {  	s25 =	simm.s32 $0x1B8E;
	s24 =	sld [smem:$0x3FFE];
	[sflag:s23] =	ssyncadd.s32 $0xFFFFFFFF  }
0xa5: {  	s26 =	simm.s32 $execute0_lowered;
	[smem:$0x3FD2] =	sst s25  }
0xa6: {  	s5 =	sshll.u32 s26, $0x1;
	_ =	strace $0x80000049;
	[dreg:$0x1] =	wrdreg $0xFFFFFFFF  }
0xa7: {  	s28 =	simm.s32 $_size_execute0_lowered;
	s3 =	sadd.s32 s3, s5;
	[dreg:$0x0] =	wrdreg $0x0  }
0xa8: {  	s5 =	sshll.u32 s28, $0x1;
	[dreg:$0x2] =	wrdreg s3  }
0xa9: {  	[dreg:$0x3] =	wrdreg s5  }
0xaa: {  	[dreg:$0x4] =	wrdreg $0xC0  }
0xab: {  	_ =	task [dreg:s7], $0x5FFFF  }
0xac: {  	[dreg:$0x1] =	wrdreg $0xFFFFFFFF  }
0xad: {  	[dreg:$0x0] =	wrdreg $0x60  }
0xae: {  	[dreg:$0x2] =	wrdreg s24  }
0xaf: {  	[dreg:$0x3] =	wrdreg s2  }
0xb0: {  	[dreg:$0x4] =	wrdreg $0xA8000  }
0xb1: {  	[dreg:$0x5] =	wrdreg $0x144400  }
0xb2: {  	[dreg:$0x6] =	wrdreg $0x9  }
0xb3: {  	_ =	task.clear_ibuf [dreg:s7], $0x7FFFF;
	_ =	strace $0x90000049  }
0xb4: {  	s29 =	simm.s32 $0x9;
	_ =	strace $0x8000004B  }
0xb5: {  	_ =	swait.ge [sflag:s29], $0x1  }
0xb6: {  	[sflag:s29] =	ssyncadd.s32 $0xFFFFFFFF  }
0xb7: {  	_ =	strace $0x9000004B  }
0xb8: {  	_ =	sfence  }
0xb9: {  	s30 =	sld [smem:$0x0];
	_ =	sdelay $0x2  }
0xba: {  	s31 =	sshll.u32 s1, $0xD;
	s1 =	sshrl.u32 s1, $0x2  }
0xbb: {  	s3 =	sand.u32 $0x4000, s31;
	s1 =	sadd.s32 s1, s30  }
0xbc: {  	s0 =	sor.u32 s3, s0;
	s1 =	sshll.u32 s1, $0x11  }
0xbd: {  	s0 =	sor.u32 s1, s0  }
0xbe: {  	s0 =	sadd.s32 $0x8F2B, s0  }
0xbf: {  	[sflag:s0] =	ssyncadd.remote.s32 $0x1  }
0xc0: {  	_ =	sfence.sel $0xFFFF  }
0xc1: {  	[dreg:$0x0] =	wrdreg $0xFFFFFFFF;
	(pc) =	sbr.abs _section_cstart, $3  }
0xc2: {  	[dreg:$0x1] =	wrdreg $0xFFFFFFFF  }
0xc3: {  	_ =	task.clear_ibuf [dreg:s7], $0x2FFFF;
	_ =	strace $0x9FFFFFFF  }
0xc4: {  	(tm) =	ssettm $0x7FFFFFFF  }
0xc5: {  	_ =	shalt  }
tec
execute0_lowered:
.L_overlay_start_1:
0x0: {  	(tag) =	ssettag $0x1  }
0x1: {  	s0 =	rddreg [dreg:$0x0]  }
0x2: {  	s1 =	rddreg [dreg:$0x1];
	s11 =	stileid.u32  }
0x3: {  	s3 =	srdreg.scid;
	s2 =	rddreg [dreg:$0x2]  }
0x4: {  	s8 =	simm.s32 $0x0;
	s28 =	simm.s32 $0x2800;
	s29 =	simm.s32 $0x4800  }
0x5: {  	s31 =	simm.s32 $0x6800;
	s14 =	simm.s32 $0x5;
	s4 =	smul.u32 $0x2710, s11  }
0x6: {  	s12 =	simm.s32 $0x1380;
	s13 =	simm.s32 $0x2700;
	s7 =	smul.u32 $0x14000, s11  }
0x7: {  	s5 =	sand.u32 $0x1, s3;
	s3 =	rddreg [dreg:$0x3];
	s18 =	smul.u32 $0x27100, s11  }
0x8: {  	[smem:$0x7FF] =	sst s8;
	s16 =	sadd.s32 $0x53200, s0;
	s9 =	smul.u32 $0x28000, s11  }
0x9: {  	s17 =	sadd.s32 $0x29C00, s0;
	s21 =	sshll.u32 s11, $0x6;
	s6 =	smul.u32 $0x140000, s5  }
0xa: {  	_ =	strace $0x8000004A;
	[dreg:$0x5] =	wrdreg s17;
	s19 =	sshll.u32 s5, $0x4  }
0xb: {  	s5 =	ssub.s32 $0x2, s5;
	[dreg:$0x7] =	wrdreg s21;
	s17 =	simm.s32 $0x6  }
0xc: {  	s4 =	sadd.s32 s4, s0;
	s8 =	sor.u32 s11, s19;
	s10 =	sshrl.u32 s5, $0x1  }
0xd: {  	s9 =	sshrl.u32 s9, $0x2;
	s19 =	simm.s32 $0x1;
	s11 =	simm.s32 $0x2680  }
0xe: {  	s6 =	sadd.s32 s7, s6;
	s8 =	smul.u32 $0x2800, s8;
	s20 =	sadd.s32 $0x2A00, s4  }
0xf: {  	s5 =	ssub.s32 s5, s10;
	s10 =	sor.u32 $0x1C01, s21;
	[dreg:$0x6] =	wrdreg s20  }
0x10: {  	s9 =	sadd.s32 s9, s3;
	s25 =	sadd.s32 $0x2A08, s4;
	[dreg:$0x8] =	wrdreg s10  }
0x11: {  	s4 =	simm.s32 $0x100;
	s21 =	simm.s32 $0x2780;
	[dreg:$0x9] =	wrdreg s9  }
0x12: {  	s6 =	sshrl.u32 s6, $0x3;
	[dreg:$0xf] =	wrdreg s25;
	s26 =	smax.u32 s5, $0x1  }
0x13: {  	s20 =	simm.s32 $0x8;
	s25 =	simm.s32 $0x4;
	s5 =	simm.s32 $0x7  }
0x14: {  	s10 =	simm.s32 $0x1300;
	s0 =	sadd.s32 s6, s0;
	s6 =	sshrl.u32 s18, $0x2  }
0x15: {  	s8 =	sshrl.u32 s8, $0x3;
	[dreg:$0x11] =	wrdreg s26;
	s26 =	simm.s32 $0x80  }
0x16: {  	s18 =	simm.s32 $0x0;
	s6 =	sadd.s32 s6, s2;
	s23 =	sadd.s32 s16, s8  }
0x17: {  	s22 =	sadd.s32 $0x280, s8;
	s8 =	sadd.s32 s1, s8;
	[dreg:$0xa] =	wrdreg s23  }
0x18: {  	s24 =	sadd.s32 $0x5D200, s0;
	s0 =	sadd.s32 $0x5D208, s0;
	[dreg:$0xb] =	wrdreg s8  }
0x19: {  	s7 =	sadd.s32 s16, s22;
	s1 =	sadd.s32 s1, s22;
	[dreg:$0xe] =	wrdreg s24  }
0x1a: {  	[dreg:$0x10] =	wrdreg s0;
	s30 =	sshrl.u32 s6, $0x3;
	s16 =	simm.s32 $0x10  }
0x1b: {  	s22 =	simm.s32 $0x1400;
	s23 =	simm.s32 $0x2;
	[dreg:$0xc] =	wrdreg s7  }
0x1c: {  	s24 =	simm.s32 $0x3;
	s6 =	simm.s32 $0x8800;
	[dreg:$0xd] =	wrdreg s1  }
0x1d: {  	s8 =	simm.s32 $0x2600;
	[dreg:$0x12] =	wrdreg s30;
	s7 =	simm.s32 $0x9  }
.LBB2_1:
0x1e: {  	s0 =	rddreg [dreg:$0x6]  }
0x1f: {  	s1 =	rddreg [dreg:$0x8]  }
0x20: {  	s9 =	rddreg [dreg:$0x12]  }
0x21: {  	[spmem:s9@s20], [sflag:s1] =	dma.strided [hbm:s0@s16], $0x1388, s19, $0x8   }
0x22: {  	s0 =	rddreg [dreg:$0x7]  }
0x23: {  	s15 =	rddreg [dreg:$0x9]  }
0x24: {  	s9 =	rddreg [dreg:$0x5];
	s1 =	sor.u32 $0x1C02, s0;
	s30 =	sshrl.u32 s15, $0x3  }
0x25: {  	[spmem:s30], [sflag:s1] =	dma.local [hbm:s9], $0x1400  }
0x26: {  	s0 =	simm.s32 $0x0;
	s15 =	rddreg [dreg:$0xa]  }
0x27: {  	[tilespmem:s0], [sflag:$0x3] =	stream.linear.gather [hbm4b:s15+s0], $0x1400, $0x38;
	[tilespmem:$0x1E440] =	vst v63  }
0x28: {  	s15 =	rddreg [dreg:$0xb]  }
0x29: {  	[tilespmem:s22], [sflag:$0x4] =	stream.linear.gather [hbm4b:s15+s0], $0x1400, $0x38;
	[tilespmem:$0x1E440] =	vst v63  }
0x2a: {  	_ =	swait.ge [sflag:s19], $0x1388  }
0x2b: {  	[sflag:s19] =	ssyncset.done $0x0  }
0x2c: {  	[sflag:s19] =	ssyncadd.s32 $0xFFFFEC78  }
0x2d: {  	_ =	swait.ge [sflag:s23], $0x1400  }
0x2e: {  	[sflag:s23] =	ssyncset.done $0x0  }
0x2f: {  	[sflag:s23] =	ssyncadd.s32 $0xFFFFEC00  }
0x30: {  	_ =	swait.ge [sflag:s24], $0x1400  }
0x31: {  	[sflag:s24] =	ssyncset.done $0x0  }
0x32: {  	[sflag:s24] =	ssyncadd.s32 $0xFFFFEC00  }
0x33: {  	_ =	swait.ge [sflag:s25], $0x1400  }
0x34: {  	[sflag:s25] =	ssyncset.done $0x0  }
0x35: {  	[sflag:s25] =	ssyncadd.s32 $0xFFFFEC00  }
0x36: {  	[bflag:$0x0] =	sbarrier.arrive $0xFFFF  }
0x37: {  	[tilespmem:s28], [sflag:$0x1] =	stream.indirect.gather [spmem:s2], $0x40, s0, s26, $0xb8;
	[tilespmem:$0x1E440] =	vst v63  }
0x38: {  	_ = 	snop  }
0x39: {  	[tilespmem:s29], [sflag:$0x2] =	stream.indirect.gather [spmem:s2], $0x40, s26, s26, $0xb8;
	[tilespmem:$0x1E440] =	vst v63  }
0x3a: {  	_ =	swait.ge [sflag:s19], $0x2000  }
0x3b: {  	[sflag:s19] =	ssyncset.done $0x0  }
0x3c: {  	[sflag:s19] =	ssyncadd.s32 $0xFFFFE000  }
0x3d: {  	[spmem:s3] =	stream.indirect.scatter.add.f32 [tilespmem:s28], [sflag:$0x5], $0x40, s22, s26, $0xb8;
	[tilespmem:$0x1E440] =	vst v63  }
0x3e: {  	_ = 	snop  }
0x3f: {  	[tilespmem:s31], [sflag:$0x3] =	stream.indirect.gather [spmem:s2], $0x40, s4, s26, $0xb8;
	[tilespmem:$0x1E440] =	vst v63  }
0x40: {  	_ =	swait.ge [sflag:s23], $0x2000  }
0x41: {  	[sflag:s23] =	ssyncset.done $0x0  }
0x42: {  	s15 =	simm.s32 $0x1480;
	[sflag:s23] =	ssyncadd.s32 $0xFFFFE000  }
0x43: {  	[spmem:s3] =	stream.indirect.scatter.add.f32 [tilespmem:s29], [sflag:$0x6], $0x40, s15, s26, $0xb8;
	[tilespmem:$0x1E440] =	vst v63  }
0x44: {  	s9 =	simm.s32 $0x180  }
0x45: {  	[tilespmem:s6], [sflag:$0x4] =	stream.indirect.gather [spmem:s2], $0x40, s9, s26, $0xb8;
	[tilespmem:$0x1E440] =	vst v63  }
0x46: {  	_ =	swait.ge [sflag:s24], $0x2000  }
0x47: {  	[sflag:s24] =	ssyncset.done $0x0  }
0x48: {  	s15 =	simm.s32 $0x1500;
	[sflag:s24] =	ssyncadd.s32 $0xFFFFE000  }
0x49: {  	[spmem:s3] =	stream.indirect.scatter.add.f32 [tilespmem:s31], [sflag:$0x7], $0x40, s15, s26, $0xb8;
	[tilespmem:$0x1E440] =	vst v63  }
0x4a: {  	_ =	swait.ge [sflag:s14], $0x2000  }
0x4b: {  	[sflag:s14] =	ssyncset.done $0x0  }
0x4c: {  	s9 =	simm.s32 $0x200;
	[sflag:s14] =	ssyncadd.s32 $0xFFFFE000  }
0x4d: {  	[tilespmem:s28], [sflag:$0x1] =	stream.indirect.gather [spmem:s2], $0x40, s9, s26, $0xb8;
	[tilespmem:$0x1E440] =	vst v63  }
0x4e: {  	_ =	swait.ge [sflag:s25], $0x2000  }
0x4f: {  	[sflag:s25] =	ssyncset.done $0x0  }
0x50: {  	s15 =	simm.s32 $0x1580;
	[sflag:s25] =	ssyncadd.s32 $0xFFFFE000  }
0x51: {  	[spmem:s3] =	stream.indirect.scatter.add.f32 [tilespmem:s6], [sflag:$0x8], $0x40, s15, s26, $0xb8;
	[tilespmem:$0x1E440] =	vst v63  }
0x52: {  	_ =	swait.ge [sflag:s17], $0x2000  }
0x53: {  	[sflag:s17] =	ssyncset.done $0x0  }
0x54: {  	s9 =	simm.s32 $0x280;
	[sflag:s17] =	ssyncadd.s32 $0xFFFFE000  }
0x55: {  	[tilespmem:s29], [sflag:$0x2] =	stream.indirect.gather [spmem:s2], $0x40, s9, s26, $0xb8;
	[tilespmem:$0x1E440] =	vst v63  }
0x56: {  	_ =	swait.ge [sflag:s19], $0x2000  }
0x57: {  	[sflag:s19] =	ssyncset.done $0x0  }
0x58: {  	s15 =	simm.s32 $0x1600;
	[sflag:s19] =	ssyncadd.s32 $0xFFFFE000  }
0x59: {  	[spmem:s3] =	stream.indirect.scatter.add.f32 [tilespmem:s28], [sflag:$0x5], $0x40, s15, s26, $0xb8;
	[tilespmem:$0x1E440] =	vst v63  }
0x5a: {  	_ =	swait.ge [sflag:s5], $0x2000  }
0x5b: {  	[sflag:s5] =	ssyncset.done $0x0  }
0x5c: {  	s9 =	simm.s32 $0x300;
	[sflag:s5] =	ssyncadd.s32 $0xFFFFE000  }
0x5d: {  	[tilespmem:s31], [sflag:$0x3] =	stream.indirect.gather [spmem:s2], $0x40, s9, s26, $0xb8;
	[tilespmem:$0x1E440] =	vst v63  }
0x5e: {  	_ =	swait.ge [sflag:s23], $0x2000  }
0x5f: {  	[sflag:s23] =	ssyncset.done $0x0  }
0x60: {  	s15 =	simm.s32 $0x1680;
	[sflag:s23] =	ssyncadd.s32 $0xFFFFE000  }
0x61: {  	[spmem:s3] =	stream.indirect.scatter.add.f32 [tilespmem:s29], [sflag:$0x6], $0x40, s15, s26, $0xb8;
	[tilespmem:$0x1E440] =	vst v63  }
0x62: {  	_ =	swait.ge [sflag:s20], $0x2000  }
0x63: {  	[sflag:s20] =	ssyncset.done $0x0  }
0x64: {  	s9 =	simm.s32 $0x380;
	[sflag:s20] =	ssyncadd.s32 $0xFFFFE000  }
0x65: {  	[tilespmem:s6], [sflag:$0x4] =	stream.indirect.gather [spmem:s2], $0x40, s9, s26, $0xb8;
	[tilespmem:$0x1E440] =	vst v63  }
0x66: {  	_ =	swait.ge [sflag:s24], $0x2000  }
0x67: {  	[sflag:s24] =	ssyncset.done $0x0  }
0x68: {  	s15 =	simm.s32 $0x1700;
	[sflag:s24] =	ssyncadd.s32 $0xFFFFE000  }
0x69: {  	[spmem:s3] =	stream.indirect.scatter.add.f32 [tilespmem:s31], [sflag:$0x7], $0x40, s15, s26, $0xb8;
	[tilespmem:$0x1E440] =	vst v63  }
0x6a: {  	_ =	swait.ge [sflag:s14], $0x2000  }
0x6b: {  	[sflag:s14] =	ssyncset.done $0x0  }
0x6c: {  	s9 =	simm.s32 $0x400;
	[sflag:s14] =	ssyncadd.s32 $0xFFFFE000  }
0x6d: {  	[tilespmem:s28], [sflag:$0x1] =	stream.indirect.gather [spmem:s2], $0x40, s9, s26, $0xb8;
	[tilespmem:$0x1E440] =	vst v63  }
0x6e: {  	_ =	swait.ge [sflag:s25], $0x2000  }
0x6f: {  	[sflag:s25] =	ssyncset.done $0x0  }
0x70: {  	s15 =	simm.s32 $0x1780;
	[sflag:s25] =	ssyncadd.s32 $0xFFFFE000  }
0x71: {  	[spmem:s3] =	stream.indirect.scatter.add.f32 [tilespmem:s6], [sflag:$0x8], $0x40, s15, s26, $0xb8;
	[tilespmem:$0x1E440] =	vst v63  }
0x72: {  	_ =	swait.ge [sflag:s17], $0x2000  }
0x73: {  	[sflag:s17] =	ssyncset.done $0x0  }
0x74: {  	s0 =	simm.s32 $0x800;
	s9 =	simm.s32 $0x480;
	[sflag:s17] =	ssyncadd.s32 $0xFFFFE000  }
.LBB2_2:
0x75: {  	[tilespmem:s29], [sflag:$0x2] =	stream.indirect.gather [spmem:s2], $0x40, s9, s26, $0xb8;
	[tilespmem:$0x1E440] =	vst v63  }
0x76: {  	s9 =	smov.u32 s0  }
0x77: {  	p0 =	sne.s32 s0, $0x3800;
	s0 =	sadd.s32 $0x800, s0;
	_ =	swait.ge [sflag:s19], $0x2000  }
0x78: {  	s9 =	sshra.s32 s9, $0x2;
	[sflag:s19] =	ssyncset.done $0x0  }
0x79: {  	s15 =	sadd.s32 $0x1600, s9;
	[sflag:s19] =	ssyncadd.s32 $0xFFFFE000  }
0x7a: {  	[spmem:s3] =	stream.indirect.scatter.add.f32 [tilespmem:s28], [sflag:$0x5], $0x40, s15, s26, $0xb8;
	[tilespmem:$0x1E440] =	vst v63  }
0x7b: {  	_ =	swait.ge [sflag:s5], $0x2000  }
0x7c: {  	[sflag:s5] =	ssyncset.done $0x0  }
0x7d: {  	s15 =	sadd.s32 $0x300, s9;
	[sflag:s5] =	ssyncadd.s32 $0xFFFFE000  }
0x7e: {  	[tilespmem:s31], [sflag:$0x3] =	stream.indirect.gather [spmem:s2], $0x40, s15, s26, $0xb8;
	[tilespmem:$0x1E440] =	vst v63  }
0x7f: {  	_ =	swait.ge [sflag:s23], $0x2000  }
0x80: {  	[sflag:s23] =	ssyncset.done $0x0  }
0x81: {  	s15 =	sadd.s32 $0x1680, s9;
	[sflag:s23] =	ssyncadd.s32 $0xFFFFE000  }
0x82: {  	[spmem:s3] =	stream.indirect.scatter.add.f32 [tilespmem:s29], [sflag:$0x6], $0x40, s15, s26, $0xb8;
	[tilespmem:$0x1E440] =	vst v63  }
0x83: {  	_ =	swait.ge [sflag:s20], $0x2000  }
0x84: {  	[sflag:s20] =	ssyncset.done $0x0  }
0x85: {  	s15 =	sadd.s32 $0x380, s9;
	[sflag:s20] =	ssyncadd.s32 $0xFFFFE000  }
0x86: {  	[tilespmem:s6], [sflag:$0x4] =	stream.indirect.gather [spmem:s2], $0x40, s15, s26, $0xb8;
	[tilespmem:$0x1E440] =	vst v63  }
0x87: {  	_ =	swait.ge [sflag:s24], $0x2000  }
0x88: {  	[sflag:s24] =	ssyncset.done $0x0  }
0x89: {  	s15 =	sadd.s32 $0x1700, s9;
	[sflag:s24] =	ssyncadd.s32 $0xFFFFE000  }
0x8a: {  	[spmem:s3] =	stream.indirect.scatter.add.f32 [tilespmem:s31], [sflag:$0x7], $0x40, s15, s26, $0xb8;
	[tilespmem:$0x1E440] =	vst v63  }
0x8b: {  	_ =	swait.ge [sflag:s14], $0x2000  }
0x8c: {  	[sflag:s14] =	ssyncset.done $0x0  }
0x8d: {  	s15 =	sadd.s32 $0x400, s9;
	[sflag:s14] =	ssyncadd.s32 $0xFFFFE000  }
0x8e: {  	[tilespmem:s28], [sflag:$0x1] =	stream.indirect.gather [spmem:s2], $0x40, s15, s26, $0xb8;
	[tilespmem:$0x1E440] =	vst v63  }
0x8f: {  	_ =	swait.ge [sflag:s25], $0x2000  }
0x90: {  	[sflag:s25] =	ssyncset.done $0x0  }
.Ltmp0:
0x91: {  	s15 =	sadd.s32 $0x1780, s9;
	[sflag:s25] =	ssyncadd.s32 $0xFFFFE000;
	(pc) =	sbr.rel @p0 .LBB2_2-.Ltmp0, $4  }
0x92: {  	[spmem:s3] =	stream.indirect.scatter.add.f32 [tilespmem:s6], [sflag:$0x8], $0x40, s15, s26, $0xb8;
	[tilespmem:$0x1E440] =	vst v63  }
0x93: {  	_ =	swait.ge [sflag:s17], $0x2000  }
0x94: {  	[sflag:s17] =	ssyncset.done $0x0  }
0x95: {  	s9 =	sadd.s32 $0x480, s9;
	[sflag:s17] =	ssyncadd.s32 $0xFFFFE000  }
0x96: {  	[tilespmem:s29], [sflag:$0x2] =	stream.indirect.gather [spmem:s2], $0x40, s9, s26, $0xb8;
	[tilespmem:$0x1E440] =	vst v63  }
0x97: {  	_ =	swait.ge [sflag:s19], $0x2000  }
0x98: {  	[sflag:s19] =	ssyncset.done $0x0  }
0x99: {  	[sflag:s19] =	ssyncadd.s32 $0xFFFFE000  }
0x9a: {  	[spmem:s3] =	stream.indirect.scatter.add.f32 [tilespmem:s28], [sflag:$0x5], $0x40, s8, s26, $0xb8;
	[tilespmem:$0x1E440] =	vst v63  }
0x9b: {  	_ =	swait.ge [sflag:s5], $0x2000  }
0x9c: {  	[sflag:s5] =	ssyncset.done $0x0  }
0x9d: {  	[sflag:s5] =	ssyncadd.s32 $0xFFFFE000  }
0x9e: {  	[tilespmem:s31], [sflag:$0x3] =	stream.indirect.gather [spmem:s2], $0x40, s10, s26, $0xb8;
	[tilespmem:$0x1E440] =	vst v63  }
0x9f: {  	_ =	swait.ge [sflag:s23], $0x2000  }
0xa0: {  	[sflag:s23] =	ssyncset.done $0x0  }
0xa1: {  	[sflag:s23] =	ssyncadd.s32 $0xFFFFE000  }
0xa2: {  	[spmem:s3] =	stream.indirect.scatter.add.f32 [tilespmem:s29], [sflag:$0x6], $0x40, s11, s26, $0xb8;
	[tilespmem:$0x1E440] =	vst v63  }
0xa3: {  	_ =	swait.ge [sflag:s20], $0x2000  }
0xa4: {  	[sflag:s20] =	ssyncset.done $0x0  }
0xa5: {  	[sflag:s20] =	ssyncadd.s32 $0xFFFFE000  }
0xa6: {  	[tilespmem:s6], [sflag:$0x4] =	stream.indirect.gather [spmem:s2], $0x40, s12, s26, $0xb8;
	[tilespmem:$0x1E440] =	vst v63  }
0xa7: {  	_ =	swait.ge [sflag:s24], $0x2000  }
0xa8: {  	[sflag:s24] =	ssyncset.done $0x0  }
0xa9: {  	[sflag:s24] =	ssyncadd.s32 $0xFFFFE000  }
0xaa: {  	[spmem:s3] =	stream.indirect.scatter.add.f32 [tilespmem:s31], [sflag:$0x7], $0x40, s13, s26, $0xb8;
	[tilespmem:$0x1E440] =	vst v63  }
0xab: {  	_ =	swait.ge [sflag:s14], $0x2000  }
0xac: {  	[sflag:s14] =	ssyncset.done $0x0  }
0xad: {  	[sflag:s14] =	ssyncadd.s32 $0xFFFFE000  }
0xae: {  	[tilespmem:s28], [sflag:$0x1] =	stream.indirect.gather [spmem:s2], $0x40, s12, s26, $0xb8;
	[tilespmem:$0x1E440] =	vst v63  }
0xaf: {  	_ =	swait.ge [sflag:s25], $0x2000  }
0xb0: {  	[sflag:s25] =	ssyncset.done $0x0  }
0xb1: {  	[sflag:s25] =	ssyncadd.s32 $0xFFFFE000  }
0xb2: {  	[spmem:s3] =	stream.indirect.scatter.add.f32 [tilespmem:s6], [sflag:$0x8], $0x40, s21, s26, $0xb8;
	[tilespmem:$0x1E440] =	vst v63  }
0xb3: {  	_ =	swait.ge [sflag:s17], $0x2000  }
0xb4: {  	[sflag:s17] =	ssyncset.done $0x0  }
0xb5: {  	[sflag:s17] =	ssyncadd.s32 $0xFFFFE000  }
0xb6: {  	[tilespmem:s29], [sflag:$0x2] =	stream.indirect.gather [spmem:s2], $0x40, s12, s26, $0xb8;
	[tilespmem:$0x1E440] =	vst v63  }
0xb7: {  	_ =	swait.ge [sflag:s19], $0x2000  }
0xb8: {  	[sflag:s19] =	ssyncset.done $0x0  }
0xb9: {  	[sflag:s19] =	ssyncadd.s32 $0xFFFFE000  }
0xba: {  	_ =	swait.ge [sflag:s23], $0x2000  }
0xbb: {  	[sflag:s23] =	ssyncset.done $0x0  }
0xbc: {  	[sflag:s23] =	ssyncadd.s32 $0xFFFFE000  }
0xbd: {  	_ =	swait.ge [sflag:s5], $0x2000  }
0xbe: {  	[sflag:s5] =	ssyncset.done $0x0  }
0xbf: {  	[sflag:s5] =	ssyncadd.s32 $0xFFFFE000  }
0xc0: {  	_ =	swait.ge [sflag:s20], $0x2000  }
0xc1: {  	[sflag:s20] =	ssyncset.done $0x0  }
0xc2: {  	s0 =	simm.s32 $0x0;
	s15 =	rddreg [dreg:$0xc];
	[sflag:s20] =	ssyncadd.s32 $0xFFFFE000  }
0xc3: {  	[tilespmem:s0], [sflag:$0x9] =	stream.linear.gather [hbm4b:s15+s0], $0x1400, $0x38;
	[tilespmem:$0x1E440] =	vst v63  }
0xc4: {  	_ =	swait.ge [sflag:s7], $0x1400  }
0xc5: {  	[sflag:s7] =	ssyncset.done $0x0  }
0xc6: {  	s15 =	rddreg [dreg:$0xd];
	[sflag:s7] =	ssyncadd.s32 $0xFFFFEC00  }
0xc7: {  	[tilespmem:s22], [sflag:$0x9] =	stream.linear.gather [hbm4b:s15+s0], $0x1400, $0x38;
	[tilespmem:$0x1E440] =	vst v63  }
0xc8: {  	_ =	swait.ge [sflag:s7], $0x1400  }
0xc9: {  	[sflag:s7] =	ssyncset.done $0x0  }
0xca: {  	[sflag:s7] =	ssyncadd.s32 $0xFFFFEC00  }
0xcb: {  	[tilespmem:s28], [sflag:$0x1] =	stream.indirect.gather [spmem:s2], $0x40, s0, s26, $0xb8;
	[tilespmem:$0x1E440] =	vst v63  }
0xcc: {  	_ = 	snop  }
0xcd: {  	[tilespmem:s29], [sflag:$0x2] =	stream.indirect.gather [spmem:s2], $0x40, s26, s26, $0xb8;
	[tilespmem:$0x1E440] =	vst v63  }
0xce: {  	_ =	swait.ge [sflag:s19], $0x2000  }
0xcf: {  	[sflag:s19] =	ssyncset.done $0x0  }
0xd0: {  	[sflag:s19] =	ssyncadd.s32 $0xFFFFE000  }
0xd1: {  	[spmem:s3] =	stream.indirect.scatter.add.f32 [tilespmem:s28], [sflag:$0x5], $0x40, s22, s26, $0xb8;
	[tilespmem:$0x1E440] =	vst v63  }
0xd2: {  	_ = 	snop  }
0xd3: {  	[tilespmem:s31], [sflag:$0x3] =	stream.indirect.gather [spmem:s2], $0x40, s4, s26, $0xb8;
	[tilespmem:$0x1E440] =	vst v63  }
0xd4: {  	_ =	swait.ge [sflag:s23], $0x2000  }
0xd5: {  	[sflag:s23] =	ssyncset.done $0x0  }
0xd6: {  	s15 =	simm.s32 $0x1480;
	[sflag:s23] =	ssyncadd.s32 $0xFFFFE000  }
0xd7: {  	[spmem:s3] =	stream.indirect.scatter.add.f32 [tilespmem:s29], [sflag:$0x6], $0x40, s15, s26, $0xb8;
	[tilespmem:$0x1E440] =	vst v63  }
0xd8: {  	s4 =	simm.s32 $0x180  }
0xd9: {  	[tilespmem:s6], [sflag:$0x4] =	stream.indirect.gather [spmem:s2], $0x40, s4, s26, $0xb8;
	[tilespmem:$0x1E440] =	vst v63  }
0xda: {  	_ =	swait.ge [sflag:s24], $0x2000  }
0xdb: {  	[sflag:s24] =	ssyncset.done $0x0  }
0xdc: {  	s9 =	simm.s32 $0x1500;
	[sflag:s24] =	ssyncadd.s32 $0xFFFFE000  }
0xdd: {  	[spmem:s3] =	stream.indirect.scatter.add.f32 [tilespmem:s31], [sflag:$0x7], $0x40, s9, s26, $0xb8;
	[tilespmem:$0x1E440] =	vst v63  }
0xde: {  	_ =	swait.ge [sflag:s14], $0x2000  }
0xdf: {  	[sflag:s14] =	ssyncset.done $0x0  }
0xe0: {  	s15 =	simm.s32 $0x200;
	[sflag:s14] =	ssyncadd.s32 $0xFFFFE000  }
0xe1: {  	[tilespmem:s28], [sflag:$0x1] =	stream.indirect.gather [spmem:s2], $0x40, s15, s26, $0xb8;
	[tilespmem:$0x1E440] =	vst v63  }
0xe2: {  	_ =	swait.ge [sflag:s25], $0x2000  }
0xe3: {  	[sflag:s25] =	ssyncset.done $0x0  }
0xe4: {  	s4 =	simm.s32 $0x1580;
	[sflag:s25] =	ssyncadd.s32 $0xFFFFE000  }
0xe5: {  	[spmem:s3] =	stream.indirect.scatter.add.f32 [tilespmem:s6], [sflag:$0x8], $0x40, s4, s26, $0xb8;
	[tilespmem:$0x1E440] =	vst v63  }
0xe6: {  	_ =	swait.ge [sflag:s17], $0x2000  }
0xe7: {  	[sflag:s17] =	ssyncset.done $0x0  }
0xe8: {  	s9 =	simm.s32 $0x280;
	[sflag:s17] =	ssyncadd.s32 $0xFFFFE000  }
0xe9: {  	[tilespmem:s29], [sflag:$0x2] =	stream.indirect.gather [spmem:s2], $0x40, s9, s26, $0xb8;
	[tilespmem:$0x1E440] =	vst v63  }
0xea: {  	_ =	swait.ge [sflag:s19], $0x2000  }
0xeb: {  	[sflag:s19] =	ssyncset.done $0x0  }
0xec: {  	s15 =	simm.s32 $0x1600;
	[sflag:s19] =	ssyncadd.s32 $0xFFFFE000  }
0xed: {  	[spmem:s3] =	stream.indirect.scatter.add.f32 [tilespmem:s28], [sflag:$0x5], $0x40, s15, s26, $0xb8;
	[tilespmem:$0x1E440] =	vst v63  }
0xee: {  	_ =	swait.ge [sflag:s5], $0x2000  }
0xef: {  	[sflag:s5] =	ssyncset.done $0x0  }
0xf0: {  	s4 =	simm.s32 $0x300;
	[sflag:s5] =	ssyncadd.s32 $0xFFFFE000  }
0xf1: {  	[tilespmem:s31], [sflag:$0x3] =	stream.indirect.gather [spmem:s2], $0x40, s4, s26, $0xb8;
	[tilespmem:$0x1E440] =	vst v63  }
0xf2: {  	_ =	swait.ge [sflag:s23], $0x2000  }
0xf3: {  	[sflag:s23] =	ssyncset.done $0x0  }
0xf4: {  	s9 =	simm.s32 $0x1680;
	[sflag:s23] =	ssyncadd.s32 $0xFFFFE000  }
0xf5: {  	[spmem:s3] =	stream.indirect.scatter.add.f32 [tilespmem:s29], [sflag:$0x6], $0x40, s9, s26, $0xb8;
	[tilespmem:$0x1E440] =	vst v63  }
0xf6: {  	_ =	swait.ge [sflag:s20], $0x2000  }
0xf7: {  	[sflag:s20] =	ssyncset.done $0x0  }
0xf8: {  	s15 =	simm.s32 $0x380;
	[sflag:s20] =	ssyncadd.s32 $0xFFFFE000  }
0xf9: {  	[tilespmem:s6], [sflag:$0x4] =	stream.indirect.gather [spmem:s2], $0x40, s15, s26, $0xb8;
	[tilespmem:$0x1E440] =	vst v63  }
0xfa: {  	_ =	swait.ge [sflag:s24], $0x2000  }
0xfb: {  	[sflag:s24] =	ssyncset.done $0x0  }
0xfc: {  	s4 =	simm.s32 $0x1700;
	[sflag:s24] =	ssyncadd.s32 $0xFFFFE000  }
0xfd: {  	[spmem:s3] =	stream.indirect.scatter.add.f32 [tilespmem:s31], [sflag:$0x7], $0x40, s4, s26, $0xb8;
	[tilespmem:$0x1E440] =	vst v63  }
0xfe: {  	_ =	swait.ge [sflag:s14], $0x2000  }
0xff: {  	[sflag:s14] =	ssyncset.done $0x0  }
0x100: {  	s9 =	simm.s32 $0x400;
	[sflag:s14] =	ssyncadd.s32 $0xFFFFE000  }
0x101: {  	[tilespmem:s28], [sflag:$0x1] =	stream.indirect.gather [spmem:s2], $0x40, s9, s26, $0xb8;
	[tilespmem:$0x1E440] =	vst v63  }
0x102: {  	_ =	swait.ge [sflag:s25], $0x2000  }
0x103: {  	[sflag:s25] =	ssyncset.done $0x0  }
0x104: {  	s15 =	simm.s32 $0x1780;
	[sflag:s25] =	ssyncadd.s32 $0xFFFFE000  }
0x105: {  	[spmem:s3] =	stream.indirect.scatter.add.f32 [tilespmem:s6], [sflag:$0x8], $0x40, s15, s26, $0xb8;
	[tilespmem:$0x1E440] =	vst v63  }
0x106: {  	_ =	swait.ge [sflag:s17], $0x2000  }
0x107: {  	[sflag:s17] =	ssyncset.done $0x0  }
0x108: {  	s0 =	simm.s32 $0x800;
	s9 =	simm.s32 $0x480;
	[sflag:s17] =	ssyncadd.s32 $0xFFFFE000  }
.LBB2_4:
0x109: {  	[tilespmem:s29], [sflag:$0x2] =	stream.indirect.gather [spmem:s2], $0x40, s9, s26, $0xb8;
	[tilespmem:$0x1E440] =	vst v63  }
0x10a: {  	s9 =	smov.u32 s0  }
0x10b: {  	p0 =	sne.s32 s0, $0x3800;
	s0 =	sadd.s32 $0x800, s0;
	_ =	swait.ge [sflag:s19], $0x2000  }
0x10c: {  	s9 =	sshra.s32 s9, $0x2;
	[sflag:s19] =	ssyncset.done $0x0  }
0x10d: {  	s15 =	sadd.s32 $0x1600, s9;
	[sflag:s19] =	ssyncadd.s32 $0xFFFFE000  }
0x10e: {  	[spmem:s3] =	stream.indirect.scatter.add.f32 [tilespmem:s28], [sflag:$0x5], $0x40, s15, s26, $0xb8;
	[tilespmem:$0x1E440] =	vst v63  }
0x10f: {  	_ =	swait.ge [sflag:s5], $0x2000  }
0x110: {  	[sflag:s5] =	ssyncset.done $0x0  }
0x111: {  	s15 =	sadd.s32 $0x300, s9;
	[sflag:s5] =	ssyncadd.s32 $0xFFFFE000  }
0x112: {  	[tilespmem:s31], [sflag:$0x3] =	stream.indirect.gather [spmem:s2], $0x40, s15, s26, $0xb8;
	[tilespmem:$0x1E440] =	vst v63  }
0x113: {  	_ =	swait.ge [sflag:s23], $0x2000  }
0x114: {  	[sflag:s23] =	ssyncset.done $0x0  }
0x115: {  	s15 =	sadd.s32 $0x1680, s9;
	[sflag:s23] =	ssyncadd.s32 $0xFFFFE000  }
0x116: {  	[spmem:s3] =	stream.indirect.scatter.add.f32 [tilespmem:s29], [sflag:$0x6], $0x40, s15, s26, $0xb8;
	[tilespmem:$0x1E440] =	vst v63  }
0x117: {  	_ =	swait.ge [sflag:s20], $0x2000  }
0x118: {  	[sflag:s20] =	ssyncset.done $0x0  }
0x119: {  	s15 =	sadd.s32 $0x380, s9;
	[sflag:s20] =	ssyncadd.s32 $0xFFFFE000  }
0x11a: {  	[tilespmem:s6], [sflag:$0x4] =	stream.indirect.gather [spmem:s2], $0x40, s15, s26, $0xb8;
	[tilespmem:$0x1E440] =	vst v63  }
0x11b: {  	_ =	swait.ge [sflag:s24], $0x2000  }
0x11c: {  	[sflag:s24] =	ssyncset.done $0x0  }
0x11d: {  	s15 =	sadd.s32 $0x1700, s9;
	[sflag:s24] =	ssyncadd.s32 $0xFFFFE000  }
0x11e: {  	[spmem:s3] =	stream.indirect.scatter.add.f32 [tilespmem:s31], [sflag:$0x7], $0x40, s15, s26, $0xb8;
	[tilespmem:$0x1E440] =	vst v63  }
0x11f: {  	_ =	swait.ge [sflag:s14], $0x2000  }
0x120: {  	[sflag:s14] =	ssyncset.done $0x0  }
0x121: {  	s15 =	sadd.s32 $0x400, s9;
	[sflag:s14] =	ssyncadd.s32 $0xFFFFE000  }
0x122: {  	[tilespmem:s28], [sflag:$0x1] =	stream.indirect.gather [spmem:s2], $0x40, s15, s26, $0xb8;
	[tilespmem:$0x1E440] =	vst v63  }
0x123: {  	_ =	swait.ge [sflag:s25], $0x2000  }
0x124: {  	[sflag:s25] =	ssyncset.done $0x0  }
.Ltmp1:
0x125: {  	s15 =	sadd.s32 $0x1780, s9;
	[sflag:s25] =	ssyncadd.s32 $0xFFFFE000;
	(pc) =	sbr.rel @p0 .LBB2_4-.Ltmp1, $4  }
0x126: {  	[spmem:s3] =	stream.indirect.scatter.add.f32 [tilespmem:s6], [sflag:$0x8], $0x40, s15, s26, $0xb8;
	[tilespmem:$0x1E440] =	vst v63  }
0x127: {  	_ =	swait.ge [sflag:s17], $0x2000  }
0x128: {  	[sflag:s17] =	ssyncset.done $0x0  }
0x129: {  	s9 =	sadd.s32 $0x480, s9;
	[sflag:s17] =	ssyncadd.s32 $0xFFFFE000  }
0x12a: {  	[tilespmem:s29], [sflag:$0x2] =	stream.indirect.gather [spmem:s2], $0x40, s9, s26, $0xb8;
	[tilespmem:$0x1E440] =	vst v63  }
0x12b: {  	_ =	swait.ge [sflag:s19], $0x2000  }
0x12c: {  	[sflag:s19] =	ssyncset.done $0x0  }
0x12d: {  	[sflag:s19] =	ssyncadd.s32 $0xFFFFE000  }
0x12e: {  	[spmem:s3] =	stream.indirect.scatter.add.f32 [tilespmem:s28], [sflag:$0x5], $0x40, s8, s26, $0xb8;
	[tilespmem:$0x1E440] =	vst v63  }
0x12f: {  	_ =	swait.ge [sflag:s5], $0x2000  }
0x130: {  	[sflag:s5] =	ssyncset.done $0x0  }
0x131: {  	[sflag:s5] =	ssyncadd.s32 $0xFFFFE000  }
0x132: {  	[tilespmem:s31], [sflag:$0x3] =	stream.indirect.gather [spmem:s2], $0x40, s10, s26, $0xb8;
	[tilespmem:$0x1E440] =	vst v63  }
0x133: {  	_ =	swait.ge [sflag:s23], $0x2000  }
0x134: {  	[sflag:s23] =	ssyncset.done $0x0  }
0x135: {  	[sflag:s23] =	ssyncadd.s32 $0xFFFFE000  }
0x136: {  	[spmem:s3] =	stream.indirect.scatter.add.f32 [tilespmem:s29], [sflag:$0x6], $0x40, s11, s26, $0xb8;
	[tilespmem:$0x1E440] =	vst v63  }
0x137: {  	_ =	swait.ge [sflag:s20], $0x2000  }
0x138: {  	[sflag:s20] =	ssyncset.done $0x0  }
0x139: {  	[sflag:s20] =	ssyncadd.s32 $0xFFFFE000  }
0x13a: {  	[tilespmem:s6], [sflag:$0x4] =	stream.indirect.gather [spmem:s2], $0x40, s12, s26, $0xb8;
	[tilespmem:$0x1E440] =	vst v63  }
0x13b: {  	_ =	swait.ge [sflag:s24], $0x2000  }
0x13c: {  	[sflag:s24] =	ssyncset.done $0x0  }
0x13d: {  	[sflag:s24] =	ssyncadd.s32 $0xFFFFE000  }
0x13e: {  	[spmem:s3] =	stream.indirect.scatter.add.f32 [tilespmem:s31], [sflag:$0x7], $0x40, s13, s26, $0xb8;
	[tilespmem:$0x1E440] =	vst v63  }
0x13f: {  	_ =	swait.ge [sflag:s14], $0x2000  }
0x140: {  	[sflag:s14] =	ssyncset.done $0x0  }
0x141: {  	[sflag:s14] =	ssyncadd.s32 $0xFFFFE000  }
0x142: {  	[tilespmem:s28], [sflag:$0x1] =	stream.indirect.gather [spmem:s2], $0x40, s12, s26, $0xb8;
	[tilespmem:$0x1E440] =	vst v63  }
0x143: {  	_ =	swait.ge [sflag:s25], $0x2000  }
0x144: {  	[sflag:s25] =	ssyncset.done $0x0  }
0x145: {  	[sflag:s25] =	ssyncadd.s32 $0xFFFFE000  }
0x146: {  	[spmem:s3] =	stream.indirect.scatter.add.f32 [tilespmem:s6], [sflag:$0x8], $0x40, s21, s26, $0xb8;
	[tilespmem:$0x1E440] =	vst v63  }
0x147: {  	_ =	swait.ge [sflag:s17], $0x2000  }
0x148: {  	[sflag:s17] =	ssyncset.done $0x0  }
0x149: {  	[sflag:s17] =	ssyncadd.s32 $0xFFFFE000  }
0x14a: {  	[tilespmem:s29], [sflag:$0x2] =	stream.indirect.gather [spmem:s2], $0x40, s12, s26, $0xb8;
	[tilespmem:$0x1E440] =	vst v63  }
0x14b: {  	_ =	swait.ge [sflag:s19], $0x2000  }
0x14c: {  	[sflag:s19] =	ssyncset.done $0x0  }
0x14d: {  	[sflag:s19] =	ssyncadd.s32 $0xFFFFE000  }
0x14e: {  	_ =	swait.ge [sflag:s23], $0x2000  }
0x14f: {  	[sflag:s23] =	ssyncset.done $0x0  }
0x150: {  	[sflag:s23] =	ssyncadd.s32 $0xFFFFE000  }
0x151: {  	_ =	swait.ge [sflag:s5], $0x2000  }
0x152: {  	[sflag:s5] =	ssyncset.done $0x0  }
0x153: {  	[sflag:s5] =	ssyncadd.s32 $0xFFFFE000  }
0x154: {  	_ =	swait.ge [sflag:s20], $0x2000  }
0x155: {  	[sflag:s20] =	ssyncset.done $0x0  }
0x156: {  	[sflag:s20] =	ssyncadd.s32 $0xFFFFE000  }
0x157: {  	[bflag:$0x0] =	sbarrier.arrive $0xFFFF  }
0x158: {  	s0 =	rddreg [dreg:$0x7]  }
0x159: {  	s4 =	rddreg [dreg:$0xe];
	s0 =	sor.u32 $0x1C09, s0  }
0x15a: {  	[hbm:s4@s16], [sflag:s0] =	dma.strided [spmem:s30@s20], $0x1400, s19, $0x8   }
0x15b: {  	_ =	swait.ge [sflag:s7], $0x1400  }
0x15c: {  	s9 =	rddreg [dreg:$0x8]  }
0x15d: {  	[sflag:s7] =	ssyncset.done $0x0;
	s15 =	rddreg [dreg:$0xf]  }
0x15e: {  	s4 =	simm.s32 $0x10;
	s16 =	rddreg [dreg:$0x12];
	[sflag:s7] =	ssyncadd.s32 $0xFFFFEC00  }
0x15f: {  	[spmem:s16@s20], [sflag:s9] =	dma.strided [hbm:s15@s4], $0x1388, s19, $0x8   }
0x160: {  	s9 =	rddreg [dreg:$0x5]  }
0x161: {  	[spmem:s30], [sflag:s1] =	dma.local [hbm:s9], $0x1400  }
0x162: {  	s15 =	simm.s32 $0x0;
	s9 =	rddreg [dreg:$0xa]  }
0x163: {  	[tilespmem:s15], [sflag:$0x3] =	stream.linear.gather [hbm4b:s9+s15], $0x1400, $0x38;
	[tilespmem:$0x1E440] =	vst v63  }
0x164: {  	s4 =	rddreg [dreg:$0xb]  }
0x165: {  	[tilespmem:s22], [sflag:$0x4] =	stream.linear.gather [hbm4b:s4+s15], $0x1400, $0x38;
	[tilespmem:$0x1E440] =	vst v63  }
0x166: {  	_ =	swait.ge [sflag:s19], $0x1388  }
0x167: {  	[sflag:s19] =	ssyncset.done $0x0  }
0x168: {  	[sflag:s19] =	ssyncadd.s32 $0xFFFFEC78  }
0x169: {  	_ =	swait.ge [sflag:s23], $0x1400  }
0x16a: {  	[sflag:s23] =	ssyncset.done $0x0  }
0x16b: {  	[sflag:s23] =	ssyncadd.s32 $0xFFFFEC00  }
0x16c: {  	_ =	swait.ge [sflag:s24], $0x1400  }
0x16d: {  	[sflag:s24] =	ssyncset.done $0x0  }
0x16e: {  	[sflag:s24] =	ssyncadd.s32 $0xFFFFEC00  }
0x16f: {  	_ =	swait.ge [sflag:s25], $0x1400  }
0x170: {  	[sflag:s25] =	ssyncset.done $0x0  }
0x171: {  	[sflag:s25] =	ssyncadd.s32 $0xFFFFEC00  }
0x172: {  	[bflag:$0x0] =	sbarrier.arrive $0xFFFF  }
0x173: {  	[tilespmem:s28], [sflag:$0x1] =	stream.indirect.gather [spmem:s2], $0x40, s15, s26, $0xb8;
	[tilespmem:$0x1E440] =	vst v63  }
0x174: {  	_ = 	snop  }
0x175: {  	[tilespmem:s29], [sflag:$0x2] =	stream.indirect.gather [spmem:s2], $0x40, s26, s26, $0xb8;
	[tilespmem:$0x1E440] =	vst v63  }
0x176: {  	_ =	swait.ge [sflag:s19], $0x2000  }
0x177: {  	[sflag:s19] =	ssyncset.done $0x0  }
0x178: {  	[sflag:s19] =	ssyncadd.s32 $0xFFFFE000  }
0x179: {  	[spmem:s3] =	stream.indirect.scatter.add.f32 [tilespmem:s28], [sflag:$0x5], $0x40, s22, s26, $0xb8;
	[tilespmem:$0x1E440] =	vst v63  }
0x17a: {  	s4 =	simm.s32 $0x100  }
0x17b: {  	[tilespmem:s31], [sflag:$0x3] =	stream.indirect.gather [spmem:s2], $0x40, s4, s26, $0xb8;
	[tilespmem:$0x1E440] =	vst v63  }
0x17c: {  	_ =	swait.ge [sflag:s23], $0x2000  }
0x17d: {  	[sflag:s23] =	ssyncset.done $0x0  }
0x17e: {  	s15 =	simm.s32 $0x1480;
	[sflag:s23] =	ssyncadd.s32 $0xFFFFE000  }
0x17f: {  	[spmem:s3] =	stream.indirect.scatter.add.f32 [tilespmem:s29], [sflag:$0x6], $0x40, s15, s26, $0xb8;
	[tilespmem:$0x1E440] =	vst v63  }
0x180: {  	s9 =	simm.s32 $0x180  }
0x181: {  	[tilespmem:s6], [sflag:$0x4] =	stream.indirect.gather [spmem:s2], $0x40, s9, s26, $0xb8;
	[tilespmem:$0x1E440] =	vst v63  }
0x182: {  	_ =	swait.ge [sflag:s24], $0x2000  }
0x183: {  	[sflag:s24] =	ssyncset.done $0x0  }
0x184: {  	s15 =	simm.s32 $0x1500;
	[sflag:s24] =	ssyncadd.s32 $0xFFFFE000  }
0x185: {  	[spmem:s3] =	stream.indirect.scatter.add.f32 [tilespmem:s31], [sflag:$0x7], $0x40, s15, s26, $0xb8;
	[tilespmem:$0x1E440] =	vst v63  }
0x186: {  	_ =	swait.ge [sflag:s14], $0x2000  }
0x187: {  	[sflag:s14] =	ssyncset.done $0x0  }
0x188: {  	s9 =	simm.s32 $0x200;
	[sflag:s14] =	ssyncadd.s32 $0xFFFFE000  }
0x189: {  	[tilespmem:s28], [sflag:$0x1] =	stream.indirect.gather [spmem:s2], $0x40, s9, s26, $0xb8;
	[tilespmem:$0x1E440] =	vst v63  }
0x18a: {  	_ =	swait.ge [sflag:s25], $0x2000  }
0x18b: {  	[sflag:s25] =	ssyncset.done $0x0  }
0x18c: {  	s15 =	simm.s32 $0x1580;
	[sflag:s25] =	ssyncadd.s32 $0xFFFFE000  }
0x18d: {  	[spmem:s3] =	stream.indirect.scatter.add.f32 [tilespmem:s6], [sflag:$0x8], $0x40, s15, s26, $0xb8;
	[tilespmem:$0x1E440] =	vst v63  }
0x18e: {  	_ =	swait.ge [sflag:s17], $0x2000  }
0x18f: {  	[sflag:s17] =	ssyncset.done $0x0  }
0x190: {  	s9 =	simm.s32 $0x280;
	[sflag:s17] =	ssyncadd.s32 $0xFFFFE000  }
0x191: {  	[tilespmem:s29], [sflag:$0x2] =	stream.indirect.gather [spmem:s2], $0x40, s9, s26, $0xb8;
	[tilespmem:$0x1E440] =	vst v63  }
0x192: {  	_ =	swait.ge [sflag:s19], $0x2000  }
0x193: {  	[sflag:s19] =	ssyncset.done $0x0  }
0x194: {  	s15 =	simm.s32 $0x1600;
	[sflag:s19] =	ssyncadd.s32 $0xFFFFE000  }
0x195: {  	[spmem:s3] =	stream.indirect.scatter.add.f32 [tilespmem:s28], [sflag:$0x5], $0x40, s15, s26, $0xb8;
	[tilespmem:$0x1E440] =	vst v63  }
0x196: {  	_ =	swait.ge [sflag:s5], $0x2000  }
0x197: {  	[sflag:s5] =	ssyncset.done $0x0  }
0x198: {  	s9 =	simm.s32 $0x300;
	[sflag:s5] =	ssyncadd.s32 $0xFFFFE000  }
0x199: {  	[tilespmem:s31], [sflag:$0x3] =	stream.indirect.gather [spmem:s2], $0x40, s9, s26, $0xb8;
	[tilespmem:$0x1E440] =	vst v63  }
0x19a: {  	_ =	swait.ge [sflag:s23], $0x2000  }
0x19b: {  	[sflag:s23] =	ssyncset.done $0x0  }
0x19c: {  	s15 =	simm.s32 $0x1680;
	[sflag:s23] =	ssyncadd.s32 $0xFFFFE000  }
0x19d: {  	[spmem:s3] =	stream.indirect.scatter.add.f32 [tilespmem:s29], [sflag:$0x6], $0x40, s15, s26, $0xb8;
	[tilespmem:$0x1E440] =	vst v63  }
0x19e: {  	_ =	swait.ge [sflag:s20], $0x2000  }
0x19f: {  	[sflag:s20] =	ssyncset.done $0x0  }
0x1a0: {  	s9 =	simm.s32 $0x380;
	[sflag:s20] =	ssyncadd.s32 $0xFFFFE000  }
0x1a1: {  	[tilespmem:s6], [sflag:$0x4] =	stream.indirect.gather [spmem:s2], $0x40, s9, s26, $0xb8;
	[tilespmem:$0x1E440] =	vst v63  }
0x1a2: {  	_ =	swait.ge [sflag:s24], $0x2000  }
0x1a3: {  	[sflag:s24] =	ssyncset.done $0x0  }
0x1a4: {  	s15 =	simm.s32 $0x1700;
	[sflag:s24] =	ssyncadd.s32 $0xFFFFE000  }
0x1a5: {  	[spmem:s3] =	stream.indirect.scatter.add.f32 [tilespmem:s31], [sflag:$0x7], $0x40, s15, s26, $0xb8;
	[tilespmem:$0x1E440] =	vst v63  }
0x1a6: {  	_ =	swait.ge [sflag:s14], $0x2000  }
0x1a7: {  	[sflag:s14] =	ssyncset.done $0x0  }
0x1a8: {  	s9 =	simm.s32 $0x400;
	[sflag:s14] =	ssyncadd.s32 $0xFFFFE000  }
0x1a9: {  	[tilespmem:s28], [sflag:$0x1] =	stream.indirect.gather [spmem:s2], $0x40, s9, s26, $0xb8;
	[tilespmem:$0x1E440] =	vst v63  }
0x1aa: {  	_ =	swait.ge [sflag:s25], $0x2000  }
0x1ab: {  	[sflag:s25] =	ssyncset.done $0x0  }
0x1ac: {  	s15 =	simm.s32 $0x1780;
	[sflag:s25] =	ssyncadd.s32 $0xFFFFE000  }
0x1ad: {  	[spmem:s3] =	stream.indirect.scatter.add.f32 [tilespmem:s6], [sflag:$0x8], $0x40, s15, s26, $0xb8;
	[tilespmem:$0x1E440] =	vst v63  }
0x1ae: {  	_ =	swait.ge [sflag:s17], $0x2000  }
0x1af: {  	s16 =	simm.s32 $0x10;
	[sflag:s17] =	ssyncset.done $0x0  }
0x1b0: {  	s1 =	simm.s32 $0x800;
	s9 =	simm.s32 $0x480;
	[sflag:s17] =	ssyncadd.s32 $0xFFFFE000  }
.LBB2_6:
0x1b1: {  	[tilespmem:s29], [sflag:$0x2] =	stream.indirect.gather [spmem:s2], $0x40, s9, s26, $0xb8;
	[tilespmem:$0x1E440] =	vst v63  }
0x1b2: {  	s9 =	smov.u32 s1  }
0x1b3: {  	p0 =	sne.s32 s1, $0x3800;
	s1 =	sadd.s32 $0x800, s1;
	_ =	swait.ge [sflag:s19], $0x2000  }
0x1b4: {  	s9 =	sshra.s32 s9, $0x2;
	[sflag:s19] =	ssyncset.done $0x0  }
0x1b5: {  	s15 =	sadd.s32 $0x1600, s9;
	[sflag:s19] =	ssyncadd.s32 $0xFFFFE000  }
0x1b6: {  	[spmem:s3] =	stream.indirect.scatter.add.f32 [tilespmem:s28], [sflag:$0x5], $0x40, s15, s26, $0xb8;
	[tilespmem:$0x1E440] =	vst v63  }
0x1b7: {  	_ =	swait.ge [sflag:s5], $0x2000  }
0x1b8: {  	[sflag:s5] =	ssyncset.done $0x0  }
0x1b9: {  	s15 =	sadd.s32 $0x300, s9;
	[sflag:s5] =	ssyncadd.s32 $0xFFFFE000  }
0x1ba: {  	[tilespmem:s31], [sflag:$0x3] =	stream.indirect.gather [spmem:s2], $0x40, s15, s26, $0xb8;
	[tilespmem:$0x1E440] =	vst v63  }
0x1bb: {  	_ =	swait.ge [sflag:s23], $0x2000  }
0x1bc: {  	[sflag:s23] =	ssyncset.done $0x0  }
0x1bd: {  	s15 =	sadd.s32 $0x1680, s9;
	[sflag:s23] =	ssyncadd.s32 $0xFFFFE000  }
0x1be: {  	[spmem:s3] =	stream.indirect.scatter.add.f32 [tilespmem:s29], [sflag:$0x6], $0x40, s15, s26, $0xb8;
	[tilespmem:$0x1E440] =	vst v63  }
0x1bf: {  	_ =	swait.ge [sflag:s20], $0x2000  }
0x1c0: {  	[sflag:s20] =	ssyncset.done $0x0  }
0x1c1: {  	s15 =	sadd.s32 $0x380, s9;
	[sflag:s20] =	ssyncadd.s32 $0xFFFFE000  }
0x1c2: {  	[tilespmem:s6], [sflag:$0x4] =	stream.indirect.gather [spmem:s2], $0x40, s15, s26, $0xb8;
	[tilespmem:$0x1E440] =	vst v63  }
0x1c3: {  	_ =	swait.ge [sflag:s24], $0x2000  }
0x1c4: {  	[sflag:s24] =	ssyncset.done $0x0  }
0x1c5: {  	s15 =	sadd.s32 $0x1700, s9;
	[sflag:s24] =	ssyncadd.s32 $0xFFFFE000  }
0x1c6: {  	[spmem:s3] =	stream.indirect.scatter.add.f32 [tilespmem:s31], [sflag:$0x7], $0x40, s15, s26, $0xb8;
	[tilespmem:$0x1E440] =	vst v63  }
0x1c7: {  	_ =	swait.ge [sflag:s14], $0x2000  }
0x1c8: {  	[sflag:s14] =	ssyncset.done $0x0  }
0x1c9: {  	s15 =	sadd.s32 $0x400, s9;
	[sflag:s14] =	ssyncadd.s32 $0xFFFFE000  }
0x1ca: {  	[tilespmem:s28], [sflag:$0x1] =	stream.indirect.gather [spmem:s2], $0x40, s15, s26, $0xb8;
	[tilespmem:$0x1E440] =	vst v63  }
0x1cb: {  	_ =	swait.ge [sflag:s25], $0x2000  }
0x1cc: {  	[sflag:s25] =	ssyncset.done $0x0  }
.Ltmp2:
0x1cd: {  	s15 =	sadd.s32 $0x1780, s9;
	[sflag:s25] =	ssyncadd.s32 $0xFFFFE000;
	(pc) =	sbr.rel @p0 .LBB2_6-.Ltmp2, $4  }
0x1ce: {  	[spmem:s3] =	stream.indirect.scatter.add.f32 [tilespmem:s6], [sflag:$0x8], $0x40, s15, s26, $0xb8;
	[tilespmem:$0x1E440] =	vst v63  }
0x1cf: {  	_ =	swait.ge [sflag:s17], $0x2000  }
0x1d0: {  	[sflag:s17] =	ssyncset.done $0x0  }
0x1d1: {  	s9 =	sadd.s32 $0x480, s9;
	[sflag:s17] =	ssyncadd.s32 $0xFFFFE000  }
0x1d2: {  	[tilespmem:s29], [sflag:$0x2] =	stream.indirect.gather [spmem:s2], $0x40, s9, s26, $0xb8;
	[tilespmem:$0x1E440] =	vst v63  }
0x1d3: {  	_ =	swait.ge [sflag:s19], $0x2000  }
0x1d4: {  	[sflag:s19] =	ssyncset.done $0x0  }
0x1d5: {  	[sflag:s19] =	ssyncadd.s32 $0xFFFFE000  }
0x1d6: {  	[spmem:s3] =	stream.indirect.scatter.add.f32 [tilespmem:s28], [sflag:$0x5], $0x40, s8, s26, $0xb8;
	[tilespmem:$0x1E440] =	vst v63  }
0x1d7: {  	_ =	swait.ge [sflag:s5], $0x2000  }
0x1d8: {  	[sflag:s5] =	ssyncset.done $0x0  }
0x1d9: {  	[sflag:s5] =	ssyncadd.s32 $0xFFFFE000  }
0x1da: {  	[tilespmem:s31], [sflag:$0x3] =	stream.indirect.gather [spmem:s2], $0x40, s10, s26, $0xb8;
	[tilespmem:$0x1E440] =	vst v63  }
0x1db: {  	_ =	swait.ge [sflag:s23], $0x2000  }
0x1dc: {  	[sflag:s23] =	ssyncset.done $0x0  }
0x1dd: {  	[sflag:s23] =	ssyncadd.s32 $0xFFFFE000  }
0x1de: {  	[spmem:s3] =	stream.indirect.scatter.add.f32 [tilespmem:s29], [sflag:$0x6], $0x40, s11, s26, $0xb8;
	[tilespmem:$0x1E440] =	vst v63  }
0x1df: {  	_ =	swait.ge [sflag:s20], $0x2000  }
0x1e0: {  	[sflag:s20] =	ssyncset.done $0x0  }
0x1e1: {  	[sflag:s20] =	ssyncadd.s32 $0xFFFFE000  }
0x1e2: {  	[tilespmem:s6], [sflag:$0x4] =	stream.indirect.gather [spmem:s2], $0x40, s12, s26, $0xb8;
	[tilespmem:$0x1E440] =	vst v63  }
0x1e3: {  	_ =	swait.ge [sflag:s24], $0x2000  }
0x1e4: {  	[sflag:s24] =	ssyncset.done $0x0  }
0x1e5: {  	[sflag:s24] =	ssyncadd.s32 $0xFFFFE000  }
0x1e6: {  	[spmem:s3] =	stream.indirect.scatter.add.f32 [tilespmem:s31], [sflag:$0x7], $0x40, s13, s26, $0xb8;
	[tilespmem:$0x1E440] =	vst v63  }
0x1e7: {  	_ =	swait.ge [sflag:s14], $0x2000  }
0x1e8: {  	[sflag:s14] =	ssyncset.done $0x0  }
0x1e9: {  	[sflag:s14] =	ssyncadd.s32 $0xFFFFE000  }
0x1ea: {  	[tilespmem:s28], [sflag:$0x1] =	stream.indirect.gather [spmem:s2], $0x40, s12, s26, $0xb8;
	[tilespmem:$0x1E440] =	vst v63  }
0x1eb: {  	_ =	swait.ge [sflag:s25], $0x2000  }
0x1ec: {  	[sflag:s25] =	ssyncset.done $0x0  }
0x1ed: {  	[sflag:s25] =	ssyncadd.s32 $0xFFFFE000  }
0x1ee: {  	[spmem:s3] =	stream.indirect.scatter.add.f32 [tilespmem:s6], [sflag:$0x8], $0x40, s21, s26, $0xb8;
	[tilespmem:$0x1E440] =	vst v63  }
0x1ef: {  	_ =	swait.ge [sflag:s17], $0x2000  }
0x1f0: {  	[sflag:s17] =	ssyncset.done $0x0  }
0x1f1: {  	[sflag:s17] =	ssyncadd.s32 $0xFFFFE000  }
0x1f2: {  	[tilespmem:s29], [sflag:$0x2] =	stream.indirect.gather [spmem:s2], $0x40, s12, s26, $0xb8;
	[tilespmem:$0x1E440] =	vst v63  }
0x1f3: {  	_ =	swait.ge [sflag:s19], $0x2000  }
0x1f4: {  	[sflag:s19] =	ssyncset.done $0x0  }
0x1f5: {  	[sflag:s19] =	ssyncadd.s32 $0xFFFFE000  }
0x1f6: {  	_ =	swait.ge [sflag:s23], $0x2000  }
0x1f7: {  	[sflag:s23] =	ssyncset.done $0x0  }
0x1f8: {  	[sflag:s23] =	ssyncadd.s32 $0xFFFFE000  }
0x1f9: {  	_ =	swait.ge [sflag:s5], $0x2000  }
0x1fa: {  	[sflag:s5] =	ssyncset.done $0x0  }
0x1fb: {  	[sflag:s5] =	ssyncadd.s32 $0xFFFFE000  }
0x1fc: {  	_ =	swait.ge [sflag:s20], $0x2000  }
0x1fd: {  	[sflag:s20] =	ssyncset.done $0x0  }
0x1fe: {  	s1 =	simm.s32 $0x0;
	s15 =	rddreg [dreg:$0xc];
	[sflag:s20] =	ssyncadd.s32 $0xFFFFE000  }
0x1ff: {  	[tilespmem:s1], [sflag:$0x9] =	stream.linear.gather [hbm4b:s15+s1], $0x1400, $0x38;
	[tilespmem:$0x1E440] =	vst v63  }
0x200: {  	_ =	swait.ge [sflag:s7], $0x1400  }
0x201: {  	[sflag:s7] =	ssyncset.done $0x0  }
0x202: {  	s15 =	rddreg [dreg:$0xd];
	[sflag:s7] =	ssyncadd.s32 $0xFFFFEC00  }
0x203: {  	[tilespmem:s22], [sflag:$0x9] =	stream.linear.gather [hbm4b:s15+s1], $0x1400, $0x38;
	[tilespmem:$0x1E440] =	vst v63  }
0x204: {  	_ =	swait.ge [sflag:s7], $0x1400  }
0x205: {  	[sflag:s7] =	ssyncset.done $0x0  }
0x206: {  	[sflag:s7] =	ssyncadd.s32 $0xFFFFEC00  }
0x207: {  	[tilespmem:s28], [sflag:$0x1] =	stream.indirect.gather [spmem:s2], $0x40, s1, s26, $0xb8;
	[tilespmem:$0x1E440] =	vst v63  }
0x208: {  	_ = 	snop  }
0x209: {  	[tilespmem:s29], [sflag:$0x2] =	stream.indirect.gather [spmem:s2], $0x40, s26, s26, $0xb8;
	[tilespmem:$0x1E440] =	vst v63  }
0x20a: {  	_ =	swait.ge [sflag:s19], $0x2000  }
0x20b: {  	[sflag:s19] =	ssyncset.done $0x0  }
0x20c: {  	[sflag:s19] =	ssyncadd.s32 $0xFFFFE000  }
0x20d: {  	[spmem:s3] =	stream.indirect.scatter.add.f32 [tilespmem:s28], [sflag:$0x5], $0x40, s22, s26, $0xb8;
	[tilespmem:$0x1E440] =	vst v63  }
0x20e: {  	_ = 	snop  }
0x20f: {  	[tilespmem:s31], [sflag:$0x3] =	stream.indirect.gather [spmem:s2], $0x40, s4, s26, $0xb8;
	[tilespmem:$0x1E440] =	vst v63  }
0x210: {  	_ =	swait.ge [sflag:s23], $0x2000  }
0x211: {  	[sflag:s23] =	ssyncset.done $0x0  }
0x212: {  	s15 =	simm.s32 $0x1480;
	[sflag:s23] =	ssyncadd.s32 $0xFFFFE000  }
0x213: {  	[spmem:s3] =	stream.indirect.scatter.add.f32 [tilespmem:s29], [sflag:$0x6], $0x40, s15, s26, $0xb8;
	[tilespmem:$0x1E440] =	vst v63  }
0x214: {  	s9 =	simm.s32 $0x180  }
0x215: {  	[tilespmem:s6], [sflag:$0x4] =	stream.indirect.gather [spmem:s2], $0x40, s9, s26, $0xb8;
	[tilespmem:$0x1E440] =	vst v63  }
0x216: {  	_ =	swait.ge [sflag:s24], $0x2000  }
0x217: {  	[sflag:s24] =	ssyncset.done $0x0  }
0x218: {  	s15 =	simm.s32 $0x1500;
	[sflag:s24] =	ssyncadd.s32 $0xFFFFE000  }
0x219: {  	[spmem:s3] =	stream.indirect.scatter.add.f32 [tilespmem:s31], [sflag:$0x7], $0x40, s15, s26, $0xb8;
	[tilespmem:$0x1E440] =	vst v63  }
0x21a: {  	_ =	swait.ge [sflag:s14], $0x2000  }
0x21b: {  	[sflag:s14] =	ssyncset.done $0x0  }
0x21c: {  	s9 =	simm.s32 $0x200;
	[sflag:s14] =	ssyncadd.s32 $0xFFFFE000  }
0x21d: {  	[tilespmem:s28], [sflag:$0x1] =	stream.indirect.gather [spmem:s2], $0x40, s9, s26, $0xb8;
	[tilespmem:$0x1E440] =	vst v63  }
0x21e: {  	_ =	swait.ge [sflag:s25], $0x2000  }
0x21f: {  	[sflag:s25] =	ssyncset.done $0x0  }
0x220: {  	s15 =	simm.s32 $0x1580;
	[sflag:s25] =	ssyncadd.s32 $0xFFFFE000  }
0x221: {  	[spmem:s3] =	stream.indirect.scatter.add.f32 [tilespmem:s6], [sflag:$0x8], $0x40, s15, s26, $0xb8;
	[tilespmem:$0x1E440] =	vst v63  }
0x222: {  	_ =	swait.ge [sflag:s17], $0x2000  }
0x223: {  	[sflag:s17] =	ssyncset.done $0x0  }
0x224: {  	s9 =	simm.s32 $0x280;
	[sflag:s17] =	ssyncadd.s32 $0xFFFFE000  }
0x225: {  	[tilespmem:s29], [sflag:$0x2] =	stream.indirect.gather [spmem:s2], $0x40, s9, s26, $0xb8;
	[tilespmem:$0x1E440] =	vst v63  }
0x226: {  	_ =	swait.ge [sflag:s19], $0x2000  }
0x227: {  	[sflag:s19] =	ssyncset.done $0x0  }
0x228: {  	s15 =	simm.s32 $0x1600;
	[sflag:s19] =	ssyncadd.s32 $0xFFFFE000  }
0x229: {  	[spmem:s3] =	stream.indirect.scatter.add.f32 [tilespmem:s28], [sflag:$0x5], $0x40, s15, s26, $0xb8;
	[tilespmem:$0x1E440] =	vst v63  }
0x22a: {  	_ =	swait.ge [sflag:s5], $0x2000  }
0x22b: {  	[sflag:s5] =	ssyncset.done $0x0  }
0x22c: {  	s9 =	simm.s32 $0x300;
	[sflag:s5] =	ssyncadd.s32 $0xFFFFE000  }
0x22d: {  	[tilespmem:s31], [sflag:$0x3] =	stream.indirect.gather [spmem:s2], $0x40, s9, s26, $0xb8;
	[tilespmem:$0x1E440] =	vst v63  }
0x22e: {  	_ =	swait.ge [sflag:s23], $0x2000  }
0x22f: {  	[sflag:s23] =	ssyncset.done $0x0  }
0x230: {  	s15 =	simm.s32 $0x1680;
	[sflag:s23] =	ssyncadd.s32 $0xFFFFE000  }
0x231: {  	[spmem:s3] =	stream.indirect.scatter.add.f32 [tilespmem:s29], [sflag:$0x6], $0x40, s15, s26, $0xb8;
	[tilespmem:$0x1E440] =	vst v63  }
0x232: {  	_ =	swait.ge [sflag:s20], $0x2000  }
0x233: {  	[sflag:s20] =	ssyncset.done $0x0  }
0x234: {  	s9 =	simm.s32 $0x380;
	[sflag:s20] =	ssyncadd.s32 $0xFFFFE000  }
0x235: {  	[tilespmem:s6], [sflag:$0x4] =	stream.indirect.gather [spmem:s2], $0x40, s9, s26, $0xb8;
	[tilespmem:$0x1E440] =	vst v63  }
0x236: {  	_ =	swait.ge [sflag:s24], $0x2000  }
0x237: {  	[sflag:s24] =	ssyncset.done $0x0  }
0x238: {  	s15 =	simm.s32 $0x1700;
	[sflag:s24] =	ssyncadd.s32 $0xFFFFE000  }
0x239: {  	[spmem:s3] =	stream.indirect.scatter.add.f32 [tilespmem:s31], [sflag:$0x7], $0x40, s15, s26, $0xb8;
	[tilespmem:$0x1E440] =	vst v63  }
0x23a: {  	_ =	swait.ge [sflag:s14], $0x2000  }
0x23b: {  	[sflag:s14] =	ssyncset.done $0x0  }
0x23c: {  	s9 =	simm.s32 $0x400;
	[sflag:s14] =	ssyncadd.s32 $0xFFFFE000  }
0x23d: {  	[tilespmem:s28], [sflag:$0x1] =	stream.indirect.gather [spmem:s2], $0x40, s9, s26, $0xb8;
	[tilespmem:$0x1E440] =	vst v63  }
0x23e: {  	_ =	swait.ge [sflag:s25], $0x2000  }
0x23f: {  	[sflag:s25] =	ssyncset.done $0x0  }
0x240: {  	s15 =	simm.s32 $0x1780;
	[sflag:s25] =	ssyncadd.s32 $0xFFFFE000  }
0x241: {  	[spmem:s3] =	stream.indirect.scatter.add.f32 [tilespmem:s6], [sflag:$0x8], $0x40, s15, s26, $0xb8;
	[tilespmem:$0x1E440] =	vst v63  }
0x242: {  	_ =	swait.ge [sflag:s17], $0x2000  }
0x243: {  	[sflag:s17] =	ssyncset.done $0x0  }
0x244: {  	s1 =	simm.s32 $0x800;
	s9 =	simm.s32 $0x480;
	[sflag:s17] =	ssyncadd.s32 $0xFFFFE000  }
.LBB2_8:
0x245: {  	[tilespmem:s29], [sflag:$0x2] =	stream.indirect.gather [spmem:s2], $0x40, s9, s26, $0xb8;
	[tilespmem:$0x1E440] =	vst v63  }
0x246: {  	s9 =	smov.u32 s1  }
0x247: {  	p0 =	sne.s32 s1, $0x3800;
	s1 =	sadd.s32 $0x800, s1;
	_ =	swait.ge [sflag:s19], $0x2000  }
0x248: {  	s9 =	sshra.s32 s9, $0x2;
	[sflag:s19] =	ssyncset.done $0x0  }
0x249: {  	s15 =	sadd.s32 $0x1600, s9;
	[sflag:s19] =	ssyncadd.s32 $0xFFFFE000  }
0x24a: {  	[spmem:s3] =	stream.indirect.scatter.add.f32 [tilespmem:s28], [sflag:$0x5], $0x40, s15, s26, $0xb8;
	[tilespmem:$0x1E440] =	vst v63  }
0x24b: {  	_ =	swait.ge [sflag:s5], $0x2000  }
0x24c: {  	[sflag:s5] =	ssyncset.done $0x0  }
0x24d: {  	s15 =	sadd.s32 $0x300, s9;
	[sflag:s5] =	ssyncadd.s32 $0xFFFFE000  }
0x24e: {  	[tilespmem:s31], [sflag:$0x3] =	stream.indirect.gather [spmem:s2], $0x40, s15, s26, $0xb8;
	[tilespmem:$0x1E440] =	vst v63  }
0x24f: {  	_ =	swait.ge [sflag:s23], $0x2000  }
0x250: {  	[sflag:s23] =	ssyncset.done $0x0  }
0x251: {  	s15 =	sadd.s32 $0x1680, s9;
	[sflag:s23] =	ssyncadd.s32 $0xFFFFE000  }
0x252: {  	[spmem:s3] =	stream.indirect.scatter.add.f32 [tilespmem:s29], [sflag:$0x6], $0x40, s15, s26, $0xb8;
	[tilespmem:$0x1E440] =	vst v63  }
0x253: {  	_ =	swait.ge [sflag:s20], $0x2000  }
0x254: {  	[sflag:s20] =	ssyncset.done $0x0  }
0x255: {  	s15 =	sadd.s32 $0x380, s9;
	[sflag:s20] =	ssyncadd.s32 $0xFFFFE000  }
0x256: {  	[tilespmem:s6], [sflag:$0x4] =	stream.indirect.gather [spmem:s2], $0x40, s15, s26, $0xb8;
	[tilespmem:$0x1E440] =	vst v63  }
0x257: {  	_ =	swait.ge [sflag:s24], $0x2000  }
0x258: {  	[sflag:s24] =	ssyncset.done $0x0  }
0x259: {  	s15 =	sadd.s32 $0x1700, s9;
	[sflag:s24] =	ssyncadd.s32 $0xFFFFE000  }
0x25a: {  	[spmem:s3] =	stream.indirect.scatter.add.f32 [tilespmem:s31], [sflag:$0x7], $0x40, s15, s26, $0xb8;
	[tilespmem:$0x1E440] =	vst v63  }
0x25b: {  	_ =	swait.ge [sflag:s14], $0x2000  }
0x25c: {  	[sflag:s14] =	ssyncset.done $0x0  }
0x25d: {  	s15 =	sadd.s32 $0x400, s9;
	[sflag:s14] =	ssyncadd.s32 $0xFFFFE000  }
0x25e: {  	[tilespmem:s28], [sflag:$0x1] =	stream.indirect.gather [spmem:s2], $0x40, s15, s26, $0xb8;
	[tilespmem:$0x1E440] =	vst v63  }
0x25f: {  	_ =	swait.ge [sflag:s25], $0x2000  }
0x260: {  	[sflag:s25] =	ssyncset.done $0x0  }
.Ltmp3:
0x261: {  	s15 =	sadd.s32 $0x1780, s9;
	[sflag:s25] =	ssyncadd.s32 $0xFFFFE000;
	(pc) =	sbr.rel @p0 .LBB2_8-.Ltmp3, $4  }
0x262: {  	[spmem:s3] =	stream.indirect.scatter.add.f32 [tilespmem:s6], [sflag:$0x8], $0x40, s15, s26, $0xb8;
	[tilespmem:$0x1E440] =	vst v63  }
0x263: {  	_ =	swait.ge [sflag:s17], $0x2000  }
0x264: {  	[sflag:s17] =	ssyncset.done $0x0  }
0x265: {  	s9 =	sadd.s32 $0x480, s9;
	[sflag:s17] =	ssyncadd.s32 $0xFFFFE000  }
0x266: {  	[tilespmem:s29], [sflag:$0x2] =	stream.indirect.gather [spmem:s2], $0x40, s9, s26, $0xb8;
	[tilespmem:$0x1E440] =	vst v63  }
0x267: {  	_ =	swait.ge [sflag:s19], $0x2000  }
0x268: {  	[sflag:s19] =	ssyncset.done $0x0  }
0x269: {  	[sflag:s19] =	ssyncadd.s32 $0xFFFFE000  }
0x26a: {  	[spmem:s3] =	stream.indirect.scatter.add.f32 [tilespmem:s28], [sflag:$0x5], $0x40, s8, s26, $0xb8;
	[tilespmem:$0x1E440] =	vst v63  }
0x26b: {  	_ =	swait.ge [sflag:s5], $0x2000  }
0x26c: {  	[sflag:s5] =	ssyncset.done $0x0  }
0x26d: {  	[sflag:s5] =	ssyncadd.s32 $0xFFFFE000  }
0x26e: {  	[tilespmem:s31], [sflag:$0x3] =	stream.indirect.gather [spmem:s2], $0x40, s10, s26, $0xb8;
	[tilespmem:$0x1E440] =	vst v63  }
0x26f: {  	_ =	swait.ge [sflag:s23], $0x2000  }
0x270: {  	[sflag:s23] =	ssyncset.done $0x0  }
0x271: {  	[sflag:s23] =	ssyncadd.s32 $0xFFFFE000  }
0x272: {  	[spmem:s3] =	stream.indirect.scatter.add.f32 [tilespmem:s29], [sflag:$0x6], $0x40, s11, s26, $0xb8;
	[tilespmem:$0x1E440] =	vst v63  }
0x273: {  	_ =	swait.ge [sflag:s20], $0x2000  }
0x274: {  	[sflag:s20] =	ssyncset.done $0x0  }
0x275: {  	[sflag:s20] =	ssyncadd.s32 $0xFFFFE000  }
0x276: {  	[tilespmem:s6], [sflag:$0x4] =	stream.indirect.gather [spmem:s2], $0x40, s12, s26, $0xb8;
	[tilespmem:$0x1E440] =	vst v63  }
0x277: {  	_ =	swait.ge [sflag:s24], $0x2000  }
0x278: {  	[sflag:s24] =	ssyncset.done $0x0  }
0x279: {  	[sflag:s24] =	ssyncadd.s32 $0xFFFFE000  }
0x27a: {  	[spmem:s3] =	stream.indirect.scatter.add.f32 [tilespmem:s31], [sflag:$0x7], $0x40, s13, s26, $0xb8;
	[tilespmem:$0x1E440] =	vst v63  }
0x27b: {  	_ =	swait.ge [sflag:s14], $0x2000  }
0x27c: {  	[sflag:s14] =	ssyncset.done $0x0  }
0x27d: {  	[sflag:s14] =	ssyncadd.s32 $0xFFFFE000  }
0x27e: {  	[tilespmem:s28], [sflag:$0x1] =	stream.indirect.gather [spmem:s2], $0x40, s12, s26, $0xb8;
	[tilespmem:$0x1E440] =	vst v63  }
0x27f: {  	_ =	swait.ge [sflag:s25], $0x2000  }
0x280: {  	[sflag:s25] =	ssyncset.done $0x0  }
0x281: {  	[sflag:s25] =	ssyncadd.s32 $0xFFFFE000  }
0x282: {  	[spmem:s3] =	stream.indirect.scatter.add.f32 [tilespmem:s6], [sflag:$0x8], $0x40, s21, s26, $0xb8;
	[tilespmem:$0x1E440] =	vst v63  }
0x283: {  	_ =	swait.ge [sflag:s17], $0x2000  }
0x284: {  	[sflag:s17] =	ssyncset.done $0x0  }
0x285: {  	[sflag:s17] =	ssyncadd.s32 $0xFFFFE000  }
0x286: {  	[tilespmem:s29], [sflag:$0x2] =	stream.indirect.gather [spmem:s2], $0x40, s12, s26, $0xb8;
	[tilespmem:$0x1E440] =	vst v63  }
0x287: {  	_ =	swait.ge [sflag:s19], $0x2000  }
0x288: {  	[sflag:s19] =	ssyncset.done $0x0  }
0x289: {  	[sflag:s19] =	ssyncadd.s32 $0xFFFFE000  }
0x28a: {  	_ =	swait.ge [sflag:s23], $0x2000  }
0x28b: {  	[sflag:s23] =	ssyncset.done $0x0  }
0x28c: {  	[sflag:s23] =	ssyncadd.s32 $0xFFFFE000  }
0x28d: {  	_ =	swait.ge [sflag:s5], $0x2000  }
0x28e: {  	[sflag:s5] =	ssyncset.done $0x0  }
0x28f: {  	[sflag:s5] =	ssyncadd.s32 $0xFFFFE000  }
0x290: {  	_ =	swait.ge [sflag:s20], $0x2000  }
0x291: {  	[sflag:s20] =	ssyncset.done $0x0  }
0x292: {  	[sflag:s20] =	ssyncadd.s32 $0xFFFFE000  }
0x293: {  	[bflag:$0x0] =	sbarrier.arrive $0xFFFF  }
0x294: {  	s1 =	rddreg [dreg:$0x10]  }
0x295: {  	[hbm:s1@s16], [sflag:s0] =	dma.strided [spmem:s30@s20], $0x1400, s19, $0x8   }
0x296: {  	_ =	swait.ge [sflag:s7], $0x1400  }
0x297: {  	s18 =	sadd.s32 $0x1, s18;
	s30 =	rddreg [dreg:$0x11]  }
0x298: {  	p0 =	sne.s32 s18, s30  }
.Ltmp4:
0x299: {  	_ = 	snop;
	(pc) =	sbr.rel @p0 .LBB2_1-.Ltmp4, $3  }
0x29a: {  	_ =	sdelay $0x1  }
0x29b: {  	[sflag:s7] =	ssyncset.done $0x0  }
0x29c: {  	[sflag:s7] =	ssyncadd.s32 $0xFFFFEC00  }
0x29d: {  	_ =	sfence.sel $0x180000  }
0x29e: {  	[bflag:$0x0] =	sbarrier.arrive $0xFFFF  }
0x29f: {  	_ =	strace $0x9000004A  }
0x2a0: {  	s0 =	stileid.u32;
	[bflag:$0x2] =	sbarrier.arrive $0xFFFF  }
0x2a1: {  	p0 =	sne.s32 s0, $0x0;
	s0 =	rddreg [dreg:$0x4]  }
0x2a2: {  	s0 =	sadd.s32 @!p0 $0x100000, s0  }
0x2a3: {  	[sflag:s0] =	ssyncadd.tile.s32 @!p0 $0x1;
	_ =	shalt  }
.Lfunc_end2:
_tile_overlayer_lowered:
.L_overlay_start_2:
0x2a4: {  	(tag) =	ssettag $0x2  }
0x2a5: {  	s0 =	rddreg [dreg:$0x0];
	s2 =	stileid.u32  }
0x2a6: {  	s1 =	rddreg [dreg:$0x1];
	p0 =	sne.s32 s2, $0x0  }
0x2a7: {  	s3 =	rddreg [dreg:$0x2];
	[bflag:$0x3] =	sbarrier.arrive $0xFFFF;
	s2 =	simm.s32 @!p0 $0x1C09  }
0x2a8: {  	[timem:s3], [sflag:s2] =	dma.local @!p0 [hbm:s0], s1  }
0x2a9: {  	s0 =	simm.s32 @!p0 $0x9  }
0x2aa: {  	_ =	swait.ge @!p0 [sflag:s0], s1  }
0x2ab: {  	s1 =	ssub.s32 @!p0 $0x0, s1;
	[sflag:s0] =	ssyncset.done @!p0 $0x0  }
0x2ac: {  	[sflag:s0] =	ssyncadd.s32 @!p0 s1  }
0x2ad: {  	[bflag:$0x3] =	sbarrier.arrive $0xFFFF  }
0x2ae: {  	_ =	shalt  }

// kernel: kernel.15.cloned.1.call-start
scs
__scs_entry_jumppad:
0x0: {  	(pc) =	sbr.rel $0x88, $3  }
0x1: {  	(tag) =	ssettag $0x0;
	lr =	simm.s32 $0x1  }
0x2: {  	[smem:$0x3F9B] =	sst lr;
	_ =	strace $0xD0000000  }
0x3: {  	_ = 	snop  }
0x4: {  	_ = 	snop  }
0x5: {  	_ = 	snop  }
0x6: {  	_ = 	snop  }
0x7: {  	_ = 	snop  }
__scs_overlays_trampoline_lowered:
0x8: {  	[smem:$0x3FAA] =	sst s0  }
0x9: {  	[smem:$0x3FAB] =	sst s1  }
0xa: {  	[smem:$0x3FAC] =	sst s2  }
0xb: {  	[smem:$0x3FAD] =	sst s3  }
0xc: {  	[smem:$0x3FAE] =	sst s4  }
0xd: {  	[smem:$0x3FAF] =	sst s5  }
0xe: {  	[smem:$0x3FB0] =	sst s6  }
0xf: {  	[smem:$0x3FB1] =	sst s7  }
0x10: {  	[smem:$0x3FB2] =	sst s8  }
0x11: {  	[smem:$0x3FB3] =	sst s9;
	s0 =	simm.s32 @!p0 $0x0  }
0x12: {  	s1 =	sld [smem:$0x3F99];
	s0 =	simm.s32 @p0 $0x1  }
0x13: {  	[smem:$0x3FB4] =	sst s0;
	s0 =	simm.s32 @!p1 $0x0  }
0x14: {  	s2 =	sld [smem:$0x3F98];
	s0 =	simm.s32 @p1 $0x1  }
0x15: {  	[smem:$0x3FB5] =	sst s0;
	s0 =	simm.s32 @!p2 $0x0  }
0x16: {  	s3 =	sld [smem:$0x3FDB];
	s0 =	simm.s32 @p2 $0x1  }
0x17: {  	s4 =	simm.s32 $0x1BF5;
	[smem:$0x3FB7] =	sst s0  }
0x18: {  	s0 =	sld [smem:$0x3F9A];
	_ =	swait.ge [sflag:s4], $0x0  }
0x19: {  	s7 =	sld [smem:$0x3F9B]  }
0x1a: {  	s8 =	sadd.s32 $0xFFFFE003, lr  }
0x1b: {  	s9 =	sadd.s32 $0xFFFFFEF7, lr;
	s5 =	simm.s32 $0xFFFFFFFF;
	p2 =	slt.u32 s8, $0xFFFFF086  }
0x1c: {  	p1 =	slt.u32 s9, $0xF7A;
	s5 =	simm.s32 @!p2 $0x0  }
0x1d: {  	s5 =	simm.s32 @p1 $0x1;
	p0 =	seq.s32 s7, s2  }
0x1e: {  	s7 =	smul.u32 @!p0 $0xF7A, s2;
	p2 =	seq.s32 @!p0 s5, $0x0  }
0x1f: {  	s9 =	smul.u32 $0xF7A, s1;
	s8 =	simm.s32 @!p0 $0x1BF5;
	p2 =	por !p2, p0  }
0x20: {  	[sflag:s8] =	ssyncset.s32 @!p0 $0xFFFFF086;
	s6 =	sadd.s32 @!p0 s3, s7;
	s7 =	simm.s32 @!p0 $0x108  }
0x21: {  	s3 =	sadd.s32 s3, s9;
	s6 =	sadd.s32 @!p0 $0x88, s6;
	s7 =	simm.s32 @p2 $0x1082  }
0x22: {  	[simem:s7], [sflag:s8] =	dma.local @!p0 [hbm:s6], $0xF7A  }
0x23: {  	s9 =	sor.u32 $0xD0000000, s2;
	s6 =	simm.s32 $0x108;
	_ =	swait.ge @!p0 [sflag:s8], $0x0  }
0x24: {  	s3 =	sadd.s32 $0x88, s3;
	s6 =	simm.s32 @!p1 $0x1082;
	[sflag:s4] =	ssyncset.s32 $0xFFFFF086  }
0x25: {  	[simem:s6], [sflag:s4] =	dma.local [hbm:s3], $0xF7A  }
0x26: {  	[smem:$0x3F9B] =	sst s1;
	(tag) =	ssettag s2;
	_ =	strace s9  }
0x27: {  	s1 =	sld [smem:$0x3FAB]  }
0x28: {  	s2 =	sld [smem:$0x3FAC]  }
0x29: {  	s4 =	sld [smem:$0x3FAE]  }
0x2a: {  	p0 =	seq.s32 s5, $0x0;
	s5 =	sld [smem:$0x3FAF]  }
0x2b: {  	s6 =	sld [smem:$0x3FB0]  }
0x2c: {  	s7 =	sld [smem:$0x3FB1]  }
0x2d: {  	s3 =	simm.s32 $0x108;
	s8 =	sld [smem:$0x3FB2]  }
0x2e: {  	s3 =	simm.s32 @!p0 $0x1082;
	s9 =	sld [smem:$0x3FB3]  }
0x2f: {  	lr =	sadd.s32 s0, s3;
	s0 =	sld [smem:$0x3FAA]  }
0x30: {  	s3 =	sld [smem:$0x3FAD]  }
0x31: {  	[smem:$0x3FB6] =	sst s10  }
0x32: {  	s10 =	sld [smem:$0x3FB4];
	_ =	sdelay $0x3  }
0x33: {  	p0 =	seq.s32 s10, $0x1;
	s10 =	sld [smem:$0x3FB6];
	_ =	sdelay $0x3  }
0x34: {  	[smem:$0x3FB6] =	sst s10  }
0x35: {  	s10 =	sld [smem:$0x3FB5];
	_ =	sdelay $0x3  }
0x36: {  	p1 =	seq.s32 s10, $0x1;
	s10 =	sld [smem:$0x3FB6];
	_ =	sdelay $0x3  }
0x37: {  	[smem:$0x3FB6] =	sst s10  }
0x38: {  	s10 =	sld [smem:$0x3FB7]  }
0x39: {  	_ = 	snop;
	(pc) =	sbr.ind lr, $3  }
0x3a: {  	_ = 	snop  }
0x3b: {  	_ = 	snop  }
0x3c: {  	p2 =	seq.s32 s10, $0x1;
	s10 =	sld [smem:$0x3FB6]  }
0x3d: {  	_ =	shalt  }
0x3e: {  	_ =	shalt  }
0x3f: {  	_ =	shalt  }
0x40: {  	_ =	shalt  }
0x41: {  	_ =	shalt  }
0x42: {  	_ =	shalt  }
0x43: {  	_ =	shalt  }
0x44: {  	_ =	shalt  }
0x45: {  	_ =	shalt  }
0x46: {  	_ =	shalt  }
0x47: {  	_ =	shalt  }
0x48: {  	_ =	shalt  }
0x49: {  	_ =	shalt  }
0x4a: {  	_ =	shalt  }
0x4b: {  	_ =	shalt  }
0x4c: {  	_ =	shalt  }
0x4d: {  	_ =	shalt  }
0x4e: {  	_ =	shalt  }
0x4f: {  	_ =	shalt  }
0x50: {  	_ =	shalt  }
0x51: {  	_ =	shalt  }
0x52: {  	_ =	shalt  }
0x53: {  	_ =	shalt  }
0x54: {  	_ =	shalt  }
0x55: {  	_ =	shalt  }
0x56: {  	_ =	shalt  }
0x57: {  	_ =	shalt  }
0x58: {  	_ =	shalt  }
0x59: {  	_ =	shalt  }
0x5a: {  	_ =	shalt  }
0x5b: {  	_ =	shalt  }
0x5c: {  	_ =	shalt  }
0x5d: {  	_ =	shalt  }
0x5e: {  	_ =	shalt  }
0x5f: {  	_ =	shalt  }
0x60: {  	_ =	shalt  }
0x61: {  	_ =	shalt  }
0x62: {  	_ =	shalt  }
0x63: {  	_ =	shalt  }
0x64: {  	_ =	shalt  }
0x65: {  	_ =	shalt  }
0x66: {  	_ =	shalt  }
0x67: {  	_ =	shalt  }
0x68: {  	_ =	shalt  }
0x69: {  	_ =	shalt  }
0x6a: {  	_ =	shalt  }
0x6b: {  	_ =	shalt  }
0x6c: {  	_ =	shalt  }
0x6d: {  	_ =	shalt  }
0x6e: {  	_ =	shalt  }
0x6f: {  	_ =	shalt  }
0x70: {  	_ =	shalt  }
0x71: {  	_ =	shalt  }
0x72: {  	_ =	shalt  }
0x73: {  	_ =	shalt  }
0x74: {  	_ =	shalt  }
0x75: {  	_ =	shalt  }
0x76: {  	_ =	shalt  }
0x77: {  	_ =	shalt  }
0x78: {  	_ =	shalt  }
0x79: {  	_ =	shalt  }
0x7a: {  	_ =	shalt  }
0x7b: {  	_ =	shalt  }
0x7c: {  	_ =	shalt  }
0x7d: {  	_ =	shalt  }
0x7e: {  	_ =	shalt  }
0x7f: {  	_ =	shalt  }
0x80: {  	_ =	shalt  }
0x81: {  	_ =	shalt  }
0x82: {  	_ =	shalt  }
0x83: {  	_ =	shalt  }
0x84: {  	_ =	shalt  }
0x85: {  	_ =	shalt  }
0x86: {  	_ =	shalt  }
0x87: {  	_ =	shalt  }
.Lfunc_end0:
.L_simem_size_0:
called_computation.2_lowered:
.L_overlay_start_0:
0x88: {  	s2 =	sld [smem:$0x3FD9]  }
0x89: {  	s3 =	sld [smem:$0x3FFE];
	_ =	sdelay $0x1  }
0x8a: {  	s1 =	srdreg.scid  }
0x8b: {  	s0 =	sand.u32 $0x1, s1  }
0x8c: {  	s17 =	sshll.u32 s0, $0xA;
	s2 =	sadd.s32 s3, s2  }
0x8d: {  	s2 =	sadd.s32 s2, s17  }
0x8e: {  	[smem:$0x3FC2] =	sst s2  }
0x8f: {  	_ = 	snop  }
0x90: {  	s2 =	sld [smem:$0x3FD0];
	(tm) =	ssettm $0x1  }
0x91: {  	s18 =	sld [smem:$0x3FFB];
	_ =	sdelay $0x3  }
0x92: {  	_ =	strace s18  }
0x93: {  	s3 =	sld [smem:$0x3FFC];
	_ =	sdelay $0x3  }
0x94: {  	_ =	strace s3  }
0x95: {  	s3 =	sld [smem:$0x3FFD];
	_ =	sdelay $0x3  }
0x96: {  	_ =	strace s3  }
0x97: {  	_ =	strace $0x8FFFFFFF  }
0x98: {  	s19 =	sld [smem:$0x3FDB];
	_ =	sdelay $0x1  }
0x99: {  	s4 =	simm.s32 $_scs_section_size  }
0x9a: {  	s5 =	simm.s32 $_size__tile_overlayer_lowered;
	s6 =	simm.s32 $_tile_overlayer_lowered  }
0x9b: {  	s22 =	simm.s32 $0x1BFF;
	s21 =	sshll.u32 s6, $0x1;
	s3 =	sadd.s32 s4, s19  }
0x9c: {  	s7 =	simm.s32 $0x0;
	s20 =	sshll.u32 s5, $0x1;
	s5 =	sadd.s32 s21, s3  }
0x9d: {  	[timem:s7], [sflag:s22] =	dma.local [hbm:s5], s20  }
0x9e: {  	_ =	swait.ge [sflag:s22], s20  }
0x9f: {  	s4 =	ssub.s32 $0x0, s20;
	[sflag:s22] =	ssyncset.done $0x0  }
0xa0: {  	[sflag:s22] =	ssyncadd.s32 s4;
	_ =	sdelay $0x1  }
0xa1: {  	s23 =	simm.s32 $0x1B8B  }
0xa2: {  	_ =	swait.ge [sflag:s23], $0x1  }
0xa3: {  	[sflag:s23] =	ssyncset.done $0x0  }
0xa4: {  	s25 =	simm.s32 $0x1B8E;
	s24 =	sld [smem:$0x3FFE];
	[sflag:s23] =	ssyncadd.s32 $0xFFFFFFFF  }
0xa5: {  	s26 =	simm.s32 $execute0_lowered;
	[smem:$0x3FD2] =	sst s25  }
0xa6: {  	s5 =	sshll.u32 s26, $0x1;
	_ =	strace $0x8000004C;
	[dreg:$0x1] =	wrdreg $0xFFFFFFFF  }
0xa7: {  	s28 =	simm.s32 $_size_execute0_lowered;
	s3 =	sadd.s32 s3, s5;
	[dreg:$0x0] =	wrdreg $0x0  }
0xa8: {  	s5 =	sshll.u32 s28, $0x1;
	[dreg:$0x2] =	wrdreg s3  }
0xa9: {  	[dreg:$0x3] =	wrdreg s5  }
0xaa: {  	[dreg:$0x4] =	wrdreg $0xC0  }
0xab: {  	_ =	task [dreg:s7], $0x5FFFF  }
0xac: {  	[dreg:$0x1] =	wrdreg $0xFFFFFFFF  }
0xad: {  	[dreg:$0x0] =	wrdreg $0x60  }
0xae: {  	[dreg:$0x2] =	wrdreg s24  }
0xaf: {  	[dreg:$0x3] =	wrdreg s2  }
0xb0: {  	[dreg:$0x4] =	wrdreg $0xA8000  }
0xb1: {  	[dreg:$0x5] =	wrdreg $0x144400  }
0xb2: {  	[dreg:$0x6] =	wrdreg $0x9  }
0xb3: {  	_ =	task.clear_ibuf [dreg:s7], $0x7FFFF;
	_ =	strace $0x9000004C  }
0xb4: {  	s29 =	simm.s32 $0x9;
	_ =	strace $0x8000004E  }
0xb5: {  	_ =	swait.ge [sflag:s29], $0x1  }
0xb6: {  	[sflag:s29] =	ssyncadd.s32 $0xFFFFFFFF  }
0xb7: {  	_ =	strace $0x9000004E  }
0xb8: {  	_ =	sfence  }
0xb9: {  	s30 =	sld [smem:$0x0];
	_ =	sdelay $0x2  }
0xba: {  	s31 =	sshll.u32 s1, $0xD;
	s1 =	sshrl.u32 s1, $0x2  }
0xbb: {  	s3 =	sand.u32 $0x4000, s31;
	s1 =	sadd.s32 s1, s30  }
0xbc: {  	s0 =	sor.u32 s3, s0;
	s1 =	sshll.u32 s1, $0x11  }
0xbd: {  	s0 =	sor.u32 s1, s0  }
0xbe: {  	s0 =	sadd.s32 $0x8F2B, s0  }
0xbf: {  	[sflag:s0] =	ssyncadd.remote.s32 $0x1  }
0xc0: {  	_ =	sfence.sel $0xFFFF  }
0xc1: {  	[dreg:$0x0] =	wrdreg $0xFFFFFFFF;
	(pc) =	sbr.abs _section_cstart, $3  }
0xc2: {  	[dreg:$0x1] =	wrdreg $0xFFFFFFFF  }
0xc3: {  	_ =	task.clear_ibuf [dreg:s7], $0x2FFFF;
	_ =	strace $0x9FFFFFFF  }
0xc4: {  	(tm) =	ssettm $0x7FFFFFFF  }
0xc5: {  	_ =	shalt  }
tec
execute0_lowered:
.L_overlay_start_1:
0x0: {  	(tag) =	ssettag $0x1  }
0x1: {  	s0 =	rddreg [dreg:$0x0]  }
0x2: {  	s1 =	rddreg [dreg:$0x1]  }
0x3: {  	s12 =	stileid.u32;
	s3 =	srdreg.scid  }
0x4: {  	s2 =	rddreg [dreg:$0x2];
	s4 =	simm.s32 $0x0;
	s28 =	simm.s32 $0x4800  }
0x5: {  	s30 =	simm.s32 $0x6800;
	s13 =	simm.s32 $0x1300;
	s14 =	simm.s32 $0x2680  }
0x6: {  	s15 =	simm.s32 $0x1380;
	s29 =	simm.s32 $0x2780;
	s5 =	smul.u32 $0x2710, s12  }
0x7: {  	s6 =	sand.u32 $0x1, s3;
	s3 =	rddreg [dreg:$0x3];
	s8 =	smul.u32 $0x14000, s12  }
0x8: {  	s31 =	simm.s32 $0x9;
	[smem:$0x7FF] =	sst s4;
	s17 =	smul.u32 $0x27100, s12  }
0x9: {  	s16 =	sadd.s32 $0x53200, s0;
	s9 =	sadd.s32 $0x29C00, s0;
	s10 =	smul.u32 $0x28000, s12  }
0xa: {  	s7 =	smul.u32 $0x140000, s6;
	_ =	strace $0x8000004D;
	[dreg:$0x5] =	wrdreg s9  }
0xb: {  	s18 =	sshll.u32 s6, $0x4;
	s6 =	ssub.s32 $0x2, s6;
	s5 =	sadd.s32 s5, s0  }
0xc: {  	s9 =	sor.u32 s12, s18;
	s11 =	sshrl.u32 s6, $0x1;
	s20 =	sshrl.u32 s10, $0x2  }
0xd: {  	s10 =	simm.s32 $0x6;
	s18 =	simm.s32 $0x10;
	s7 =	sadd.s32 s8, s7  }
0xe: {  	s9 =	smul.u32 $0x2800, s9;
	s6 =	ssub.s32 s6, s11;
	s5 =	sadd.s32 $0x2A00, s5  }
0xf: {  	s11 =	simm.s32 $0x7;
	s7 =	sshrl.u32 s7, $0x3;
	[dreg:$0x6] =	wrdreg s5  }
0x10: {  	s5 =	sadd.s32 s20, s3;
	s24 =	smax.u32 s6, $0x1;
	s6 =	simm.s32 $0x5  }
0x11: {  	s0 =	sadd.s32 s7, s0;
	s7 =	sshrl.u32 s17, $0x2;
	s9 =	sshrl.u32 s9, $0x3  }
0x12: {  	[dreg:$0xd] =	wrdreg s24;
	s17 =	simm.s32 $0x8;
	s20 =	sshrl.u32 s5, $0x3  }
0x13: {  	s24 =	simm.s32 $0x4;
	s19 =	sadd.s32 s7, s2;
	s23 =	sadd.s32 s16, s9  }
0x14: {  	s22 =	sadd.s32 $0x280, s9;
	s9 =	sadd.s32 s1, s9;
	[dreg:$0x8] =	wrdreg s23  }
0x15: {  	s7 =	sshll.u32 s12, $0x6;
	s0 =	sadd.s32 $0x5D200, s0;
	[dreg:$0x9] =	wrdreg s9  }
0x16: {  	s12 =	simm.s32 $0x2600;
	s21 =	sor.u32 $0x1C01, s7;
	[dreg:$0xc] =	wrdreg s0  }
0x17: {  	s8 =	sadd.s32 s16, s22;
	s1 =	sadd.s32 s1, s22;
	[dreg:$0x7] =	wrdreg s21  }
0x18: {  	s25 =	sshrl.u32 s19, $0x3;
	s16 =	simm.s32 $0x1;
	[dreg:$0xa] =	wrdreg s8  }
0x19: {  	s26 =	sor.u32 $0x1C02, s7;
	s22 =	simm.s32 $0x2;
	[dreg:$0xb] =	wrdreg s1  }
0x1a: {  	s23 =	simm.s32 $0x3;
	s0 =	simm.s32 $0x8800;
	[dreg:$0xe] =	wrdreg s25  }
0x1b: {  	s19 =	simm.s32 $0x2700;
	[dreg:$0xf] =	wrdreg s26;
	s21 =	simm.s32 $0x1400  }
0x1c: {  	s25 =	simm.s32 $0x80;
	s26 =	simm.s32 $0x2800;
	s1 =	simm.s32 $0x0  }
.LBB2_1:
0x1d: {  	s5 =	rddreg [dreg:$0x6]  }
0x1e: {  	s8 =	rddreg [dreg:$0x7]  }
0x1f: {  	s9 =	rddreg [dreg:$0xe]  }
0x20: {  	[spmem:s9@s17], [sflag:s8] =	dma.strided [hbm:s5@s18], $0x1388, s16, $0x8   }
0x21: {  	s5 =	rddreg [dreg:$0x5]  }
0x22: {  	s8 =	rddreg [dreg:$0xf]  }
0x23: {  	[spmem:s20], [sflag:s8] =	dma.local [hbm:s5], $0x1400  }
0x24: {  	s5 =	rddreg [dreg:$0x8]  }
0x25: {  	[tilespmem:s4], [sflag:$0x3] =	stream.linear.gather [hbm4b:s5+s4], $0x1400, $0x38;
	[tilespmem:$0x1E440] =	vst v63  }
0x26: {  	s9 =	rddreg [dreg:$0x9]  }
0x27: {  	[tilespmem:s21], [sflag:$0x4] =	stream.linear.gather [hbm4b:s9+s4], $0x1400, $0x38;
	[tilespmem:$0x1E440] =	vst v63  }
0x28: {  	_ =	swait.ge [sflag:s16], $0x1388  }
0x29: {  	[sflag:s16] =	ssyncset.done $0x0  }
0x2a: {  	[sflag:s16] =	ssyncadd.s32 $0xFFFFEC78  }
0x2b: {  	_ =	swait.ge [sflag:s22], $0x1400  }
0x2c: {  	[sflag:s22] =	ssyncset.done $0x0  }
0x2d: {  	[sflag:s22] =	ssyncadd.s32 $0xFFFFEC00  }
0x2e: {  	_ =	swait.ge [sflag:s23], $0x1400  }
0x2f: {  	[sflag:s23] =	ssyncset.done $0x0  }
0x30: {  	[sflag:s23] =	ssyncadd.s32 $0xFFFFEC00  }
0x31: {  	_ =	swait.ge [sflag:s24], $0x1400  }
0x32: {  	[sflag:s24] =	ssyncset.done $0x0  }
0x33: {  	[sflag:s24] =	ssyncadd.s32 $0xFFFFEC00  }
0x34: {  	[bflag:$0x0] =	sbarrier.arrive $0xFFFF  }
0x35: {  	[tilespmem:s26], [sflag:$0x1] =	stream.indirect.gather [spmem:s2], $0x40, s4, s25, $0xb8;
	[tilespmem:$0x1E440] =	vst v63  }
0x36: {  	_ = 	snop  }
0x37: {  	[tilespmem:s28], [sflag:$0x2] =	stream.indirect.gather [spmem:s2], $0x40, s25, s25, $0xb8;
	[tilespmem:$0x1E440] =	vst v63  }
0x38: {  	_ =	swait.ge [sflag:s16], $0x2000  }
0x39: {  	[sflag:s16] =	ssyncset.done $0x0  }
0x3a: {  	[sflag:s16] =	ssyncadd.s32 $0xFFFFE000  }
0x3b: {  	[spmem:s3] =	stream.indirect.scatter.add.f32 [tilespmem:s26], [sflag:$0x5], $0x40, s21, s25, $0xb8;
	[tilespmem:$0x1E440] =	vst v63  }
0x3c: {  	s8 =	simm.s32 $0x100  }
0x3d: {  	[tilespmem:s30], [sflag:$0x3] =	stream.indirect.gather [spmem:s2], $0x40, s8, s25, $0xb8;
	[tilespmem:$0x1E440] =	vst v63  }
0x3e: {  	_ =	swait.ge [sflag:s22], $0x2000  }
0x3f: {  	[sflag:s22] =	ssyncset.done $0x0  }
0x40: {  	s9 =	simm.s32 $0x1480;
	[sflag:s22] =	ssyncadd.s32 $0xFFFFE000  }
0x41: {  	[spmem:s3] =	stream.indirect.scatter.add.f32 [tilespmem:s28], [sflag:$0x6], $0x40, s9, s25, $0xb8;
	[tilespmem:$0x1E440] =	vst v63  }
0x42: {  	s8 =	simm.s32 $0x180  }
0x43: {  	[tilespmem:s0], [sflag:$0x4] =	stream.indirect.gather [spmem:s2], $0x40, s8, s25, $0xb8;
	[tilespmem:$0x1E440] =	vst v63  }
0x44: {  	_ =	swait.ge [sflag:s23], $0x2000  }
0x45: {  	[sflag:s23] =	ssyncset.done $0x0  }
0x46: {  	s9 =	simm.s32 $0x1500;
	[sflag:s23] =	ssyncadd.s32 $0xFFFFE000  }
0x47: {  	[spmem:s3] =	stream.indirect.scatter.add.f32 [tilespmem:s30], [sflag:$0x7], $0x40, s9, s25, $0xb8;
	[tilespmem:$0x1E440] =	vst v63  }
0x48: {  	_ =	swait.ge [sflag:s6], $0x2000  }
0x49: {  	[sflag:s6] =	ssyncset.done $0x0  }
0x4a: {  	s8 =	simm.s32 $0x200;
	[sflag:s6] =	ssyncadd.s32 $0xFFFFE000  }
0x4b: {  	[tilespmem:s26], [sflag:$0x1] =	stream.indirect.gather [spmem:s2], $0x40, s8, s25, $0xb8;
	[tilespmem:$0x1E440] =	vst v63  }
0x4c: {  	_ =	swait.ge [sflag:s24], $0x2000  }
0x4d: {  	[sflag:s24] =	ssyncset.done $0x0  }
0x4e: {  	s9 =	simm.s32 $0x1580;
	[sflag:s24] =	ssyncadd.s32 $0xFFFFE000  }
0x4f: {  	[spmem:s3] =	stream.indirect.scatter.add.f32 [tilespmem:s0], [sflag:$0x8], $0x40, s9, s25, $0xb8;
	[tilespmem:$0x1E440] =	vst v63  }
0x50: {  	_ =	swait.ge [sflag:s10], $0x2000  }
0x51: {  	[sflag:s10] =	ssyncset.done $0x0  }
0x52: {  	s8 =	simm.s32 $0x280;
	[sflag:s10] =	ssyncadd.s32 $0xFFFFE000  }
0x53: {  	[tilespmem:s28], [sflag:$0x2] =	stream.indirect.gather [spmem:s2], $0x40, s8, s25, $0xb8;
	[tilespmem:$0x1E440] =	vst v63  }
0x54: {  	_ =	swait.ge [sflag:s16], $0x2000  }
0x55: {  	[sflag:s16] =	ssyncset.done $0x0  }
0x56: {  	s9 =	simm.s32 $0x1600;
	[sflag:s16] =	ssyncadd.s32 $0xFFFFE000  }
0x57: {  	[spmem:s3] =	stream.indirect.scatter.add.f32 [tilespmem:s26], [sflag:$0x5], $0x40, s9, s25, $0xb8;
	[tilespmem:$0x1E440] =	vst v63  }
0x58: {  	_ =	swait.ge [sflag:s11], $0x2000  }
0x59: {  	[sflag:s11] =	ssyncset.done $0x0  }
0x5a: {  	s8 =	simm.s32 $0x300;
	[sflag:s11] =	ssyncadd.s32 $0xFFFFE000  }
0x5b: {  	[tilespmem:s30], [sflag:$0x3] =	stream.indirect.gather [spmem:s2], $0x40, s8, s25, $0xb8;
	[tilespmem:$0x1E440] =	vst v63  }
0x5c: {  	_ =	swait.ge [sflag:s22], $0x2000  }
0x5d: {  	[sflag:s22] =	ssyncset.done $0x0  }
0x5e: {  	s9 =	simm.s32 $0x1680;
	[sflag:s22] =	ssyncadd.s32 $0xFFFFE000  }
0x5f: {  	[spmem:s3] =	stream.indirect.scatter.add.f32 [tilespmem:s28], [sflag:$0x6], $0x40, s9, s25, $0xb8;
	[tilespmem:$0x1E440] =	vst v63  }
0x60: {  	_ =	swait.ge [sflag:s17], $0x2000  }
0x61: {  	[sflag:s17] =	ssyncset.done $0x0  }
0x62: {  	s8 =	simm.s32 $0x380;
	[sflag:s17] =	ssyncadd.s32 $0xFFFFE000  }
0x63: {  	[tilespmem:s0], [sflag:$0x4] =	stream.indirect.gather [spmem:s2], $0x40, s8, s25, $0xb8;
	[tilespmem:$0x1E440] =	vst v63  }
0x64: {  	_ =	swait.ge [sflag:s23], $0x2000  }
0x65: {  	[sflag:s23] =	ssyncset.done $0x0  }
0x66: {  	s9 =	simm.s32 $0x1700;
	[sflag:s23] =	ssyncadd.s32 $0xFFFFE000  }
0x67: {  	[spmem:s3] =	stream.indirect.scatter.add.f32 [tilespmem:s30], [sflag:$0x7], $0x40, s9, s25, $0xb8;
	[tilespmem:$0x1E440] =	vst v63  }
0x68: {  	_ =	swait.ge [sflag:s6], $0x2000  }
0x69: {  	[sflag:s6] =	ssyncset.done $0x0  }
0x6a: {  	s8 =	simm.s32 $0x400;
	[sflag:s6] =	ssyncadd.s32 $0xFFFFE000  }
0x6b: {  	[tilespmem:s26], [sflag:$0x1] =	stream.indirect.gather [spmem:s2], $0x40, s8, s25, $0xb8;
	[tilespmem:$0x1E440] =	vst v63  }
0x6c: {  	_ =	swait.ge [sflag:s24], $0x2000  }
0x6d: {  	[sflag:s24] =	ssyncset.done $0x0  }
0x6e: {  	s9 =	simm.s32 $0x1780;
	[sflag:s24] =	ssyncadd.s32 $0xFFFFE000  }
0x6f: {  	[spmem:s3] =	stream.indirect.scatter.add.f32 [tilespmem:s0], [sflag:$0x8], $0x40, s9, s25, $0xb8;
	[tilespmem:$0x1E440] =	vst v63  }
0x70: {  	_ =	swait.ge [sflag:s10], $0x2000  }
0x71: {  	[sflag:s10] =	ssyncset.done $0x0  }
0x72: {  	s5 =	simm.s32 $0x800;
	s8 =	simm.s32 $0x480;
	[sflag:s10] =	ssyncadd.s32 $0xFFFFE000  }
.LBB2_2:
0x73: {  	[tilespmem:s28], [sflag:$0x2] =	stream.indirect.gather [spmem:s2], $0x40, s8, s25, $0xb8;
	[tilespmem:$0x1E440] =	vst v63  }
0x74: {  	s8 =	smov.u32 s5  }
0x75: {  	p0 =	sne.s32 s5, $0x3800;
	s5 =	sadd.s32 $0x800, s5;
	_ =	swait.ge [sflag:s16], $0x2000  }
0x76: {  	s8 =	sshra.s32 s8, $0x2;
	[sflag:s16] =	ssyncset.done $0x0  }
0x77: {  	s9 =	sadd.s32 $0x1600, s8;
	[sflag:s16] =	ssyncadd.s32 $0xFFFFE000  }
0x78: {  	[spmem:s3] =	stream.indirect.scatter.add.f32 [tilespmem:s26], [sflag:$0x5], $0x40, s9, s25, $0xb8;
	[tilespmem:$0x1E440] =	vst v63  }
0x79: {  	_ =	swait.ge [sflag:s11], $0x2000  }
0x7a: {  	[sflag:s11] =	ssyncset.done $0x0  }
0x7b: {  	s9 =	sadd.s32 $0x300, s8;
	[sflag:s11] =	ssyncadd.s32 $0xFFFFE000  }
0x7c: {  	[tilespmem:s30], [sflag:$0x3] =	stream.indirect.gather [spmem:s2], $0x40, s9, s25, $0xb8;
	[tilespmem:$0x1E440] =	vst v63  }
0x7d: {  	_ =	swait.ge [sflag:s22], $0x2000  }
0x7e: {  	[sflag:s22] =	ssyncset.done $0x0  }
0x7f: {  	s9 =	sadd.s32 $0x1680, s8;
	[sflag:s22] =	ssyncadd.s32 $0xFFFFE000  }
0x80: {  	[spmem:s3] =	stream.indirect.scatter.add.f32 [tilespmem:s28], [sflag:$0x6], $0x40, s9, s25, $0xb8;
	[tilespmem:$0x1E440] =	vst v63  }
0x81: {  	_ =	swait.ge [sflag:s17], $0x2000  }
0x82: {  	[sflag:s17] =	ssyncset.done $0x0  }
0x83: {  	s9 =	sadd.s32 $0x380, s8;
	[sflag:s17] =	ssyncadd.s32 $0xFFFFE000  }
0x84: {  	[tilespmem:s0], [sflag:$0x4] =	stream.indirect.gather [spmem:s2], $0x40, s9, s25, $0xb8;
	[tilespmem:$0x1E440] =	vst v63  }
0x85: {  	_ =	swait.ge [sflag:s23], $0x2000  }
0x86: {  	[sflag:s23] =	ssyncset.done $0x0  }
0x87: {  	s9 =	sadd.s32 $0x1700, s8;
	[sflag:s23] =	ssyncadd.s32 $0xFFFFE000  }
0x88: {  	[spmem:s3] =	stream.indirect.scatter.add.f32 [tilespmem:s30], [sflag:$0x7], $0x40, s9, s25, $0xb8;
	[tilespmem:$0x1E440] =	vst v63  }
0x89: {  	_ =	swait.ge [sflag:s6], $0x2000  }
0x8a: {  	[sflag:s6] =	ssyncset.done $0x0  }
0x8b: {  	s9 =	sadd.s32 $0x400, s8;
	[sflag:s6] =	ssyncadd.s32 $0xFFFFE000  }
0x8c: {  	[tilespmem:s26], [sflag:$0x1] =	stream.indirect.gather [spmem:s2], $0x40, s9, s25, $0xb8;
	[tilespmem:$0x1E440] =	vst v63  }
0x8d: {  	_ =	swait.ge [sflag:s24], $0x2000  }
0x8e: {  	[sflag:s24] =	ssyncset.done $0x0  }
.Ltmp0:
0x8f: {  	s9 =	sadd.s32 $0x1780, s8;
	[sflag:s24] =	ssyncadd.s32 $0xFFFFE000;
	(pc) =	sbr.rel @p0 .LBB2_2-.Ltmp0, $4  }
0x90: {  	[spmem:s3] =	stream.indirect.scatter.add.f32 [tilespmem:s0], [sflag:$0x8], $0x40, s9, s25, $0xb8;
	[tilespmem:$0x1E440] =	vst v63  }
0x91: {  	_ =	swait.ge [sflag:s10], $0x2000  }
0x92: {  	[sflag:s10] =	ssyncset.done $0x0  }
0x93: {  	s8 =	sadd.s32 $0x480, s8;
	[sflag:s10] =	ssyncadd.s32 $0xFFFFE000  }
0x94: {  	[tilespmem:s28], [sflag:$0x2] =	stream.indirect.gather [spmem:s2], $0x40, s8, s25, $0xb8;
	[tilespmem:$0x1E440] =	vst v63  }
0x95: {  	_ =	swait.ge [sflag:s16], $0x2000  }
0x96: {  	[sflag:s16] =	ssyncset.done $0x0  }
0x97: {  	[sflag:s16] =	ssyncadd.s32 $0xFFFFE000  }
0x98: {  	[spmem:s3] =	stream.indirect.scatter.add.f32 [tilespmem:s26], [sflag:$0x5], $0x40, s12, s25, $0xb8;
	[tilespmem:$0x1E440] =	vst v63  }
0x99: {  	_ =	swait.ge [sflag:s11], $0x2000  }
0x9a: {  	[sflag:s11] =	ssyncset.done $0x0  }
0x9b: {  	[sflag:s11] =	ssyncadd.s32 $0xFFFFE000  }
0x9c: {  	[tilespmem:s30], [sflag:$0x3] =	stream.indirect.gather [spmem:s2], $0x40, s13, s25, $0xb8;
	[tilespmem:$0x1E440] =	vst v63  }
0x9d: {  	_ =	swait.ge [sflag:s22], $0x2000  }
0x9e: {  	[sflag:s22] =	ssyncset.done $0x0  }
0x9f: {  	[sflag:s22] =	ssyncadd.s32 $0xFFFFE000  }
0xa0: {  	[spmem:s3] =	stream.indirect.scatter.add.f32 [tilespmem:s28], [sflag:$0x6], $0x40, s14, s25, $0xb8;
	[tilespmem:$0x1E440] =	vst v63  }
0xa1: {  	_ =	swait.ge [sflag:s17], $0x2000  }
0xa2: {  	[sflag:s17] =	ssyncset.done $0x0  }
0xa3: {  	[sflag:s17] =	ssyncadd.s32 $0xFFFFE000  }
0xa4: {  	[tilespmem:s0], [sflag:$0x4] =	stream.indirect.gather [spmem:s2], $0x40, s15, s25, $0xb8;
	[tilespmem:$0x1E440] =	vst v63  }
0xa5: {  	_ =	swait.ge [sflag:s23], $0x2000  }
0xa6: {  	[sflag:s23] =	ssyncset.done $0x0  }
0xa7: {  	[sflag:s23] =	ssyncadd.s32 $0xFFFFE000  }
0xa8: {  	[spmem:s3] =	stream.indirect.scatter.add.f32 [tilespmem:s30], [sflag:$0x7], $0x40, s19, s25, $0xb8;
	[tilespmem:$0x1E440] =	vst v63  }
0xa9: {  	_ =	swait.ge [sflag:s6], $0x2000  }
0xaa: {  	[sflag:s6] =	ssyncset.done $0x0  }
0xab: {  	[sflag:s6] =	ssyncadd.s32 $0xFFFFE000  }
0xac: {  	[tilespmem:s26], [sflag:$0x1] =	stream.indirect.gather [spmem:s2], $0x40, s15, s25, $0xb8;
	[tilespmem:$0x1E440] =	vst v63  }
0xad: {  	_ =	swait.ge [sflag:s24], $0x2000  }
0xae: {  	[sflag:s24] =	ssyncset.done $0x0  }
0xaf: {  	[sflag:s24] =	ssyncadd.s32 $0xFFFFE000  }
0xb0: {  	[spmem:s3] =	stream.indirect.scatter.add.f32 [tilespmem:s0], [sflag:$0x8], $0x40, s29, s25, $0xb8;
	[tilespmem:$0x1E440] =	vst v63  }
0xb1: {  	_ =	swait.ge [sflag:s10], $0x2000  }
0xb2: {  	[sflag:s10] =	ssyncset.done $0x0  }
0xb3: {  	[sflag:s10] =	ssyncadd.s32 $0xFFFFE000  }
0xb4: {  	[tilespmem:s28], [sflag:$0x2] =	stream.indirect.gather [spmem:s2], $0x40, s15, s25, $0xb8;
	[tilespmem:$0x1E440] =	vst v63  }
0xb5: {  	_ =	swait.ge [sflag:s16], $0x2000  }
0xb6: {  	[sflag:s16] =	ssyncset.done $0x0  }
0xb7: {  	[sflag:s16] =	ssyncadd.s32 $0xFFFFE000  }
0xb8: {  	_ =	swait.ge [sflag:s22], $0x2000  }
0xb9: {  	[sflag:s22] =	ssyncset.done $0x0  }
0xba: {  	[sflag:s22] =	ssyncadd.s32 $0xFFFFE000  }
0xbb: {  	_ =	swait.ge [sflag:s11], $0x2000  }
0xbc: {  	[sflag:s11] =	ssyncset.done $0x0  }
0xbd: {  	[sflag:s11] =	ssyncadd.s32 $0xFFFFE000  }
0xbe: {  	_ =	swait.ge [sflag:s17], $0x2000  }
0xbf: {  	[sflag:s17] =	ssyncset.done $0x0  }
0xc0: {  	s5 =	simm.s32 $0x0;
	s9 =	rddreg [dreg:$0xa];
	[sflag:s17] =	ssyncadd.s32 $0xFFFFE000  }
0xc1: {  	[tilespmem:s5], [sflag:$0x9] =	stream.linear.gather [hbm4b:s9+s5], $0x1400, $0x38;
	[tilespmem:$0x1E440] =	vst v63  }
0xc2: {  	_ =	swait.ge [sflag:s31], $0x1400  }
0xc3: {  	[sflag:s31] =	ssyncset.done $0x0  }
0xc4: {  	s9 =	rddreg [dreg:$0xb];
	[sflag:s31] =	ssyncadd.s32 $0xFFFFEC00  }
0xc5: {  	[tilespmem:s21], [sflag:$0x9] =	stream.linear.gather [hbm4b:s9+s5], $0x1400, $0x38;
	[tilespmem:$0x1E440] =	vst v63  }
0xc6: {  	_ =	swait.ge [sflag:s31], $0x1400  }
0xc7: {  	[sflag:s31] =	ssyncset.done $0x0  }
0xc8: {  	[sflag:s31] =	ssyncadd.s32 $0xFFFFEC00  }
0xc9: {  	[tilespmem:s26], [sflag:$0x1] =	stream.indirect.gather [spmem:s2], $0x40, s5, s25, $0xb8;
	[tilespmem:$0x1E440] =	vst v63  }
0xca: {  	_ = 	snop  }
0xcb: {  	[tilespmem:s28], [sflag:$0x2] =	stream.indirect.gather [spmem:s2], $0x40, s25, s25, $0xb8;
	[tilespmem:$0x1E440] =	vst v63  }
0xcc: {  	_ =	swait.ge [sflag:s16], $0x2000  }
0xcd: {  	[sflag:s16] =	ssyncset.done $0x0  }
0xce: {  	[sflag:s16] =	ssyncadd.s32 $0xFFFFE000  }
0xcf: {  	[spmem:s3] =	stream.indirect.scatter.add.f32 [tilespmem:s26], [sflag:$0x5], $0x40, s21, s25, $0xb8;
	[tilespmem:$0x1E440] =	vst v63  }
0xd0: {  	s8 =	simm.s32 $0x100  }
0xd1: {  	[tilespmem:s30], [sflag:$0x3] =	stream.indirect.gather [spmem:s2], $0x40, s8, s25, $0xb8;
	[tilespmem:$0x1E440] =	vst v63  }
0xd2: {  	_ =	swait.ge [sflag:s22], $0x2000  }
0xd3: {  	[sflag:s22] =	ssyncset.done $0x0  }
0xd4: {  	s9 =	simm.s32 $0x1480;
	[sflag:s22] =	ssyncadd.s32 $0xFFFFE000  }
0xd5: {  	[spmem:s3] =	stream.indirect.scatter.add.f32 [tilespmem:s28], [sflag:$0x6], $0x40, s9, s25, $0xb8;
	[tilespmem:$0x1E440] =	vst v63  }
0xd6: {  	s8 =	simm.s32 $0x180  }
0xd7: {  	[tilespmem:s0], [sflag:$0x4] =	stream.indirect.gather [spmem:s2], $0x40, s8, s25, $0xb8;
	[tilespmem:$0x1E440] =	vst v63  }
0xd8: {  	_ =	swait.ge [sflag:s23], $0x2000  }
0xd9: {  	[sflag:s23] =	ssyncset.done $0x0  }
0xda: {  	s9 =	simm.s32 $0x1500;
	[sflag:s23] =	ssyncadd.s32 $0xFFFFE000  }
0xdb: {  	[spmem:s3] =	stream.indirect.scatter.add.f32 [tilespmem:s30], [sflag:$0x7], $0x40, s9, s25, $0xb8;
	[tilespmem:$0x1E440] =	vst v63  }
0xdc: {  	_ =	swait.ge [sflag:s6], $0x2000  }
0xdd: {  	[sflag:s6] =	ssyncset.done $0x0  }
0xde: {  	s8 =	simm.s32 $0x200;
	[sflag:s6] =	ssyncadd.s32 $0xFFFFE000  }
0xdf: {  	[tilespmem:s26], [sflag:$0x1] =	stream.indirect.gather [spmem:s2], $0x40, s8, s25, $0xb8;
	[tilespmem:$0x1E440] =	vst v63  }
0xe0: {  	_ =	swait.ge [sflag:s24], $0x2000  }
0xe1: {  	[sflag:s24] =	ssyncset.done $0x0  }
0xe2: {  	s9 =	simm.s32 $0x1580;
	[sflag:s24] =	ssyncadd.s32 $0xFFFFE000  }
0xe3: {  	[spmem:s3] =	stream.indirect.scatter.add.f32 [tilespmem:s0], [sflag:$0x8], $0x40, s9, s25, $0xb8;
	[tilespmem:$0x1E440] =	vst v63  }
0xe4: {  	_ =	swait.ge [sflag:s10], $0x2000  }
0xe5: {  	[sflag:s10] =	ssyncset.done $0x0  }
0xe6: {  	s8 =	simm.s32 $0x280;
	[sflag:s10] =	ssyncadd.s32 $0xFFFFE000  }
0xe7: {  	[tilespmem:s28], [sflag:$0x2] =	stream.indirect.gather [spmem:s2], $0x40, s8, s25, $0xb8;
	[tilespmem:$0x1E440] =	vst v63  }
0xe8: {  	_ =	swait.ge [sflag:s16], $0x2000  }
0xe9: {  	[sflag:s16] =	ssyncset.done $0x0  }
0xea: {  	s9 =	simm.s32 $0x1600;
	[sflag:s16] =	ssyncadd.s32 $0xFFFFE000  }
0xeb: {  	[spmem:s3] =	stream.indirect.scatter.add.f32 [tilespmem:s26], [sflag:$0x5], $0x40, s9, s25, $0xb8;
	[tilespmem:$0x1E440] =	vst v63  }
0xec: {  	_ =	swait.ge [sflag:s11], $0x2000  }
0xed: {  	[sflag:s11] =	ssyncset.done $0x0  }
0xee: {  	s8 =	simm.s32 $0x300;
	[sflag:s11] =	ssyncadd.s32 $0xFFFFE000  }
0xef: {  	[tilespmem:s30], [sflag:$0x3] =	stream.indirect.gather [spmem:s2], $0x40, s8, s25, $0xb8;
	[tilespmem:$0x1E440] =	vst v63  }
0xf0: {  	_ =	swait.ge [sflag:s22], $0x2000  }
0xf1: {  	[sflag:s22] =	ssyncset.done $0x0  }
0xf2: {  	s9 =	simm.s32 $0x1680;
	[sflag:s22] =	ssyncadd.s32 $0xFFFFE000  }
0xf3: {  	[spmem:s3] =	stream.indirect.scatter.add.f32 [tilespmem:s28], [sflag:$0x6], $0x40, s9, s25, $0xb8;
	[tilespmem:$0x1E440] =	vst v63  }
0xf4: {  	_ =	swait.ge [sflag:s17], $0x2000  }
0xf5: {  	[sflag:s17] =	ssyncset.done $0x0  }
0xf6: {  	s8 =	simm.s32 $0x380;
	[sflag:s17] =	ssyncadd.s32 $0xFFFFE000  }
0xf7: {  	[tilespmem:s0], [sflag:$0x4] =	stream.indirect.gather [spmem:s2], $0x40, s8, s25, $0xb8;
	[tilespmem:$0x1E440] =	vst v63  }
0xf8: {  	_ =	swait.ge [sflag:s23], $0x2000  }
0xf9: {  	[sflag:s23] =	ssyncset.done $0x0  }
0xfa: {  	s9 =	simm.s32 $0x1700;
	[sflag:s23] =	ssyncadd.s32 $0xFFFFE000  }
0xfb: {  	[spmem:s3] =	stream.indirect.scatter.add.f32 [tilespmem:s30], [sflag:$0x7], $0x40, s9, s25, $0xb8;
	[tilespmem:$0x1E440] =	vst v63  }
0xfc: {  	_ =	swait.ge [sflag:s6], $0x2000  }
0xfd: {  	[sflag:s6] =	ssyncset.done $0x0  }
0xfe: {  	s8 =	simm.s32 $0x400;
	[sflag:s6] =	ssyncadd.s32 $0xFFFFE000  }
0xff: {  	[tilespmem:s26], [sflag:$0x1] =	stream.indirect.gather [spmem:s2], $0x40, s8, s25, $0xb8;
	[tilespmem:$0x1E440] =	vst v63  }
0x100: {  	_ =	swait.ge [sflag:s24], $0x2000  }
0x101: {  	[sflag:s24] =	ssyncset.done $0x0  }
0x102: {  	s9 =	simm.s32 $0x1780;
	[sflag:s24] =	ssyncadd.s32 $0xFFFFE000  }
0x103: {  	[spmem:s3] =	stream.indirect.scatter.add.f32 [tilespmem:s0], [sflag:$0x8], $0x40, s9, s25, $0xb8;
	[tilespmem:$0x1E440] =	vst v63  }
0x104: {  	_ =	swait.ge [sflag:s10], $0x2000  }
0x105: {  	[sflag:s10] =	ssyncset.done $0x0  }
0x106: {  	s5 =	simm.s32 $0x800;
	s8 =	simm.s32 $0x480;
	[sflag:s10] =	ssyncadd.s32 $0xFFFFE000  }
.LBB2_4:
0x107: {  	[tilespmem:s28], [sflag:$0x2] =	stream.indirect.gather [spmem:s2], $0x40, s8, s25, $0xb8;
	[tilespmem:$0x1E440] =	vst v63  }
0x108: {  	s8 =	smov.u32 s5  }
0x109: {  	p0 =	sne.s32 s5, $0x3800;
	s5 =	sadd.s32 $0x800, s5;
	_ =	swait.ge [sflag:s16], $0x2000  }
0x10a: {  	s8 =	sshra.s32 s8, $0x2;
	[sflag:s16] =	ssyncset.done $0x0  }
0x10b: {  	s9 =	sadd.s32 $0x1600, s8;
	[sflag:s16] =	ssyncadd.s32 $0xFFFFE000  }
0x10c: {  	[spmem:s3] =	stream.indirect.scatter.add.f32 [tilespmem:s26], [sflag:$0x5], $0x40, s9, s25, $0xb8;
	[tilespmem:$0x1E440] =	vst v63  }
0x10d: {  	_ =	swait.ge [sflag:s11], $0x2000  }
0x10e: {  	[sflag:s11] =	ssyncset.done $0x0  }
0x10f: {  	s9 =	sadd.s32 $0x300, s8;
	[sflag:s11] =	ssyncadd.s32 $0xFFFFE000  }
0x110: {  	[tilespmem:s30], [sflag:$0x3] =	stream.indirect.gather [spmem:s2], $0x40, s9, s25, $0xb8;
	[tilespmem:$0x1E440] =	vst v63  }
0x111: {  	_ =	swait.ge [sflag:s22], $0x2000  }
0x112: {  	[sflag:s22] =	ssyncset.done $0x0  }
0x113: {  	s9 =	sadd.s32 $0x1680, s8;
	[sflag:s22] =	ssyncadd.s32 $0xFFFFE000  }
0x114: {  	[spmem:s3] =	stream.indirect.scatter.add.f32 [tilespmem:s28], [sflag:$0x6], $0x40, s9, s25, $0xb8;
	[tilespmem:$0x1E440] =	vst v63  }
0x115: {  	_ =	swait.ge [sflag:s17], $0x2000  }
0x116: {  	[sflag:s17] =	ssyncset.done $0x0  }
0x117: {  	s9 =	sadd.s32 $0x380, s8;
	[sflag:s17] =	ssyncadd.s32 $0xFFFFE000  }
0x118: {  	[tilespmem:s0], [sflag:$0x4] =	stream.indirect.gather [spmem:s2], $0x40, s9, s25, $0xb8;
	[tilespmem:$0x1E440] =	vst v63  }
0x119: {  	_ =	swait.ge [sflag:s23], $0x2000  }
0x11a: {  	[sflag:s23] =	ssyncset.done $0x0  }
0x11b: {  	s9 =	sadd.s32 $0x1700, s8;
	[sflag:s23] =	ssyncadd.s32 $0xFFFFE000  }
0x11c: {  	[spmem:s3] =	stream.indirect.scatter.add.f32 [tilespmem:s30], [sflag:$0x7], $0x40, s9, s25, $0xb8;
	[tilespmem:$0x1E440] =	vst v63  }
0x11d: {  	_ =	swait.ge [sflag:s6], $0x2000  }
0x11e: {  	[sflag:s6] =	ssyncset.done $0x0  }
0x11f: {  	s9 =	sadd.s32 $0x400, s8;
	[sflag:s6] =	ssyncadd.s32 $0xFFFFE000  }
0x120: {  	[tilespmem:s26], [sflag:$0x1] =	stream.indirect.gather [spmem:s2], $0x40, s9, s25, $0xb8;
	[tilespmem:$0x1E440] =	vst v63  }
0x121: {  	_ =	swait.ge [sflag:s24], $0x2000  }
0x122: {  	[sflag:s24] =	ssyncset.done $0x0  }
.Ltmp1:
0x123: {  	s9 =	sadd.s32 $0x1780, s8;
	[sflag:s24] =	ssyncadd.s32 $0xFFFFE000;
	(pc) =	sbr.rel @p0 .LBB2_4-.Ltmp1, $4  }
0x124: {  	[spmem:s3] =	stream.indirect.scatter.add.f32 [tilespmem:s0], [sflag:$0x8], $0x40, s9, s25, $0xb8;
	[tilespmem:$0x1E440] =	vst v63  }
0x125: {  	_ =	swait.ge [sflag:s10], $0x2000  }
0x126: {  	[sflag:s10] =	ssyncset.done $0x0  }
0x127: {  	s8 =	sadd.s32 $0x480, s8;
	[sflag:s10] =	ssyncadd.s32 $0xFFFFE000  }
0x128: {  	[tilespmem:s28], [sflag:$0x2] =	stream.indirect.gather [spmem:s2], $0x40, s8, s25, $0xb8;
	[tilespmem:$0x1E440] =	vst v63  }
0x129: {  	_ =	swait.ge [sflag:s16], $0x2000  }
0x12a: {  	[sflag:s16] =	ssyncset.done $0x0  }
0x12b: {  	[sflag:s16] =	ssyncadd.s32 $0xFFFFE000  }
0x12c: {  	[spmem:s3] =	stream.indirect.scatter.add.f32 [tilespmem:s26], [sflag:$0x5], $0x40, s12, s25, $0xb8;
	[tilespmem:$0x1E440] =	vst v63  }
0x12d: {  	_ =	swait.ge [sflag:s11], $0x2000  }
0x12e: {  	[sflag:s11] =	ssyncset.done $0x0  }
0x12f: {  	[sflag:s11] =	ssyncadd.s32 $0xFFFFE000  }
0x130: {  	[tilespmem:s30], [sflag:$0x3] =	stream.indirect.gather [spmem:s2], $0x40, s13, s25, $0xb8;
	[tilespmem:$0x1E440] =	vst v63  }
0x131: {  	_ =	swait.ge [sflag:s22], $0x2000  }
0x132: {  	[sflag:s22] =	ssyncset.done $0x0  }
0x133: {  	[sflag:s22] =	ssyncadd.s32 $0xFFFFE000  }
0x134: {  	[spmem:s3] =	stream.indirect.scatter.add.f32 [tilespmem:s28], [sflag:$0x6], $0x40, s14, s25, $0xb8;
	[tilespmem:$0x1E440] =	vst v63  }
0x135: {  	_ =	swait.ge [sflag:s17], $0x2000  }
0x136: {  	[sflag:s17] =	ssyncset.done $0x0  }
0x137: {  	[sflag:s17] =	ssyncadd.s32 $0xFFFFE000  }
0x138: {  	[tilespmem:s0], [sflag:$0x4] =	stream.indirect.gather [spmem:s2], $0x40, s15, s25, $0xb8;
	[tilespmem:$0x1E440] =	vst v63  }
0x139: {  	_ =	swait.ge [sflag:s23], $0x2000  }
0x13a: {  	[sflag:s23] =	ssyncset.done $0x0  }
0x13b: {  	[sflag:s23] =	ssyncadd.s32 $0xFFFFE000  }
0x13c: {  	[spmem:s3] =	stream.indirect.scatter.add.f32 [tilespmem:s30], [sflag:$0x7], $0x40, s19, s25, $0xb8;
	[tilespmem:$0x1E440] =	vst v63  }
0x13d: {  	_ =	swait.ge [sflag:s6], $0x2000  }
0x13e: {  	[sflag:s6] =	ssyncset.done $0x0  }
0x13f: {  	[sflag:s6] =	ssyncadd.s32 $0xFFFFE000  }
0x140: {  	[tilespmem:s26], [sflag:$0x1] =	stream.indirect.gather [spmem:s2], $0x40, s15, s25, $0xb8;
	[tilespmem:$0x1E440] =	vst v63  }
0x141: {  	_ =	swait.ge [sflag:s24], $0x2000  }
0x142: {  	[sflag:s24] =	ssyncset.done $0x0  }
0x143: {  	[sflag:s24] =	ssyncadd.s32 $0xFFFFE000  }
0x144: {  	[spmem:s3] =	stream.indirect.scatter.add.f32 [tilespmem:s0], [sflag:$0x8], $0x40, s29, s25, $0xb8;
	[tilespmem:$0x1E440] =	vst v63  }
0x145: {  	_ =	swait.ge [sflag:s10], $0x2000  }
0x146: {  	[sflag:s10] =	ssyncset.done $0x0  }
0x147: {  	[sflag:s10] =	ssyncadd.s32 $0xFFFFE000  }
0x148: {  	[tilespmem:s28], [sflag:$0x2] =	stream.indirect.gather [spmem:s2], $0x40, s15, s25, $0xb8;
	[tilespmem:$0x1E440] =	vst v63  }
0x149: {  	_ =	swait.ge [sflag:s16], $0x2000  }
0x14a: {  	[sflag:s16] =	ssyncset.done $0x0  }
0x14b: {  	[sflag:s16] =	ssyncadd.s32 $0xFFFFE000  }
0x14c: {  	_ =	swait.ge [sflag:s22], $0x2000  }
0x14d: {  	[sflag:s22] =	ssyncset.done $0x0  }
0x14e: {  	[sflag:s22] =	ssyncadd.s32 $0xFFFFE000  }
0x14f: {  	_ =	swait.ge [sflag:s11], $0x2000  }
0x150: {  	[sflag:s11] =	ssyncset.done $0x0  }
0x151: {  	[sflag:s11] =	ssyncadd.s32 $0xFFFFE000  }
0x152: {  	_ =	swait.ge [sflag:s17], $0x2000  }
0x153: {  	[sflag:s17] =	ssyncset.done $0x0  }
0x154: {  	[sflag:s17] =	ssyncadd.s32 $0xFFFFE000  }
0x155: {  	[bflag:$0x0] =	sbarrier.arrive $0xFFFF  }
0x156: {  	s5 =	sor.u32 $0x1C09, s7;
	s9 =	simm.s32 $0x10;
	s8 =	rddreg [dreg:$0xc]  }
0x157: {  	[hbm:s8@s9], [sflag:s5] =	dma.strided [spmem:s20@s17], $0x1400, s16, $0x8   }
0x158: {  	_ =	swait.ge [sflag:s31], $0x1400  }
0x159: {  	s1 =	sadd.s32 $0x1, s1;
	s9 =	rddreg [dreg:$0xd]  }
0x15a: {  	p0 =	sne.s32 s1, s9  }
.Ltmp2:
0x15b: {  	_ = 	snop;
	(pc) =	sbr.rel @p0 .LBB2_1-.Ltmp2, $3  }
0x15c: {  	_ =	sdelay $0x1  }
0x15d: {  	[sflag:s31] =	ssyncset.done $0x0  }
0x15e: {  	[sflag:s31] =	ssyncadd.s32 $0xFFFFEC00  }
0x15f: {  	_ =	sfence.sel $0x180000  }
0x160: {  	[bflag:$0x0] =	sbarrier.arrive $0xFFFF  }
0x161: {  	_ =	strace $0x9000004D  }
0x162: {  	s0 =	stileid.u32;
	[bflag:$0x2] =	sbarrier.arrive $0xFFFF  }
0x163: {  	p0 =	sne.s32 s0, $0x0;
	s0 =	rddreg [dreg:$0x4]  }
0x164: {  	s0 =	sadd.s32 @!p0 $0x100000, s0  }
0x165: {  	[sflag:s0] =	ssyncadd.tile.s32 @!p0 $0x1;
	_ =	shalt  }
.Lfunc_end2:
_tile_overlayer_lowered:
.L_overlay_start_2:
0x166: {  	(tag) =	ssettag $0x2  }
0x167: {  	s0 =	rddreg [dreg:$0x0];
	s2 =	stileid.u32  }
0x168: {  	s1 =	rddreg [dreg:$0x1];
	p0 =	sne.s32 s2, $0x0  }
0x169: {  	s3 =	rddreg [dreg:$0x2];
	[bflag:$0x3] =	sbarrier.arrive $0xFFFF;
	s2 =	simm.s32 @!p0 $0x1C09  }
0x16a: {  	[timem:s3], [sflag:s2] =	dma.local @!p0 [hbm:s0], s1  }
0x16b: {  	s0 =	simm.s32 @!p0 $0x9  }
0x16c: {  	_ =	swait.ge @!p0 [sflag:s0], s1  }
0x16d: {  	s1 =	ssub.s32 @!p0 $0x0, s1;
	[sflag:s0] =	ssyncset.done @!p0 $0x0  }
0x16e: {  	[sflag:s0] =	ssyncadd.s32 @!p0 s1  }
0x16f: {  	[bflag:$0x3] =	sbarrier.arrive $0xFFFF  }
0x170: {  	_ =	shalt  }

// kernel: kernel.9.cloned.1.call-start
scs
__scs_entry_jumppad:
0x0: {  	(pc) =	sbr.rel $0x88, $3  }
0x1: {  	(tag) =	ssettag $0x0;
	lr =	simm.s32 $0x1  }
0x2: {  	[smem:$0x3F9B] =	sst lr;
	_ =	strace $0xD0000000  }
0x3: {  	_ = 	snop  }
0x4: {  	_ = 	snop  }
0x5: {  	_ = 	snop  }
0x6: {  	_ = 	snop  }
0x7: {  	_ = 	snop  }
__scs_overlays_trampoline_lowered:
0x8: {  	[smem:$0x3FAA] =	sst s0  }
0x9: {  	[smem:$0x3FAB] =	sst s1  }
0xa: {  	[smem:$0x3FAC] =	sst s2  }
0xb: {  	[smem:$0x3FAD] =	sst s3  }
0xc: {  	[smem:$0x3FAE] =	sst s4  }
0xd: {  	[smem:$0x3FAF] =	sst s5  }
0xe: {  	[smem:$0x3FB0] =	sst s6  }
0xf: {  	[smem:$0x3FB1] =	sst s7  }
0x10: {  	[smem:$0x3FB2] =	sst s8  }
0x11: {  	[smem:$0x3FB3] =	sst s9;
	s0 =	simm.s32 @!p0 $0x0  }
0x12: {  	s1 =	sld [smem:$0x3F99];
	s0 =	simm.s32 @p0 $0x1  }
0x13: {  	[smem:$0x3FB4] =	sst s0;
	s0 =	simm.s32 @!p1 $0x0  }
0x14: {  	s2 =	sld [smem:$0x3F98];
	s0 =	simm.s32 @p1 $0x1  }
0x15: {  	[smem:$0x3FB5] =	sst s0;
	s0 =	simm.s32 @!p2 $0x0  }
0x16: {  	s3 =	sld [smem:$0x3FDB];
	s0 =	simm.s32 @p2 $0x1  }
0x17: {  	s4 =	simm.s32 $0x1BF5;
	[smem:$0x3FB7] =	sst s0  }
0x18: {  	s0 =	sld [smem:$0x3F9A];
	_ =	swait.ge [sflag:s4], $0x0  }
0x19: {  	s7 =	sld [smem:$0x3F9B]  }
0x1a: {  	s8 =	sadd.s32 $0xFFFFE003, lr  }
0x1b: {  	s9 =	sadd.s32 $0xFFFFFEF7, lr;
	s5 =	simm.s32 $0xFFFFFFFF;
	p2 =	slt.u32 s8, $0xFFFFF086  }
0x1c: {  	p1 =	slt.u32 s9, $0xF7A;
	s5 =	simm.s32 @!p2 $0x0  }
0x1d: {  	s5 =	simm.s32 @p1 $0x1;
	p0 =	seq.s32 s7, s2  }
0x1e: {  	s7 =	smul.u32 @!p0 $0xF7A, s2;
	p2 =	seq.s32 @!p0 s5, $0x0  }
0x1f: {  	s9 =	smul.u32 $0xF7A, s1;
	s8 =	simm.s32 @!p0 $0x1BF5;
	p2 =	por !p2, p0  }
0x20: {  	[sflag:s8] =	ssyncset.s32 @!p0 $0xFFFFF086;
	s6 =	sadd.s32 @!p0 s3, s7;
	s7 =	simm.s32 @!p0 $0x108  }
0x21: {  	s3 =	sadd.s32 s3, s9;
	s6 =	sadd.s32 @!p0 $0x88, s6;
	s7 =	simm.s32 @p2 $0x1082  }
0x22: {  	[simem:s7], [sflag:s8] =	dma.local @!p0 [hbm:s6], $0xF7A  }
0x23: {  	s9 =	sor.u32 $0xD0000000, s2;
	s6 =	simm.s32 $0x108;
	_ =	swait.ge @!p0 [sflag:s8], $0x0  }
0x24: {  	s3 =	sadd.s32 $0x88, s3;
	s6 =	simm.s32 @!p1 $0x1082;
	[sflag:s4] =	ssyncset.s32 $0xFFFFF086  }
0x25: {  	[simem:s6], [sflag:s4] =	dma.local [hbm:s3], $0xF7A  }
0x26: {  	[smem:$0x3F9B] =	sst s1;
	(tag) =	ssettag s2;
	_ =	strace s9  }
0x27: {  	s1 =	sld [smem:$0x3FAB]  }
0x28: {  	s2 =	sld [smem:$0x3FAC]  }
0x29: {  	s4 =	sld [smem:$0x3FAE]  }
0x2a: {  	p0 =	seq.s32 s5, $0x0;
	s5 =	sld [smem:$0x3FAF]  }
0x2b: {  	s6 =	sld [smem:$0x3FB0]  }
0x2c: {  	s7 =	sld [smem:$0x3FB1]  }
0x2d: {  	s3 =	simm.s32 $0x108;
	s8 =	sld [smem:$0x3FB2]  }
0x2e: {  	s3 =	simm.s32 @!p0 $0x1082;
	s9 =	sld [smem:$0x3FB3]  }
0x2f: {  	lr =	sadd.s32 s0, s3;
	s0 =	sld [smem:$0x3FAA]  }
0x30: {  	s3 =	sld [smem:$0x3FAD]  }
0x31: {  	[smem:$0x3FB6] =	sst s10  }
0x32: {  	s10 =	sld [smem:$0x3FB4];
	_ =	sdelay $0x3  }
0x33: {  	p0 =	seq.s32 s10, $0x1;
	s10 =	sld [smem:$0x3FB6];
	_ =	sdelay $0x3  }
0x34: {  	[smem:$0x3FB6] =	sst s10  }
0x35: {  	s10 =	sld [smem:$0x3FB5];
	_ =	sdelay $0x3  }
0x36: {  	p1 =	seq.s32 s10, $0x1;
	s10 =	sld [smem:$0x3FB6];
	_ =	sdelay $0x3  }
0x37: {  	[smem:$0x3FB6] =	sst s10  }
0x38: {  	s10 =	sld [smem:$0x3FB7]  }
0x39: {  	_ = 	snop;
	(pc) =	sbr.ind lr, $3  }
0x3a: {  	_ = 	snop  }
0x3b: {  	_ = 	snop  }
0x3c: {  	p2 =	seq.s32 s10, $0x1;
	s10 =	sld [smem:$0x3FB6]  }
0x3d: {  	_ =	shalt  }
0x3e: {  	_ =	shalt  }
0x3f: {  	_ =	shalt  }
0x40: {  	_ =	shalt  }
0x41: {  	_ =	shalt  }
0x42: {  	_ =	shalt  }
0x43: {  	_ =	shalt  }
0x44: {  	_ =	shalt  }
0x45: {  	_ =	shalt  }
0x46: {  	_ =	shalt  }
0x47: {  	_ =	shalt  }
0x48: {  	_ =	shalt  }
0x49: {  	_ =	shalt  }
0x4a: {  	_ =	shalt  }
0x4b: {  	_ =	shalt  }
0x4c: {  	_ =	shalt  }
0x4d: {  	_ =	shalt  }
0x4e: {  	_ =	shalt  }
0x4f: {  	_ =	shalt  }
0x50: {  	_ =	shalt  }
0x51: {  	_ =	shalt  }
0x52: {  	_ =	shalt  }
0x53: {  	_ =	shalt  }
0x54: {  	_ =	shalt  }
0x55: {  	_ =	shalt  }
0x56: {  	_ =	shalt  }
0x57: {  	_ =	shalt  }
0x58: {  	_ =	shalt  }
0x59: {  	_ =	shalt  }
0x5a: {  	_ =	shalt  }
0x5b: {  	_ =	shalt  }
0x5c: {  	_ =	shalt  }
0x5d: {  	_ =	shalt  }
0x5e: {  	_ =	shalt  }
0x5f: {  	_ =	shalt  }
0x60: {  	_ =	shalt  }
0x61: {  	_ =	shalt  }
0x62: {  	_ =	shalt  }
0x63: {  	_ =	shalt  }
0x64: {  	_ =	shalt  }
0x65: {  	_ =	shalt  }
0x66: {  	_ =	shalt  }
0x67: {  	_ =	shalt  }
0x68: {  	_ =	shalt  }
0x69: {  	_ =	shalt  }
0x6a: {  	_ =	shalt  }
0x6b: {  	_ =	shalt  }
0x6c: {  	_ =	shalt  }
0x6d: {  	_ =	shalt  }
0x6e: {  	_ =	shalt  }
0x6f: {  	_ =	shalt  }
0x70: {  	_ =	shalt  }
0x71: {  	_ =	shalt  }
0x72: {  	_ =	shalt  }
0x73: {  	_ =	shalt  }
0x74: {  	_ =	shalt  }
0x75: {  	_ =	shalt  }
0x76: {  	_ =	shalt  }
0x77: {  	_ =	shalt  }
0x78: {  	_ =	shalt  }
0x79: {  	_ =	shalt  }
0x7a: {  	_ =	shalt  }
0x7b: {  	_ =	shalt  }
0x7c: {  	_ =	shalt  }
0x7d: {  	_ =	shalt  }
0x7e: {  	_ =	shalt  }
0x7f: {  	_ =	shalt  }
0x80: {  	_ =	shalt  }
0x81: {  	_ =	shalt  }
0x82: {  	_ =	shalt  }
0x83: {  	_ =	shalt  }
0x84: {  	_ =	shalt  }
0x85: {  	_ =	shalt  }
0x86: {  	_ =	shalt  }
0x87: {  	_ =	shalt  }
.Lfunc_end0:
.L_simem_size_0:
called_computation_lowered:
.L_overlay_start_0:
0x88: {  	s2 =	sld [smem:$0x3FD9]  }
0x89: {  	s3 =	sld [smem:$0x3FFE];
	_ =	sdelay $0x1  }
0x8a: {  	s1 =	srdreg.scid  }
0x8b: {  	s0 =	sand.u32 $0x1, s1  }
0x8c: {  	s17 =	sshll.u32 s0, $0xA;
	s2 =	sadd.s32 s3, s2  }
0x8d: {  	s2 =	sadd.s32 s2, s17  }
0x8e: {  	[smem:$0x3FC2] =	sst s2  }
0x8f: {  	_ = 	snop  }
0x90: {  	s2 =	sld [smem:$0x3FD0];
	(tm) =	ssettm $0x1  }
0x91: {  	s18 =	sld [smem:$0x3FFB];
	_ =	sdelay $0x3  }
0x92: {  	_ =	strace s18  }
0x93: {  	s3 =	sld [smem:$0x3FFC];
	_ =	sdelay $0x3  }
0x94: {  	_ =	strace s3  }
0x95: {  	s3 =	sld [smem:$0x3FFD];
	_ =	sdelay $0x3  }
0x96: {  	_ =	strace s3  }
0x97: {  	_ =	strace $0x8FFFFFFF  }
0x98: {  	s19 =	sld [smem:$0x3FDB];
	_ =	sdelay $0x1  }
0x99: {  	s4 =	simm.s32 $_scs_section_size  }
0x9a: {  	s5 =	simm.s32 $_size__tile_overlayer_lowered;
	s6 =	simm.s32 $_tile_overlayer_lowered  }
0x9b: {  	s22 =	simm.s32 $0x1BFF;
	s21 =	sshll.u32 s6, $0x1;
	s3 =	sadd.s32 s4, s19  }
0x9c: {  	s7 =	simm.s32 $0x0;
	s20 =	sshll.u32 s5, $0x1;
	s5 =	sadd.s32 s21, s3  }
0x9d: {  	[timem:s7], [sflag:s22] =	dma.local [hbm:s5], s20  }
0x9e: {  	_ =	swait.ge [sflag:s22], s20  }
0x9f: {  	s4 =	ssub.s32 $0x0, s20;
	[sflag:s22] =	ssyncset.done $0x0  }
0xa0: {  	[sflag:s22] =	ssyncadd.s32 s4;
	_ =	sdelay $0x1  }
0xa1: {  	s23 =	simm.s32 $0x1B8B  }
0xa2: {  	_ =	swait.ge [sflag:s23], $0x1  }
0xa3: {  	[sflag:s23] =	ssyncset.done $0x0  }
0xa4: {  	s25 =	simm.s32 $0x1B8E;
	s24 =	sld [smem:$0x3FFE];
	[sflag:s23] =	ssyncadd.s32 $0xFFFFFFFF  }
0xa5: {  	s26 =	simm.s32 $execute0_lowered;
	[smem:$0x3FD2] =	sst s25  }
0xa6: {  	s5 =	sshll.u32 s26, $0x1;
	_ =	strace $0x80000046;
	[dreg:$0x1] =	wrdreg $0xFFFFFFFF  }
0xa7: {  	s28 =	simm.s32 $_size_execute0_lowered;
	s3 =	sadd.s32 s3, s5;
	[dreg:$0x0] =	wrdreg $0x0  }
0xa8: {  	s5 =	sshll.u32 s28, $0x1;
	[dreg:$0x2] =	wrdreg s3  }
0xa9: {  	[dreg:$0x3] =	wrdreg s5  }
0xaa: {  	[dreg:$0x4] =	wrdreg $0xC0  }
0xab: {  	_ =	task [dreg:s7], $0x5FFFF  }
0xac: {  	[dreg:$0x1] =	wrdreg $0xFFFFFFFF  }
0xad: {  	[dreg:$0x0] =	wrdreg $0x60  }
0xae: {  	[dreg:$0x2] =	wrdreg s2  }
0xaf: {  	[dreg:$0x3] =	wrdreg s24  }
0xb0: {  	[dreg:$0x4] =	wrdreg $0x30000  }
0xb1: {  	[dreg:$0x5] =	wrdreg $0x9  }
0xb2: {  	_ =	task.clear_ibuf [dreg:s7], $0x6FFFF;
	_ =	strace $0x90000046  }
0xb3: {  	s29 =	simm.s32 $0x9;
	_ =	strace $0x80000048  }
0xb4: {  	_ =	swait.ge [sflag:s29], $0x1  }
0xb5: {  	[sflag:s29] =	ssyncadd.s32 $0xFFFFFFFF  }
0xb6: {  	_ =	strace $0x90000048  }
0xb7: {  	_ =	sfence  }
0xb8: {  	s30 =	sld [smem:$0x0];
	_ =	sdelay $0x2  }
0xb9: {  	s31 =	sshll.u32 s1, $0xD;
	s1 =	sshrl.u32 s1, $0x2  }
0xba: {  	s3 =	sand.u32 $0x4000, s31;
	s1 =	sadd.s32 s1, s30  }
0xbb: {  	s0 =	sor.u32 s3, s0;
	s1 =	sshll.u32 s1, $0x11  }
0xbc: {  	s0 =	sor.u32 s1, s0  }
0xbd: {  	s0 =	sadd.s32 $0x8F2B, s0  }
0xbe: {  	[sflag:s0] =	ssyncadd.remote.s32 $0x1  }
0xbf: {  	_ =	sfence.sel $0xFFFF  }
0xc0: {  	[dreg:$0x0] =	wrdreg $0xFFFFFFFF;
	(pc) =	sbr.abs _section_cstart, $3  }
0xc1: {  	[dreg:$0x1] =	wrdreg $0xFFFFFFFF  }
0xc2: {  	_ =	task.clear_ibuf [dreg:s7], $0x2FFFF;
	_ =	strace $0x9FFFFFFF  }
0xc3: {  	(tm) =	ssettm $0x7FFFFFFF  }
tec
execute0_lowered:
.L_overlay_start_1:
0x0: {  	(tag) =	ssettag $0x1  }
0x1: {  	s7 =	rddreg [dreg:$0x0]  }
0x2: {  	s6 =	rddreg [dreg:$0x1];
	s0 =	srdreg.scid  }
0x3: {  	s2 =	rddreg [dreg:$0x2];
	s1 =	stileid.u32  }
0x4: {  	s3 =	simm.s32 $0x0;
	s13 =	simm.s32 $0x80;
	s14 =	simm.s32 $0x10  }
0x5: {  	s15 =	simm.s32 $0x2;
	s8 =	sand.u32 $0x1, s0;
	s0 =	rddreg [dreg:$0x3]  }
0x6: {  	s16 =	simm.s32 $0x0;
	s9 =	smul.u32 $0x14000, s1;
	[smem:$0x7FF] =	sst s3  }
0x7: {  	s4 =	sadd.s32 $0x3000, s6;
	s11 =	smul.u32 $0xA000, s1;
	s31 =	sshll.u32 s1, $0x6  }
0x8: {  	s5 =	smul.u32 $0x140000, s8;
	s10 =	sshll.u32 s8, $0x4;
	s8 =	ssub.s32 $0x2, s8  }
0x9: {  	_ =	strace $0x80000047;
	s10 =	sor.u32 s1, s10;
	s29 =	sshrl.u32 s8, $0x1  }
0xa: {  	s30 =	sshrl.u32 s11, $0x2;
	s9 =	sadd.s32 s9, s5;
	s5 =	sadd.s32 $0x2A00, s6  }
0xb: {  	s10 =	smul.u32 $0x500, s10;
	s12 =	ssub.s32 s8, s29;
	s9 =	sshrl.u32 s9, $0x3  }
0xc: {  	s11 =	sadd.s32 s30, s2;
	s9 =	sadd.s32 s9, s6;
	s6 =	sor.u32 $0x1C01, s31  }
0xd: {  	s7 =	sadd.s32 s7, s10;
	s10 =	sshrl.u32 s11, $0x3;
	s11 =	simm.s32 $0x1  }
0xe: {  	s8 =	sadd.s32 $0x3200, s9;
	s9 =	smax.u32 s12, $0x1;
	s12 =	simm.s32 $0x2800  }
.LBB2_1:
0xf: {  	[spmem:s10], [sflag:s6] =	dma.local [hbm:s5], $0x500  }
0x10: {  	_ =	swait.ge [sflag:s11], $0x500  }
0x11: {  	[sflag:s11] =	ssyncset.done $0x0  }
0x12: {  	[sflag:s11] =	ssyncadd.s32 $0xFFFFFB00  }
0x13: {  	[tilespmem:s3], [sflag:$0x1] =	stream.linear.gather [hbm4b:s7+s3], $0x2800, $0x38;
	[tilespmem:$0x5800] =	vst v63  }
0x14: {  	_ =	swait.ge [sflag:s11], $0x2800  }
0x15: {  	[sflag:s11] =	ssyncset.done $0x0  }
0x16: {  	[sflag:s11] =	ssyncadd.s32 $0xFFFFD800  }
0x17: {  	[tilespmem:s12], [sflag:$0x1] =	stream.linear.gather [hbm4b:s4+s3], $0x800, $0x38;
	[tilespmem:$0x5800] =	vst v63  }
0x18: {  	_ =	swait.ge [sflag:s11], $0x800  }
0x19: {  	[sflag:s11] =	ssyncset.done $0x0  }
0x1a: {  	[sflag:s11] =	ssyncadd.s32 $0xFFFFF800  }
0x1b: {  	s17 =	simm.s32 $0x0;
	[bflag:$0x0] =	sbarrier.arrive $0xFFFF  }
0x1c: {  	[spmem:s2] =	stream.indirect.scatter.add.f32 [tilespmem:s12], [sflag:$0x1], $0x10, s17, s13, $0xb8;
	[tilespmem:$0x5800] =	vst v63  }
0x1d: {  	_ =	swait.ge [sflag:s11], $0x800  }
0x1e: {  	s17 =	simm.s32 $0x200;
	[sflag:s11] =	ssyncset.done $0x0  }
.LBB2_2:
0x1f: {  	s18 =	sshra.s32 s17, $0x2;
	[sflag:s11] =	ssyncadd.s32 $0xFFFFF800;
	p0 =	sne.s32 s17, $0x9E00  }
0x20: {  	[spmem:s2] =	stream.indirect.scatter.add.f32 [tilespmem:s12], [sflag:$0x1], $0x10, s18, s13, $0xb8;
	[tilespmem:$0x5800] =	vst v63  }
.Ltmp0:
0x21: {  	_ = 	snop;
	(pc) =	sbr.rel @p0 .LBB2_2-.Ltmp0, $4  }
0x22: {  	_ = 	snop  }
0x23: {  	s17 =	sadd.s32 $0x200, s17  }
0x24: {  	_ =	swait.ge [sflag:s11], $0x800  }
0x25: {  	[sflag:s11] =	ssyncset.done $0x0  }
0x26: {  	s16 =	sadd.s32 $0x1, s16  }
0x27: {  	[sflag:s11] =	ssyncadd.s32 $0xFFFFF800;
	p0 =	sne.s32 s16, s9  }
.Ltmp1:
0x28: {  	[bflag:$0x0] =	sbarrier.arrive $0xFFFF;
	(pc) =	sbr.rel @p0 .LBB2_1-.Ltmp1, $4  }
0x29: {  	[hbm:s8@s14], [sflag:s6] =	dma.strided [spmem:s10@s15], $0x500, s11, $0x2   }
0x2a: {  	_ =	swait.ge [sflag:s11], $0x500  }
0x2b: {  	[sflag:s11] =	ssyncset.done $0x0  }
0x2c: {  	[sflag:s11] =	ssyncadd.s32 $0xFFFFFB00  }
0x2d: {  	_ =	sfence.sel $0x180000  }
0x2e: {  	[bflag:$0x0] =	sbarrier.arrive $0xFFFF  }
0x2f: {  	p0 =	sne.s32 s1, $0x0;
	_ =	strace $0x90000047  }
0x30: {  	s0 =	sadd.s32 @!p0 $0x100000, s0;
	[bflag:$0x2] =	sbarrier.arrive $0xFFFF  }
0x31: {  	[sflag:s0] =	ssyncadd.tile.s32 @!p0 $0x1;
	_ =	shalt  }
.Lfunc_end2:
_tile_overlayer_lowered:
.L_overlay_start_2:
0x32: {  	(tag) =	ssettag $0x2  }
0x33: {  	s0 =	rddreg [dreg:$0x0];
	s2 =	stileid.u32  }
0x34: {  	s1 =	rddreg [dreg:$0x1];
	p0 =	sne.s32 s2, $0x0  }
0x35: {  	s3 =	rddreg [dreg:$0x2];
	[bflag:$0x3] =	sbarrier.arrive $0xFFFF;
	s2 =	simm.s32 @!p0 $0x1C01  }
0x36: {  	[timem:s3], [sflag:s2] =	dma.local @!p0 [hbm:s0], s1  }
0x37: {  	s0 =	simm.s32 @!p0 $0x1  }
0x38: {  	_ =	swait.ge @!p0 [sflag:s0], s1  }
0x39: {  	s1 =	ssub.s32 @!p0 $0x0, s1;
	[sflag:s0] =	ssyncset.done @!p0 $0x0  }
0x3a: {  	[sflag:s0] =	ssyncadd.s32 @!p0 s1  }
0x3b: {  	[bflag:$0x3] =	sbarrier.arrive $0xFFFF  }
0x3c: {  	_ =	shalt  }

</sc_bundles>
